<compile_context>
chip_gen: v7x
topology: tpu7x:2x2x1
jax: 0.10.2.dev20260603
libtpu: 0.0.44.dev20260713+nightly
codegen_flags: <defaults>
</compile_context>

<pallas_src>
import functools

import jax
import jax.numpy as jnp
from jax import lax
from jax.experimental import pallas as pl
from jax.experimental.pallas import tpu as pltpu
from jax.experimental.pallas import tpu_sc as plsc

VOCAB = 8193
VPAD = 8208
RQ = 32
L = 8
D = 64

NC, NS, LANES = 2, 16, 16
NW = NC * NS

TB = 128


def _table_body(emb_ref, wr_ref, b_ref, out_ref):
    l = pl.program_id(0)
    t = jnp.dot(emb_ref[...], wr_ref[0], preferred_element_type=jnp.float32)
    t = t + b_ref[...] * (l == 0).astype(jnp.float32)
    out_ref[...] = t.astype(jnp.bfloat16)


def _build_table(emb_pad, wr, b2d):
    return pl.pallas_call(
        _table_body,
        grid=(L,),
        in_specs=[
            pl.BlockSpec((VPAD, RQ), lambda l: (0, 0)),
            pl.BlockSpec((1, RQ, D), lambda l: (l, 0, 0)),
            pl.BlockSpec((1, D), lambda l: (0, 0)),
        ],
        out_specs=pl.BlockSpec((VPAD, D), lambda l: (l, 0)),
        out_shape=jax.ShapeDtypeStruct((L * VPAD, D), jnp.bfloat16),
    )(emb_pad, wr, b2d)


def _make_sc_lookup(bsz, nsz):
    bt_n = bsz // TB
    nblk = nsz * bt_n
    nb = nblk // NW
    mesh = plsc.VectorSubcoreMesh(core_axis_name="c", subcore_axis_name="s")

    @functools.partial(
        pl.kernel,
        out_type=jax.ShapeDtypeStruct((nsz * D * bsz,), jnp.float32),
        mesh=mesh,
        compiler_params=pltpu.CompilerParams(use_tc_tiling_on_sc=False,
                                             needs_layout_passes=False),
        scratch_types=[
            pltpu.VMEM((2, TB * L), jnp.int32),
            pltpu.VMEM((2, TB * L), jnp.int32),
            pltpu.VMEM((2, TB * L, D), jnp.bfloat16),
            pltpu.VMEM((2, D * TB), jnp.float32),
            pltpu.SemaphoreType.DMA,
            pltpu.SemaphoreType.DMA,
            pltpu.SemaphoreType.DMA,
            pltpu.SemaphoreType.DMA,
            pltpu.SemaphoreType.DMA,
            pltpu.SemaphoreType.DMA,
        ],
    )
    def sc_lookup(table_hbm, codes_hbm, out_hbm, codes_v, idx_v, rows_v,
                  stage_v, semc0, semc1, semg0, semg1, semo0, semo1):
        wid = lax.axis_index("s") * NC + lax.axis_index("c")
        blk0 = wid * nb
        semc = (semc0, semc1)
        semg = (semg0, semg1)
        semo = (semo0, semo1)
        base = lax.iota(jnp.int32, LANES) * (2 * TB)
        bases = [base + (h * 32 * TB + p * TB)
                 for h in range(D // 32) for p in range(2)]

        def codes_copy(b, buf):
            fb = blk0 + b
            return pltpu.make_async_copy(
                codes_hbm.at[pl.ds(fb * (TB * L), TB * L)],
                codes_v.at[buf], semc[buf])

        def gather_copies(buf):
            return [
                pltpu.make_async_copy(
                    table_hbm.at[idx_v.at[buf]],
                    rows_v.at[buf],
                    semg[buf])
            ]

        def out_copies(b, buf):
            fb = blk0 + b
            n = fb // bt_n
            bt = fb % bt_n
            return [
                pltpu.make_async_copy(
                    stage_v.at[buf, pl.ds(dt * (8 * TB), 8 * TB)],
                    out_hbm.at[pl.ds(((n * L + dt) * bt_n + bt) * (8 * TB),
                                     8 * TB)],
                    semo[buf])
                for dt in range(D // 8)
            ]

        def compute_idx(buf):
            for i in range(TB * L // LANES):
                v = codes_v[buf, pl.ds(i * LANES, LANES)] + (i // 8) * VPAD
                idx_v[buf, pl.ds(i * LANES, LANES)] = v

        def accum_store(b, buf):
            for cp in out_copies(b, buf):
                cp.wait()

            @plsc.parallel_loop(0, TB, unroll=8)
            def tok_body(t):
                for h in range(D // 32):
                    r = [rows_v[buf, s * 128 + t, pl.ds(h * 32, 32)]
                         for s in range(L)]
                    while len(r) > 1:
                        r = [r[i] + r[i + 1] for i in range(0, len(r), 2)]
                    a = r[0]
                    even, odd = plsc.unpack(a, format=plsc.PackFormat.INTERLEAVED)
                    plsc.store_scatter(stage_v.at[buf], [bases[2 * h] + t], even)
                    plsc.store_scatter(stage_v.at[buf], [bases[2 * h + 1] + t], odd)
            for cp in out_copies(b, buf):
                cp.start()

        def phase(b, bufx, bufy):
            bp1 = jnp.minimum(b + 1, nb - 1)
            bp2 = jnp.minimum(b + 2, nb - 1)
            codes_copy(bp1, bufy).wait()
            compute_idx(bufy)
            for cp in gather_copies(bufy):
                cp.start()
            codes_copy(bp2, bufx).start()
            for cp in gather_copies(bufx):
                cp.wait()
            accum_store(b, bufx)

        codes_copy(0, 0).start()
        for buf in (0, 1):
            for cp in out_copies(buf, buf):
                cp.start()
        codes_copy(0, 0).wait()
        compute_idx(0)
        for cp in gather_copies(0):
            cp.start()
        codes_copy(1, 1).start()

        def pair_body(p, carry):
            phase(2 * p, 0, 1)
            phase(2 * p + 1, 1, 0)
            return carry

        lax.fori_loop(0, nb // 2, pair_body, 0)

        for cp in gather_copies(0):
            cp.wait()
        codes_copy(nb - 1, 1).wait()
        for buf in (0, 1):
            for cp in out_copies(nb - 2 + buf, buf):
                cp.wait()

    return sc_lookup


def kernel(codes, emb_table, W, b):
    bsz, nsz, lsz = codes.shape
    wr = W.reshape(D, L, RQ).transpose(1, 2, 0)
    emb_pad = jnp.pad(emb_table, ((0, VPAD - VOCAB), (0, 0)))
    table = _build_table(emb_pad, wr, b.reshape(1, D))
    codes_t = (codes.transpose(1, 2, 0)
               .reshape(nsz, lsz, bsz // TB, TB)
               .transpose(0, 2, 1, 3)
               .reshape(-1))
    out = _make_sc_lookup(bsz, nsz)(table, codes_t)
    out = (out.reshape(nsz, D // 8, bsz // TB, 8, TB)
           .transpose(2, 4, 0, 1, 3)
           .reshape(bsz, nsz, D))
    return out

# --- scband reference (transcript-rebuilt; emitter-appended) ---
"""Pipeline reference for scband-hierarchical-embedder-24704651886849 (READ-ONLY COPY).

The authoritative reference and input builder live on the scoring server;
editing this copy changes nothing except your own understanding.
"""

import jax, jax.numpy as jnp
import numpy as np

CODEBOOK_SIZE = 8192
VOCAB = CODEBOOK_SIZE + 1
RQVAE_DIM = 32
NUM_CODES = 8
D_MODEL = 64
B, N, L = 16384, 50, NUM_CODES


def setup_inputs(seed: int = 0) -> dict:
    key = jax.random.key(seed)
    k1, k2, k3 = jax.random.split(key, 3)
    codes = jax.random.randint(k1, (B, N, L), 0, VOCAB, dtype=jnp.int64 if jax.config.jax_enable_x64 else jnp.int32).astype(jnp.int32)
    emb_table = jax.random.normal(k2, (VOCAB, RQVAE_DIM), dtype=jnp.float32) * 0.02
    fan_in = NUM_CODES * RQVAE_DIM
    fan_out = D_MODEL
    limit = float(np.sqrt(6.0 / (fan_in + fan_out)))
    W = jax.random.uniform(k3, (D_MODEL, fan_in), dtype=jnp.float32, minval=-limit, maxval=limit)
    b = jnp.zeros((D_MODEL,), dtype=jnp.float32)
    return {"codes": codes, "emb_table": emb_table, "W": W, "b": b}


def reference(codes, emb_table, W, b):
    # e = embedding(codes): gather rows -> [B, N, L, rqvae_dim]
    e = jnp.take(emb_table, codes, axis=0)
    # view(B, N, -1) -> [B, N, L*rqvae_dim]
    e = e.reshape(e.shape[0], e.shape[1], -1)
    # linear projection: e @ W^T + b -> [B, N, d_model]
    out = jnp.einsum('bnf,df->bnd', e, W) + b
    return out

if __name__ == "__main__":
    import jax
    _d = setup_inputs()
    print(jax.jit(kernel)(*tuple(_d.values())))

</pallas_src>

<mosaic_0001>
#map = affine_map<(d0, d1) -> (0, 0)>
#map1 = affine_map<(d0, d1) -> (0)>
module attributes {stable_mosaic.version = 14 : i64} {
  func.func @sc_lookup(%arg0: i32, %arg1: i32, %arg2: memref<65664x64xbf16, #tpu.memory_space<hbm>>, %arg3: memref<6553600xi32, #tpu.memory_space<hbm>>, %arg4: memref<52428800xf32, #tpu.memory_space<hbm>>, %arg5: memref<2x1024xi32, #tpu.memory_space<vmem>>, %arg6: memref<2x1024xi32, #tpu.memory_space<vmem>>, %arg7: memref<2x1024x64xbf16, #tpu.memory_space<vmem>>, %arg8: memref<2x8192xf32, #tpu.memory_space<vmem>>, %arg9: memref<!tpu.dma_semaphore, #tpu.memory_space<semaphore_mem>>, %arg10: memref<!tpu.dma_semaphore, #tpu.memory_space<semaphore_mem>>, %arg11: memref<!tpu.dma_semaphore, #tpu.memory_space<semaphore_mem>>, %arg12: memref<!tpu.dma_semaphore, #tpu.memory_space<semaphore_mem>>, %arg13: memref<!tpu.dma_semaphore, #tpu.memory_space<semaphore_mem>>, %arg14: memref<!tpu.dma_semaphore, #tpu.memory_space<semaphore_mem>>) attributes {dimension_semantics = [#tpu.dimension_semantics<core_parallel>, #tpu.dimension_semantics<subcore_parallel>], iteration_bounds = array<i64: 2, 16>, scalar_prefetch = 0 : i64, scratch_operands = 10 : i64, tpu.core_type = #tpu.core_type<sc_vector_subcore>, window_params = [{transform_indices = #map}, {transform_indices = #map1}, {transform_indices = #map1}]} {
    %mul3A = arith.constant 2 : i32
    %mul3A_0 = arith.muli %arg1, %mul3A : i32
    %add3A = arith.addi %mul3A_0, %arg0 : i32
    %mul3A_1 = arith.constant 200 : i32
    %mul3A_2 = arith.muli %add3A, %mul3A_1 : i32
    %iota3A = tpu.iota {dimensions = array<i32: 0>} : vector<16xi32>
    %mul3A_3 = arith.constant 256 : i32
    %mul3A_4 = vector.broadcast %mul3A_3 : i32 to vector<16xi32>
    %mul3A_5 = arith.muli %iota3A, %mul3A_4 : vector<16xi32>
    %add3A_6 = arith.constant 0 : i32
    %add3A_7 = vector.broadcast %add3A_6 : i32 to vector<16xi32>
    %add3A_8 = arith.addi %mul3A_5, %add3A_7 : vector<16xi32>
    %add3A_9 = arith.constant 128 : i32
    %add3A_10 = vector.broadcast %add3A_9 : i32 to vector<16xi32>
    %add3A_11 = arith.addi %mul3A_5, %add3A_10 : vector<16xi32>
    %add3A_12 = arith.constant 4096 : i32
    %add3A_13 = vector.broadcast %add3A_12 : i32 to vector<16xi32>
    %add3A_14 = arith.addi %mul3A_5, %add3A_13 : vector<16xi32>
    %add3A_15 = arith.constant 4224 : i32
    %add3A_16 = vector.broadcast %add3A_15 : i32 to vector<16xi32>
    %add3A_17 = arith.addi %mul3A_5, %add3A_16 : vector<16xi32>
    %add3A_18 = arith.constant 0 : i32
    %add3A_19 = arith.addi %mul3A_2, %add3A_18 : i32
    %mul3A_20 = arith.constant 1024 : i32
    %mul3A_21 = arith.muli %add3A_19, %mul3A_20 : i32
    %dma_start3A = arith.constant 0 : i32
    %dma_start3A_22 = arith.constant 0 : i32
    %dma_start3A_23 = tpu.memref_slice %arg5[%dma_start3A, %dma_start3A_22] : memref<2x1024xi32, #tpu.memory_space<vmem>> -> memref<1x1024xi32, #tpu.memory_space<vmem>>
    %dma_start3A_24 = tpu.memref_squeeze %dma_start3A_23 : memref<1x1024xi32, #tpu.memory_space<vmem>> -> memref<1024xi32, #tpu.memory_space<vmem>>
    %dma_start3A_25 = tpu.memref_slice %arg3[%mul3A_21] : memref<6553600xi32, #tpu.memory_space<hbm>> -> memref<1024xi32, #tpu.memory_space<hbm>>
    %dma_start3A_26 = arith.constant 0 : i32
    %dma_start3A_27 = tpu.memref_slice %arg5[%dma_start3A, %dma_start3A_26] : memref<2x1024xi32, #tpu.memory_space<vmem>> -> memref<1x1024xi32, #tpu.memory_space<vmem>>
    %dma_start3A_28 = tpu.memref_squeeze %dma_start3A_27 : memref<1x1024xi32, #tpu.memory_space<vmem>> -> memref<1024xi32, #tpu.memory_space<vmem>>
    %dma_start3A_29 = tpu.memref_slice %arg3[%mul3A_21] : memref<6553600xi32, #tpu.memory_space<hbm>> -> memref<1024xi32, #tpu.memory_space<hbm>>
    tpu.enqueue_dma source(%dma_start3A_29 : memref<1024xi32, #tpu.memory_space<hbm>>) target(%dma_start3A_28 : memref<1024xi32, #tpu.memory_space<vmem>>) target_semaphore(%arg9 : memref<!tpu.dma_semaphore, #tpu.memory_space<semaphore_mem>>)
    %add3A_30 = arith.constant 0 : i32
    %add3A_31 = arith.addi %mul3A_2, %add3A_30 : i32
    %jit3A = arith.constant 128 : i32
    %div3A = arith.divsi %add3A_31, %jit3A : i32
    %sign3A = arith.constant 0 : i32
    %sign3A_32 = arith.cmpi sgt, %add3A_31, %sign3A : i32
    %sign3A_33 = arith.extui %sign3A_32 : i1 to i32
    %sign3A_34 = arith.constant 0 : i32
    %sign3A_35 = arith.cmpi slt, %add3A_31, %sign3A_34 : i32
    %sign3A_36 = arith.extui %sign3A_35 : i1 to i32
    %sign3A_37 = arith.subi %sign3A_33, %sign3A_36 : i32
    %sign3A_38 = arith.constant 0 : i32
    %sign3A_39 = arith.cmpi sgt, %jit3A, %sign3A_38 : i32
    %sign3A_40 = arith.extui %sign3A_39 : i1 to i32
    %sign3A_41 = arith.constant 0 : i32
    %sign3A_42 = arith.cmpi slt, %jit3A, %sign3A_41 : i32
    %sign3A_43 = arith.extui %sign3A_42 : i1 to i32
    %sign3A_44 = arith.subi %sign3A_40, %sign3A_43 : i32
    %ne3A = arith.cmpi ne, %sign3A_37, %sign3A_44 : i32
    %rem3A = arith.remsi %add3A_31, %jit3A : i32
    %ne3A_45 = arith.constant 0 : i32
    %ne3A_46 = arith.cmpi ne, %rem3A, %ne3A_45 : i32
    %and3A = arith.andi %ne3A, %ne3A_46 : i1
    %sub3A = arith.constant 1 : i32
    %sub3A_47 = arith.subi %div3A, %sub3A : i32
    %select_n3A = arith.select %and3A, %sub3A_47, %div3A : i32
    %jit3A_48 = arith.constant 128 : i32
    %eq3A = arith.constant 0 : i32
    %eq3A_49 = arith.cmpi eq, %jit3A_48, %eq3A : i32
    %jit3A_50 = arith.constant 1 : i32
    %select_n3A_51 = arith.select %eq3A_49, %jit3A_50, %jit3A_48 : i32
    %rem3A_52 = arith.remsi %add3A_31, %select_n3A_51 : i32
    %ne3A_53 = arith.constant 0 : i32
    %ne3A_54 = arith.cmpi ne, %rem3A_52, %ne3A_53 : i32
    %lt3A = arith.constant 0 : i32
    %lt3A_55 = arith.cmpi slt, %rem3A_52, %lt3A : i32
    %lt3A_56 = arith.constant 0 : i32
    %lt3A_57 = arith.cmpi slt, %select_n3A_51, %lt3A_56 : i32
    %ne3A_58 = arith.xori %lt3A_55, %lt3A_57 : i1
    %and3A_59 = arith.andi %ne3A_58, %ne3A_54 : i1
    %add3A_60 = arith.addi %rem3A_52, %select_n3A_51 : i32
    %select_n3A_61 = arith.select %and3A_59, %add3A_60, %rem3A_52 : i32
    %mul3A_62 = arith.constant 8 : i32
    %mul3A_63 = arith.muli %select_n3A, %mul3A_62 : i32
    %add3A_64 = arith.constant 0 : i32
    %add3A_65 = arith.addi %mul3A_63, %add3A_64 : i32
    %mul3A_66 = arith.constant 128 : i32
    %mul3A_67 = arith.muli %add3A_65, %mul3A_66 : i32
    %add3A_68 = arith.addi %mul3A_67, %select_n3A_61 : i32
    %mul3A_69 = arith.constant 1024 : i32
    %mul3A_70 = arith.muli %add3A_68, %mul3A_69 : i32
    %mul3A_71 = arith.constant 8 : i32
    %mul3A_72 = arith.muli %select_n3A, %mul3A_71 : i32
    %add3A_73 = arith.constant 1 : i32
    %add3A_74 = arith.addi %mul3A_72, %add3A_73 : i32
    %mul3A_75 = arith.constant 128 : i32
    %mul3A_76 = arith.muli %add3A_74, %mul3A_75 : i32
    %add3A_77 = arith.addi %mul3A_76, %select_n3A_61 : i32
    %mul3A_78 = arith.constant 1024 : i32
    %mul3A_79 = arith.muli %add3A_77, %mul3A_78 : i32
    %mul3A_80 = arith.constant 8 : i32
    %mul3A_81 = arith.muli %select_n3A, %mul3A_80 : i32
    %add3A_82 = arith.constant 2 : i32
    %add3A_83 = arith.addi %mul3A_81, %add3A_82 : i32
    %mul3A_84 = arith.constant 128 : i32
    %mul3A_85 = arith.muli %add3A_83, %mul3A_84 : i32
    %add3A_86 = arith.addi %mul3A_85, %select_n3A_61 : i32
    %mul3A_87 = arith.constant 1024 : i32
    %mul3A_88 = arith.muli %add3A_86, %mul3A_87 : i32
    %mul3A_89 = arith.constant 8 : i32
    %mul3A_90 = arith.muli %select_n3A, %mul3A_89 : i32
    %add3A_91 = arith.constant 3 : i32
    %add3A_92 = arith.addi %mul3A_90, %add3A_91 : i32
    %mul3A_93 = arith.constant 128 : i32
    %mul3A_94 = arith.muli %add3A_92, %mul3A_93 : i32
    %add3A_95 = arith.addi %mul3A_94, %select_n3A_61 : i32
    %mul3A_96 = arith.constant 1024 : i32
    %mul3A_97 = arith.muli %add3A_95, %mul3A_96 : i32
    %mul3A_98 = arith.constant 8 : i32
    %mul3A_99 = arith.muli %select_n3A, %mul3A_98 : i32
    %add3A_100 = arith.constant 4 : i32
    %add3A_101 = arith.addi %mul3A_99, %add3A_100 : i32
    %mul3A_102 = arith.constant 128 : i32
    %mul3A_103 = arith.muli %add3A_101, %mul3A_102 : i32
    %add3A_104 = arith.addi %mul3A_103, %select_n3A_61 : i32
    %mul3A_105 = arith.constant 1024 : i32
    %mul3A_106 = arith.muli %add3A_104, %mul3A_105 : i32
    %mul3A_107 = arith.constant 8 : i32
    %mul3A_108 = arith.muli %select_n3A, %mul3A_107 : i32
    %add3A_109 = arith.constant 5 : i32
    %add3A_110 = arith.addi %mul3A_108, %add3A_109 : i32
    %mul3A_111 = arith.constant 128 : i32
    %mul3A_112 = arith.muli %add3A_110, %mul3A_111 : i32
    %add3A_113 = arith.addi %mul3A_112, %select_n3A_61 : i32
    %mul3A_114 = arith.constant 1024 : i32
    %mul3A_115 = arith.muli %add3A_113, %mul3A_114 : i32
    %mul3A_116 = arith.constant 8 : i32
    %mul3A_117 = arith.muli %select_n3A, %mul3A_116 : i32
    %add3A_118 = arith.constant 6 : i32
    %add3A_119 = arith.addi %mul3A_117, %add3A_118 : i32
    %mul3A_120 = arith.constant 128 : i32
    %mul3A_121 = arith.muli %add3A_119, %mul3A_120 : i32
    %add3A_122 = arith.addi %mul3A_121, %select_n3A_61 : i32
    %mul3A_123 = arith.constant 1024 : i32
    %mul3A_124 = arith.muli %add3A_122, %mul3A_123 : i32
    %mul3A_125 = arith.constant 8 : i32
    %mul3A_126 = arith.muli %select_n3A, %mul3A_125 : i32
    %add3A_127 = arith.constant 7 : i32
    %add3A_128 = arith.addi %mul3A_126, %add3A_127 : i32
    %mul3A_129 = arith.constant 128 : i32
    %mul3A_130 = arith.muli %add3A_128, %mul3A_129 : i32
    %add3A_131 = arith.addi %mul3A_130, %select_n3A_61 : i32
    %mul3A_132 = arith.constant 1024 : i32
    %mul3A_133 = arith.muli %add3A_131, %mul3A_132 : i32
    %dma_start3A_134 = arith.constant 0 : i32
    %dma_start3A_135 = arith.constant 0 : i32
    %dma_start3A_136 = tpu.memref_slice %arg8[%dma_start3A_134, %dma_start3A_135] : memref<2x8192xf32, #tpu.memory_space<vmem>> -> memref<1x1024xf32, #tpu.memory_space<vmem>>
    %dma_start3A_137 = tpu.memref_squeeze %dma_start3A_136 : memref<1x1024xf32, #tpu.memory_space<vmem>> -> memref<1024xf32, #tpu.memory_space<vmem>>
    %dma_start3A_138 = tpu.memref_slice %arg4[%mul3A_70] : memref<52428800xf32, #tpu.memory_space<hbm>> -> memref<1024xf32, #tpu.memory_space<hbm>>
    %dma_start3A_139 = tpu.memref_slice %arg4[%mul3A_70] : memref<52428800xf32, #tpu.memory_space<hbm>> -> memref<1024xf32, #tpu.memory_space<hbm>>
    %dma_start3A_140 = arith.constant 0 : i32
    %dma_start3A_141 = tpu.memref_slice %arg8[%dma_start3A_134, %dma_start3A_140] : memref<2x8192xf32, #tpu.memory_space<vmem>> -> memref<1x1024xf32, #tpu.memory_space<vmem>>
    %dma_start3A_142 = tpu.memref_squeeze %dma_start3A_141 : memref<1x1024xf32, #tpu.memory_space<vmem>> -> memref<1024xf32, #tpu.memory_space<vmem>>
    tpu.enqueue_dma source(%dma_start3A_142 : memref<1024xf32, #tpu.memory_space<vmem>>) target(%dma_start3A_139 : memref<1024xf32, #tpu.memory_space<hbm>>) target_semaphore(%arg13 : memref<!tpu.dma_semaphore, #tpu.memory_space<semaphore_mem>>)
    %dma_start3A_143 = arith.constant 0 : i32
    %dma_start3A_144 = arith.constant 1024 : i32
    %dma_start3A_145 = tpu.memref_slice %arg8[%dma_start3A_143, %dma_start3A_144] : memref<2x8192xf32, #tpu.memory_space<vmem>> -> memref<1x1024xf32, #tpu.memory_space<vmem>>
    %dma_start3A_146 = tpu.memref_squeeze %dma_start3A_145 : memref<1x1024xf32, #tpu.memory_space<vmem>> -> memref<1024xf32, #tpu.memory_space<vmem>>
    %dma_start3A_147 = tpu.memref_slice %arg4[%mul3A_79] : memref<52428800xf32, #tpu.memory_space<hbm>> -> memref<1024xf32, #tpu.memory_space<hbm>>
    %dma_start3A_148 = tpu.memref_slice %arg4[%mul3A_79] : memref<52428800xf32, #tpu.memory_space<hbm>> -> memref<1024xf32, #tpu.memory_space<hbm>>
    %dma_start3A_149 = arith.constant 1024 : i32
    %dma_start3A_150 = tpu.memref_slice %arg8[%dma_start3A_143, %dma_start3A_149] : memref<2x8192xf32, #tpu.memory_space<vmem>> -> memref<1x1024xf32, #tpu.memory_space<vmem>>
    %dma_start3A_151 = tpu.memref_squeeze %dma_start3A_150 : memref<1x1024xf32, #tpu.memory_space<vmem>> -> memref<1024xf32, #tpu.memory_space<vmem>>
    tpu.enqueue_dma source(%dma_start3A_151 : memref<1024xf32, #tpu.memory_space<vmem>>) target(%dma_start3A_148 : memref<1024xf32, #tpu.memory_space<hbm>>) target_semaphore(%arg13 : memref<!tpu.dma_semaphore, #tpu.memory_space<semaphore_mem>>)
    %dma_start3A_152 = arith.constant 0 : i32
    %dma_start3A_153 = arith.constant 2048 : i32
    %dma_start3A_154 = tpu.memref_slice %arg8[%dma_start3A_152, %dma_start3A_153] : memref<2x8192xf32, #tpu.memory_space<vmem>> -> memref<1x1024xf32, #tpu.memory_space<vmem>>
    %dma_start3A_155 = tpu.memref_squeeze %dma_start3A_154 : memref<1x1024xf32, #tpu.memory_space<vmem>> -> memref<1024xf32, #tpu.memory_space<vmem>>
    %dma_start3A_156 = tpu.memref_slice %arg4[%mul3A_88] : memref<52428800xf32, #tpu.memory_space<hbm>> -> memref<1024xf32, #tpu.memory_space<hbm>>
    %dma_start3A_157 = tpu.memref_slice %arg4[%mul3A_88] : memref<52428800xf32, #tpu.memory_space<hbm>> -> memref<1024xf32, #tpu.memory_space<hbm>>
    %dma_start3A_158 = arith.constant 2048 : i32
    %dma_start3A_159 = tpu.memref_slice %arg8[%dma_start3A_152, %dma_start3A_158] : memref<2x8192xf32, #tpu.memory_space<vmem>> -> memref<1x1024xf32, #tpu.memory_space<vmem>>
    %dma_start3A_160 = tpu.memref_squeeze %dma_start3A_159 : memref<1x1024xf32, #tpu.memory_space<vmem>> -> memref<1024xf32, #tpu.memory_space<vmem>>
    tpu.enqueue_dma source(%dma_start3A_160 : memref<1024xf32, #tpu.memory_space<vmem>>) target(%dma_start3A_157 : memref<1024xf32, #tpu.memory_space<hbm>>) target_semaphore(%arg13 : memref<!tpu.dma_semaphore, #tpu.memory_space<semaphore_mem>>)
    %dma_start3A_161 = arith.constant 0 : i32
    %dma_start3A_162 = arith.constant 3072 : i32
    %dma_start3A_163 = tpu.memref_slice %arg8[%dma_start3A_161, %dma_start3A_162] : memref<2x8192xf32, #tpu.memory_space<vmem>> -> memref<1x1024xf32, #tpu.memory_space<vmem>>
    %dma_start3A_164 = tpu.memref_squeeze %dma_start3A_163 : memref<1x1024xf32, #tpu.memory_space<vmem>> -> memref<1024xf32, #tpu.memory_space<vmem>>
    %dma_start3A_165 = tpu.memref_slice %arg4[%mul3A_97] : memref<52428800xf32, #tpu.memory_space<hbm>> -> memref<1024xf32, #tpu.memory_space<hbm>>
    %dma_start3A_166 = tpu.memref_slice %arg4[%mul3A_97] : memref<52428800xf32, #tpu.memory_space<hbm>> -> memref<1024xf32, #tpu.memory_space<hbm>>
    %dma_start3A_167 = arith.constant 3072 : i32
    %dma_start3A_168 = tpu.memref_slice %arg8[%dma_start3A_161, %dma_start3A_167] : memref<2x8192xf32, #tpu.memory_space<vmem>> -> memref<1x1024xf32, #tpu.memory_space<vmem>>
    %dma_start3A_169 = tpu.memref_squeeze %dma_start3A_168 : memref<1x1024xf32, #tpu.memory_space<vmem>> -> memref<1024xf32, #tpu.memory_space<vmem>>
    tpu.enqueue_dma source(%dma_start3A_169 : memref<1024xf32, #tpu.memory_space<vmem>>) target(%dma_start3A_166 : memref<1024xf32, #tpu.memory_space<hbm>>) target_semaphore(%arg13 : memref<!tpu.dma_semaphore, #tpu.memory_space<semaphore_mem>>)
    %dma_start3A_170 = arith.constant 0 : i32
    %dma_start3A_171 = arith.constant 4096 : i32
    %dma_start3A_172 = tpu.memref_slice %arg8[%dma_start3A_170, %dma_start3A_171] : memref<2x8192xf32, #tpu.memory_space<vmem>> -> memref<1x1024xf32, #tpu.memory_space<vmem>>
    %dma_start3A_173 = tpu.memref_squeeze %dma_start3A_172 : memref<1x1024xf32, #tpu.memory_space<vmem>> -> memref<1024xf32, #tpu.memory_space<vmem>>
    %dma_start3A_174 = tpu.memref_slice %arg4[%mul3A_106] : memref<52428800xf32, #tpu.memory_space<hbm>> -> memref<1024xf32, #tpu.memory_space<hbm>>
    %dma_start3A_175 = tpu.memref_slice %arg4[%mul3A_106] : memref<52428800xf32, #tpu.memory_space<hbm>> -> memref<1024xf32, #tpu.memory_space<hbm>>
    %dma_start3A_176 = arith.constant 4096 : i32
    %dma_start3A_177 = tpu.memref_slice %arg8[%dma_start3A_170, %dma_start3A_176] : memref<2x8192xf32, #tpu.memory_space<vmem>> -> memref<1x1024xf32, #tpu.memory_space<vmem>>
    %dma_start3A_178 = tpu.memref_squeeze %dma_start3A_177 : memref<1x1024xf32, #tpu.memory_space<vmem>> -> memref<1024xf32, #tpu.memory_space<vmem>>
    tpu.enqueue_dma source(%dma_start3A_178 : memref<1024xf32, #tpu.memory_space<vmem>>) target(%dma_start3A_175 : memref<1024xf32, #tpu.memory_space<hbm>>) target_semaphore(%arg13 : memref<!tpu.dma_semaphore, #tpu.memory_space<semaphore_mem>>)
    %dma_start3A_179 = arith.constant 0 : i32
    %dma_start3A_180 = arith.constant 5120 : i32
    %dma_start3A_181 = tpu.memref_slice %arg8[%dma_start3A_179, %dma_start3A_180] : memref<2x8192xf32, #tpu.memory_space<vmem>> -> memref<1x1024xf32, #tpu.memory_space<vmem>>
    %dma_start3A_182 = tpu.memref_squeeze %dma_start3A_181 : memref<1x1024xf32, #tpu.memory_space<vmem>> -> memref<1024xf32, #tpu.memory_space<vmem>>
    %dma_start3A_183 = tpu.memref_slice %arg4[%mul3A_115] : memref<52428800xf32, #tpu.memory_space<hbm>> -> memref<1024xf32, #tpu.memory_space<hbm>>
    %dma_start3A_184 = tpu.memref_slice %arg4[%mul3A_115] : memref<52428800xf32, #tpu.memory_space<hbm>> -> memref<1024xf32, #tpu.memory_space<hbm>>
    %dma_start3A_185 = arith.constant 5120 : i32
    %dma_start3A_186 = tpu.memref_slice %arg8[%dma_start3A_179, %dma_start3A_185] : memref<2x8192xf32, #tpu.memory_space<vmem>> -> memref<1x1024xf32, #tpu.memory_space<vmem>>
    %dma_start3A_187 = tpu.memref_squeeze %dma_start3A_186 : memref<1x1024xf32, #tpu.memory_space<vmem>> -> memref<1024xf32, #tpu.memory_space<vmem>>
    tpu.enqueue_dma source(%dma_start3A_187 : memref<1024xf32, #tpu.memory_space<vmem>>) target(%dma_start3A_184 : memref<1024xf32, #tpu.memory_space<hbm>>) target_semaphore(%arg13 : memref<!tpu.dma_semaphore, #tpu.memory_space<semaphore_mem>>)
    %dma_start3A_188 = arith.constant 0 : i32
    %dma_start3A_189 = arith.constant 6144 : i32
    %dma_start3A_190 = tpu.memref_slice %arg8[%dma_start3A_188, %dma_start3A_189] : memref<2x8192xf32, #tpu.memory_space<vmem>> -> memref<1x1024xf32, #tpu.memory_space<vmem>>
    %dma_start3A_191 = tpu.memref_squeeze %dma_start3A_190 : memref<1x1024xf32, #tpu.memory_space<vmem>> -> memref<1024xf32, #tpu.memory_space<vmem>>
    %dma_start3A_192 = tpu.memref_slice %arg4[%mul3A_124] : memref<52428800xf32, #tpu.memory_space<hbm>> -> memref<1024xf32, #tpu.memory_space<hbm>>
    %dma_start3A_193 = tpu.memref_slice %arg4[%mul3A_124] : memref<52428800xf32, #tpu.memory_space<hbm>> -> memref<1024xf32, #tpu.memory_space<hbm>>
    %dma_start3A_194 = arith.constant 6144 : i32
    %dma_start3A_195 = tpu.memref_slice %arg8[%dma_start3A_188, %dma_start3A_194] : memref<2x8192xf32, #tpu.memory_space<vmem>> -> memref<1x1024xf32, #tpu.memory_space<vmem>>
    %dma_start3A_196 = tpu.memref_squeeze %dma_start3A_195 : memref<1x1024xf32, #tpu.memory_space<vmem>> -> memref<1024xf32, #tpu.memory_space<vmem>>
    tpu.enqueue_dma source(%dma_start3A_196 : memref<1024xf32, #tpu.memory_space<vmem>>) target(%dma_start3A_193 : memref<1024xf32, #tpu.memory_space<hbm>>) target_semaphore(%arg13 : memref<!tpu.dma_semaphore, #tpu.memory_space<semaphore_mem>>)
    %dma_start3A_197 = arith.constant 0 : i32
    %dma_start3A_198 = arith.constant 7168 : i32
    %dma_start3A_199 = tpu.memref_slice %arg8[%dma_start3A_197, %dma_start3A_198] : memref<2x8192xf32, #tpu.memory_space<vmem>> -> memref<1x1024xf32, #tpu.memory_space<vmem>>
    %dma_start3A_200 = tpu.memref_squeeze %dma_start3A_199 : memref<1x1024xf32, #tpu.memory_space<vmem>> -> memref<1024xf32, #tpu.memory_space<vmem>>
    %dma_start3A_201 = tpu.memref_slice %arg4[%mul3A_133] : memref<52428800xf32, #tpu.memory_space<hbm>> -> memref<1024xf32, #tpu.memory_space<hbm>>
    %dma_start3A_202 = tpu.memref_slice %arg4[%mul3A_133] : memref<52428800xf32, #tpu.memory_space<hbm>> -> memref<1024xf32, #tpu.memory_space<hbm>>
    %dma_start3A_203 = arith.constant 7168 : i32
    %dma_start3A_204 = tpu.memref_slice %arg8[%dma_start3A_197, %dma_start3A_203] : memref<2x8192xf32, #tpu.memory_space<vmem>> -> memref<1x1024xf32, #tpu.memory_space<vmem>>
    %dma_start3A_205 = tpu.memref_squeeze %dma_start3A_204 : memref<1x1024xf32, #tpu.memory_space<vmem>> -> memref<1024xf32, #tpu.memory_space<vmem>>
    tpu.enqueue_dma source(%dma_start3A_205 : memref<1024xf32, #tpu.memory_space<vmem>>) target(%dma_start3A_202 : memref<1024xf32, #tpu.memory_space<hbm>>) target_semaphore(%arg13 : memref<!tpu.dma_semaphore, #tpu.memory_space<semaphore_mem>>)
    %add3A_206 = arith.constant 1 : i32
    %add3A_207 = arith.addi %mul3A_2, %add3A_206 : i32
    %jit3A_208 = arith.constant 128 : i32
    %div3A_209 = arith.divsi %add3A_207, %jit3A_208 : i32
    %sign3A_210 = arith.constant 0 : i32
    %sign3A_211 = arith.cmpi sgt, %add3A_207, %sign3A_210 : i32
    %sign3A_212 = arith.extui %sign3A_211 : i1 to i32
    %sign3A_213 = arith.constant 0 : i32
    %sign3A_214 = arith.cmpi slt, %add3A_207, %sign3A_213 : i32
    %sign3A_215 = arith.extui %sign3A_214 : i1 to i32
    %sign3A_216 = arith.subi %sign3A_212, %sign3A_215 : i32
    %sign3A_217 = arith.constant 0 : i32
    %sign3A_218 = arith.cmpi sgt, %jit3A_208, %sign3A_217 : i32
    %sign3A_219 = arith.extui %sign3A_218 : i1 to i32
    %sign3A_220 = arith.constant 0 : i32
    %sign3A_221 = arith.cmpi slt, %jit3A_208, %sign3A_220 : i32
    %sign3A_222 = arith.extui %sign3A_221 : i1 to i32
    %sign3A_223 = arith.subi %sign3A_219, %sign3A_222 : i32
    %ne3A_224 = arith.cmpi ne, %sign3A_216, %sign3A_223 : i32
    %rem3A_225 = arith.remsi %add3A_207, %jit3A_208 : i32
    %ne3A_226 = arith.constant 0 : i32
    %ne3A_227 = arith.cmpi ne, %rem3A_225, %ne3A_226 : i32
    %and3A_228 = arith.andi %ne3A_224, %ne3A_227 : i1
    %sub3A_229 = arith.constant 1 : i32
    %sub3A_230 = arith.subi %div3A_209, %sub3A_229 : i32
    %select_n3A_231 = arith.select %and3A_228, %sub3A_230, %div3A_209 : i32
    %jit3A_232 = arith.constant 128 : i32
    %eq3A_233 = arith.constant 0 : i32
    %eq3A_234 = arith.cmpi eq, %jit3A_232, %eq3A_233 : i32
    %jit3A_235 = arith.constant 1 : i32
    %select_n3A_236 = arith.select %eq3A_234, %jit3A_235, %jit3A_232 : i32
    %rem3A_237 = arith.remsi %add3A_207, %select_n3A_236 : i32
    %ne3A_238 = arith.constant 0 : i32
    %ne3A_239 = arith.cmpi ne, %rem3A_237, %ne3A_238 : i32
    %lt3A_240 = arith.constant 0 : i32
    %lt3A_241 = arith.cmpi slt, %rem3A_237, %lt3A_240 : i32
    %lt3A_242 = arith.constant 0 : i32
    %lt3A_243 = arith.cmpi slt, %select_n3A_236, %lt3A_242 : i32
    %ne3A_244 = arith.xori %lt3A_241, %lt3A_243 : i1
    %and3A_245 = arith.andi %ne3A_244, %ne3A_239 : i1
    %add3A_246 = arith.addi %rem3A_237, %select_n3A_236 : i32
    %select_n3A_247 = arith.select %and3A_245, %add3A_246, %rem3A_237 : i32
    %mul3A_248 = arith.constant 8 : i32
    %mul3A_249 = arith.muli %select_n3A_231, %mul3A_248 : i32
    %add3A_250 = arith.constant 0 : i32
    %add3A_251 = arith.addi %mul3A_249, %add3A_250 : i32
    %mul3A_252 = arith.constant 128 : i32
    %mul3A_253 = arith.muli %add3A_251, %mul3A_252 : i32
    %add3A_254 = arith.addi %mul3A_253, %select_n3A_247 : i32
    %mul3A_255 = arith.constant 1024 : i32
    %mul3A_256 = arith.muli %add3A_254, %mul3A_255 : i32
    %mul3A_257 = arith.constant 8 : i32
    %mul3A_258 = arith.muli %select_n3A_231, %mul3A_257 : i32
    %add3A_259 = arith.constant 1 : i32
    %add3A_260 = arith.addi %mul3A_258, %add3A_259 : i32
    %mul3A_261 = arith.constant 128 : i32
    %mul3A_262 = arith.muli %add3A_260, %mul3A_261 : i32
    %add3A_263 = arith.addi %mul3A_262, %select_n3A_247 : i32
    %mul3A_264 = arith.constant 1024 : i32
    %mul3A_265 = arith.muli %add3A_263, %mul3A_264 : i32
    %mul3A_266 = arith.constant 8 : i32
    %mul3A_267 = arith.muli %select_n3A_231, %mul3A_266 : i32
    %add3A_268 = arith.constant 2 : i32
    %add3A_269 = arith.addi %mul3A_267, %add3A_268 : i32
    %mul3A_270 = arith.constant 128 : i32
    %mul3A_271 = arith.muli %add3A_269, %mul3A_270 : i32
    %add3A_272 = arith.addi %mul3A_271, %select_n3A_247 : i32
    %mul3A_273 = arith.constant 1024 : i32
    %mul3A_274 = arith.muli %add3A_272, %mul3A_273 : i32
    %mul3A_275 = arith.constant 8 : i32
    %mul3A_276 = arith.muli %select_n3A_231, %mul3A_275 : i32
    %add3A_277 = arith.constant 3 : i32
    %add3A_278 = arith.addi %mul3A_276, %add3A_277 : i32
    %mul3A_279 = arith.constant 128 : i32
    %mul3A_280 = arith.muli %add3A_278, %mul3A_279 : i32
    %add3A_281 = arith.addi %mul3A_280, %select_n3A_247 : i32
    %mul3A_282 = arith.constant 1024 : i32
    %mul3A_283 = arith.muli %add3A_281, %mul3A_282 : i32
    %mul3A_284 = arith.constant 8 : i32
    %mul3A_285 = arith.muli %select_n3A_231, %mul3A_284 : i32
    %add3A_286 = arith.constant 4 : i32
    %add3A_287 = arith.addi %mul3A_285, %add3A_286 : i32
    %mul3A_288 = arith.constant 128 : i32
    %mul3A_289 = arith.muli %add3A_287, %mul3A_288 : i32
    %add3A_290 = arith.addi %mul3A_289, %select_n3A_247 : i32
    %mul3A_291 = arith.constant 1024 : i32
    %mul3A_292 = arith.muli %add3A_290, %mul3A_291 : i32
    %mul3A_293 = arith.constant 8 : i32
    %mul3A_294 = arith.muli %select_n3A_231, %mul3A_293 : i32
    %add3A_295 = arith.constant 5 : i32
    %add3A_296 = arith.addi %mul3A_294, %add3A_295 : i32
    %mul3A_297 = arith.constant 128 : i32
    %mul3A_298 = arith.muli %add3A_296, %mul3A_297 : i32
    %add3A_299 = arith.addi %mul3A_298, %select_n3A_247 : i32
    %mul3A_300 = arith.constant 1024 : i32
    %mul3A_301 = arith.muli %add3A_299, %mul3A_300 : i32
    %mul3A_302 = arith.constant 8 : i32
    %mul3A_303 = arith.muli %select_n3A_231, %mul3A_302 : i32
    %add3A_304 = arith.constant 6 : i32
    %add3A_305 = arith.addi %mul3A_303, %add3A_304 : i32
    %mul3A_306 = arith.constant 128 : i32
    %mul3A_307 = arith.muli %add3A_305, %mul3A_306 : i32
    %add3A_308 = arith.addi %mul3A_307, %select_n3A_247 : i32
    %mul3A_309 = arith.constant 1024 : i32
    %mul3A_310 = arith.muli %add3A_308, %mul3A_309 : i32
    %mul3A_311 = arith.constant 8 : i32
    %mul3A_312 = arith.muli %select_n3A_231, %mul3A_311 : i32
    %add3A_313 = arith.constant 7 : i32
    %add3A_314 = arith.addi %mul3A_312, %add3A_313 : i32
    %mul3A_315 = arith.constant 128 : i32
    %mul3A_316 = arith.muli %add3A_314, %mul3A_315 : i32
    %add3A_317 = arith.addi %mul3A_316, %select_n3A_247 : i32
    %mul3A_318 = arith.constant 1024 : i32
    %mul3A_319 = arith.muli %add3A_317, %mul3A_318 : i32
    %dma_start3A_320 = arith.constant 1 : i32
    %dma_start3A_321 = arith.constant 0 : i32
    %dma_start3A_322 = tpu.memref_slice %arg8[%dma_start3A_320, %dma_start3A_321] : memref<2x8192xf32, #tpu.memory_space<vmem>> -> memref<1x1024xf32, #tpu.memory_space<vmem>>
    %dma_start3A_323 = tpu.memref_squeeze %dma_start3A_322 : memref<1x1024xf32, #tpu.memory_space<vmem>> -> memref<1024xf32, #tpu.memory_space<vmem>>
    %dma_start3A_324 = tpu.memref_slice %arg4[%mul3A_256] : memref<52428800xf32, #tpu.memory_space<hbm>> -> memref<1024xf32, #tpu.memory_space<hbm>>
    %dma_start3A_325 = tpu.memref_slice %arg4[%mul3A_256] : memref<52428800xf32, #tpu.memory_space<hbm>> -> memref<1024xf32, #tpu.memory_space<hbm>>
    %dma_start3A_326 = arith.constant 0 : i32
    %dma_start3A_327 = tpu.memref_slice %arg8[%dma_start3A_320, %dma_start3A_326] : memref<2x8192xf32, #tpu.memory_space<vmem>> -> memref<1x1024xf32, #tpu.memory_space<vmem>>
    %dma_start3A_328 = tpu.memref_squeeze %dma_start3A_327 : memref<1x1024xf32, #tpu.memory_space<vmem>> -> memref<1024xf32, #tpu.memory_space<vmem>>
    tpu.enqueue_dma source(%dma_start3A_328 : memref<1024xf32, #tpu.memory_space<vmem>>) target(%dma_start3A_325 : memref<1024xf32, #tpu.memory_space<hbm>>) target_semaphore(%arg14 : memref<!tpu.dma_semaphore, #tpu.memory_space<semaphore_mem>>)
    %dma_start3A_329 = arith.constant 1 : i32
    %dma_start3A_330 = arith.constant 1024 : i32
    %dma_start3A_331 = tpu.memref_slice %arg8[%dma_start3A_329, %dma_start3A_330] : memref<2x8192xf32, #tpu.memory_space<vmem>> -> memref<1x1024xf32, #tpu.memory_space<vmem>>
    %dma_start3A_332 = tpu.memref_squeeze %dma_start3A_331 : memref<1x1024xf32, #tpu.memory_space<vmem>> -> memref<1024xf32, #tpu.memory_space<vmem>>
    %dma_start3A_333 = tpu.memref_slice %arg4[%mul3A_265] : memref<52428800xf32, #tpu.memory_space<hbm>> -> memref<1024xf32, #tpu.memory_space<hbm>>
    %dma_start3A_334 = tpu.memref_slice %arg4[%mul3A_265] : memref<52428800xf32, #tpu.memory_space<hbm>> -> memref<1024xf32, #tpu.memory_space<hbm>>
    %dma_start3A_335 = arith.constant 1024 : i32
    %dma_start3A_336 = tpu.memref_slice %arg8[%dma_start3A_329, %dma_start3A_335] : memref<2x8192xf32, #tpu.memory_space<vmem>> -> memref<1x1024xf32, #tpu.memory_space<vmem>>
    %dma_start3A_337 = tpu.memref_squeeze %dma_start3A_336 : memref<1x1024xf32, #tpu.memory_space<vmem>> -> memref<1024xf32, #tpu.memory_space<vmem>>
    tpu.enqueue_dma source(%dma_start3A_337 : memref<1024xf32, #tpu.memory_space<vmem>>) target(%dma_start3A_334 : memref<1024xf32, #tpu.memory_space<hbm>>) target_semaphore(%arg14 : memref<!tpu.dma_semaphore, #tpu.memory_space<semaphore_mem>>)
    %dma_start3A_338 = arith.constant 1 : i32
    %dma_start3A_339 = arith.constant 2048 : i32
    %dma_start3A_340 = tpu.memref_slice %arg8[%dma_start3A_338, %dma_start3A_339] : memref<2x8192xf32, #tpu.memory_space<vmem>> -> memref<1x1024xf32, #tpu.memory_space<vmem>>
    %dma_start3A_341 = tpu.memref_squeeze %dma_start3A_340 : memref<1x1024xf32, #tpu.memory_space<vmem>> -> memref<1024xf32, #tpu.memory_space<vmem>>
    %dma_start3A_342 = tpu.memref_slice %arg4[%mul3A_274] : memref<52428800xf32, #tpu.memory_space<hbm>> -> memref<1024xf32, #tpu.memory_space<hbm>>
    %dma_start3A_343 = tpu.memref_slice %arg4[%mul3A_274] : memref<52428800xf32, #tpu.memory_space<hbm>> -> memref<1024xf32, #tpu.memory_space<hbm>>
    %dma_start3A_344 = arith.constant 2048 : i32
    %dma_start3A_345 = tpu.memref_slice %arg8[%dma_start3A_338, %dma_start3A_344] : memref<2x8192xf32, #tpu.memory_space<vmem>> -> memref<1x1024xf32, #tpu.memory_space<vmem>>
    %dma_start3A_346 = tpu.memref_squeeze %dma_start3A_345 : memref<1x1024xf32, #tpu.memory_space<vmem>> -> memref<1024xf32, #tpu.memory_space<vmem>>
    tpu.enqueue_dma source(%dma_start3A_346 : memref<1024xf32, #tpu.memory_space<vmem>>) target(%dma_start3A_343 : memref<1024xf32, #tpu.memory_space<hbm>>) target_semaphore(%arg14 : memref<!tpu.dma_semaphore, #tpu.memory_space<semaphore_mem>>)
    %dma_start3A_347 = arith.constant 1 : i32
    %dma_start3A_348 = arith.constant 3072 : i32
    %dma_start3A_349 = tpu.memref_slice %arg8[%dma_start3A_347, %dma_start3A_348] : memref<2x8192xf32, #tpu.memory_space<vmem>> -> memref<1x1024xf32, #tpu.memory_space<vmem>>
    %dma_start3A_350 = tpu.memref_squeeze %dma_start3A_349 : memref<1x1024xf32, #tpu.memory_space<vmem>> -> memref<1024xf32, #tpu.memory_space<vmem>>
    %dma_start3A_351 = tpu.memref_slice %arg4[%mul3A_283] : memref<52428800xf32, #tpu.memory_space<hbm>> -> memref<1024xf32, #tpu.memory_space<hbm>>
    %dma_start3A_352 = tpu.memref_slice %arg4[%mul3A_283] : memref<52428800xf32, #tpu.memory_space<hbm>> -> memref<1024xf32, #tpu.memory_space<hbm>>
    %dma_start3A_353 = arith.constant 3072 : i32
    %dma_start3A_354 = tpu.memref_slice %arg8[%dma_start3A_347, %dma_start3A_353] : memref<2x8192xf32, #tpu.memory_space<vmem>> -> memref<1x1024xf32, #tpu.memory_space<vmem>>
    %dma_start3A_355 = tpu.memref_squeeze %dma_start3A_354 : memref<1x1024xf32, #tpu.memory_space<vmem>> -> memref<1024xf32, #tpu.memory_space<vmem>>
    tpu.enqueue_dma source(%dma_start3A_355 : memref<1024xf32, #tpu.memory_space<vmem>>) target(%dma_start3A_352 : memref<1024xf32, #tpu.memory_space<hbm>>) target_semaphore(%arg14 : memref<!tpu.dma_semaphore, #tpu.memory_space<semaphore_mem>>)
    %dma_start3A_356 = arith.constant 1 : i32
    %dma_start3A_357 = arith.constant 4096 : i32
    %dma_start3A_358 = tpu.memref_slice %arg8[%dma_start3A_356, %dma_start3A_357] : memref<2x8192xf32, #tpu.memory_space<vmem>> -> memref<1x1024xf32, #tpu.memory_space<vmem>>
    %dma_start3A_359 = tpu.memref_squeeze %dma_start3A_358 : memref<1x1024xf32, #tpu.memory_space<vmem>> -> memref<1024xf32, #tpu.memory_space<vmem>>
    %dma_start3A_360 = tpu.memref_slice %arg4[%mul3A_292] : memref<52428800xf32, #tpu.memory_space<hbm>> -> memref<1024xf32, #tpu.memory_space<hbm>>
    %dma_start3A_361 = tpu.memref_slice %arg4[%mul3A_292] : memref<52428800xf32, #tpu.memory_space<hbm>> -> memref<1024xf32, #tpu.memory_space<hbm>>
    %dma_start3A_362 = arith.constant 4096 : i32
    %dma_start3A_363 = tpu.memref_slice %arg8[%dma_start3A_356, %dma_start3A_362] : memref<2x8192xf32, #tpu.memory_space<vmem>> -> memref<1x1024xf32, #tpu.memory_space<vmem>>
    %dma_start3A_364 = tpu.memref_squeeze %dma_start3A_363 : memref<1x1024xf32, #tpu.memory_space<vmem>> -> memref<1024xf32, #tpu.memory_space<vmem>>
    tpu.enqueue_dma source(%dma_start3A_364 : memref<1024xf32, #tpu.memory_space<vmem>>) target(%dma_start3A_361 : memref<1024xf32, #tpu.memory_space<hbm>>) target_semaphore(%arg14 : memref<!tpu.dma_semaphore, #tpu.memory_space<semaphore_mem>>)
    %dma_start3A_365 = arith.constant 1 : i32
    %dma_start3A_366 = arith.constant 5120 : i32
    %dma_start3A_367 = tpu.memref_slice %arg8[%dma_start3A_365, %dma_start3A_366] : memref<2x8192xf32, #tpu.memory_space<vmem>> -> memref<1x1024xf32, #tpu.memory_space<vmem>>
    %dma_start3A_368 = tpu.memref_squeeze %dma_start3A_367 : memref<1x1024xf32, #tpu.memory_space<vmem>> -> memref<1024xf32, #tpu.memory_space<vmem>>
    %dma_start3A_369 = tpu.memref_slice %arg4[%mul3A_301] : memref<52428800xf32, #tpu.memory_space<hbm>> -> memref<1024xf32, #tpu.memory_space<hbm>>
    %dma_start3A_370 = tpu.memref_slice %arg4[%mul3A_301] : memref<52428800xf32, #tpu.memory_space<hbm>> -> memref<1024xf32, #tpu.memory_space<hbm>>
    %dma_start3A_371 = arith.constant 5120 : i32
    %dma_start3A_372 = tpu.memref_slice %arg8[%dma_start3A_365, %dma_start3A_371] : memref<2x8192xf32, #tpu.memory_space<vmem>> -> memref<1x1024xf32, #tpu.memory_space<vmem>>
    %dma_start3A_373 = tpu.memref_squeeze %dma_start3A_372 : memref<1x1024xf32, #tpu.memory_space<vmem>> -> memref<1024xf32, #tpu.memory_space<vmem>>
    tpu.enqueue_dma source(%dma_start3A_373 : memref<1024xf32, #tpu.memory_space<vmem>>) target(%dma_start3A_370 : memref<1024xf32, #tpu.memory_space<hbm>>) target_semaphore(%arg14 : memref<!tpu.dma_semaphore, #tpu.memory_space<semaphore_mem>>)
    %dma_start3A_374 = arith.constant 1 : i32
    %dma_start3A_375 = arith.constant 6144 : i32
    %dma_start3A_376 = tpu.memref_slice %arg8[%dma_start3A_374, %dma_start3A_375] : memref<2x8192xf32, #tpu.memory_space<vmem>> -> memref<1x1024xf32, #tpu.memory_space<vmem>>
    %dma_start3A_377 = tpu.memref_squeeze %dma_start3A_376 : memref<1x1024xf32, #tpu.memory_space<vmem>> -> memref<1024xf32, #tpu.memory_space<vmem>>
    %dma_start3A_378 = tpu.memref_slice %arg4[%mul3A_310] : memref<52428800xf32, #tpu.memory_space<hbm>> -> memref<1024xf32, #tpu.memory_space<hbm>>
    %dma_start3A_379 = tpu.memref_slice %arg4[%mul3A_310] : memref<52428800xf32, #tpu.memory_space<hbm>> -> memref<1024xf32, #tpu.memory_space<hbm>>
    %dma_start3A_380 = arith.constant 6144 : i32
    %dma_start3A_381 = tpu.memref_slice %arg8[%dma_start3A_374, %dma_start3A_380] : memref<2x8192xf32, #tpu.memory_space<vmem>> -> memref<1x1024xf32, #tpu.memory_space<vmem>>
    %dma_start3A_382 = tpu.memref_squeeze %dma_start3A_381 : memref<1x1024xf32, #tpu.memory_space<vmem>> -> memref<1024xf32, #tpu.memory_space<vmem>>
    tpu.enqueue_dma source(%dma_start3A_382 : memref<1024xf32, #tpu.memory_space<vmem>>) target(%dma_start3A_379 : memref<1024xf32, #tpu.memory_space<hbm>>) target_semaphore(%arg14 : memref<!tpu.dma_semaphore, #tpu.memory_space<semaphore_mem>>)
    %dma_start3A_383 = arith.constant 1 : i32
    %dma_start3A_384 = arith.constant 7168 : i32
    %dma_start3A_385 = tpu.memref_slice %arg8[%dma_start3A_383, %dma_start3A_384] : memref<2x8192xf32, #tpu.memory_space<vmem>> -> memref<1x1024xf32, #tpu.memory_space<vmem>>
    %dma_start3A_386 = tpu.memref_squeeze %dma_start3A_385 : memref<1x1024xf32, #tpu.memory_space<vmem>> -> memref<1024xf32, #tpu.memory_space<vmem>>
    %dma_start3A_387 = tpu.memref_slice %arg4[%mul3A_319] : memref<52428800xf32, #tpu.memory_space<hbm>> -> memref<1024xf32, #tpu.memory_space<hbm>>
    %dma_start3A_388 = tpu.memref_slice %arg4[%mul3A_319] : memref<52428800xf32, #tpu.memory_space<hbm>> -> memref<1024xf32, #tpu.memory_space<hbm>>
    %dma_start3A_389 = arith.constant 7168 : i32
    %dma_start3A_390 = tpu.memref_slice %arg8[%dma_start3A_383, %dma_start3A_389] : memref<2x8192xf32, #tpu.memory_space<vmem>> -> memref<1x1024xf32, #tpu.memory_space<vmem>>
    %dma_start3A_391 = tpu.memref_squeeze %dma_start3A_390 : memref<1x1024xf32, #tpu.memory_space<vmem>> -> memref<1024xf32, #tpu.memory_space<vmem>>
    tpu.enqueue_dma source(%dma_start3A_391 : memref<1024xf32, #tpu.memory_space<vmem>>) target(%dma_start3A_388 : memref<1024xf32, #tpu.memory_space<hbm>>) target_semaphore(%arg14 : memref<!tpu.dma_semaphore, #tpu.memory_space<semaphore_mem>>)
    %add3A_392 = arith.constant 0 : i32
    %add3A_393 = arith.addi %mul3A_2, %add3A_392 : i32
    %mul3A_394 = arith.constant 1024 : i32
    %mul3A_395 = arith.muli %add3A_393, %mul3A_394 : i32
    %dma_wait3A = arith.constant 0 : i32
    %dma_wait3A_396 = arith.constant 0 : i32
    %dma_wait3A_397 = tpu.memref_slice %arg5[%dma_wait3A, %dma_wait3A_396] : memref<2x1024xi32, #tpu.memory_space<vmem>> -> memref<1x1024xi32, #tpu.memory_space<vmem>>
    %dma_wait3A_398 = tpu.memref_squeeze %dma_wait3A_397 : memref<1x1024xi32, #tpu.memory_space<vmem>> -> memref<1024xi32, #tpu.memory_space<vmem>>
    %dma_wait3A_399 = tpu.memref_slice %arg3[%mul3A_395] : memref<6553600xi32, #tpu.memory_space<hbm>> -> memref<1024xi32, #tpu.memory_space<hbm>>
    %dma_wait3A_400 = arith.constant 0 : i32
    %dma_wait3A_401 = tpu.memref_slice %arg5[%dma_wait3A, %dma_wait3A_400] : memref<2x1024xi32, #tpu.memory_space<vmem>> -> memref<1x1024xi32, #tpu.memory_space<vmem>>
    %dma_wait3A_402 = tpu.memref_squeeze %dma_wait3A_401 : memref<1x1024xi32, #tpu.memory_space<vmem>> -> memref<1024xi32, #tpu.memory_space<vmem>>
    %dma_wait3A_403 = tpu.memref_slice %arg3[%mul3A_395] : memref<6553600xi32, #tpu.memory_space<hbm>> -> memref<1024xi32, #tpu.memory_space<hbm>>
    tpu.wait_dma2 semaphore(%arg9 : memref<!tpu.dma_semaphore, #tpu.memory_space<semaphore_mem>>) src(%dma_wait3A_403 : memref<1024xi32, #tpu.memory_space<hbm>>) dst(%dma_wait3A_402 : memref<1024xi32, #tpu.memory_space<vmem>>)
    %get3A = arith.constant 0 : i32
    %get3A_404 = arith.index_cast %get3A : i32 to index
    %get3A_405 = arith.constant 0 : index
    %get3A_406 = tpu.vector_load %arg5[%get3A_404, %get3A_405] {strides = array<i32>} : memref<2x1024xi32, #tpu.memory_space<vmem>>, vector<16xi32>,
    %add3A_407 = arith.constant 0 : i32
    %add3A_408 = vector.broadcast %add3A_407 : i32 to vector<16xi32>
    %add3A_409 = arith.addi %get3A_406, %add3A_408 : vector<16xi32>
    %swap3A = arith.constant 0 : i32
    %swap3A_410 = arith.index_cast %swap3A : i32 to index
    %swap3A_411 = arith.constant 0 : index
    %swap3A_412 = tpu.vector_load %arg6[%swap3A_410, %swap3A_411] {strides = array<i32>} : memref<2x1024xi32, #tpu.memory_space<vmem>>, vector<16xi32>,
    tpu.vector_store %arg6[%swap3A_410, %swap3A_411], %add3A_409 {strides = array<i32>} : memref<2x1024xi32, #tpu.memory_space<vmem>>, vector<16xi32>,
    %get3A_413 = arith.constant 0 : i32
    %get3A_414 = arith.index_cast %get3A_413 : i32 to index
    %get3A_415 = arith.constant 16 : index
    %get3A_416 = tpu.vector_load %arg5[%get3A_414, %get3A_415] {strides = array<i32>} : memref<2x1024xi32, #tpu.memory_space<vmem>>, vector<16xi32>,
    %add3A_417 = arith.constant 0 : i32
    %add3A_418 = vector.broadcast %add3A_417 : i32 to vector<16xi32>
    %add3A_419 = arith.addi %get3A_416, %add3A_418 : vector<16xi32>
    %swap3A_420 = arith.constant 0 : i32
    %swap3A_421 = arith.index_cast %swap3A_420 : i32 to index
    %swap3A_422 = arith.constant 16 : index
    %swap3A_423 = tpu.vector_load %arg6[%swap3A_421, %swap3A_422] {strides = array<i32>} : memref<2x1024xi32, #tpu.memory_space<vmem>>, vector<16xi32>,
    tpu.vector_store %arg6[%swap3A_421, %swap3A_422], %add3A_419 {strides = array<i32>} : memref<2x1024xi32, #tpu.memory_space<vmem>>, vector<16xi32>,
    %get3A_424 = arith.constant 0 : i32
    %get3A_425 = arith.index_cast %get3A_424 : i32 to index
    %get3A_426 = arith.constant 32 : index
    %get3A_427 = tpu.vector_load %arg5[%get3A_425, %get3A_426] {strides = array<i32>} : memref<2x1024xi32, #tpu.memory_space<vmem>>, vector<16xi32>,
    %add3A_428 = arith.constant 0 : i32
    %add3A_429 = vector.broadcast %add3A_428 : i32 to vector<16xi32>
    %add3A_430 = arith.addi %get3A_427, %add3A_429 : vector<16xi32>
    %swap3A_431 = arith.constant 0 : i32
    %swap3A_432 = arith.index_cast %swap3A_431 : i32 to index
    %swap3A_433 = arith.constant 32 : index
    %swap3A_434 = tpu.vector_load %arg6[%swap3A_432, %swap3A_433] {strides = array<i32>} : memref<2x1024xi32, #tpu.memory_space<vmem>>, vector<16xi32>,
    tpu.vector_store %arg6[%swap3A_432, %swap3A_433], %add3A_430 {strides = array<i32>} : memref<2x1024xi32, #tpu.memory_space<vmem>>, vector<16xi32>,
    %get3A_435 = arith.constant 0 : i32
    %get3A_436 = arith.index_cast %get3A_435 : i32 to index
    %get3A_437 = arith.constant 48 : index
    %get3A_438 = tpu.vector_load %arg5[%get3A_436, %get3A_437] {strides = array<i32>} : memref<2x1024xi32, #tpu.memory_space<vmem>>, vector<16xi32>,
    %add3A_439 = arith.constant 0 : i32
    %add3A_440 = vector.broadcast %add3A_439 : i32 to vector<16xi32>
    %add3A_441 = arith.addi %get3A_438, %add3A_440 : vector<16xi32>
    %swap3A_442 = arith.constant 0 : i32
    %swap3A_443 = arith.index_cast %swap3A_442 : i32 to index
    %swap3A_444 = arith.constant 48 : index
    %swap3A_445 = tpu.vector_load %arg6[%swap3A_443, %swap3A_444] {strides = array<i32>} : memref<2x1024xi32, #tpu.memory_space<vmem>>, vector<16xi32>,
    tpu.vector_store %arg6[%swap3A_443, %swap3A_444], %add3A_441 {strides = array<i32>} : memref<2x1024xi32, #tpu.memory_space<vmem>>, vector<16xi32>,
    %get3A_446 = arith.constant 0 : i32
    %get3A_447 = arith.index_cast %get3A_446 : i32 to index
    %get3A_448 = arith.constant 64 : index
    %get3A_449 = tpu.vector_load %arg5[%get3A_447, %get3A_448] {strides = array<i32>} : memref<2x1024xi32, #tpu.memory_space<vmem>>, vector<16xi32>,
    %add3A_450 = arith.constant 0 : i32
    %add3A_451 = vector.broadcast %add3A_450 : i32 to vector<16xi32>
    %add3A_452 = arith.addi %get3A_449, %add3A_451 : vector<16xi32>
    %swap3A_453 = arith.constant 0 : i32
    %swap3A_454 = arith.index_cast %swap3A_453 : i32 to index
    %swap3A_455 = arith.constant 64 : index
    %swap3A_456 = tpu.vector_load %arg6[%swap3A_454, %swap3A_455] {strides = array<i32>} : memref<2x1024xi32, #tpu.memory_space<vmem>>, vector<16xi32>,
    tpu.vector_store %arg6[%swap3A_454, %swap3A_455], %add3A_452 {strides = array<i32>} : memref<2x1024xi32, #tpu.memory_space<vmem>>, vector<16xi32>,
    %get3A_457 = arith.constant 0 : i32
    %get3A_458 = arith.index_cast %get3A_457 : i32 to index
    %get3A_459 = arith.constant 80 : index
    %get3A_460 = tpu.vector_load %arg5[%get3A_458, %get3A_459] {strides = array<i32>} : memref<2x1024xi32, #tpu.memory_space<vmem>>, vector<16xi32>,
    %add3A_461 = arith.constant 0 : i32
    %add3A_462 = vector.broadcast %add3A_461 : i32 to vector<16xi32>
    %add3A_463 = arith.addi %get3A_460, %add3A_462 : vector<16xi32>
    %swap3A_464 = arith.constant 0 : i32
    %swap3A_465 = arith.index_cast %swap3A_464 : i32 to index
    %swap3A_466 = arith.constant 80 : index
    %swap3A_467 = tpu.vector_load %arg6[%swap3A_465, %swap3A_466] {strides = array<i32>} : memref<2x1024xi32, #tpu.memory_space<vmem>>, vector<16xi32>,
    tpu.vector_store %arg6[%swap3A_465, %swap3A_466], %add3A_463 {strides = array<i32>} : memref<2x1024xi32, #tpu.memory_space<vmem>>, vector<16xi32>,
    %get3A_468 = arith.constant 0 : i32
    %get3A_469 = arith.index_cast %get3A_468 : i32 to index
    %get3A_470 = arith.constant 96 : index
    %get3A_471 = tpu.vector_load %arg5[%get3A_469, %get3A_470] {strides = array<i32>} : memref<2x1024xi32, #tpu.memory_space<vmem>>, vector<16xi32>,
    %add3A_472 = arith.constant 0 : i32
    %add3A_473 = vector.broadcast %add3A_472 : i32 to vector<16xi32>
    %add3A_474 = arith.addi %get3A_471, %add3A_473 : vector<16xi32>
    %swap3A_475 = arith.constant 0 : i32
    %swap3A_476 = arith.index_cast %swap3A_475 : i32 to index
    %swap3A_477 = arith.constant 96 : index
    %swap3A_478 = tpu.vector_load %arg6[%swap3A_476, %swap3A_477] {strides = array<i32>} : memref<2x1024xi32, #tpu.memory_space<vmem>>, vector<16xi32>,
    tpu.vector_store %arg6[%swap3A_476, %swap3A_477], %add3A_474 {strides = array<i32>} : memref<2x1024xi32, #tpu.memory_space<vmem>>, vector<16xi32>,
    %get3A_479 = arith.constant 0 : i32
    %get3A_480 = arith.index_cast %get3A_479 : i32 to index
    %get3A_481 = arith.constant 112 : index
    %get3A_482 = tpu.vector_load %arg5[%get3A_480, %get3A_481] {strides = array<i32>} : memref<2x1024xi32, #tpu.memory_space<vmem>>, vector<16xi32>,
    %add3A_483 = arith.constant 0 : i32
    %add3A_484 = vector.broadcast %add3A_483 : i32 to vector<16xi32>
    %add3A_485 = arith.addi %get3A_482, %add3A_484 : vector<16xi32>
    %swap3A_486 = arith.constant 0 : i32
    %swap3A_487 = arith.index_cast %swap3A_486 : i32 to index
    %swap3A_488 = arith.constant 112 : index
    %swap3A_489 = tpu.vector_load %arg6[%swap3A_487, %swap3A_488] {strides = array<i32>} : memref<2x1024xi32, #tpu.memory_space<vmem>>, vector<16xi32>,
    tpu.vector_store %arg6[%swap3A_487, %swap3A_488], %add3A_485 {strides = array<i32>} : memref<2x1024xi32, #tpu.memory_space<vmem>>, vector<16xi32>,
    %get3A_490 = arith.constant 0 : i32
    %get3A_491 = arith.index_cast %get3A_490 : i32 to index
    %get3A_492 = arith.constant 128 : index
    %get3A_493 = tpu.vector_load %arg5[%get3A_491, %get3A_492] {strides = array<i32>} : memref<2x1024xi32, #tpu.memory_space<vmem>>, vector<16xi32>,
    %add3A_494 = arith.constant 8208 : i32
    %add3A_495 = vector.broadcast %add3A_494 : i32 to vector<16xi32>
    %add3A_496 = arith.addi %get3A_493, %add3A_495 : vector<16xi32>
    %swap3A_497 = arith.constant 0 : i32
    %swap3A_498 = arith.index_cast %swap3A_497 : i32 to index
    %swap3A_499 = arith.constant 128 : index
    %swap3A_500 = tpu.vector_load %arg6[%swap3A_498, %swap3A_499] {strides = array<i32>} : memref<2x1024xi32, #tpu.memory_space<vmem>>, vector<16xi32>,
    tpu.vector_store %arg6[%swap3A_498, %swap3A_499], %add3A_496 {strides = array<i32>} : memref<2x1024xi32, #tpu.memory_space<vmem>>, vector<16xi32>,
    %get3A_501 = arith.constant 0 : i32
    %get3A_502 = arith.index_cast %get3A_501 : i32 to index
    %get3A_503 = arith.constant 144 : index
    %get3A_504 = tpu.vector_load %arg5[%get3A_502, %get3A_503] {strides = array<i32>} : memref<2x1024xi32, #tpu.memory_space<vmem>>, vector<16xi32>,
    %add3A_505 = arith.constant 8208 : i32
    %add3A_506 = vector.broadcast %add3A_505 : i32 to vector<16xi32>
    %add3A_507 = arith.addi %get3A_504, %add3A_506 : vector<16xi32>
    %swap3A_508 = arith.constant 0 : i32
    %swap3A_509 = arith.index_cast %swap3A_508 : i32 to index
    %swap3A_510 = arith.constant 144 : index
    %swap3A_511 = tpu.vector_load %arg6[%swap3A_509, %swap3A_510] {strides = array<i32>} : memref<2x1024xi32, #tpu.memory_space<vmem>>, vector<16xi32>,
    tpu.vector_store %arg6[%swap3A_509, %swap3A_510], %add3A_507 {strides = array<i32>} : memref<2x1024xi32, #tpu.memory_space<vmem>>, vector<16xi32>,
    %get3A_512 = arith.constant 0 : i32
    %get3A_513 = arith.index_cast %get3A_512 : i32 to index
    %get3A_514 = arith.constant 160 : index
    %get3A_515 = tpu.vector_load %arg5[%get3A_513, %get3A_514] {strides = array<i32>} : memref<2x1024xi32, #tpu.memory_space<vmem>>, vector<16xi32>,
    %add3A_516 = arith.constant 8208 : i32
    %add3A_517 = vector.broadcast %add3A_516 : i32 to vector<16xi32>
    %add3A_518 = arith.addi %get3A_515, %add3A_517 : vector<16xi32>
    %swap3A_519 = arith.constant 0 : i32
    %swap3A_520 = arith.index_cast %swap3A_519 : i32 to index
    %swap3A_521 = arith.constant 160 : index
    %swap3A_522 = tpu.vector_load %arg6[%swap3A_520, %swap3A_521] {strides = array<i32>} : memref<2x1024xi32, #tpu.memory_space<vmem>>, vector<16xi32>,
    tpu.vector_store %arg6[%swap3A_520, %swap3A_521], %add3A_518 {strides = array<i32>} : memref<2x1024xi32, #tpu.memory_space<vmem>>, vector<16xi32>,
    %get3A_523 = arith.constant 0 : i32
    %get3A_524 = arith.index_cast %get3A_523 : i32 to index
    %get3A_525 = arith.constant 176 : index
    %get3A_526 = tpu.vector_load %arg5[%get3A_524, %get3A_525] {strides = array<i32>} : memref<2x1024xi32, #tpu.memory_space<vmem>>, vector<16xi32>,
    %add3A_527 = arith.constant 8208 : i32
    %add3A_528 = vector.broadcast %add3A_527 : i32 to vector<16xi32>
    %add3A_529 = arith.addi %get3A_526, %add3A_528 : vector<16xi32>
    %swap3A_530 = arith.constant 0 : i32
    %swap3A_531 = arith.index_cast %swap3A_530 : i32 to index
    %swap3A_532 = arith.constant 176 : index
    %swap3A_533 = tpu.vector_load %arg6[%swap3A_531, %swap3A_532] {strides = array<i32>} : memref<2x1024xi32, #tpu.memory_space<vmem>>, vector<16xi32>,
    tpu.vector_store %arg6[%swap3A_531, %swap3A_532], %add3A_529 {strides = array<i32>} : memref<2x1024xi32, #tpu.memory_space<vmem>>, vector<16xi32>,
    %get3A_534 = arith.constant 0 : i32
    %get3A_535 = arith.index_cast %get3A_534 : i32 to index
    %get3A_536 = arith.constant 192 : index
    %get3A_537 = tpu.vector_load %arg5[%get3A_535, %get3A_536] {strides = array<i32>} : memref<2x1024xi32, #tpu.memory_space<vmem>>, vector<16xi32>,
    %add3A_538 = arith.constant 8208 : i32
    %add3A_539 = vector.broadcast %add3A_538 : i32 to vector<16xi32>
    %add3A_540 = arith.addi %get3A_537, %add3A_539 : vector<16xi32>
    %swap3A_541 = arith.constant 0 : i32
    %swap3A_542 = arith.index_cast %swap3A_541 : i32 to index
    %swap3A_543 = arith.constant 192 : index
    %swap3A_544 = tpu.vector_load %arg6[%swap3A_542, %swap3A_543] {strides = array<i32>} : memref<2x1024xi32, #tpu.memory_space<vmem>>, vector<16xi32>,
    tpu.vector_store %arg6[%swap3A_542, %swap3A_543], %add3A_540 {strides = array<i32>} : memref<2x1024xi32, #tpu.memory_space<vmem>>, vector<16xi32>,
    %get3A_545 = arith.constant 0 : i32
    %get3A_546 = arith.index_cast %get3A_545 : i32 to index
    %get3A_547 = arith.constant 208 : index
    %get3A_548 = tpu.vector_load %arg5[%get3A_546, %get3A_547] {strides = array<i32>} : memref<2x1024xi32, #tpu.memory_space<vmem>>, vector<16xi32>,
    %add3A_549 = arith.constant 8208 : i32
    %add3A_550 = vector.broadcast %add3A_549 : i32 to vector<16xi32>
    %add3A_551 = arith.addi %get3A_548, %add3A_550 : vector<16xi32>
    %swap3A_552 = arith.constant 0 : i32
    %swap3A_553 = arith.index_cast %swap3A_552 : i32 to index
    %swap3A_554 = arith.constant 208 : index
    %swap3A_555 = tpu.vector_load %arg6[%swap3A_553, %swap3A_554] {strides = array<i32>} : memref<2x1024xi32, #tpu.memory_space<vmem>>, vector<16xi32>,
    tpu.vector_store %arg6[%swap3A_553, %swap3A_554], %add3A_551 {strides = array<i32>} : memref<2x1024xi32, #tpu.memory_space<vmem>>, vector<16xi32>,
    %get3A_556 = arith.constant 0 : i32
    %get3A_557 = arith.index_cast %get3A_556 : i32 to index
    %get3A_558 = arith.constant 224 : index
    %get3A_559 = tpu.vector_load %arg5[%get3A_557, %get3A_558] {strides = array<i32>} : memref<2x1024xi32, #tpu.memory_space<vmem>>, vector<16xi32>,
    %add3A_560 = arith.constant 8208 : i32
    %add3A_561 = vector.broadcast %add3A_560 : i32 to vector<16xi32>
    %add3A_562 = arith.addi %get3A_559, %add3A_561 : vector<16xi32>
    %swap3A_563 = arith.constant 0 : i32
    %swap3A_564 = arith.index_cast %swap3A_563 : i32 to index
    %swap3A_565 = arith.constant 224 : index
    %swap3A_566 = tpu.vector_load %arg6[%swap3A_564, %swap3A_565] {strides = array<i32>} : memref<2x1024xi32, #tpu.memory_space<vmem>>, vector<16xi32>,
    tpu.vector_store %arg6[%swap3A_564, %swap3A_565], %add3A_562 {strides = array<i32>} : memref<2x1024xi32, #tpu.memory_space<vmem>>, vector<16xi32>,
    %get3A_567 = arith.constant 0 : i32
    %get3A_568 = arith.index_cast %get3A_567 : i32 to index
    %get3A_569 = arith.constant 240 : index
    %get3A_570 = tpu.vector_load %arg5[%get3A_568, %get3A_569] {strides = array<i32>} : memref<2x1024xi32, #tpu.memory_space<vmem>>, vector<16xi32>,
    %add3A_571 = arith.constant 8208 : i32
    %add3A_572 = vector.broadcast %add3A_571 : i32 to vector<16xi32>
    %add3A_573 = arith.addi %get3A_570, %add3A_572 : vector<16xi32>
    %swap3A_574 = arith.constant 0 : i32
    %swap3A_575 = arith.index_cast %swap3A_574 : i32 to index
    %swap3A_576 = arith.constant 240 : index
    %swap3A_577 = tpu.vector_load %arg6[%swap3A_575, %swap3A_576] {strides = array<i32>} : memref<2x1024xi32, #tpu.memory_space<vmem>>, vector<16xi32>,
    tpu.vector_store %arg6[%swap3A_575, %swap3A_576], %add3A_573 {strides = array<i32>} : memref<2x1024xi32, #tpu.memory_space<vmem>>, vector<16xi32>,
    %get3A_578 = arith.constant 0 : i32
    %get3A_579 = arith.index_cast %get3A_578 : i32 to index
    %get3A_580 = arith.constant 256 : index
    %get3A_581 = tpu.vector_load %arg5[%get3A_579, %get3A_580] {strides = array<i32>} : memref<2x1024xi32, #tpu.memory_space<vmem>>, vector<16xi32>,
    %add3A_582 = arith.constant 16416 : i32
    %add3A_583 = vector.broadcast %add3A_582 : i32 to vector<16xi32>
    %add3A_584 = arith.addi %get3A_581, %add3A_583 : vector<16xi32>
    %swap3A_585 = arith.constant 0 : i32
    %swap3A_586 = arith.index_cast %swap3A_585 : i32 to index
    %swap3A_587 = arith.constant 256 : index
    %swap3A_588 = tpu.vector_load %arg6[%swap3A_586, %swap3A_587] {strides = array<i32>} : memref<2x1024xi32, #tpu.memory_space<vmem>>, vector<16xi32>,
    tpu.vector_store %arg6[%swap3A_586, %swap3A_587], %add3A_584 {strides = array<i32>} : memref<2x1024xi32, #tpu.memory_space<vmem>>, vector<16xi32>,
    %get3A_589 = arith.constant 0 : i32
    %get3A_590 = arith.index_cast %get3A_589 : i32 to index
    %get3A_591 = arith.constant 272 : index
    %get3A_592 = tpu.vector_load %arg5[%get3A_590, %get3A_591] {strides = array<i32>} : memref<2x1024xi32, #tpu.memory_space<vmem>>, vector<16xi32>,
    %add3A_593 = arith.constant 16416 : i32
    %add3A_594 = vector.broadcast %add3A_593 : i32 to vector<16xi32>
    %add3A_595 = arith.addi %get3A_592, %add3A_594 : vector<16xi32>
    %swap3A_596 = arith.constant 0 : i32
    %swap3A_597 = arith.index_cast %swap3A_596 : i32 to index
    %swap3A_598 = arith.constant 272 : index
    %swap3A_599 = tpu.vector_load %arg6[%swap3A_597, %swap3A_598] {strides = array<i32>} : memref<2x1024xi32, #tpu.memory_space<vmem>>, vector<16xi32>,
    tpu.vector_store %arg6[%swap3A_597, %swap3A_598], %add3A_595 {strides = array<i32>} : memref<2x1024xi32, #tpu.memory_space<vmem>>, vector<16xi32>,
    %get3A_600 = arith.constant 0 : i32
    %get3A_601 = arith.index_cast %get3A_600 : i32 to index
    %get3A_602 = arith.constant 288 : index
    %get3A_603 = tpu.vector_load %arg5[%get3A_601, %get3A_602] {strides = array<i32>} : memref<2x1024xi32, #tpu.memory_space<vmem>>, vector<16xi32>,
    %add3A_604 = arith.constant 16416 : i32
    %add3A_605 = vector.broadcast %add3A_604 : i32 to vector<16xi32>
    %add3A_606 = arith.addi %get3A_603, %add3A_605 : vector<16xi32>
    %swap3A_607 = arith.constant 0 : i32
    %swap3A_608 = arith.index_cast %swap3A_607 : i32 to index
    %swap3A_609 = arith.constant 288 : index
    %swap3A_610 = tpu.vector_load %arg6[%swap3A_608, %swap3A_609] {strides = array<i32>} : memref<2x1024xi32, #tpu.memory_space<vmem>>, vector<16xi32>,
    tpu.vector_store %arg6[%swap3A_608, %swap3A_609], %add3A_606 {strides = array<i32>} : memref<2x1024xi32, #tpu.memory_space<vmem>>, vector<16xi32>,
    %get3A_611 = arith.constant 0 : i32
    %get3A_612 = arith.index_cast %get3A_611 : i32 to index
    %get3A_613 = arith.constant 304 : index
    %get3A_614 = tpu.vector_load %arg5[%get3A_612, %get3A_613] {strides = array<i32>} : memref<2x1024xi32, #tpu.memory_space<vmem>>, vector<16xi32>,
    %add3A_615 = arith.constant 16416 : i32
    %add3A_616 = vector.broadcast %add3A_615 : i32 to vector<16xi32>
    %add3A_617 = arith.addi %get3A_614, %add3A_616 : vector<16xi32>
    %swap3A_618 = arith.constant 0 : i32
    %swap3A_619 = arith.index_cast %swap3A_618 : i32 to index
    %swap3A_620 = arith.constant 304 : index
    %swap3A_621 = tpu.vector_load %arg6[%swap3A_619, %swap3A_620] {strides = array<i32>} : memref<2x1024xi32, #tpu.memory_space<vmem>>, vector<16xi32>,
    tpu.vector_store %arg6[%swap3A_619, %swap3A_620], %add3A_617 {strides = array<i32>} : memref<2x1024xi32, #tpu.memory_space<vmem>>, vector<16xi32>,
    %get3A_622 = arith.constant 0 : i32
    %get3A_623 = arith.index_cast %get3A_622 : i32 to index
    %get3A_624 = arith.constant 320 : index
    %get3A_625 = tpu.vector_load %arg5[%get3A_623, %get3A_624] {strides = array<i32>} : memref<2x1024xi32, #tpu.memory_space<vmem>>, vector<16xi32>,
    %add3A_626 = arith.constant 16416 : i32
    %add3A_627 = vector.broadcast %add3A_626 : i32 to vector<16xi32>
    %add3A_628 = arith.addi %get3A_625, %add3A_627 : vector<16xi32>
    %swap3A_629 = arith.constant 0 : i32
    %swap3A_630 = arith.index_cast %swap3A_629 : i32 to index
    %swap3A_631 = arith.constant 320 : index
    %swap3A_632 = tpu.vector_load %arg6[%swap3A_630, %swap3A_631] {strides = array<i32>} : memref<2x1024xi32, #tpu.memory_space<vmem>>, vector<16xi32>,
    tpu.vector_store %arg6[%swap3A_630, %swap3A_631], %add3A_628 {strides = array<i32>} : memref<2x1024xi32, #tpu.memory_space<vmem>>, vector<16xi32>,
    %get3A_633 = arith.constant 0 : i32
    %get3A_634 = arith.index_cast %get3A_633 : i32 to index
    %get3A_635 = arith.constant 336 : index
    %get3A_636 = tpu.vector_load %arg5[%get3A_634, %get3A_635] {strides = array<i32>} : memref<2x1024xi32, #tpu.memory_space<vmem>>, vector<16xi32>,
    %add3A_637 = arith.constant 16416 : i32
    %add3A_638 = vector.broadcast %add3A_637 : i32 to vector<16xi32>
    %add3A_639 = arith.addi %get3A_636, %add3A_638 : vector<16xi32>
    %swap3A_640 = arith.constant 0 : i32
    %swap3A_641 = arith.index_cast %swap3A_640 : i32 to index
    %swap3A_642 = arith.constant 336 : index
    %swap3A_643 = tpu.vector_load %arg6[%swap3A_641, %swap3A_642] {strides = array<i32>} : memref<2x1024xi32, #tpu.memory_space<vmem>>, vector<16xi32>,
    tpu.vector_store %arg6[%swap3A_641, %swap3A_642], %add3A_639 {strides = array<i32>} : memref<2x1024xi32, #tpu.memory_space<vmem>>, vector<16xi32>,
    %get3A_644 = arith.constant 0 : i32
    %get3A_645 = arith.index_cast %get3A_644 : i32 to index
    %get3A_646 = arith.constant 352 : index
    %get3A_647 = tpu.vector_load %arg5[%get3A_645, %get3A_646] {strides = array<i32>} : memref<2x1024xi32, #tpu.memory_space<vmem>>, vector<16xi32>,
    %add3A_648 = arith.constant 16416 : i32
    %add3A_649 = vector.broadcast %add3A_648 : i32 to vector<16xi32>
    %add3A_650 = arith.addi %get3A_647, %add3A_649 : vector<16xi32>
    %swap3A_651 = arith.constant 0 : i32
    %swap3A_652 = arith.index_cast %swap3A_651 : i32 to index
    %swap3A_653 = arith.constant 352 : index
    %swap3A_654 = tpu.vector_load %arg6[%swap3A_652, %swap3A_653] {strides = array<i32>} : memref<2x1024xi32, #tpu.memory_space<vmem>>, vector<16xi32>,
    tpu.vector_store %arg6[%swap3A_652, %swap3A_653], %add3A_650 {strides = array<i32>} : memref<2x1024xi32, #tpu.memory_space<vmem>>, vector<16xi32>,
    %get3A_655 = arith.constant 0 : i32
    %get3A_656 = arith.index_cast %get3A_655 : i32 to index
    %get3A_657 = arith.constant 368 : index
    %get3A_658 = tpu.vector_load %arg5[%get3A_656, %get3A_657] {strides = array<i32>} : memref<2x1024xi32, #tpu.memory_space<vmem>>, vector<16xi32>,
    %add3A_659 = arith.constant 16416 : i32
    %add3A_660 = vector.broadcast %add3A_659 : i32 to vector<16xi32>
    %add3A_661 = arith.addi %get3A_658, %add3A_660 : vector<16xi32>
    %swap3A_662 = arith.constant 0 : i32
    %swap3A_663 = arith.index_cast %swap3A_662 : i32 to index
    %swap3A_664 = arith.constant 368 : index
    %swap3A_665 = tpu.vector_load %arg6[%swap3A_663, %swap3A_664] {strides = array<i32>} : memref<2x1024xi32, #tpu.memory_space<vmem>>, vector<16xi32>,
    tpu.vector_store %arg6[%swap3A_663, %swap3A_664], %add3A_661 {strides = array<i32>} : memref<2x1024xi32, #tpu.memory_space<vmem>>, vector<16xi32>,
    %get3A_666 = arith.constant 0 : i32
    %get3A_667 = arith.index_cast %get3A_666 : i32 to index
    %get3A_668 = arith.constant 384 : index
    %get3A_669 = tpu.vector_load %arg5[%get3A_667, %get3A_668] {strides = array<i32>} : memref<2x1024xi32, #tpu.memory_space<vmem>>, vector<16xi32>,
    %add3A_670 = arith.constant 24624 : i32
    %add3A_671 = vector.broadcast %add3A_670 : i32 to vector<16xi32>
    %add3A_672 = arith.addi %get3A_669, %add3A_671 : vector<16xi32>
    %swap3A_673 = arith.constant 0 : i32
    %swap3A_674 = arith.index_cast %swap3A_673 : i32 to index
    %swap3A_675 = arith.constant 384 : index
    %swap3A_676 = tpu.vector_load %arg6[%swap3A_674, %swap3A_675] {strides = array<i32>} : memref<2x1024xi32, #tpu.memory_space<vmem>>, vector<16xi32>,
    tpu.vector_store %arg6[%swap3A_674, %swap3A_675], %add3A_672 {strides = array<i32>} : memref<2x1024xi32, #tpu.memory_space<vmem>>, vector<16xi32>,
    %get3A_677 = arith.constant 0 : i32
    %get3A_678 = arith.index_cast %get3A_677 : i32 to index
    %get3A_679 = arith.constant 400 : index
    %get3A_680 = tpu.vector_load %arg5[%get3A_678, %get3A_679] {strides = array<i32>} : memref<2x1024xi32, #tpu.memory_space<vmem>>, vector<16xi32>,
    %add3A_681 = arith.constant 24624 : i32
    %add3A_682 = vector.broadcast %add3A_681 : i32 to vector<16xi32>
    %add3A_683 = arith.addi %get3A_680, %add3A_682 : vector<16xi32>
    %swap3A_684 = arith.constant 0 : i32
    %swap3A_685 = arith.index_cast %swap3A_684 : i32 to index
    %swap3A_686 = arith.constant 400 : index
    %swap3A_687 = tpu.vector_load %arg6[%swap3A_685, %swap3A_686] {strides = array<i32>} : memref<2x1024xi32, #tpu.memory_space<vmem>>, vector<16xi32>,
    tpu.vector_store %arg6[%swap3A_685, %swap3A_686], %add3A_683 {strides = array<i32>} : memref<2x1024xi32, #tpu.memory_space<vmem>>, vector<16xi32>,
    %get3A_688 = arith.constant 0 : i32
    %get3A_689 = arith.index_cast %get3A_688 : i32 to index
    %get3A_690 = arith.constant 416 : index
    %get3A_691 = tpu.vector_load %arg5[%get3A_689, %get3A_690] {strides = array<i32>} : memref<2x1024xi32, #tpu.memory_space<vmem>>, vector<16xi32>,
    %add3A_692 = arith.constant 24624 : i32
    %add3A_693 = vector.broadcast %add3A_692 : i32 to vector<16xi32>
    %add3A_694 = arith.addi %get3A_691, %add3A_693 : vector<16xi32>
    %swap3A_695 = arith.constant 0 : i32
    %swap3A_696 = arith.index_cast %swap3A_695 : i32 to index
    %swap3A_697 = arith.constant 416 : index
    %swap3A_698 = tpu.vector_load %arg6[%swap3A_696, %swap3A_697] {strides = array<i32>} : memref<2x1024xi32, #tpu.memory_space<vmem>>, vector<16xi32>,
    tpu.vector_store %arg6[%swap3A_696, %swap3A_697], %add3A_694 {strides = array<i32>} : memref<2x1024xi32, #tpu.memory_space<vmem>>, vector<16xi32>,
    %get3A_699 = arith.constant 0 : i32
    %get3A_700 = arith.index_cast %get3A_699 : i32 to index
    %get3A_701 = arith.constant 432 : index
    %get3A_702 = tpu.vector_load %arg5[%get3A_700, %get3A_701] {strides = array<i32>} : memref<2x1024xi32, #tpu.memory_space<vmem>>, vector<16xi32>,
    %add3A_703 = arith.constant 24624 : i32
    %add3A_704 = vector.broadcast %add3A_703 : i32 to vector<16xi32>
    %add3A_705 = arith.addi %get3A_702, %add3A_704 : vector<16xi32>
    %swap3A_706 = arith.constant 0 : i32
    %swap3A_707 = arith.index_cast %swap3A_706 : i32 to index
    %swap3A_708 = arith.constant 432 : index
    %swap3A_709 = tpu.vector_load %arg6[%swap3A_707, %swap3A_708] {strides = array<i32>} : memref<2x1024xi32, #tpu.memory_space<vmem>>, vector<16xi32>,
    tpu.vector_store %arg6[%swap3A_707, %swap3A_708], %add3A_705 {strides = array<i32>} : memref<2x1024xi32, #tpu.memory_space<vmem>>, vector<16xi32>,
    %get3A_710 = arith.constant 0 : i32
    %get3A_711 = arith.index_cast %get3A_710 : i32 to index
    %get3A_712 = arith.constant 448 : index
    %get3A_713 = tpu.vector_load %arg5[%get3A_711, %get3A_712] {strides = array<i32>} : memref<2x1024xi32, #tpu.memory_space<vmem>>, vector<16xi32>,
    %add3A_714 = arith.constant 24624 : i32
    %add3A_715 = vector.broadcast %add3A_714 : i32 to vector<16xi32>
    %add3A_716 = arith.addi %get3A_713, %add3A_715 : vector<16xi32>
    %swap3A_717 = arith.constant 0 : i32
    %swap3A_718 = arith.index_cast %swap3A_717 : i32 to index
    %swap3A_719 = arith.constant 448 : index
    %swap3A_720 = tpu.vector_load %arg6[%swap3A_718, %swap3A_719] {strides = array<i32>} : memref<2x1024xi32, #tpu.memory_space<vmem>>, vector<16xi32>,
    tpu.vector_store %arg6[%swap3A_718, %swap3A_719], %add3A_716 {strides = array<i32>} : memref<2x1024xi32, #tpu.memory_space<vmem>>, vector<16xi32>,
    %get3A_721 = arith.constant 0 : i32
    %get3A_722 = arith.index_cast %get3A_721 : i32 to index
    %get3A_723 = arith.constant 464 : index
    %get3A_724 = tpu.vector_load %arg5[%get3A_722, %get3A_723] {strides = array<i32>} : memref<2x1024xi32, #tpu.memory_space<vmem>>, vector<16xi32>,
    %add3A_725 = arith.constant 24624 : i32
    %add3A_726 = vector.broadcast %add3A_725 : i32 to vector<16xi32>
    %add3A_727 = arith.addi %get3A_724, %add3A_726 : vector<16xi32>
    %swap3A_728 = arith.constant 0 : i32
    %swap3A_729 = arith.index_cast %swap3A_728 : i32 to index
    %swap3A_730 = arith.constant 464 : index
    %swap3A_731 = tpu.vector_load %arg6[%swap3A_729, %swap3A_730] {strides = array<i32>} : memref<2x1024xi32, #tpu.memory_space<vmem>>, vector<16xi32>,
    tpu.vector_store %arg6[%swap3A_729, %swap3A_730], %add3A_727 {strides = array<i32>} : memref<2x1024xi32, #tpu.memory_space<vmem>>, vector<16xi32>,
    %get3A_732 = arith.constant 0 : i32
    %get3A_733 = arith.index_cast %get3A_732 : i32 to index
    %get3A_734 = arith.constant 480 : index
    %get3A_735 = tpu.vector_load %arg5[%get3A_733, %get3A_734] {strides = array<i32>} : memref<2x1024xi32, #tpu.memory_space<vmem>>, vector<16xi32>,
    %add3A_736 = arith.constant 24624 : i32
    %add3A_737 = vector.broadcast %add3A_736 : i32 to vector<16xi32>
    %add3A_738 = arith.addi %get3A_735, %add3A_737 : vector<16xi32>
    %swap3A_739 = arith.constant 0 : i32
    %swap3A_740 = arith.index_cast %swap3A_739 : i32 to index
    %swap3A_741 = arith.constant 480 : index
    %swap3A_742 = tpu.vector_load %arg6[%swap3A_740, %swap3A_741] {strides = array<i32>} : memref<2x1024xi32, #tpu.memory_space<vmem>>, vector<16xi32>,
    tpu.vector_store %arg6[%swap3A_740, %swap3A_741], %add3A_738 {strides = array<i32>} : memref<2x1024xi32, #tpu.memory_space<vmem>>, vector<16xi32>,
    %get3A_743 = arith.constant 0 : i32
    %get3A_744 = arith.index_cast %get3A_743 : i32 to index
    %get3A_745 = arith.constant 496 : index
    %get3A_746 = tpu.vector_load %arg5[%get3A_744, %get3A_745] {strides = array<i32>} : memref<2x1024xi32, #tpu.memory_space<vmem>>, vector<16xi32>,
    %add3A_747 = arith.constant 24624 : i32
    %add3A_748 = vector.broadcast %add3A_747 : i32 to vector<16xi32>
    %add3A_749 = arith.addi %get3A_746, %add3A_748 : vector<16xi32>
    %swap3A_750 = arith.constant 0 : i32
    %swap3A_751 = arith.index_cast %swap3A_750 : i32 to index
    %swap3A_752 = arith.constant 496 : index
    %swap3A_753 = tpu.vector_load %arg6[%swap3A_751, %swap3A_752] {strides = array<i32>} : memref<2x1024xi32, #tpu.memory_space<vmem>>, vector<16xi32>,
    tpu.vector_store %arg6[%swap3A_751, %swap3A_752], %add3A_749 {strides = array<i32>} : memref<2x1024xi32, #tpu.memory_space<vmem>>, vector<16xi32>,
    %get3A_754 = arith.constant 0 : i32
    %get3A_755 = arith.index_cast %get3A_754 : i32 to index
    %get3A_756 = arith.constant 512 : index
    %get3A_757 = tpu.vector_load %arg5[%get3A_755, %get3A_756] {strides = array<i32>} : memref<2x1024xi32, #tpu.memory_space<vmem>>, vector<16xi32>,
    %add3A_758 = arith.constant 32832 : i32
    %add3A_759 = vector.broadcast %add3A_758 : i32 to vector<16xi32>
    %add3A_760 = arith.addi %get3A_757, %add3A_759 : vector<16xi32>
    %swap3A_761 = arith.constant 0 : i32
    %swap3A_762 = arith.index_cast %swap3A_761 : i32 to index
    %swap3A_763 = arith.constant 512 : index
    %swap3A_764 = tpu.vector_load %arg6[%swap3A_762, %swap3A_763] {strides = array<i32>} : memref<2x1024xi32, #tpu.memory_space<vmem>>, vector<16xi32>,
    tpu.vector_store %arg6[%swap3A_762, %swap3A_763], %add3A_760 {strides = array<i32>} : memref<2x1024xi32, #tpu.memory_space<vmem>>, vector<16xi32>,
    %get3A_765 = arith.constant 0 : i32
    %get3A_766 = arith.index_cast %get3A_765 : i32 to index
    %get3A_767 = arith.constant 528 : index
    %get3A_768 = tpu.vector_load %arg5[%get3A_766, %get3A_767] {strides = array<i32>} : memref<2x1024xi32, #tpu.memory_space<vmem>>, vector<16xi32>,
    %add3A_769 = arith.constant 32832 : i32
    %add3A_770 = vector.broadcast %add3A_769 : i32 to vector<16xi32>
    %add3A_771 = arith.addi %get3A_768, %add3A_770 : vector<16xi32>
    %swap3A_772 = arith.constant 0 : i32
    %swap3A_773 = arith.index_cast %swap3A_772 : i32 to index
    %swap3A_774 = arith.constant 528 : index
    %swap3A_775 = tpu.vector_load %arg6[%swap3A_773, %swap3A_774] {strides = array<i32>} : memref<2x1024xi32, #tpu.memory_space<vmem>>, vector<16xi32>,
    tpu.vector_store %arg6[%swap3A_773, %swap3A_774], %add3A_771 {strides = array<i32>} : memref<2x1024xi32, #tpu.memory_space<vmem>>, vector<16xi32>,
    %get3A_776 = arith.constant 0 : i32
    %get3A_777 = arith.index_cast %get3A_776 : i32 to index
    %get3A_778 = arith.constant 544 : index
    %get3A_779 = tpu.vector_load %arg5[%get3A_777, %get3A_778] {strides = array<i32>} : memref<2x1024xi32, #tpu.memory_space<vmem>>, vector<16xi32>,
    %add3A_780 = arith.constant 32832 : i32
    %add3A_781 = vector.broadcast %add3A_780 : i32 to vector<16xi32>
    %add3A_782 = arith.addi %get3A_779, %add3A_781 : vector<16xi32>
    %swap3A_783 = arith.constant 0 : i32
    %swap3A_784 = arith.index_cast %swap3A_783 : i32 to index
    %swap3A_785 = arith.constant 544 : index
    %swap3A_786 = tpu.vector_load %arg6[%swap3A_784, %swap3A_785] {strides = array<i32>} : memref<2x1024xi32, #tpu.memory_space<vmem>>, vector<16xi32>,
    tpu.vector_store %arg6[%swap3A_784, %swap3A_785], %add3A_782 {strides = array<i32>} : memref<2x1024xi32, #tpu.memory_space<vmem>>, vector<16xi32>,
    %get3A_787 = arith.constant 0 : i32
    %get3A_788 = arith.index_cast %get3A_787 : i32 to index
    %get3A_789 = arith.constant 560 : index
    %get3A_790 = tpu.vector_load %arg5[%get3A_788, %get3A_789] {strides = array<i32>} : memref<2x1024xi32, #tpu.memory_space<vmem>>, vector<16xi32>,
    %add3A_791 = arith.constant 32832 : i32
    %add3A_792 = vector.broadcast %add3A_791 : i32 to vector<16xi32>
    %add3A_793 = arith.addi %get3A_790, %add3A_792 : vector<16xi32>
    %swap3A_794 = arith.constant 0 : i32
    %swap3A_795 = arith.index_cast %swap3A_794 : i32 to index
    %swap3A_796 = arith.constant 560 : index
    %swap3A_797 = tpu.vector_load %arg6[%swap3A_795, %swap3A_796] {strides = array<i32>} : memref<2x1024xi32, #tpu.memory_space<vmem>>, vector<16xi32>,
    tpu.vector_store %arg6[%swap3A_795, %swap3A_796], %add3A_793 {strides = array<i32>} : memref<2x1024xi32, #tpu.memory_space<vmem>>, vector<16xi32>,
    %get3A_798 = arith.constant 0 : i32
    %get3A_799 = arith.index_cast %get3A_798 : i32 to index
    %get3A_800 = arith.constant 576 : index
    %get3A_801 = tpu.vector_load %arg5[%get3A_799, %get3A_800] {strides = array<i32>} : memref<2x1024xi32, #tpu.memory_space<vmem>>, vector<16xi32>,
    %add3A_802 = arith.constant 32832 : i32
    %add3A_803 = vector.broadcast %add3A_802 : i32 to vector<16xi32>
    %add3A_804 = arith.addi %get3A_801, %add3A_803 : vector<16xi32>
    %swap3A_805 = arith.constant 0 : i32
    %swap3A_806 = arith.index_cast %swap3A_805 : i32 to index
    %swap3A_807 = arith.constant 576 : index
    %swap3A_808 = tpu.vector_load %arg6[%swap3A_806, %swap3A_807] {strides = array<i32>} : memref<2x1024xi32, #tpu.memory_space<vmem>>, vector<16xi32>,
    tpu.vector_store %arg6[%swap3A_806, %swap3A_807], %add3A_804 {strides = array<i32>} : memref<2x1024xi32, #tpu.memory_space<vmem>>, vector<16xi32>,
    %get3A_809 = arith.constant 0 : i32
    %get3A_810 = arith.index_cast %get3A_809 : i32 to index
    %get3A_811 = arith.constant 592 : index
    %get3A_812 = tpu.vector_load %arg5[%get3A_810, %get3A_811] {strides = array<i32>} : memref<2x1024xi32, #tpu.memory_space<vmem>>, vector<16xi32>,
    %add3A_813 = arith.constant 32832 : i32
    %add3A_814 = vector.broadcast %add3A_813 : i32 to vector<16xi32>
    %add3A_815 = arith.addi %get3A_812, %add3A_814 : vector<16xi32>
    %swap3A_816 = arith.constant 0 : i32
    %swap3A_817 = arith.index_cast %swap3A_816 : i32 to index
    %swap3A_818 = arith.constant 592 : index
    %swap3A_819 = tpu.vector_load %arg6[%swap3A_817, %swap3A_818] {strides = array<i32>} : memref<2x1024xi32, #tpu.memory_space<vmem>>, vector<16xi32>,
    tpu.vector_store %arg6[%swap3A_817, %swap3A_818], %add3A_815 {strides = array<i32>} : memref<2x1024xi32, #tpu.memory_space<vmem>>, vector<16xi32>,
    %get3A_820 = arith.constant 0 : i32
    %get3A_821 = arith.index_cast %get3A_820 : i32 to index
    %get3A_822 = arith.constant 608 : index
    %get3A_823 = tpu.vector_load %arg5[%get3A_821, %get3A_822] {strides = array<i32>} : memref<2x1024xi32, #tpu.memory_space<vmem>>, vector<16xi32>,
    %add3A_824 = arith.constant 32832 : i32
    %add3A_825 = vector.broadcast %add3A_824 : i32 to vector<16xi32>
    %add3A_826 = arith.addi %get3A_823, %add3A_825 : vector<16xi32>
    %swap3A_827 = arith.constant 0 : i32
    %swap3A_828 = arith.index_cast %swap3A_827 : i32 to index
    %swap3A_829 = arith.constant 608 : index
    %swap3A_830 = tpu.vector_load %arg6[%swap3A_828, %swap3A_829] {strides = array<i32>} : memref<2x1024xi32, #tpu.memory_space<vmem>>, vector<16xi32>,
    tpu.vector_store %arg6[%swap3A_828, %swap3A_829], %add3A_826 {strides = array<i32>} : memref<2x1024xi32, #tpu.memory_space<vmem>>, vector<16xi32>,
    %get3A_831 = arith.constant 0 : i32
    %get3A_832 = arith.index_cast %get3A_831 : i32 to index
    %get3A_833 = arith.constant 624 : index
    %get3A_834 = tpu.vector_load %arg5[%get3A_832, %get3A_833] {strides = array<i32>} : memref<2x1024xi32, #tpu.memory_space<vmem>>, vector<16xi32>,
    %add3A_835 = arith.constant 32832 : i32
    %add3A_836 = vector.broadcast %add3A_835 : i32 to vector<16xi32>
    %add3A_837 = arith.addi %get3A_834, %add3A_836 : vector<16xi32>
    %swap3A_838 = arith.constant 0 : i32
    %swap3A_839 = arith.index_cast %swap3A_838 : i32 to index
    %swap3A_840 = arith.constant 624 : index
    %swap3A_841 = tpu.vector_load %arg6[%swap3A_839, %swap3A_840] {strides = array<i32>} : memref<2x1024xi32, #tpu.memory_space<vmem>>, vector<16xi32>,
    tpu.vector_store %arg6[%swap3A_839, %swap3A_840], %add3A_837 {strides = array<i32>} : memref<2x1024xi32, #tpu.memory_space<vmem>>, vector<16xi32>,
    %get3A_842 = arith.constant 0 : i32
    %get3A_843 = arith.index_cast %get3A_842 : i32 to index
    %get3A_844 = arith.constant 640 : index
    %get3A_845 = tpu.vector_load %arg5[%get3A_843, %get3A_844] {strides = array<i32>} : memref<2x1024xi32, #tpu.memory_space<vmem>>, vector<16xi32>,
    %add3A_846 = arith.constant 41040 : i32
    %add3A_847 = vector.broadcast %add3A_846 : i32 to vector<16xi32>
    %add3A_848 = arith.addi %get3A_845, %add3A_847 : vector<16xi32>
    %swap3A_849 = arith.constant 0 : i32
    %swap3A_850 = arith.index_cast %swap3A_849 : i32 to index
    %swap3A_851 = arith.constant 640 : index
    %swap3A_852 = tpu.vector_load %arg6[%swap3A_850, %swap3A_851] {strides = array<i32>} : memref<2x1024xi32, #tpu.memory_space<vmem>>, vector<16xi32>,
    tpu.vector_store %arg6[%swap3A_850, %swap3A_851], %add3A_848 {strides = array<i32>} : memref<2x1024xi32, #tpu.memory_space<vmem>>, vector<16xi32>,
    %get3A_853 = arith.constant 0 : i32
    %get3A_854 = arith.index_cast %get3A_853 : i32 to index
    %get3A_855 = arith.constant 656 : index
    %get3A_856 = tpu.vector_load %arg5[%get3A_854, %get3A_855] {strides = array<i32>} : memref<2x1024xi32, #tpu.memory_space<vmem>>, vector<16xi32>,
    %add3A_857 = arith.constant 41040 : i32
    %add3A_858 = vector.broadcast %add3A_857 : i32 to vector<16xi32>
    %add3A_859 = arith.addi %get3A_856, %add3A_858 : vector<16xi32>
    %swap3A_860 = arith.constant 0 : i32
    %swap3A_861 = arith.index_cast %swap3A_860 : i32 to index
    %swap3A_862 = arith.constant 656 : index
    %swap3A_863 = tpu.vector_load %arg6[%swap3A_861, %swap3A_862] {strides = array<i32>} : memref<2x1024xi32, #tpu.memory_space<vmem>>, vector<16xi32>,
    tpu.vector_store %arg6[%swap3A_861, %swap3A_862], %add3A_859 {strides = array<i32>} : memref<2x1024xi32, #tpu.memory_space<vmem>>, vector<16xi32>,
    %get3A_864 = arith.constant 0 : i32
    %get3A_865 = arith.index_cast %get3A_864 : i32 to index
    %get3A_866 = arith.constant 672 : index
    %get3A_867 = tpu.vector_load %arg5[%get3A_865, %get3A_866] {strides = array<i32>} : memref<2x1024xi32, #tpu.memory_space<vmem>>, vector<16xi32>,
    %add3A_868 = arith.constant 41040 : i32
    %add3A_869 = vector.broadcast %add3A_868 : i32 to vector<16xi32>
    %add3A_870 = arith.addi %get3A_867, %add3A_869 : vector<16xi32>
    %swap3A_871 = arith.constant 0 : i32
    %swap3A_872 = arith.index_cast %swap3A_871 : i32 to index
    %swap3A_873 = arith.constant 672 : index
    %swap3A_874 = tpu.vector_load %arg6[%swap3A_872, %swap3A_873] {strides = array<i32>} : memref<2x1024xi32, #tpu.memory_space<vmem>>, vector<16xi32>,
    tpu.vector_store %arg6[%swap3A_872, %swap3A_873], %add3A_870 {strides = array<i32>} : memref<2x1024xi32, #tpu.memory_space<vmem>>, vector<16xi32>,
    %get3A_875 = arith.constant 0 : i32
    %get3A_876 = arith.index_cast %get3A_875 : i32 to index
    %get3A_877 = arith.constant 688 : index
    %get3A_878 = tpu.vector_load %arg5[%get3A_876, %get3A_877] {strides = array<i32>} : memref<2x1024xi32, #tpu.memory_space<vmem>>, vector<16xi32>,
    %add3A_879 = arith.constant 41040 : i32
    %add3A_880 = vector.broadcast %add3A_879 : i32 to vector<16xi32>
    %add3A_881 = arith.addi %get3A_878, %add3A_880 : vector<16xi32>
    %swap3A_882 = arith.constant 0 : i32
    %swap3A_883 = arith.index_cast %swap3A_882 : i32 to index
    %swap3A_884 = arith.constant 688 : index
    %swap3A_885 = tpu.vector_load %arg6[%swap3A_883, %swap3A_884] {strides = array<i32>} : memref<2x1024xi32, #tpu.memory_space<vmem>>, vector<16xi32>,
    tpu.vector_store %arg6[%swap3A_883, %swap3A_884], %add3A_881 {strides = array<i32>} : memref<2x1024xi32, #tpu.memory_space<vmem>>, vector<16xi32>,
    %get3A_886 = arith.constant 0 : i32
    %get3A_887 = arith.index_cast %get3A_886 : i32 to index
    %get3A_888 = arith.constant 704 : index
    %get3A_889 = tpu.vector_load %arg5[%get3A_887, %get3A_888] {strides = array<i32>} : memref<2x1024xi32, #tpu.memory_space<vmem>>, vector<16xi32>,
    %add3A_890 = arith.constant 41040 : i32
    %add3A_891 = vector.broadcast %add3A_890 : i32 to vector<16xi32>
    %add3A_892 = arith.addi %get3A_889, %add3A_891 : vector<16xi32>
    %swap3A_893 = arith.constant 0 : i32
    %swap3A_894 = arith.index_cast %swap3A_893 : i32 to index
    %swap3A_895 = arith.constant 704 : index
    %swap3A_896 = tpu.vector_load %arg6[%swap3A_894, %swap3A_895] {strides = array<i32>} : memref<2x1024xi32, #tpu.memory_space<vmem>>, vector<16xi32>,
    tpu.vector_store %arg6[%swap3A_894, %swap3A_895], %add3A_892 {strides = array<i32>} : memref<2x1024xi32, #tpu.memory_space<vmem>>, vector<16xi32>,
    %get3A_897 = arith.constant 0 : i32
    %get3A_898 = arith.index_cast %get3A_897 : i32 to index
    %get3A_899 = arith.constant 720 : index
    %get3A_900 = tpu.vector_load %arg5[%get3A_898, %get3A_899] {strides = array<i32>} : memref<2x1024xi32, #tpu.memory_space<vmem>>, vector<16xi32>,
    %add3A_901 = arith.constant 41040 : i32
    %add3A_902 = vector.broadcast %add3A_901 : i32 to vector<16xi32>
    %add3A_903 = arith.addi %get3A_900, %add3A_902 : vector<16xi32>
    %swap3A_904 = arith.constant 0 : i32
    %swap3A_905 = arith.index_cast %swap3A_904 : i32 to index
    %swap3A_906 = arith.constant 720 : index
    %swap3A_907 = tpu.vector_load %arg6[%swap3A_905, %swap3A_906] {strides = array<i32>} : memref<2x1024xi32, #tpu.memory_space<vmem>>, vector<16xi32>,
    tpu.vector_store %arg6[%swap3A_905, %swap3A_906], %add3A_903 {strides = array<i32>} : memref<2x1024xi32, #tpu.memory_space<vmem>>, vector<16xi32>,
    %get3A_908 = arith.constant 0 : i32
    %get3A_909 = arith.index_cast %get3A_908 : i32 to index
    %get3A_910 = arith.constant 736 : index
    %get3A_911 = tpu.vector_load %arg5[%get3A_909, %get3A_910] {strides = array<i32>} : memref<2x1024xi32, #tpu.memory_space<vmem>>, vector<16xi32>,
    %add3A_912 = arith.constant 41040 : i32
    %add3A_913 = vector.broadcast %add3A_912 : i32 to vector<16xi32>
    %add3A_914 = arith.addi %get3A_911, %add3A_913 : vector<16xi32>
    %swap3A_915 = arith.constant 0 : i32
    %swap3A_916 = arith.index_cast %swap3A_915 : i32 to index
    %swap3A_917 = arith.constant 736 : index
    %swap3A_918 = tpu.vector_load %arg6[%swap3A_916, %swap3A_917] {strides = array<i32>} : memref<2x1024xi32, #tpu.memory_space<vmem>>, vector<16xi32>,
    tpu.vector_store %arg6[%swap3A_916, %swap3A_917], %add3A_914 {strides = array<i32>} : memref<2x1024xi32, #tpu.memory_space<vmem>>, vector<16xi32>,
    %get3A_919 = arith.constant 0 : i32
    %get3A_920 = arith.index_cast %get3A_919 : i32 to index
    %get3A_921 = arith.constant 752 : index
    %get3A_922 = tpu.vector_load %arg5[%get3A_920, %get3A_921] {strides = array<i32>} : memref<2x1024xi32, #tpu.memory_space<vmem>>, vector<16xi32>,
    %add3A_923 = arith.constant 41040 : i32
    %add3A_924 = vector.broadcast %add3A_923 : i32 to vector<16xi32>
    %add3A_925 = arith.addi %get3A_922, %add3A_924 : vector<16xi32>
    %swap3A_926 = arith.constant 0 : i32
    %swap3A_927 = arith.index_cast %swap3A_926 : i32 to index
    %swap3A_928 = arith.constant 752 : index
    %swap3A_929 = tpu.vector_load %arg6[%swap3A_927, %swap3A_928] {strides = array<i32>} : memref<2x1024xi32, #tpu.memory_space<vmem>>, vector<16xi32>,
    tpu.vector_store %arg6[%swap3A_927, %swap3A_928], %add3A_925 {strides = array<i32>} : memref<2x1024xi32, #tpu.memory_space<vmem>>, vector<16xi32>,
    %get3A_930 = arith.constant 0 : i32
    %get3A_931 = arith.index_cast %get3A_930 : i32 to index
    %get3A_932 = arith.constant 768 : index
    %get3A_933 = tpu.vector_load %arg5[%get3A_931, %get3A_932] {strides = array<i32>} : memref<2x1024xi32, #tpu.memory_space<vmem>>, vector<16xi32>,
    %add3A_934 = arith.constant 49248 : i32
    %add3A_935 = vector.broadcast %add3A_934 : i32 to vector<16xi32>
    %add3A_936 = arith.addi %get3A_933, %add3A_935 : vector<16xi32>
    %swap3A_937 = arith.constant 0 : i32
    %swap3A_938 = arith.index_cast %swap3A_937 : i32 to index
    %swap3A_939 = arith.constant 768 : index
    %swap3A_940 = tpu.vector_load %arg6[%swap3A_938, %swap3A_939] {strides = array<i32>} : memref<2x1024xi32, #tpu.memory_space<vmem>>, vector<16xi32>,
    tpu.vector_store %arg6[%swap3A_938, %swap3A_939], %add3A_936 {strides = array<i32>} : memref<2x1024xi32, #tpu.memory_space<vmem>>, vector<16xi32>,
    %get3A_941 = arith.constant 0 : i32
    %get3A_942 = arith.index_cast %get3A_941 : i32 to index
    %get3A_943 = arith.constant 784 : index
    %get3A_944 = tpu.vector_load %arg5[%get3A_942, %get3A_943] {strides = array<i32>} : memref<2x1024xi32, #tpu.memory_space<vmem>>, vector<16xi32>,
    %add3A_945 = arith.constant 49248 : i32
    %add3A_946 = vector.broadcast %add3A_945 : i32 to vector<16xi32>
    %add3A_947 = arith.addi %get3A_944, %add3A_946 : vector<16xi32>
    %swap3A_948 = arith.constant 0 : i32
    %swap3A_949 = arith.index_cast %swap3A_948 : i32 to index
    %swap3A_950 = arith.constant 784 : index
    %swap3A_951 = tpu.vector_load %arg6[%swap3A_949, %swap3A_950] {strides = array<i32>} : memref<2x1024xi32, #tpu.memory_space<vmem>>, vector<16xi32>,
    tpu.vector_store %arg6[%swap3A_949, %swap3A_950], %add3A_947 {strides = array<i32>} : memref<2x1024xi32, #tpu.memory_space<vmem>>, vector<16xi32>,
    %get3A_952 = arith.constant 0 : i32
    %get3A_953 = arith.index_cast %get3A_952 : i32 to index
    %get3A_954 = arith.constant 800 : index
    %get3A_955 = tpu.vector_load %arg5[%get3A_953, %get3A_954] {strides = array<i32>} : memref<2x1024xi32, #tpu.memory_space<vmem>>, vector<16xi32>,
    %add3A_956 = arith.constant 49248 : i32
    %add3A_957 = vector.broadcast %add3A_956 : i32 to vector<16xi32>
    %add3A_958 = arith.addi %get3A_955, %add3A_957 : vector<16xi32>
    %swap3A_959 = arith.constant 0 : i32
    %swap3A_960 = arith.index_cast %swap3A_959 : i32 to index
    %swap3A_961 = arith.constant 800 : index
    %swap3A_962 = tpu.vector_load %arg6[%swap3A_960, %swap3A_961] {strides = array<i32>} : memref<2x1024xi32, #tpu.memory_space<vmem>>, vector<16xi32>,
    tpu.vector_store %arg6[%swap3A_960, %swap3A_961], %add3A_958 {strides = array<i32>} : memref<2x1024xi32, #tpu.memory_space<vmem>>, vector<16xi32>,
    %get3A_963 = arith.constant 0 : i32
    %get3A_964 = arith.index_cast %get3A_963 : i32 to index
    %get3A_965 = arith.constant 816 : index
    %get3A_966 = tpu.vector_load %arg5[%get3A_964, %get3A_965] {strides = array<i32>} : memref<2x1024xi32, #tpu.memory_space<vmem>>, vector<16xi32>,
    %add3A_967 = arith.constant 49248 : i32
    %add3A_968 = vector.broadcast %add3A_967 : i32 to vector<16xi32>
    %add3A_969 = arith.addi %get3A_966, %add3A_968 : vector<16xi32>
    %swap3A_970 = arith.constant 0 : i32
    %swap3A_971 = arith.index_cast %swap3A_970 : i32 to index
    %swap3A_972 = arith.constant 816 : index
    %swap3A_973 = tpu.vector_load %arg6[%swap3A_971, %swap3A_972] {strides = array<i32>} : memref<2x1024xi32, #tpu.memory_space<vmem>>, vector<16xi32>,
    tpu.vector_store %arg6[%swap3A_971, %swap3A_972], %add3A_969 {strides = array<i32>} : memref<2x1024xi32, #tpu.memory_space<vmem>>, vector<16xi32>,
    %get3A_974 = arith.constant 0 : i32
    %get3A_975 = arith.index_cast %get3A_974 : i32 to index
    %get3A_976 = arith.constant 832 : index
    %get3A_977 = tpu.vector_load %arg5[%get3A_975, %get3A_976] {strides = array<i32>} : memref<2x1024xi32, #tpu.memory_space<vmem>>, vector<16xi32>,
    %add3A_978 = arith.constant 49248 : i32
    %add3A_979 = vector.broadcast %add3A_978 : i32 to vector<16xi32>
    %add3A_980 = arith.addi %get3A_977, %add3A_979 : vector<16xi32>
    %swap3A_981 = arith.constant 0 : i32
    %swap3A_982 = arith.index_cast %swap3A_981 : i32 to index
    %swap3A_983 = arith.constant 832 : index
    %swap3A_984 = tpu.vector_load %arg6[%swap3A_982, %swap3A_983] {strides = array<i32>} : memref<2x1024xi32, #tpu.memory_space<vmem>>, vector<16xi32>,
    tpu.vector_store %arg6[%swap3A_982, %swap3A_983], %add3A_980 {strides = array<i32>} : memref<2x1024xi32, #tpu.memory_space<vmem>>, vector<16xi32>,
    %get3A_985 = arith.constant 0 : i32
    %get3A_986 = arith.index_cast %get3A_985 : i32 to index
    %get3A_987 = arith.constant 848 : index
    %get3A_988 = tpu.vector_load %arg5[%get3A_986, %get3A_987] {strides = array<i32>} : memref<2x1024xi32, #tpu.memory_space<vmem>>, vector<16xi32>,
    %add3A_989 = arith.constant 49248 : i32
    %add3A_990 = vector.broadcast %add3A_989 : i32 to vector<16xi32>
    %add3A_991 = arith.addi %get3A_988, %add3A_990 : vector<16xi32>
    %swap3A_992 = arith.constant 0 : i32
    %swap3A_993 = arith.index_cast %swap3A_992 : i32 to index
    %swap3A_994 = arith.constant 848 : index
    %swap3A_995 = tpu.vector_load %arg6[%swap3A_993, %swap3A_994] {strides = array<i32>} : memref<2x1024xi32, #tpu.memory_space<vmem>>, vector<16xi32>,
    tpu.vector_store %arg6[%swap3A_993, %swap3A_994], %add3A_991 {strides = array<i32>} : memref<2x1024xi32, #tpu.memory_space<vmem>>, vector<16xi32>,
    %get3A_996 = arith.constant 0 : i32
    %get3A_997 = arith.index_cast %get3A_996 : i32 to index
    %get3A_998 = arith.constant 864 : index
    %get3A_999 = tpu.vector_load %arg5[%get3A_997, %get3A_998] {strides = array<i32>} : memref<2x1024xi32, #tpu.memory_space<vmem>>, vector<16xi32>,
    %add3A_1000 = arith.constant 49248 : i32
    %add3A_1001 = vector.broadcast %add3A_1000 : i32 to vector<16xi32>
    %add3A_1002 = arith.addi %get3A_999, %add3A_1001 : vector<16xi32>
    %swap3A_1003 = arith.constant 0 : i32
    %swap3A_1004 = arith.index_cast %swap3A_1003 : i32 to index
    %swap3A_1005 = arith.constant 864 : index
    %swap3A_1006 = tpu.vector_load %arg6[%swap3A_1004, %swap3A_1005] {strides = array<i32>} : memref<2x1024xi32, #tpu.memory_space<vmem>>, vector<16xi32>,
    tpu.vector_store %arg6[%swap3A_1004, %swap3A_1005], %add3A_1002 {strides = array<i32>} : memref<2x1024xi32, #tpu.memory_space<vmem>>, vector<16xi32>,
    %get3A_1007 = arith.constant 0 : i32
    %get3A_1008 = arith.index_cast %get3A_1007 : i32 to index
    %get3A_1009 = arith.constant 880 : index
    %get3A_1010 = tpu.vector_load %arg5[%get3A_1008, %get3A_1009] {strides = array<i32>} : memref<2x1024xi32, #tpu.memory_space<vmem>>, vector<16xi32>,
    %add3A_1011 = arith.constant 49248 : i32
    %add3A_1012 = vector.broadcast %add3A_1011 : i32 to vector<16xi32>
    %add3A_1013 = arith.addi %get3A_1010, %add3A_1012 : vector<16xi32>
    %swap3A_1014 = arith.constant 0 : i32
    %swap3A_1015 = arith.index_cast %swap3A_1014 : i32 to index
    %swap3A_1016 = arith.constant 880 : index
    %swap3A_1017 = tpu.vector_load %arg6[%swap3A_1015, %swap3A_1016] {strides = array<i32>} : memref<2x1024xi32, #tpu.memory_space<vmem>>, vector<16xi32>,
    tpu.vector_store %arg6[%swap3A_1015, %swap3A_1016], %add3A_1013 {strides = array<i32>} : memref<2x1024xi32, #tpu.memory_space<vmem>>, vector<16xi32>,
    %get3A_1018 = arith.constant 0 : i32
    %get3A_1019 = arith.index_cast %get3A_1018 : i32 to index
    %get3A_1020 = arith.constant 896 : index
    %get3A_1021 = tpu.vector_load %arg5[%get3A_1019, %get3A_1020] {strides = array<i32>} : memref<2x1024xi32, #tpu.memory_space<vmem>>, vector<16xi32>,
    %add3A_1022 = arith.constant 57456 : i32
    %add3A_1023 = vector.broadcast %add3A_1022 : i32 to vector<16xi32>
    %add3A_1024 = arith.addi %get3A_1021, %add3A_1023 : vector<16xi32>
    %swap3A_1025 = arith.constant 0 : i32
    %swap3A_1026 = arith.index_cast %swap3A_1025 : i32 to index
    %swap3A_1027 = arith.constant 896 : index
    %swap3A_1028 = tpu.vector_load %arg6[%swap3A_1026, %swap3A_1027] {strides = array<i32>} : memref<2x1024xi32, #tpu.memory_space<vmem>>, vector<16xi32>,
    tpu.vector_store %arg6[%swap3A_1026, %swap3A_1027], %add3A_1024 {strides = array<i32>} : memref<2x1024xi32, #tpu.memory_space<vmem>>, vector<16xi32>,
    %get3A_1029 = arith.constant 0 : i32
    %get3A_1030 = arith.index_cast %get3A_1029 : i32 to index
    %get3A_1031 = arith.constant 912 : index
    %get3A_1032 = tpu.vector_load %arg5[%get3A_1030, %get3A_1031] {strides = array<i32>} : memref<2x1024xi32, #tpu.memory_space<vmem>>, vector<16xi32>,
    %add3A_1033 = arith.constant 57456 : i32
    %add3A_1034 = vector.broadcast %add3A_1033 : i32 to vector<16xi32>
    %add3A_1035 = arith.addi %get3A_1032, %add3A_1034 : vector<16xi32>
    %swap3A_1036 = arith.constant 0 : i32
    %swap3A_1037 = arith.index_cast %swap3A_1036 : i32 to index
    %swap3A_1038 = arith.constant 912 : index
    %swap3A_1039 = tpu.vector_load %arg6[%swap3A_1037, %swap3A_1038] {strides = array<i32>} : memref<2x1024xi32, #tpu.memory_space<vmem>>, vector<16xi32>,
    tpu.vector_store %arg6[%swap3A_1037, %swap3A_1038], %add3A_1035 {strides = array<i32>} : memref<2x1024xi32, #tpu.memory_space<vmem>>, vector<16xi32>,
    %get3A_1040 = arith.constant 0 : i32
    %get3A_1041 = arith.index_cast %get3A_1040 : i32 to index
    %get3A_1042 = arith.constant 928 : index
    %get3A_1043 = tpu.vector_load %arg5[%get3A_1041, %get3A_1042] {strides = array<i32>} : memref<2x1024xi32, #tpu.memory_space<vmem>>, vector<16xi32>,
    %add3A_1044 = arith.constant 57456 : i32
    %add3A_1045 = vector.broadcast %add3A_1044 : i32 to vector<16xi32>
    %add3A_1046 = arith.addi %get3A_1043, %add3A_1045 : vector<16xi32>
    %swap3A_1047 = arith.constant 0 : i32
    %swap3A_1048 = arith.index_cast %swap3A_1047 : i32 to index
    %swap3A_1049 = arith.constant 928 : index
    %swap3A_1050 = tpu.vector_load %arg6[%swap3A_1048, %swap3A_1049] {strides = array<i32>} : memref<2x1024xi32, #tpu.memory_space<vmem>>, vector<16xi32>,
    tpu.vector_store %arg6[%swap3A_1048, %swap3A_1049], %add3A_1046 {strides = array<i32>} : memref<2x1024xi32, #tpu.memory_space<vmem>>, vector<16xi32>,
    %get3A_1051 = arith.constant 0 : i32
    %get3A_1052 = arith.index_cast %get3A_1051 : i32 to index
    %get3A_1053 = arith.constant 944 : index
    %get3A_1054 = tpu.vector_load %arg5[%get3A_1052, %get3A_1053] {strides = array<i32>} : memref<2x1024xi32, #tpu.memory_space<vmem>>, vector<16xi32>,
    %add3A_1055 = arith.constant 57456 : i32
    %add3A_1056 = vector.broadcast %add3A_1055 : i32 to vector<16xi32>
    %add3A_1057 = arith.addi %get3A_1054, %add3A_1056 : vector<16xi32>
    %swap3A_1058 = arith.constant 0 : i32
    %swap3A_1059 = arith.index_cast %swap3A_1058 : i32 to index
    %swap3A_1060 = arith.constant 944 : index
    %swap3A_1061 = tpu.vector_load %arg6[%swap3A_1059, %swap3A_1060] {strides = array<i32>} : memref<2x1024xi32, #tpu.memory_space<vmem>>, vector<16xi32>,
    tpu.vector_store %arg6[%swap3A_1059, %swap3A_1060], %add3A_1057 {strides = array<i32>} : memref<2x1024xi32, #tpu.memory_space<vmem>>, vector<16xi32>,
    %get3A_1062 = arith.constant 0 : i32
    %get3A_1063 = arith.index_cast %get3A_1062 : i32 to index
    %get3A_1064 = arith.constant 960 : index
    %get3A_1065 = tpu.vector_load %arg5[%get3A_1063, %get3A_1064] {strides = array<i32>} : memref<2x1024xi32, #tpu.memory_space<vmem>>, vector<16xi32>,
    %add3A_1066 = arith.constant 57456 : i32
    %add3A_1067 = vector.broadcast %add3A_1066 : i32 to vector<16xi32>
    %add3A_1068 = arith.addi %get3A_1065, %add3A_1067 : vector<16xi32>
    %swap3A_1069 = arith.constant 0 : i32
    %swap3A_1070 = arith.index_cast %swap3A_1069 : i32 to index
    %swap3A_1071 = arith.constant 960 : index
    %swap3A_1072 = tpu.vector_load %arg6[%swap3A_1070, %swap3A_1071] {strides = array<i32>} : memref<2x1024xi32, #tpu.memory_space<vmem>>, vector<16xi32>,
    tpu.vector_store %arg6[%swap3A_1070, %swap3A_1071], %add3A_1068 {strides = array<i32>} : memref<2x1024xi32, #tpu.memory_space<vmem>>, vector<16xi32>,
    %get3A_1073 = arith.constant 0 : i32
    %get3A_1074 = arith.index_cast %get3A_1073 : i32 to index
    %get3A_1075 = arith.constant 976 : index
    %get3A_1076 = tpu.vector_load %arg5[%get3A_1074, %get3A_1075] {strides = array<i32>} : memref<2x1024xi32, #tpu.memory_space<vmem>>, vector<16xi32>,
    %add3A_1077 = arith.constant 57456 : i32
    %add3A_1078 = vector.broadcast %add3A_1077 : i32 to vector<16xi32>
    %add3A_1079 = arith.addi %get3A_1076, %add3A_1078 : vector<16xi32>
    %swap3A_1080 = arith.constant 0 : i32
    %swap3A_1081 = arith.index_cast %swap3A_1080 : i32 to index
    %swap3A_1082 = arith.constant 976 : index
    %swap3A_1083 = tpu.vector_load %arg6[%swap3A_1081, %swap3A_1082] {strides = array<i32>} : memref<2x1024xi32, #tpu.memory_space<vmem>>, vector<16xi32>,
    tpu.vector_store %arg6[%swap3A_1081, %swap3A_1082], %add3A_1079 {strides = array<i32>} : memref<2x1024xi32, #tpu.memory_space<vmem>>, vector<16xi32>,
    %get3A_1084 = arith.constant 0 : i32
    %get3A_1085 = arith.index_cast %get3A_1084 : i32 to index
    %get3A_1086 = arith.constant 992 : index
    %get3A_1087 = tpu.vector_load %arg5[%get3A_1085, %get3A_1086] {strides = array<i32>} : memref<2x1024xi32, #tpu.memory_space<vmem>>, vector<16xi32>,
    %add3A_1088 = arith.constant 57456 : i32
    %add3A_1089 = vector.broadcast %add3A_1088 : i32 to vector<16xi32>
    %add3A_1090 = arith.addi %get3A_1087, %add3A_1089 : vector<16xi32>
    %swap3A_1091 = arith.constant 0 : i32
    %swap3A_1092 = arith.index_cast %swap3A_1091 : i32 to index
    %swap3A_1093 = arith.constant 992 : index
    %swap3A_1094 = tpu.vector_load %arg6[%swap3A_1092, %swap3A_1093] {strides = array<i32>} : memref<2x1024xi32, #tpu.memory_space<vmem>>, vector<16xi32>,
    tpu.vector_store %arg6[%swap3A_1092, %swap3A_1093], %add3A_1090 {strides = array<i32>} : memref<2x1024xi32, #tpu.memory_space<vmem>>, vector<16xi32>,
    %get3A_1095 = arith.constant 0 : i32
    %get3A_1096 = arith.index_cast %get3A_1095 : i32 to index
    %get3A_1097 = arith.constant 1008 : index
    %get3A_1098 = tpu.vector_load %arg5[%get3A_1096, %get3A_1097] {strides = array<i32>} : memref<2x1024xi32, #tpu.memory_space<vmem>>, vector<16xi32>,
    %add3A_1099 = arith.constant 57456 : i32
    %add3A_1100 = vector.broadcast %add3A_1099 : i32 to vector<16xi32>
    %add3A_1101 = arith.addi %get3A_1098, %add3A_1100 : vector<16xi32>
    %swap3A_1102 = arith.constant 0 : i32
    %swap3A_1103 = arith.index_cast %swap3A_1102 : i32 to index
    %swap3A_1104 = arith.constant 1008 : index
    %swap3A_1105 = tpu.vector_load %arg6[%swap3A_1103, %swap3A_1104] {strides = array<i32>} : memref<2x1024xi32, #tpu.memory_space<vmem>>, vector<16xi32>,
    tpu.vector_store %arg6[%swap3A_1103, %swap3A_1104], %add3A_1101 {strides = array<i32>} : memref<2x1024xi32, #tpu.memory_space<vmem>>, vector<16xi32>,
    %dma_start3A_1106 = arith.constant 0 : i32
    %dma_start3A_1107 = arith.constant 0 : i32
    %dma_start3A_1108 = arith.constant 0 : i32
    %dma_start3A_1109 = arith.constant 0 : i32
    %dma_start3A_1110 = tpu.memref_slice %arg7[%dma_start3A_1107, %dma_start3A_1108, %dma_start3A_1109] : memref<2x1024x64xbf16, #tpu.memory_space<vmem>> -> memref<1x1024x64xbf16, #tpu.memory_space<vmem>>
    %dma_start3A_1111 = tpu.memref_squeeze %dma_start3A_1110 : memref<1x1024x64xbf16, #tpu.memory_space<vmem>> -> memref<1024x64xbf16, #tpu.memory_space<vmem>>
    %dma_start3A_1112 = arith.constant 0 : i32
    %dma_start3A_1113 = tpu.memref_slice %arg6[%dma_start3A_1106, %dma_start3A_1112] : memref<2x1024xi32, #tpu.memory_space<vmem>> -> memref<1x1024xi32, #tpu.memory_space<vmem>>
    %dma_start3A_1114 = tpu.memref_squeeze %dma_start3A_1113 : memref<1x1024xi32, #tpu.memory_space<vmem>> -> memref<1024xi32, #tpu.memory_space<vmem>>
    %dma_start3A_1115 = arith.constant 0 : i32
    %dma_start3A_1116 = arith.constant 0 : i32
    %dma_start3A_1117 = tpu.memref_slice %arg2[%dma_start3A_1115, %dma_start3A_1116] : memref<65664x64xbf16, #tpu.memory_space<hbm>> -> memref<65664x64xbf16, #tpu.memory_space<hbm>>
    tpu.enqueue_indirect_dma source(%dma_start3A_1117 : memref<65664x64xbf16, #tpu.memory_space<hbm>>) target(%dma_start3A_1111 : memref<1024x64xbf16, #tpu.memory_space<vmem>>) offsets(%dma_start3A_1114 : memref<1024xi32, #tpu.memory_space<vmem>>) semaphore(%arg11 : memref<!tpu.dma_semaphore, #tpu.memory_space<semaphore_mem>>)
    %add3A_1118 = arith.constant 1 : i32
    %add3A_1119 = arith.addi %mul3A_2, %add3A_1118 : i32
    %mul3A_1120 = arith.constant 1024 : i32
    %mul3A_1121 = arith.muli %add3A_1119, %mul3A_1120 : i32
    %dma_start3A_1122 = arith.constant 1 : i32
    %dma_start3A_1123 = arith.constant 0 : i32
    %dma_start3A_1124 = tpu.memref_slice %arg5[%dma_start3A_1122, %dma_start3A_1123] : memref<2x1024xi32, #tpu.memory_space<vmem>> -> memref<1x1024xi32, #tpu.memory_space<vmem>>
    %dma_start3A_1125 = tpu.memref_squeeze %dma_start3A_1124 : memref<1x1024xi32, #tpu.memory_space<vmem>> -> memref<1024xi32, #tpu.memory_space<vmem>>
    %dma_start3A_1126 = tpu.memref_slice %arg3[%mul3A_1121] : memref<6553600xi32, #tpu.memory_space<hbm>> -> memref<1024xi32, #tpu.memory_space<hbm>>
    %dma_start3A_1127 = arith.constant 0 : i32
    %dma_start3A_1128 = tpu.memref_slice %arg5[%dma_start3A_1122, %dma_start3A_1127] : memref<2x1024xi32, #tpu.memory_space<vmem>> -> memref<1x1024xi32, #tpu.memory_space<vmem>>
    %dma_start3A_1129 = tpu.memref_squeeze %dma_start3A_1128 : memref<1x1024xi32, #tpu.memory_space<vmem>> -> memref<1024xi32, #tpu.memory_space<vmem>>
    %dma_start3A_1130 = tpu.memref_slice %arg3[%mul3A_1121] : memref<6553600xi32, #tpu.memory_space<hbm>> -> memref<1024xi32, #tpu.memory_space<hbm>>
    tpu.enqueue_dma source(%dma_start3A_1130 : memref<1024xi32, #tpu.memory_space<hbm>>) target(%dma_start3A_1129 : memref<1024xi32, #tpu.memory_space<vmem>>) target_semaphore(%arg10 : memref<!tpu.dma_semaphore, #tpu.memory_space<semaphore_mem>>)
    %scan3A = arith.constant 0 : i32
    %scan3A_1131 = arith.constant 0 : i32
    %scan3A_1132 = arith.constant 100 : i32
    %scan3A_1133 = arith.addi %scan3A_1131, %scan3A_1132 : i32
    %scan3A_1134 = arith.constant 1 : i32
    scf.for %scan3A_1533 = %scan3A_1131 to %scan3A_1133 step %scan3A_1134  : i32 {
      %mul3A_1534 = arith.constant 2 : i32
      %mul3A_1535 = arith.muli %mul3A_1534, %scan3A_1533 : i32
      %add3A_1536 = arith.constant 1 : i32
      %add3A_1537 = arith.addi %mul3A_1535, %add3A_1536 : i32
      %min3A = arith.constant 199 : i32
      %min3A_1538 = arith.minsi %add3A_1537, %min3A : i32
      %add3A_1539 = arith.constant 2 : i32
      %add3A_1540 = arith.addi %mul3A_1535, %add3A_1539 : i32
      %min3A_1541 = arith.constant 199 : i32
      %min3A_1542 = arith.minsi %add3A_1540, %min3A_1541 : i32
      %add3A_1543 = arith.addi %mul3A_2, %min3A_1538 : i32
      %mul3A_1544 = arith.constant 1024 : i32
      %mul3A_1545 = arith.muli %add3A_1543, %mul3A_1544 : i32
      %dma_wait3A_1546 = arith.constant 1 : i32
      %dma_wait3A_1547 = arith.constant 0 : i32
      %dma_wait3A_1548 = tpu.memref_slice %arg5[%dma_wait3A_1546, %dma_wait3A_1547] : memref<2x1024xi32, #tpu.memory_space<vmem>> -> memref<1x1024xi32, #tpu.memory_space<vmem>>
      %dma_wait3A_1549 = tpu.memref_squeeze %dma_wait3A_1548 : memref<1x1024xi32, #tpu.memory_space<vmem>> -> memref<1024xi32, #tpu.memory_space<vmem>>
      %dma_wait3A_1550 = tpu.memref_slice %arg3[%mul3A_1545] : memref<6553600xi32, #tpu.memory_space<hbm>> -> memref<1024xi32, #tpu.memory_space<hbm>>
      %dma_wait3A_1551 = arith.constant 0 : i32
      %dma_wait3A_1552 = tpu.memref_slice %arg5[%dma_wait3A_1546, %dma_wait3A_1551] : memref<2x1024xi32, #tpu.memory_space<vmem>> -> memref<1x1024xi32, #tpu.memory_space<vmem>>
      %dma_wait3A_1553 = tpu.memref_squeeze %dma_wait3A_1552 : memref<1x1024xi32, #tpu.memory_space<vmem>> -> memref<1024xi32, #tpu.memory_space<vmem>>
      %dma_wait3A_1554 = tpu.memref_slice %arg3[%mul3A_1545] : memref<6553600xi32, #tpu.memory_space<hbm>> -> memref<1024xi32, #tpu.memory_space<hbm>>
      tpu.wait_dma2 semaphore(%arg10 : memref<!tpu.dma_semaphore, #tpu.memory_space<semaphore_mem>>) src(%dma_wait3A_1554 : memref<1024xi32, #tpu.memory_space<hbm>>) dst(%dma_wait3A_1553 : memref<1024xi32, #tpu.memory_space<vmem>>)
      %get3A_1555 = arith.constant 1 : i32
      %get3A_1556 = arith.index_cast %get3A_1555 : i32 to index
      %get3A_1557 = arith.constant 0 : index
      %get3A_1558 = tpu.vector_load %arg5[%get3A_1556, %get3A_1557] {strides = array<i32>} : memref<2x1024xi32, #tpu.memory_space<vmem>>, vector<16xi32>,
      %add3A_1559 = arith.constant 0 : i32
      %add3A_1560 = vector.broadcast %add3A_1559 : i32 to vector<16xi32>
      %add3A_1561 = arith.addi %get3A_1558, %add3A_1560 : vector<16xi32>
      %swap3A_1562 = arith.constant 1 : i32
      %swap3A_1563 = arith.index_cast %swap3A_1562 : i32 to index
      %swap3A_1564 = arith.constant 0 : index
      %swap3A_1565 = tpu.vector_load %arg6[%swap3A_1563, %swap3A_1564] {strides = array<i32>} : memref<2x1024xi32, #tpu.memory_space<vmem>>, vector<16xi32>,
      tpu.vector_store %arg6[%swap3A_1563, %swap3A_1564], %add3A_1561 {strides = array<i32>} : memref<2x1024xi32, #tpu.memory_space<vmem>>, vector<16xi32>,
      %get3A_1566 = arith.constant 1 : i32
      %get3A_1567 = arith.index_cast %get3A_1566 : i32 to index
      %get3A_1568 = arith.constant 16 : index
      %get3A_1569 = tpu.vector_load %arg5[%get3A_1567, %get3A_1568] {strides = array<i32>} : memref<2x1024xi32, #tpu.memory_space<vmem>>, vector<16xi32>,
      %add3A_1570 = arith.constant 0 : i32
      %add3A_1571 = vector.broadcast %add3A_1570 : i32 to vector<16xi32>
      %add3A_1572 = arith.addi %get3A_1569, %add3A_1571 : vector<16xi32>
      %swap3A_1573 = arith.constant 1 : i32
      %swap3A_1574 = arith.index_cast %swap3A_1573 : i32 to index
      %swap3A_1575 = arith.constant 16 : index
      %swap3A_1576 = tpu.vector_load %arg6[%swap3A_1574, %swap3A_1575] {strides = array<i32>} : memref<2x1024xi32, #tpu.memory_space<vmem>>, vector<16xi32>,
      tpu.vector_store %arg6[%swap3A_1574, %swap3A_1575], %add3A_1572 {strides = array<i32>} : memref<2x1024xi32, #tpu.memory_space<vmem>>, vector<16xi32>,
      %get3A_1577 = arith.constant 1 : i32
      %get3A_1578 = arith.index_cast %get3A_1577 : i32 to index
      %get3A_1579 = arith.constant 32 : index
      %get3A_1580 = tpu.vector_load %arg5[%get3A_1578, %get3A_1579] {strides = array<i32>} : memref<2x1024xi32, #tpu.memory_space<vmem>>, vector<16xi32>,
      %add3A_1581 = arith.constant 0 : i32
      %add3A_1582 = vector.broadcast %add3A_1581 : i32 to vector<16xi32>
      %add3A_1583 = arith.addi %get3A_1580, %add3A_1582 : vector<16xi32>
      %swap3A_1584 = arith.constant 1 : i32
      %swap3A_1585 = arith.index_cast %swap3A_1584 : i32 to index
      %swap3A_1586 = arith.constant 32 : index
      %swap3A_1587 = tpu.vector_load %arg6[%swap3A_1585, %swap3A_1586] {strides = array<i32>} : memref<2x1024xi32, #tpu.memory_space<vmem>>, vector<16xi32>,
      tpu.vector_store %arg6[%swap3A_1585, %swap3A_1586], %add3A_1583 {strides = array<i32>} : memref<2x1024xi32, #tpu.memory_space<vmem>>, vector<16xi32>,
      %get3A_1588 = arith.constant 1 : i32
      %get3A_1589 = arith.index_cast %get3A_1588 : i32 to index
      %get3A_1590 = arith.constant 48 : index
      %get3A_1591 = tpu.vector_load %arg5[%get3A_1589, %get3A_1590] {strides = array<i32>} : memref<2x1024xi32, #tpu.memory_space<vmem>>, vector<16xi32>,
      %add3A_1592 = arith.constant 0 : i32
      %add3A_1593 = vector.broadcast %add3A_1592 : i32 to vector<16xi32>
      %add3A_1594 = arith.addi %get3A_1591, %add3A_1593 : vector<16xi32>
      %swap3A_1595 = arith.constant 1 : i32
      %swap3A_1596 = arith.index_cast %swap3A_1595 : i32 to index
      %swap3A_1597 = arith.constant 48 : index
      %swap3A_1598 = tpu.vector_load %arg6[%swap3A_1596, %swap3A_1597] {strides = array<i32>} : memref<2x1024xi32, #tpu.memory_space<vmem>>, vector<16xi32>,
      tpu.vector_store %arg6[%swap3A_1596, %swap3A_1597], %add3A_1594 {strides = array<i32>} : memref<2x1024xi32, #tpu.memory_space<vmem>>, vector<16xi32>,
      %get3A_1599 = arith.constant 1 : i32
      %get3A_1600 = arith.index_cast %get3A_1599 : i32 to index
      %get3A_1601 = arith.constant 64 : index
      %get3A_1602 = tpu.vector_load %arg5[%get3A_1600, %get3A_1601] {strides = array<i32>} : memref<2x1024xi32, #tpu.memory_space<vmem>>, vector<16xi32>,
      %add3A_1603 = arith.constant 0 : i32
      %add3A_1604 = vector.broadcast %add3A_1603 : i32 to vector<16xi32>
      %add3A_1605 = arith.addi %get3A_1602, %add3A_1604 : vector<16xi32>
      %swap3A_1606 = arith.constant 1 : i32
      %swap3A_1607 = arith.index_cast %swap3A_1606 : i32 to index
      %swap3A_1608 = arith.constant 64 : index
      %swap3A_1609 = tpu.vector_load %arg6[%swap3A_1607, %swap3A_1608] {strides = array<i32>} : memref<2x1024xi32, #tpu.memory_space<vmem>>, vector<16xi32>,
      tpu.vector_store %arg6[%swap3A_1607, %swap3A_1608], %add3A_1605 {strides = array<i32>} : memref<2x1024xi32, #tpu.memory_space<vmem>>, vector<16xi32>,
      %get3A_1610 = arith.constant 1 : i32
      %get3A_1611 = arith.index_cast %get3A_1610 : i32 to index
      %get3A_1612 = arith.constant 80 : index
      %get3A_1613 = tpu.vector_load %arg5[%get3A_1611, %get3A_1612] {strides = array<i32>} : memref<2x1024xi32, #tpu.memory_space<vmem>>, vector<16xi32>,
      %add3A_1614 = arith.constant 0 : i32
      %add3A_1615 = vector.broadcast %add3A_1614 : i32 to vector<16xi32>
      %add3A_1616 = arith.addi %get3A_1613, %add3A_1615 : vector<16xi32>
      %swap3A_1617 = arith.constant 1 : i32
      %swap3A_1618 = arith.index_cast %swap3A_1617 : i32 to index
      %swap3A_1619 = arith.constant 80 : index
      %swap3A_1620 = tpu.vector_load %arg6[%swap3A_1618, %swap3A_1619] {strides = array<i32>} : memref<2x1024xi32, #tpu.memory_space<vmem>>, vector<16xi32>,
      tpu.vector_store %arg6[%swap3A_1618, %swap3A_1619], %add3A_1616 {strides = array<i32>} : memref<2x1024xi32, #tpu.memory_space<vmem>>, vector<16xi32>,
      %get3A_1621 = arith.constant 1 : i32
      %get3A_1622 = arith.index_cast %get3A_1621 : i32 to index
      %get3A_1623 = arith.constant 96 : index
      %get3A_1624 = tpu.vector_load %arg5[%get3A_1622, %get3A_1623] {strides = array<i32>} : memref<2x1024xi32, #tpu.memory_space<vmem>>, vector<16xi32>,
      %add3A_1625 = arith.constant 0 : i32
      %add3A_1626 = vector.broadcast %add3A_1625 : i32 to vector<16xi32>
      %add3A_1627 = arith.addi %get3A_1624, %add3A_1626 : vector<16xi32>
      %swap3A_1628 = arith.constant 1 : i32
      %swap3A_1629 = arith.index_cast %swap3A_1628 : i32 to index
      %swap3A_1630 = arith.constant 96 : index
      %swap3A_1631 = tpu.vector_load %arg6[%swap3A_1629, %swap3A_1630] {strides = array<i32>} : memref<2x1024xi32, #tpu.memory_space<vmem>>, vector<16xi32>,
      tpu.vector_store %arg6[%swap3A_1629, %swap3A_1630], %add3A_1627 {strides = array<i32>} : memref<2x1024xi32, #tpu.memory_space<vmem>>, vector<16xi32>,
      %get3A_1632 = arith.constant 1 : i32
      %get3A_1633 = arith.index_cast %get3A_1632 : i32 to index
      %get3A_1634 = arith.constant 112 : index
      %get3A_1635 = tpu.vector_load %arg5[%get3A_1633, %get3A_1634] {strides = array<i32>} : memref<2x1024xi32, #tpu.memory_space<vmem>>, vector<16xi32>,
      %add3A_1636 = arith.constant 0 : i32
      %add3A_1637 = vector.broadcast %add3A_1636 : i32 to vector<16xi32>
      %add3A_1638 = arith.addi %get3A_1635, %add3A_1637 : vector<16xi32>
      %swap3A_1639 = arith.constant 1 : i32
      %swap3A_1640 = arith.index_cast %swap3A_1639 : i32 to index
      %swap3A_1641 = arith.constant 112 : index
      %swap3A_1642 = tpu.vector_load %arg6[%swap3A_1640, %swap3A_1641] {strides = array<i32>} : memref<2x1024xi32, #tpu.memory_space<vmem>>, vector<16xi32>,
      tpu.vector_store %arg6[%swap3A_1640, %swap3A_1641], %add3A_1638 {strides = array<i32>} : memref<2x1024xi32, #tpu.memory_space<vmem>>, vector<16xi32>,
      %get3A_1643 = arith.constant 1 : i32
      %get3A_1644 = arith.index_cast %get3A_1643 : i32 to index
      %get3A_1645 = arith.constant 128 : index
      %get3A_1646 = tpu.vector_load %arg5[%get3A_1644, %get3A_1645] {strides = array<i32>} : memref<2x1024xi32, #tpu.memory_space<vmem>>, vector<16xi32>,
      %add3A_1647 = arith.constant 8208 : i32
      %add3A_1648 = vector.broadcast %add3A_1647 : i32 to vector<16xi32>
      %add3A_1649 = arith.addi %get3A_1646, %add3A_1648 : vector<16xi32>
      %swap3A_1650 = arith.constant 1 : i32
      %swap3A_1651 = arith.index_cast %swap3A_1650 : i32 to index
      %swap3A_1652 = arith.constant 128 : index
      %swap3A_1653 = tpu.vector_load %arg6[%swap3A_1651, %swap3A_1652] {strides = array<i32>} : memref<2x1024xi32, #tpu.memory_space<vmem>>, vector<16xi32>,
      tpu.vector_store %arg6[%swap3A_1651, %swap3A_1652], %add3A_1649 {strides = array<i32>} : memref<2x1024xi32, #tpu.memory_space<vmem>>, vector<16xi32>,
      %get3A_1654 = arith.constant 1 : i32
      %get3A_1655 = arith.index_cast %get3A_1654 : i32 to index
      %get3A_1656 = arith.constant 144 : index
      %get3A_1657 = tpu.vector_load %arg5[%get3A_1655, %get3A_1656] {strides = array<i32>} : memref<2x1024xi32, #tpu.memory_space<vmem>>, vector<16xi32>,
      %add3A_1658 = arith.constant 8208 : i32
      %add3A_1659 = vector.broadcast %add3A_1658 : i32 to vector<16xi32>
      %add3A_1660 = arith.addi %get3A_1657, %add3A_1659 : vector<16xi32>
      %swap3A_1661 = arith.constant 1 : i32
      %swap3A_1662 = arith.index_cast %swap3A_1661 : i32 to index
      %swap3A_1663 = arith.constant 144 : index
      %swap3A_1664 = tpu.vector_load %arg6[%swap3A_1662, %swap3A_1663] {strides = array<i32>} : memref<2x1024xi32, #tpu.memory_space<vmem>>, vector<16xi32>,
      tpu.vector_store %arg6[%swap3A_1662, %swap3A_1663], %add3A_1660 {strides = array<i32>} : memref<2x1024xi32, #tpu.memory_space<vmem>>, vector<16xi32>,
      %get3A_1665 = arith.constant 1 : i32
      %get3A_1666 = arith.index_cast %get3A_1665 : i32 to index
      %get3A_1667 = arith.constant 160 : index
      %get3A_1668 = tpu.vector_load %arg5[%get3A_1666, %get3A_1667] {strides = array<i32>} : memref<2x1024xi32, #tpu.memory_space<vmem>>, vector<16xi32>,
      %add3A_1669 = arith.constant 8208 : i32
      %add3A_1670 = vector.broadcast %add3A_1669 : i32 to vector<16xi32>
      %add3A_1671 = arith.addi %get3A_1668, %add3A_1670 : vector<16xi32>
      %swap3A_1672 = arith.constant 1 : i32
      %swap3A_1673 = arith.index_cast %swap3A_1672 : i32 to index
      %swap3A_1674 = arith.constant 160 : index
      %swap3A_1675 = tpu.vector_load %arg6[%swap3A_1673, %swap3A_1674] {strides = array<i32>} : memref<2x1024xi32, #tpu.memory_space<vmem>>, vector<16xi32>,
      tpu.vector_store %arg6[%swap3A_1673, %swap3A_1674], %add3A_1671 {strides = array<i32>} : memref<2x1024xi32, #tpu.memory_space<vmem>>, vector<16xi32>,
      %get3A_1676 = arith.constant 1 : i32
      %get3A_1677 = arith.index_cast %get3A_1676 : i32 to index
      %get3A_1678 = arith.constant 176 : index
      %get3A_1679 = tpu.vector_load %arg5[%get3A_1677, %get3A_1678] {strides = array<i32>} : memref<2x1024xi32, #tpu.memory_space<vmem>>, vector<16xi32>,
      %add3A_1680 = arith.constant 8208 : i32
      %add3A_1681 = vector.broadcast %add3A_1680 : i32 to vector<16xi32>
      %add3A_1682 = arith.addi %get3A_1679, %add3A_1681 : vector<16xi32>
      %swap3A_1683 = arith.constant 1 : i32
      %swap3A_1684 = arith.index_cast %swap3A_1683 : i32 to index
      %swap3A_1685 = arith.constant 176 : index
      %swap3A_1686 = tpu.vector_load %arg6[%swap3A_1684, %swap3A_1685] {strides = array<i32>} : memref<2x1024xi32, #tpu.memory_space<vmem>>, vector<16xi32>,
      tpu.vector_store %arg6[%swap3A_1684, %swap3A_1685], %add3A_1682 {strides = array<i32>} : memref<2x1024xi32, #tpu.memory_space<vmem>>, vector<16xi32>,
      %get3A_1687 = arith.constant 1 : i32
      %get3A_1688 = arith.index_cast %get3A_1687 : i32 to index
      %get3A_1689 = arith.constant 192 : index
      %get3A_1690 = tpu.vector_load %arg5[%get3A_1688, %get3A_1689] {strides = array<i32>} : memref<2x1024xi32, #tpu.memory_space<vmem>>, vector<16xi32>,
      %add3A_1691 = arith.constant 8208 : i32
      %add3A_1692 = vector.broadcast %add3A_1691 : i32 to vector<16xi32>
      %add3A_1693 = arith.addi %get3A_1690, %add3A_1692 : vector<16xi32>
      %swap3A_1694 = arith.constant 1 : i32
      %swap3A_1695 = arith.index_cast %swap3A_1694 : i32 to index
      %swap3A_1696 = arith.constant 192 : index
      %swap3A_1697 = tpu.vector_load %arg6[%swap3A_1695, %swap3A_1696] {strides = array<i32>} : memref<2x1024xi32, #tpu.memory_space<vmem>>, vector<16xi32>,
      tpu.vector_store %arg6[%swap3A_1695, %swap3A_1696], %add3A_1693 {strides = array<i32>} : memref<2x1024xi32, #tpu.memory_space<vmem>>, vector<16xi32>,
      %get3A_1698 = arith.constant 1 : i32
      %get3A_1699 = arith.index_cast %get3A_1698 : i32 to index
      %get3A_1700 = arith.constant 208 : index
      %get3A_1701 = tpu.vector_load %arg5[%get3A_1699, %get3A_1700] {strides = array<i32>} : memref<2x1024xi32, #tpu.memory_space<vmem>>, vector<16xi32>,
      %add3A_1702 = arith.constant 8208 : i32
      %add3A_1703 = vector.broadcast %add3A_1702 : i32 to vector<16xi32>
      %add3A_1704 = arith.addi %get3A_1701, %add3A_1703 : vector<16xi32>
      %swap3A_1705 = arith.constant 1 : i32
      %swap3A_1706 = arith.index_cast %swap3A_1705 : i32 to index
      %swap3A_1707 = arith.constant 208 : index
      %swap3A_1708 = tpu.vector_load %arg6[%swap3A_1706, %swap3A_1707] {strides = array<i32>} : memref<2x1024xi32, #tpu.memory_space<vmem>>, vector<16xi32>,
      tpu.vector_store %arg6[%swap3A_1706, %swap3A_1707], %add3A_1704 {strides = array<i32>} : memref<2x1024xi32, #tpu.memory_space<vmem>>, vector<16xi32>,
      %get3A_1709 = arith.constant 1 : i32
      %get3A_1710 = arith.index_cast %get3A_1709 : i32 to index
      %get3A_1711 = arith.constant 224 : index
      %get3A_1712 = tpu.vector_load %arg5[%get3A_1710, %get3A_1711] {strides = array<i32>} : memref<2x1024xi32, #tpu.memory_space<vmem>>, vector<16xi32>,
      %add3A_1713 = arith.constant 8208 : i32
      %add3A_1714 = vector.broadcast %add3A_1713 : i32 to vector<16xi32>
      %add3A_1715 = arith.addi %get3A_1712, %add3A_1714 : vector<16xi32>
      %swap3A_1716 = arith.constant 1 : i32
      %swap3A_1717 = arith.index_cast %swap3A_1716 : i32 to index
      %swap3A_1718 = arith.constant 224 : index
      %swap3A_1719 = tpu.vector_load %arg6[%swap3A_1717, %swap3A_1718] {strides = array<i32>} : memref<2x1024xi32, #tpu.memory_space<vmem>>, vector<16xi32>,
      tpu.vector_store %arg6[%swap3A_1717, %swap3A_1718], %add3A_1715 {strides = array<i32>} : memref<2x1024xi32, #tpu.memory_space<vmem>>, vector<16xi32>,
      %get3A_1720 = arith.constant 1 : i32
      %get3A_1721 = arith.index_cast %get3A_1720 : i32 to index
      %get3A_1722 = arith.constant 240 : index
      %get3A_1723 = tpu.vector_load %arg5[%get3A_1721, %get3A_1722] {strides = array<i32>} : memref<2x1024xi32, #tpu.memory_space<vmem>>, vector<16xi32>,
      %add3A_1724 = arith.constant 8208 : i32
      %add3A_1725 = vector.broadcast %add3A_1724 : i32 to vector<16xi32>
      %add3A_1726 = arith.addi %get3A_1723, %add3A_1725 : vector<16xi32>
      %swap3A_1727 = arith.constant 1 : i32
      %swap3A_1728 = arith.index_cast %swap3A_1727 : i32 to index
      %swap3A_1729 = arith.constant 240 : index
      %swap3A_1730 = tpu.vector_load %arg6[%swap3A_1728, %swap3A_1729] {strides = array<i32>} : memref<2x1024xi32, #tpu.memory_space<vmem>>, vector<16xi32>,
      tpu.vector_store %arg6[%swap3A_1728, %swap3A_1729], %add3A_1726 {strides = array<i32>} : memref<2x1024xi32, #tpu.memory_space<vmem>>, vector<16xi32>,
      %get3A_1731 = arith.constant 1 : i32
      %get3A_1732 = arith.index_cast %get3A_1731 : i32 to index
      %get3A_1733 = arith.constant 256 : index
      %get3A_1734 = tpu.vector_load %arg5[%get3A_1732, %get3A_1733] {strides = array<i32>} : memref<2x1024xi32, #tpu.memory_space<vmem>>, vector<16xi32>,
      %add3A_1735 = arith.constant 16416 : i32
      %add3A_1736 = vector.broadcast %add3A_1735 : i32 to vector<16xi32>
      %add3A_1737 = arith.addi %get3A_1734, %add3A_1736 : vector<16xi32>
      %swap3A_1738 = arith.constant 1 : i32
      %swap3A_1739 = arith.index_cast %swap3A_1738 : i32 to index
      %swap3A_1740 = arith.constant 256 : index
      %swap3A_1741 = tpu.vector_load %arg6[%swap3A_1739, %swap3A_1740] {strides = array<i32>} : memref<2x1024xi32, #tpu.memory_space<vmem>>, vector<16xi32>,
      tpu.vector_store %arg6[%swap3A_1739, %swap3A_1740], %add3A_1737 {strides = array<i32>} : memref<2x1024xi32, #tpu.memory_space<vmem>>, vector<16xi32>,
      %get3A_1742 = arith.constant 1 : i32
      %get3A_1743 = arith.index_cast %get3A_1742 : i32 to index
      %get3A_1744 = arith.constant 272 : index
      %get3A_1745 = tpu.vector_load %arg5[%get3A_1743, %get3A_1744] {strides = array<i32>} : memref<2x1024xi32, #tpu.memory_space<vmem>>, vector<16xi32>,
      %add3A_1746 = arith.constant 16416 : i32
      %add3A_1747 = vector.broadcast %add3A_1746 : i32 to vector<16xi32>
      %add3A_1748 = arith.addi %get3A_1745, %add3A_1747 : vector<16xi32>
      %swap3A_1749 = arith.constant 1 : i32
      %swap3A_1750 = arith.index_cast %swap3A_1749 : i32 to index
      %swap3A_1751 = arith.constant 272 : index
      %swap3A_1752 = tpu.vector_load %arg6[%swap3A_1750, %swap3A_1751] {strides = array<i32>} : memref<2x1024xi32, #tpu.memory_space<vmem>>, vector<16xi32>,
      tpu.vector_store %arg6[%swap3A_1750, %swap3A_1751], %add3A_1748 {strides = array<i32>} : memref<2x1024xi32, #tpu.memory_space<vmem>>, vector<16xi32>,
      %get3A_1753 = arith.constant 1 : i32
      %get3A_1754 = arith.index_cast %get3A_1753 : i32 to index
      %get3A_1755 = arith.constant 288 : index
      %get3A_1756 = tpu.vector_load %arg5[%get3A_1754, %get3A_1755] {strides = array<i32>} : memref<2x1024xi32, #tpu.memory_space<vmem>>, vector<16xi32>,
      %add3A_1757 = arith.constant 16416 : i32
      %add3A_1758 = vector.broadcast %add3A_1757 : i32 to vector<16xi32>
      %add3A_1759 = arith.addi %get3A_1756, %add3A_1758 : vector<16xi32>
      %swap3A_1760 = arith.constant 1 : i32
      %swap3A_1761 = arith.index_cast %swap3A_1760 : i32 to index
      %swap3A_1762 = arith.constant 288 : index
      %swap3A_1763 = tpu.vector_load %arg6[%swap3A_1761, %swap3A_1762] {strides = array<i32>} : memref<2x1024xi32, #tpu.memory_space<vmem>>, vector<16xi32>,
      tpu.vector_store %arg6[%swap3A_1761, %swap3A_1762], %add3A_1759 {strides = array<i32>} : memref<2x1024xi32, #tpu.memory_space<vmem>>, vector<16xi32>,
      %get3A_1764 = arith.constant 1 : i32
      %get3A_1765 = arith.index_cast %get3A_1764 : i32 to index
      %get3A_1766 = arith.constant 304 : index
      %get3A_1767 = tpu.vector_load %arg5[%get3A_1765, %get3A_1766] {strides = array<i32>} : memref<2x1024xi32, #tpu.memory_space<vmem>>, vector<16xi32>,
      %add3A_1768 = arith.constant 16416 : i32
      %add3A_1769 = vector.broadcast %add3A_1768 : i32 to vector<16xi32>
      %add3A_1770 = arith.addi %get3A_1767, %add3A_1769 : vector<16xi32>
      %swap3A_1771 = arith.constant 1 : i32
      %swap3A_1772 = arith.index_cast %swap3A_1771 : i32 to index
      %swap3A_1773 = arith.constant 304 : index
      %swap3A_1774 = tpu.vector_load %arg6[%swap3A_1772, %swap3A_1773] {strides = array<i32>} : memref<2x1024xi32, #tpu.memory_space<vmem>>, vector<16xi32>,
      tpu.vector_store %arg6[%swap3A_1772, %swap3A_1773], %add3A_1770 {strides = array<i32>} : memref<2x1024xi32, #tpu.memory_space<vmem>>, vector<16xi32>,
      %get3A_1775 = arith.constant 1 : i32
      %get3A_1776 = arith.index_cast %get3A_1775 : i32 to index
      %get3A_1777 = arith.constant 320 : index
      %get3A_1778 = tpu.vector_load %arg5[%get3A_1776, %get3A_1777] {strides = array<i32>} : memref<2x1024xi32, #tpu.memory_space<vmem>>, vector<16xi32>,
      %add3A_1779 = arith.constant 16416 : i32
      %add3A_1780 = vector.broadcast %add3A_1779 : i32 to vector<16xi32>
      %add3A_1781 = arith.addi %get3A_1778, %add3A_1780 : vector<16xi32>
      %swap3A_1782 = arith.constant 1 : i32
      %swap3A_1783 = arith.index_cast %swap3A_1782 : i32 to index
      %swap3A_1784 = arith.constant 320 : index
      %swap3A_1785 = tpu.vector_load %arg6[%swap3A_1783, %swap3A_1784] {strides = array<i32>} : memref<2x1024xi32, #tpu.memory_space<vmem>>, vector<16xi32>,
      tpu.vector_store %arg6[%swap3A_1783, %swap3A_1784], %add3A_1781 {strides = array<i32>} : memref<2x1024xi32, #tpu.memory_space<vmem>>, vector<16xi32>,
      %get3A_1786 = arith.constant 1 : i32
      %get3A_1787 = arith.index_cast %get3A_1786 : i32 to index
      %get3A_1788 = arith.constant 336 : index
      %get3A_1789 = tpu.vector_load %arg5[%get3A_1787, %get3A_1788] {strides = array<i32>} : memref<2x1024xi32, #tpu.memory_space<vmem>>, vector<16xi32>,
      %add3A_1790 = arith.constant 16416 : i32
      %add3A_1791 = vector.broadcast %add3A_1790 : i32 to vector<16xi32>
      %add3A_1792 = arith.addi %get3A_1789, %add3A_1791 : vector<16xi32>
      %swap3A_1793 = arith.constant 1 : i32
      %swap3A_1794 = arith.index_cast %swap3A_1793 : i32 to index
      %swap3A_1795 = arith.constant 336 : index
      %swap3A_1796 = tpu.vector_load %arg6[%swap3A_1794, %swap3A_1795] {strides = array<i32>} : memref<2x1024xi32, #tpu.memory_space<vmem>>, vector<16xi32>,
      tpu.vector_store %arg6[%swap3A_1794, %swap3A_1795], %add3A_1792 {strides = array<i32>} : memref<2x1024xi32, #tpu.memory_space<vmem>>, vector<16xi32>,
      %get3A_1797 = arith.constant 1 : i32
      %get3A_1798 = arith.index_cast %get3A_1797 : i32 to index
      %get3A_1799 = arith.constant 352 : index
      %get3A_1800 = tpu.vector_load %arg5[%get3A_1798, %get3A_1799] {strides = array<i32>} : memref<2x1024xi32, #tpu.memory_space<vmem>>, vector<16xi32>,
      %add3A_1801 = arith.constant 16416 : i32
      %add3A_1802 = vector.broadcast %add3A_1801 : i32 to vector<16xi32>
      %add3A_1803 = arith.addi %get3A_1800, %add3A_1802 : vector<16xi32>
      %swap3A_1804 = arith.constant 1 : i32
      %swap3A_1805 = arith.index_cast %swap3A_1804 : i32 to index
      %swap3A_1806 = arith.constant 352 : index
      %swap3A_1807 = tpu.vector_load %arg6[%swap3A_1805, %swap3A_1806] {strides = array<i32>} : memref<2x1024xi32, #tpu.memory_space<vmem>>, vector<16xi32>,
      tpu.vector_store %arg6[%swap3A_1805, %swap3A_1806], %add3A_1803 {strides = array<i32>} : memref<2x1024xi32, #tpu.memory_space<vmem>>, vector<16xi32>,
      %get3A_1808 = arith.constant 1 : i32
      %get3A_1809 = arith.index_cast %get3A_1808 : i32 to index
      %get3A_1810 = arith.constant 368 : index
      %get3A_1811 = tpu.vector_load %arg5[%get3A_1809, %get3A_1810] {strides = array<i32>} : memref<2x1024xi32, #tpu.memory_space<vmem>>, vector<16xi32>,
      %add3A_1812 = arith.constant 16416 : i32
      %add3A_1813 = vector.broadcast %add3A_1812 : i32 to vector<16xi32>
      %add3A_1814 = arith.addi %get3A_1811, %add3A_1813 : vector<16xi32>
      %swap3A_1815 = arith.constant 1 : i32
      %swap3A_1816 = arith.index_cast %swap3A_1815 : i32 to index
      %swap3A_1817 = arith.constant 368 : index
      %swap3A_1818 = tpu.vector_load %arg6[%swap3A_1816, %swap3A_1817] {strides = array<i32>} : memref<2x1024xi32, #tpu.memory_space<vmem>>, vector<16xi32>,
      tpu.vector_store %arg6[%swap3A_1816, %swap3A_1817], %add3A_1814 {strides = array<i32>} : memref<2x1024xi32, #tpu.memory_space<vmem>>, vector<16xi32>,
      %get3A_1819 = arith.constant 1 : i32
      %get3A_1820 = arith.index_cast %get3A_1819 : i32 to index
      %get3A_1821 = arith.constant 384 : index
      %get3A_1822 = tpu.vector_load %arg5[%get3A_1820, %get3A_1821] {strides = array<i32>} : memref<2x1024xi32, #tpu.memory_space<vmem>>, vector<16xi32>,
      %add3A_1823 = arith.constant 24624 : i32
      %add3A_1824 = vector.broadcast %add3A_1823 : i32 to vector<16xi32>
      %add3A_1825 = arith.addi %get3A_1822, %add3A_1824 : vector<16xi32>
      %swap3A_1826 = arith.constant 1 : i32
      %swap3A_1827 = arith.index_cast %swap3A_1826 : i32 to index
      %swap3A_1828 = arith.constant 384 : index
      %swap3A_1829 = tpu.vector_load %arg6[%swap3A_1827, %swap3A_1828] {strides = array<i32>} : memref<2x1024xi32, #tpu.memory_space<vmem>>, vector<16xi32>,
      tpu.vector_store %arg6[%swap3A_1827, %swap3A_1828], %add3A_1825 {strides = array<i32>} : memref<2x1024xi32, #tpu.memory_space<vmem>>, vector<16xi32>,
      %get3A_1830 = arith.constant 1 : i32
      %get3A_1831 = arith.index_cast %get3A_1830 : i32 to index
      %get3A_1832 = arith.constant 400 : index
      %get3A_1833 = tpu.vector_load %arg5[%get3A_1831, %get3A_1832] {strides = array<i32>} : memref<2x1024xi32, #tpu.memory_space<vmem>>, vector<16xi32>,
      %add3A_1834 = arith.constant 24624 : i32
      %add3A_1835 = vector.broadcast %add3A_1834 : i32 to vector<16xi32>
      %add3A_1836 = arith.addi %get3A_1833, %add3A_1835 : vector<16xi32>
      %swap3A_1837 = arith.constant 1 : i32
      %swap3A_1838 = arith.index_cast %swap3A_1837 : i32 to index
      %swap3A_1839 = arith.constant 400 : index
      %swap3A_1840 = tpu.vector_load %arg6[%swap3A_1838, %swap3A_1839] {strides = array<i32>} : memref<2x1024xi32, #tpu.memory_space<vmem>>, vector<16xi32>,
      tpu.vector_store %arg6[%swap3A_1838, %swap3A_1839], %add3A_1836 {strides = array<i32>} : memref<2x1024xi32, #tpu.memory_space<vmem>>, vector<16xi32>,
      %get3A_1841 = arith.constant 1 : i32
      %get3A_1842 = arith.index_cast %get3A_1841 : i32 to index
      %get3A_1843 = arith.constant 416 : index
      %get3A_1844 = tpu.vector_load %arg5[%get3A_1842, %get3A_1843] {strides = array<i32>} : memref<2x1024xi32, #tpu.memory_space<vmem>>, vector<16xi32>,
      %add3A_1845 = arith.constant 24624 : i32
      %add3A_1846 = vector.broadcast %add3A_1845 : i32 to vector<16xi32>
      %add3A_1847 = arith.addi %get3A_1844, %add3A_1846 : vector<16xi32>
      %swap3A_1848 = arith.constant 1 : i32
      %swap3A_1849 = arith.index_cast %swap3A_1848 : i32 to index
      %swap3A_1850 = arith.constant 416 : index
      %swap3A_1851 = tpu.vector_load %arg6[%swap3A_1849, %swap3A_1850] {strides = array<i32>} : memref<2x1024xi32, #tpu.memory_space<vmem>>, vector<16xi32>,
      tpu.vector_store %arg6[%swap3A_1849, %swap3A_1850], %add3A_1847 {strides = array<i32>} : memref<2x1024xi32, #tpu.memory_space<vmem>>, vector<16xi32>,
      %get3A_1852 = arith.constant 1 : i32
      %get3A_1853 = arith.index_cast %get3A_1852 : i32 to index
      %get3A_1854 = arith.constant 432 : index
      %get3A_1855 = tpu.vector_load %arg5[%get3A_1853, %get3A_1854] {strides = array<i32>} : memref<2x1024xi32, #tpu.memory_space<vmem>>, vector<16xi32>,
      %add3A_1856 = arith.constant 24624 : i32
      %add3A_1857 = vector.broadcast %add3A_1856 : i32 to vector<16xi32>
      %add3A_1858 = arith.addi %get3A_1855, %add3A_1857 : vector<16xi32>
      %swap3A_1859 = arith.constant 1 : i32
      %swap3A_1860 = arith.index_cast %swap3A_1859 : i32 to index
      %swap3A_1861 = arith.constant 432 : index
      %swap3A_1862 = tpu.vector_load %arg6[%swap3A_1860, %swap3A_1861] {strides = array<i32>} : memref<2x1024xi32, #tpu.memory_space<vmem>>, vector<16xi32>,
      tpu.vector_store %arg6[%swap3A_1860, %swap3A_1861], %add3A_1858 {strides = array<i32>} : memref<2x1024xi32, #tpu.memory_space<vmem>>, vector<16xi32>,
      %get3A_1863 = arith.constant 1 : i32
      %get3A_1864 = arith.index_cast %get3A_1863 : i32 to index
      %get3A_1865 = arith.constant 448 : index
      %get3A_1866 = tpu.vector_load %arg5[%get3A_1864, %get3A_1865] {strides = array<i32>} : memref<2x1024xi32, #tpu.memory_space<vmem>>, vector<16xi32>,
      %add3A_1867 = arith.constant 24624 : i32
      %add3A_1868 = vector.broadcast %add3A_1867 : i32 to vector<16xi32>
      %add3A_1869 = arith.addi %get3A_1866, %add3A_1868 : vector<16xi32>
      %swap3A_1870 = arith.constant 1 : i32
      %swap3A_1871 = arith.index_cast %swap3A_1870 : i32 to index
      %swap3A_1872 = arith.constant 448 : index
      %swap3A_1873 = tpu.vector_load %arg6[%swap3A_1871, %swap3A_1872] {strides = array<i32>} : memref<2x1024xi32, #tpu.memory_space<vmem>>, vector<16xi32>,
      tpu.vector_store %arg6[%swap3A_1871, %swap3A_1872], %add3A_1869 {strides = array<i32>} : memref<2x1024xi32, #tpu.memory_space<vmem>>, vector<16xi32>,
      %get3A_1874 = arith.constant 1 : i32
      %get3A_1875 = arith.index_cast %get3A_1874 : i32 to index
      %get3A_1876 = arith.constant 464 : index
      %get3A_1877 = tpu.vector_load %arg5[%get3A_1875, %get3A_1876] {strides = array<i32>} : memref<2x1024xi32, #tpu.memory_space<vmem>>, vector<16xi32>,
      %add3A_1878 = arith.constant 24624 : i32
      %add3A_1879 = vector.broadcast %add3A_1878 : i32 to vector<16xi32>
      %add3A_1880 = arith.addi %get3A_1877, %add3A_1879 : vector<16xi32>
      %swap3A_1881 = arith.constant 1 : i32
      %swap3A_1882 = arith.index_cast %swap3A_1881 : i32 to index
      %swap3A_1883 = arith.constant 464 : index
      %swap3A_1884 = tpu.vector_load %arg6[%swap3A_1882, %swap3A_1883] {strides = array<i32>} : memref<2x1024xi32, #tpu.memory_space<vmem>>, vector<16xi32>,
      tpu.vector_store %arg6[%swap3A_1882, %swap3A_1883], %add3A_1880 {strides = array<i32>} : memref<2x1024xi32, #tpu.memory_space<vmem>>, vector<16xi32>,
      %get3A_1885 = arith.constant 1 : i32
      %get3A_1886 = arith.index_cast %get3A_1885 : i32 to index
      %get3A_1887 = arith.constant 480 : index
      %get3A_1888 = tpu.vector_load %arg5[%get3A_1886, %get3A_1887] {strides = array<i32>} : memref<2x1024xi32, #tpu.memory_space<vmem>>, vector<16xi32>,
      %add3A_1889 = arith.constant 24624 : i32
      %add3A_1890 = vector.broadcast %add3A_1889 : i32 to vector<16xi32>
      %add3A_1891 = arith.addi %get3A_1888, %add3A_1890 : vector<16xi32>
      %swap3A_1892 = arith.constant 1 : i32
      %swap3A_1893 = arith.index_cast %swap3A_1892 : i32 to index
      %swap3A_1894 = arith.constant 480 : index
      %swap3A_1895 = tpu.vector_load %arg6[%swap3A_1893, %swap3A_1894] {strides = array<i32>} : memref<2x1024xi32, #tpu.memory_space<vmem>>, vector<16xi32>,
      tpu.vector_store %arg6[%swap3A_1893, %swap3A_1894], %add3A_1891 {strides = array<i32>} : memref<2x1024xi32, #tpu.memory_space<vmem>>, vector<16xi32>,
      %get3A_1896 = arith.constant 1 : i32
      %get3A_1897 = arith.index_cast %get3A_1896 : i32 to index
      %get3A_1898 = arith.constant 496 : index
      %get3A_1899 = tpu.vector_load %arg5[%get3A_1897, %get3A_1898] {strides = array<i32>} : memref<2x1024xi32, #tpu.memory_space<vmem>>, vector<16xi32>,
      %add3A_1900 = arith.constant 24624 : i32
      %add3A_1901 = vector.broadcast %add3A_1900 : i32 to vector<16xi32>
      %add3A_1902 = arith.addi %get3A_1899, %add3A_1901 : vector<16xi32>
      %swap3A_1903 = arith.constant 1 : i32
      %swap3A_1904 = arith.index_cast %swap3A_1903 : i32 to index
      %swap3A_1905 = arith.constant 496 : index
      %swap3A_1906 = tpu.vector_load %arg6[%swap3A_1904, %swap3A_1905] {strides = array<i32>} : memref<2x1024xi32, #tpu.memory_space<vmem>>, vector<16xi32>,
      tpu.vector_store %arg6[%swap3A_1904, %swap3A_1905], %add3A_1902 {strides = array<i32>} : memref<2x1024xi32, #tpu.memory_space<vmem>>, vector<16xi32>,
      %get3A_1907 = arith.constant 1 : i32
      %get3A_1908 = arith.index_cast %get3A_1907 : i32 to index
      %get3A_1909 = arith.constant 512 : index
      %get3A_1910 = tpu.vector_load %arg5[%get3A_1908, %get3A_1909] {strides = array<i32>} : memref<2x1024xi32, #tpu.memory_space<vmem>>, vector<16xi32>,
      %add3A_1911 = arith.constant 32832 : i32
      %add3A_1912 = vector.broadcast %add3A_1911 : i32 to vector<16xi32>
      %add3A_1913 = arith.addi %get3A_1910, %add3A_1912 : vector<16xi32>
      %swap3A_1914 = arith.constant 1 : i32
      %swap3A_1915 = arith.index_cast %swap3A_1914 : i32 to index
      %swap3A_1916 = arith.constant 512 : index
      %swap3A_1917 = tpu.vector_load %arg6[%swap3A_1915, %swap3A_1916] {strides = array<i32>} : memref<2x1024xi32, #tpu.memory_space<vmem>>, vector<16xi32>,
      tpu.vector_store %arg6[%swap3A_1915, %swap3A_1916], %add3A_1913 {strides = array<i32>} : memref<2x1024xi32, #tpu.memory_space<vmem>>, vector<16xi32>,
      %get3A_1918 = arith.constant 1 : i32
      %get3A_1919 = arith.index_cast %get3A_1918 : i32 to index
      %get3A_1920 = arith.constant 528 : index
      %get3A_1921 = tpu.vector_load %arg5[%get3A_1919, %get3A_1920] {strides = array<i32>} : memref<2x1024xi32, #tpu.memory_space<vmem>>, vector<16xi32>,
      %add3A_1922 = arith.constant 32832 : i32
      %add3A_1923 = vector.broadcast %add3A_1922 : i32 to vector<16xi32>
      %add3A_1924 = arith.addi %get3A_1921, %add3A_1923 : vector<16xi32>
      %swap3A_1925 = arith.constant 1 : i32
      %swap3A_1926 = arith.index_cast %swap3A_1925 : i32 to index
      %swap3A_1927 = arith.constant 528 : index
      %swap3A_1928 = tpu.vector_load %arg6[%swap3A_1926, %swap3A_1927] {strides = array<i32>} : memref<2x1024xi32, #tpu.memory_space<vmem>>, vector<16xi32>,
      tpu.vector_store %arg6[%swap3A_1926, %swap3A_1927], %add3A_1924 {strides = array<i32>} : memref<2x1024xi32, #tpu.memory_space<vmem>>, vector<16xi32>,
      %get3A_1929 = arith.constant 1 : i32
      %get3A_1930 = arith.index_cast %get3A_1929 : i32 to index
      %get3A_1931 = arith.constant 544 : index
      %get3A_1932 = tpu.vector_load %arg5[%get3A_1930, %get3A_1931] {strides = array<i32>} : memref<2x1024xi32, #tpu.memory_space<vmem>>, vector<16xi32>,
      %add3A_1933 = arith.constant 32832 : i32
      %add3A_1934 = vector.broadcast %add3A_1933 : i32 to vector<16xi32>
      %add3A_1935 = arith.addi %get3A_1932, %add3A_1934 : vector<16xi32>
      %swap3A_1936 = arith.constant 1 : i32
      %swap3A_1937 = arith.index_cast %swap3A_1936 : i32 to index
      %swap3A_1938 = arith.constant 544 : index
      %swap3A_1939 = tpu.vector_load %arg6[%swap3A_1937, %swap3A_1938] {strides = array<i32>} : memref<2x1024xi32, #tpu.memory_space<vmem>>, vector<16xi32>,
      tpu.vector_store %arg6[%swap3A_1937, %swap3A_1938], %add3A_1935 {strides = array<i32>} : memref<2x1024xi32, #tpu.memory_space<vmem>>, vector<16xi32>,
      %get3A_1940 = arith.constant 1 : i32
      %get3A_1941 = arith.index_cast %get3A_1940 : i32 to index
      %get3A_1942 = arith.constant 560 : index
      %get3A_1943 = tpu.vector_load %arg5[%get3A_1941, %get3A_1942] {strides = array<i32>} : memref<2x1024xi32, #tpu.memory_space<vmem>>, vector<16xi32>,
      %add3A_1944 = arith.constant 32832 : i32
      %add3A_1945 = vector.broadcast %add3A_1944 : i32 to vector<16xi32>
      %add3A_1946 = arith.addi %get3A_1943, %add3A_1945 : vector<16xi32>
      %swap3A_1947 = arith.constant 1 : i32
      %swap3A_1948 = arith.index_cast %swap3A_1947 : i32 to index
      %swap3A_1949 = arith.constant 560 : index
      %swap3A_1950 = tpu.vector_load %arg6[%swap3A_1948, %swap3A_1949] {strides = array<i32>} : memref<2x1024xi32, #tpu.memory_space<vmem>>, vector<16xi32>,
      tpu.vector_store %arg6[%swap3A_1948, %swap3A_1949], %add3A_1946 {strides = array<i32>} : memref<2x1024xi32, #tpu.memory_space<vmem>>, vector<16xi32>,
      %get3A_1951 = arith.constant 1 : i32
      %get3A_1952 = arith.index_cast %get3A_1951 : i32 to index
      %get3A_1953 = arith.constant 576 : index
      %get3A_1954 = tpu.vector_load %arg5[%get3A_1952, %get3A_1953] {strides = array<i32>} : memref<2x1024xi32, #tpu.memory_space<vmem>>, vector<16xi32>,
      %add3A_1955 = arith.constant 32832 : i32
      %add3A_1956 = vector.broadcast %add3A_1955 : i32 to vector<16xi32>
      %add3A_1957 = arith.addi %get3A_1954, %add3A_1956 : vector<16xi32>
      %swap3A_1958 = arith.constant 1 : i32
      %swap3A_1959 = arith.index_cast %swap3A_1958 : i32 to index
      %swap3A_1960 = arith.constant 576 : index
      %swap3A_1961 = tpu.vector_load %arg6[%swap3A_1959, %swap3A_1960] {strides = array<i32>} : memref<2x1024xi32, #tpu.memory_space<vmem>>, vector<16xi32>,
      tpu.vector_store %arg6[%swap3A_1959, %swap3A_1960], %add3A_1957 {strides = array<i32>} : memref<2x1024xi32, #tpu.memory_space<vmem>>, vector<16xi32>,
      %get3A_1962 = arith.constant 1 : i32
      %get3A_1963 = arith.index_cast %get3A_1962 : i32 to index
      %get3A_1964 = arith.constant 592 : index
      %get3A_1965 = tpu.vector_load %arg5[%get3A_1963, %get3A_1964] {strides = array<i32>} : memref<2x1024xi32, #tpu.memory_space<vmem>>, vector<16xi32>,
      %add3A_1966 = arith.constant 32832 : i32
      %add3A_1967 = vector.broadcast %add3A_1966 : i32 to vector<16xi32>
      %add3A_1968 = arith.addi %get3A_1965, %add3A_1967 : vector<16xi32>
      %swap3A_1969 = arith.constant 1 : i32
      %swap3A_1970 = arith.index_cast %swap3A_1969 : i32 to index
      %swap3A_1971 = arith.constant 592 : index
      %swap3A_1972 = tpu.vector_load %arg6[%swap3A_1970, %swap3A_1971] {strides = array<i32>} : memref<2x1024xi32, #tpu.memory_space<vmem>>, vector<16xi32>,
      tpu.vector_store %arg6[%swap3A_1970, %swap3A_1971], %add3A_1968 {strides = array<i32>} : memref<2x1024xi32, #tpu.memory_space<vmem>>, vector<16xi32>,
      %get3A_1973 = arith.constant 1 : i32
      %get3A_1974 = arith.index_cast %get3A_1973 : i32 to index
      %get3A_1975 = arith.constant 608 : index
      %get3A_1976 = tpu.vector_load %arg5[%get3A_1974, %get3A_1975] {strides = array<i32>} : memref<2x1024xi32, #tpu.memory_space<vmem>>, vector<16xi32>,
      %add3A_1977 = arith.constant 32832 : i32
      %add3A_1978 = vector.broadcast %add3A_1977 : i32 to vector<16xi32>
      %add3A_1979 = arith.addi %get3A_1976, %add3A_1978 : vector<16xi32>
      %swap3A_1980 = arith.constant 1 : i32
      %swap3A_1981 = arith.index_cast %swap3A_1980 : i32 to index
      %swap3A_1982 = arith.constant 608 : index
      %swap3A_1983 = tpu.vector_load %arg6[%swap3A_1981, %swap3A_1982] {strides = array<i32>} : memref<2x1024xi32, #tpu.memory_space<vmem>>, vector<16xi32>,
      tpu.vector_store %arg6[%swap3A_1981, %swap3A_1982], %add3A_1979 {strides = array<i32>} : memref<2x1024xi32, #tpu.memory_space<vmem>>, vector<16xi32>,
      %get3A_1984 = arith.constant 1 : i32
      %get3A_1985 = arith.index_cast %get3A_1984 : i32 to index
      %get3A_1986 = arith.constant 624 : index
      %get3A_1987 = tpu.vector_load %arg5[%get3A_1985, %get3A_1986] {strides = array<i32>} : memref<2x1024xi32, #tpu.memory_space<vmem>>, vector<16xi32>,
      %add3A_1988 = arith.constant 32832 : i32
      %add3A_1989 = vector.broadcast %add3A_1988 : i32 to vector<16xi32>
      %add3A_1990 = arith.addi %get3A_1987, %add3A_1989 : vector<16xi32>
      %swap3A_1991 = arith.constant 1 : i32
      %swap3A_1992 = arith.index_cast %swap3A_1991 : i32 to index
      %swap3A_1993 = arith.constant 624 : index
      %swap3A_1994 = tpu.vector_load %arg6[%swap3A_1992, %swap3A_1993] {strides = array<i32>} : memref<2x1024xi32, #tpu.memory_space<vmem>>, vector<16xi32>,
      tpu.vector_store %arg6[%swap3A_1992, %swap3A_1993], %add3A_1990 {strides = array<i32>} : memref<2x1024xi32, #tpu.memory_space<vmem>>, vector<16xi32>,
      %get3A_1995 = arith.constant 1 : i32
      %get3A_1996 = arith.index_cast %get3A_1995 : i32 to index
      %get3A_1997 = arith.constant 640 : index
      %get3A_1998 = tpu.vector_load %arg5[%get3A_1996, %get3A_1997] {strides = array<i32>} : memref<2x1024xi32, #tpu.memory_space<vmem>>, vector<16xi32>,
      %add3A_1999 = arith.constant 41040 : i32
      %add3A_2000 = vector.broadcast %add3A_1999 : i32 to vector<16xi32>
      %add3A_2001 = arith.addi %get3A_1998, %add3A_2000 : vector<16xi32>
      %swap3A_2002 = arith.constant 1 : i32
      %swap3A_2003 = arith.index_cast %swap3A_2002 : i32 to index
      %swap3A_2004 = arith.constant 640 : index
      %swap3A_2005 = tpu.vector_load %arg6[%swap3A_2003, %swap3A_2004] {strides = array<i32>} : memref<2x1024xi32, #tpu.memory_space<vmem>>, vector<16xi32>,
      tpu.vector_store %arg6[%swap3A_2003, %swap3A_2004], %add3A_2001 {strides = array<i32>} : memref<2x1024xi32, #tpu.memory_space<vmem>>, vector<16xi32>,
      %get3A_2006 = arith.constant 1 : i32
      %get3A_2007 = arith.index_cast %get3A_2006 : i32 to index
      %get3A_2008 = arith.constant 656 : index
      %get3A_2009 = tpu.vector_load %arg5[%get3A_2007, %get3A_2008] {strides = array<i32>} : memref<2x1024xi32, #tpu.memory_space<vmem>>, vector<16xi32>,
      %add3A_2010 = arith.constant 41040 : i32
      %add3A_2011 = vector.broadcast %add3A_2010 : i32 to vector<16xi32>
      %add3A_2012 = arith.addi %get3A_2009, %add3A_2011 : vector<16xi32>
      %swap3A_2013 = arith.constant 1 : i32
      %swap3A_2014 = arith.index_cast %swap3A_2013 : i32 to index
      %swap3A_2015 = arith.constant 656 : index
      %swap3A_2016 = tpu.vector_load %arg6[%swap3A_2014, %swap3A_2015] {strides = array<i32>} : memref<2x1024xi32, #tpu.memory_space<vmem>>, vector<16xi32>,
      tpu.vector_store %arg6[%swap3A_2014, %swap3A_2015], %add3A_2012 {strides = array<i32>} : memref<2x1024xi32, #tpu.memory_space<vmem>>, vector<16xi32>,
      %get3A_2017 = arith.constant 1 : i32
      %get3A_2018 = arith.index_cast %get3A_2017 : i32 to index
      %get3A_2019 = arith.constant 672 : index
      %get3A_2020 = tpu.vector_load %arg5[%get3A_2018, %get3A_2019] {strides = array<i32>} : memref<2x1024xi32, #tpu.memory_space<vmem>>, vector<16xi32>,
      %add3A_2021 = arith.constant 41040 : i32
      %add3A_2022 = vector.broadcast %add3A_2021 : i32 to vector<16xi32>
      %add3A_2023 = arith.addi %get3A_2020, %add3A_2022 : vector<16xi32>
      %swap3A_2024 = arith.constant 1 : i32
      %swap3A_2025 = arith.index_cast %swap3A_2024 : i32 to index
      %swap3A_2026 = arith.constant 672 : index
      %swap3A_2027 = tpu.vector_load %arg6[%swap3A_2025, %swap3A_2026] {strides = array<i32>} : memref<2x1024xi32, #tpu.memory_space<vmem>>, vector<16xi32>,
      tpu.vector_store %arg6[%swap3A_2025, %swap3A_2026], %add3A_2023 {strides = array<i32>} : memref<2x1024xi32, #tpu.memory_space<vmem>>, vector<16xi32>,
      %get3A_2028 = arith.constant 1 : i32
      %get3A_2029 = arith.index_cast %get3A_2028 : i32 to index
      %get3A_2030 = arith.constant 688 : index
      %get3A_2031 = tpu.vector_load %arg5[%get3A_2029, %get3A_2030] {strides = array<i32>} : memref<2x1024xi32, #tpu.memory_space<vmem>>, vector<16xi32>,
      %add3A_2032 = arith.constant 41040 : i32
      %add3A_2033 = vector.broadcast %add3A_2032 : i32 to vector<16xi32>
      %add3A_2034 = arith.addi %get3A_2031, %add3A_2033 : vector<16xi32>
      %swap3A_2035 = arith.constant 1 : i32
      %swap3A_2036 = arith.index_cast %swap3A_2035 : i32 to index
      %swap3A_2037 = arith.constant 688 : index
      %swap3A_2038 = tpu.vector_load %arg6[%swap3A_2036, %swap3A_2037] {strides = array<i32>} : memref<2x1024xi32, #tpu.memory_space<vmem>>, vector<16xi32>,
      tpu.vector_store %arg6[%swap3A_2036, %swap3A_2037], %add3A_2034 {strides = array<i32>} : memref<2x1024xi32, #tpu.memory_space<vmem>>, vector<16xi32>,
      %get3A_2039 = arith.constant 1 : i32
      %get3A_2040 = arith.index_cast %get3A_2039 : i32 to index
      %get3A_2041 = arith.constant 704 : index
      %get3A_2042 = tpu.vector_load %arg5[%get3A_2040, %get3A_2041] {strides = array<i32>} : memref<2x1024xi32, #tpu.memory_space<vmem>>, vector<16xi32>,
      %add3A_2043 = arith.constant 41040 : i32
      %add3A_2044 = vector.broadcast %add3A_2043 : i32 to vector<16xi32>
      %add3A_2045 = arith.addi %get3A_2042, %add3A_2044 : vector<16xi32>
      %swap3A_2046 = arith.constant 1 : i32
      %swap3A_2047 = arith.index_cast %swap3A_2046 : i32 to index
      %swap3A_2048 = arith.constant 704 : index
      %swap3A_2049 = tpu.vector_load %arg6[%swap3A_2047, %swap3A_2048] {strides = array<i32>} : memref<2x1024xi32, #tpu.memory_space<vmem>>, vector<16xi32>,
      tpu.vector_store %arg6[%swap3A_2047, %swap3A_2048], %add3A_2045 {strides = array<i32>} : memref<2x1024xi32, #tpu.memory_space<vmem>>, vector<16xi32>,
      %get3A_2050 = arith.constant 1 : i32
      %get3A_2051 = arith.index_cast %get3A_2050 : i32 to index
      %get3A_2052 = arith.constant 720 : index
      %get3A_2053 = tpu.vector_load %arg5[%get3A_2051, %get3A_2052] {strides = array<i32>} : memref<2x1024xi32, #tpu.memory_space<vmem>>, vector<16xi32>,
      %add3A_2054 = arith.constant 41040 : i32
      %add3A_2055 = vector.broadcast %add3A_2054 : i32 to vector<16xi32>
      %add3A_2056 = arith.addi %get3A_2053, %add3A_2055 : vector<16xi32>
      %swap3A_2057 = arith.constant 1 : i32
      %swap3A_2058 = arith.index_cast %swap3A_2057 : i32 to index
      %swap3A_2059 = arith.constant 720 : index
      %swap3A_2060 = tpu.vector_load %arg6[%swap3A_2058, %swap3A_2059] {strides = array<i32>} : memref<2x1024xi32, #tpu.memory_space<vmem>>, vector<16xi32>,
      tpu.vector_store %arg6[%swap3A_2058, %swap3A_2059], %add3A_2056 {strides = array<i32>} : memref<2x1024xi32, #tpu.memory_space<vmem>>, vector<16xi32>,
      %get3A_2061 = arith.constant 1 : i32
      %get3A_2062 = arith.index_cast %get3A_2061 : i32 to index
      %get3A_2063 = arith.constant 736 : index
      %get3A_2064 = tpu.vector_load %arg5[%get3A_2062, %get3A_2063] {strides = array<i32>} : memref<2x1024xi32, #tpu.memory_space<vmem>>, vector<16xi32>,
      %add3A_2065 = arith.constant 41040 : i32
      %add3A_2066 = vector.broadcast %add3A_2065 : i32 to vector<16xi32>
      %add3A_2067 = arith.addi %get3A_2064, %add3A_2066 : vector<16xi32>
      %swap3A_2068 = arith.constant 1 : i32
      %swap3A_2069 = arith.index_cast %swap3A_2068 : i32 to index
      %swap3A_2070 = arith.constant 736 : index
      %swap3A_2071 = tpu.vector_load %arg6[%swap3A_2069, %swap3A_2070] {strides = array<i32>} : memref<2x1024xi32, #tpu.memory_space<vmem>>, vector<16xi32>,
      tpu.vector_store %arg6[%swap3A_2069, %swap3A_2070], %add3A_2067 {strides = array<i32>} : memref<2x1024xi32, #tpu.memory_space<vmem>>, vector<16xi32>,
      %get3A_2072 = arith.constant 1 : i32
      %get3A_2073 = arith.index_cast %get3A_2072 : i32 to index
      %get3A_2074 = arith.constant 752 : index
      %get3A_2075 = tpu.vector_load %arg5[%get3A_2073, %get3A_2074] {strides = array<i32>} : memref<2x1024xi32, #tpu.memory_space<vmem>>, vector<16xi32>,
      %add3A_2076 = arith.constant 41040 : i32
      %add3A_2077 = vector.broadcast %add3A_2076 : i32 to vector<16xi32>
      %add3A_2078 = arith.addi %get3A_2075, %add3A_2077 : vector<16xi32>
      %swap3A_2079 = arith.constant 1 : i32
      %swap3A_2080 = arith.index_cast %swap3A_2079 : i32 to index
      %swap3A_2081 = arith.constant 752 : index
      %swap3A_2082 = tpu.vector_load %arg6[%swap3A_2080, %swap3A_2081] {strides = array<i32>} : memref<2x1024xi32, #tpu.memory_space<vmem>>, vector<16xi32>,
      tpu.vector_store %arg6[%swap3A_2080, %swap3A_2081], %add3A_2078 {strides = array<i32>} : memref<2x1024xi32, #tpu.memory_space<vmem>>, vector<16xi32>,
      %get3A_2083 = arith.constant 1 : i32
      %get3A_2084 = arith.index_cast %get3A_2083 : i32 to index
      %get3A_2085 = arith.constant 768 : index
      %get3A_2086 = tpu.vector_load %arg5[%get3A_2084, %get3A_2085] {strides = array<i32>} : memref<2x1024xi32, #tpu.memory_space<vmem>>, vector<16xi32>,
      %add3A_2087 = arith.constant 49248 : i32
      %add3A_2088 = vector.broadcast %add3A_2087 : i32 to vector<16xi32>
      %add3A_2089 = arith.addi %get3A_2086, %add3A_2088 : vector<16xi32>
      %swap3A_2090 = arith.constant 1 : i32
      %swap3A_2091 = arith.index_cast %swap3A_2090 : i32 to index
      %swap3A_2092 = arith.constant 768 : index
      %swap3A_2093 = tpu.vector_load %arg6[%swap3A_2091, %swap3A_2092] {strides = array<i32>} : memref<2x1024xi32, #tpu.memory_space<vmem>>, vector<16xi32>,
      tpu.vector_store %arg6[%swap3A_2091, %swap3A_2092], %add3A_2089 {strides = array<i32>} : memref<2x1024xi32, #tpu.memory_space<vmem>>, vector<16xi32>,
      %get3A_2094 = arith.constant 1 : i32
      %get3A_2095 = arith.index_cast %get3A_2094 : i32 to index
      %get3A_2096 = arith.constant 784 : index
      %get3A_2097 = tpu.vector_load %arg5[%get3A_2095, %get3A_2096] {strides = array<i32>} : memref<2x1024xi32, #tpu.memory_space<vmem>>, vector<16xi32>,
      %add3A_2098 = arith.constant 49248 : i32
      %add3A_2099 = vector.broadcast %add3A_2098 : i32 to vector<16xi32>
      %add3A_2100 = arith.addi %get3A_2097, %add3A_2099 : vector<16xi32>
      %swap3A_2101 = arith.constant 1 : i32
      %swap3A_2102 = arith.index_cast %swap3A_2101 : i32 to index
      %swap3A_2103 = arith.constant 784 : index
      %swap3A_2104 = tpu.vector_load %arg6[%swap3A_2102, %swap3A_2103] {strides = array<i32>} : memref<2x1024xi32, #tpu.memory_space<vmem>>, vector<16xi32>,
      tpu.vector_store %arg6[%swap3A_2102, %swap3A_2103], %add3A_2100 {strides = array<i32>} : memref<2x1024xi32, #tpu.memory_space<vmem>>, vector<16xi32>,
      %get3A_2105 = arith.constant 1 : i32
      %get3A_2106 = arith.index_cast %get3A_2105 : i32 to index
      %get3A_2107 = arith.constant 800 : index
      %get3A_2108 = tpu.vector_load %arg5[%get3A_2106, %get3A_2107] {strides = array<i32>} : memref<2x1024xi32, #tpu.memory_space<vmem>>, vector<16xi32>,
      %add3A_2109 = arith.constant 49248 : i32
      %add3A_2110 = vector.broadcast %add3A_2109 : i32 to vector<16xi32>
      %add3A_2111 = arith.addi %get3A_2108, %add3A_2110 : vector<16xi32>
      %swap3A_2112 = arith.constant 1 : i32
      %swap3A_2113 = arith.index_cast %swap3A_2112 : i32 to index
      %swap3A_2114 = arith.constant 800 : index
      %swap3A_2115 = tpu.vector_load %arg6[%swap3A_2113, %swap3A_2114] {strides = array<i32>} : memref<2x1024xi32, #tpu.memory_space<vmem>>, vector<16xi32>,
      tpu.vector_store %arg6[%swap3A_2113, %swap3A_2114], %add3A_2111 {strides = array<i32>} : memref<2x1024xi32, #tpu.memory_space<vmem>>, vector<16xi32>,
      %get3A_2116 = arith.constant 1 : i32
      %get3A_2117 = arith.index_cast %get3A_2116 : i32 to index
      %get3A_2118 = arith.constant 816 : index
      %get3A_2119 = tpu.vector_load %arg5[%get3A_2117, %get3A_2118] {strides = array<i32>} : memref<2x1024xi32, #tpu.memory_space<vmem>>, vector<16xi32>,
      %add3A_2120 = arith.constant 49248 : i32
      %add3A_2121 = vector.broadcast %add3A_2120 : i32 to vector<16xi32>
      %add3A_2122 = arith.addi %get3A_2119, %add3A_2121 : vector<16xi32>
      %swap3A_2123 = arith.constant 1 : i32
      %swap3A_2124 = arith.index_cast %swap3A_2123 : i32 to index
      %swap3A_2125 = arith.constant 816 : index
      %swap3A_2126 = tpu.vector_load %arg6[%swap3A_2124, %swap3A_2125] {strides = array<i32>} : memref<2x1024xi32, #tpu.memory_space<vmem>>, vector<16xi32>,
      tpu.vector_store %arg6[%swap3A_2124, %swap3A_2125], %add3A_2122 {strides = array<i32>} : memref<2x1024xi32, #tpu.memory_space<vmem>>, vector<16xi32>,
      %get3A_2127 = arith.constant 1 : i32
      %get3A_2128 = arith.index_cast %get3A_2127 : i32 to index
      %get3A_2129 = arith.constant 832 : index
      %get3A_2130 = tpu.vector_load %arg5[%get3A_2128, %get3A_2129] {strides = array<i32>} : memref<2x1024xi32, #tpu.memory_space<vmem>>, vector<16xi32>,
      %add3A_2131 = arith.constant 49248 : i32
      %add3A_2132 = vector.broadcast %add3A_2131 : i32 to vector<16xi32>
      %add3A_2133 = arith.addi %get3A_2130, %add3A_2132 : vector<16xi32>
      %swap3A_2134 = arith.constant 1 : i32
      %swap3A_2135 = arith.index_cast %swap3A_2134 : i32 to index
      %swap3A_2136 = arith.constant 832 : index
      %swap3A_2137 = tpu.vector_load %arg6[%swap3A_2135, %swap3A_2136] {strides = array<i32>} : memref<2x1024xi32, #tpu.memory_space<vmem>>, vector<16xi32>,
      tpu.vector_store %arg6[%swap3A_2135, %swap3A_2136], %add3A_2133 {strides = array<i32>} : memref<2x1024xi32, #tpu.memory_space<vmem>>, vector<16xi32>,
      %get3A_2138 = arith.constant 1 : i32
      %get3A_2139 = arith.index_cast %get3A_2138 : i32 to index
      %get3A_2140 = arith.constant 848 : index
      %get3A_2141 = tpu.vector_load %arg5[%get3A_2139, %get3A_2140] {strides = array<i32>} : memref<2x1024xi32, #tpu.memory_space<vmem>>, vector<16xi32>,
      %add3A_2142 = arith.constant 49248 : i32
      %add3A_2143 = vector.broadcast %add3A_2142 : i32 to vector<16xi32>
      %add3A_2144 = arith.addi %get3A_2141, %add3A_2143 : vector<16xi32>
      %swap3A_2145 = arith.constant 1 : i32
      %swap3A_2146 = arith.index_cast %swap3A_2145 : i32 to index
      %swap3A_2147 = arith.constant 848 : index
      %swap3A_2148 = tpu.vector_load %arg6[%swap3A_2146, %swap3A_2147] {strides = array<i32>} : memref<2x1024xi32, #tpu.memory_space<vmem>>, vector<16xi32>,
      tpu.vector_store %arg6[%swap3A_2146, %swap3A_2147], %add3A_2144 {strides = array<i32>} : memref<2x1024xi32, #tpu.memory_space<vmem>>, vector<16xi32>,
      %get3A_2149 = arith.constant 1 : i32
      %get3A_2150 = arith.index_cast %get3A_2149 : i32 to index
      %get3A_2151 = arith.constant 864 : index
      %get3A_2152 = tpu.vector_load %arg5[%get3A_2150, %get3A_2151] {strides = array<i32>} : memref<2x1024xi32, #tpu.memory_space<vmem>>, vector<16xi32>,
      %add3A_2153 = arith.constant 49248 : i32
      %add3A_2154 = vector.broadcast %add3A_2153 : i32 to vector<16xi32>
      %add3A_2155 = arith.addi %get3A_2152, %add3A_2154 : vector<16xi32>
      %swap3A_2156 = arith.constant 1 : i32
      %swap3A_2157 = arith.index_cast %swap3A_2156 : i32 to index
      %swap3A_2158 = arith.constant 864 : index
      %swap3A_2159 = tpu.vector_load %arg6[%swap3A_2157, %swap3A_2158] {strides = array<i32>} : memref<2x1024xi32, #tpu.memory_space<vmem>>, vector<16xi32>,
      tpu.vector_store %arg6[%swap3A_2157, %swap3A_2158], %add3A_2155 {strides = array<i32>} : memref<2x1024xi32, #tpu.memory_space<vmem>>, vector<16xi32>,
      %get3A_2160 = arith.constant 1 : i32
      %get3A_2161 = arith.index_cast %get3A_2160 : i32 to index
      %get3A_2162 = arith.constant 880 : index
      %get3A_2163 = tpu.vector_load %arg5[%get3A_2161, %get3A_2162] {strides = array<i32>} : memref<2x1024xi32, #tpu.memory_space<vmem>>, vector<16xi32>,
      %add3A_2164 = arith.constant 49248 : i32
      %add3A_2165 = vector.broadcast %add3A_2164 : i32 to vector<16xi32>
      %add3A_2166 = arith.addi %get3A_2163, %add3A_2165 : vector<16xi32>
      %swap3A_2167 = arith.constant 1 : i32
      %swap3A_2168 = arith.index_cast %swap3A_2167 : i32 to index
      %swap3A_2169 = arith.constant 880 : index
      %swap3A_2170 = tpu.vector_load %arg6[%swap3A_2168, %swap3A_2169] {strides = array<i32>} : memref<2x1024xi32, #tpu.memory_space<vmem>>, vector<16xi32>,
      tpu.vector_store %arg6[%swap3A_2168, %swap3A_2169], %add3A_2166 {strides = array<i32>} : memref<2x1024xi32, #tpu.memory_space<vmem>>, vector<16xi32>,
      %get3A_2171 = arith.constant 1 : i32
      %get3A_2172 = arith.index_cast %get3A_2171 : i32 to index
      %get3A_2173 = arith.constant 896 : index
      %get3A_2174 = tpu.vector_load %arg5[%get3A_2172, %get3A_2173] {strides = array<i32>} : memref<2x1024xi32, #tpu.memory_space<vmem>>, vector<16xi32>,
      %add3A_2175 = arith.constant 57456 : i32
      %add3A_2176 = vector.broadcast %add3A_2175 : i32 to vector<16xi32>
      %add3A_2177 = arith.addi %get3A_2174, %add3A_2176 : vector<16xi32>
      %swap3A_2178 = arith.constant 1 : i32
      %swap3A_2179 = arith.index_cast %swap3A_2178 : i32 to index
      %swap3A_2180 = arith.constant 896 : index
      %swap3A_2181 = tpu.vector_load %arg6[%swap3A_2179, %swap3A_2180] {strides = array<i32>} : memref<2x1024xi32, #tpu.memory_space<vmem>>, vector<16xi32>,
      tpu.vector_store %arg6[%swap3A_2179, %swap3A_2180], %add3A_2177 {strides = array<i32>} : memref<2x1024xi32, #tpu.memory_space<vmem>>, vector<16xi32>,
      %get3A_2182 = arith.constant 1 : i32
      %get3A_2183 = arith.index_cast %get3A_2182 : i32 to index
      %get3A_2184 = arith.constant 912 : index
      %get3A_2185 = tpu.vector_load %arg5[%get3A_2183, %get3A_2184] {strides = array<i32>} : memref<2x1024xi32, #tpu.memory_space<vmem>>, vector<16xi32>,
      %add3A_2186 = arith.constant 57456 : i32
      %add3A_2187 = vector.broadcast %add3A_2186 : i32 to vector<16xi32>
      %add3A_2188 = arith.addi %get3A_2185, %add3A_2187 : vector<16xi32>
      %swap3A_2189 = arith.constant 1 : i32
      %swap3A_2190 = arith.index_cast %swap3A_2189 : i32 to index
      %swap3A_2191 = arith.constant 912 : index
      %swap3A_2192 = tpu.vector_load %arg6[%swap3A_2190, %swap3A_2191] {strides = array<i32>} : memref<2x1024xi32, #tpu.memory_space<vmem>>, vector<16xi32>,
      tpu.vector_store %arg6[%swap3A_2190, %swap3A_2191], %add3A_2188 {strides = array<i32>} : memref<2x1024xi32, #tpu.memory_space<vmem>>, vector<16xi32>,
      %get3A_2193 = arith.constant 1 : i32
      %get3A_2194 = arith.index_cast %get3A_2193 : i32 to index
      %get3A_2195 = arith.constant 928 : index
      %get3A_2196 = tpu.vector_load %arg5[%get3A_2194, %get3A_2195] {strides = array<i32>} : memref<2x1024xi32, #tpu.memory_space<vmem>>, vector<16xi32>,
      %add3A_2197 = arith.constant 57456 : i32
      %add3A_2198 = vector.broadcast %add3A_2197 : i32 to vector<16xi32>
      %add3A_2199 = arith.addi %get3A_2196, %add3A_2198 : vector<16xi32>
      %swap3A_2200 = arith.constant 1 : i32
      %swap3A_2201 = arith.index_cast %swap3A_2200 : i32 to index
      %swap3A_2202 = arith.constant 928 : index
      %swap3A_2203 = tpu.vector_load %arg6[%swap3A_2201, %swap3A_2202] {strides = array<i32>} : memref<2x1024xi32, #tpu.memory_space<vmem>>, vector<16xi32>,
      tpu.vector_store %arg6[%swap3A_2201, %swap3A_2202], %add3A_2199 {strides = array<i32>} : memref<2x1024xi32, #tpu.memory_space<vmem>>, vector<16xi32>,
      %get3A_2204 = arith.constant 1 : i32
      %get3A_2205 = arith.index_cast %get3A_2204 : i32 to index
      %get3A_2206 = arith.constant 944 : index
      %get3A_2207 = tpu.vector_load %arg5[%get3A_2205, %get3A_2206] {strides = array<i32>} : memref<2x1024xi32, #tpu.memory_space<vmem>>, vector<16xi32>,
      %add3A_2208 = arith.constant 57456 : i32
      %add3A_2209 = vector.broadcast %add3A_2208 : i32 to vector<16xi32>
      %add3A_2210 = arith.addi %get3A_2207, %add3A_2209 : vector<16xi32>
      %swap3A_2211 = arith.constant 1 : i32
      %swap3A_2212 = arith.index_cast %swap3A_2211 : i32 to index
      %swap3A_2213 = arith.constant 944 : index
      %swap3A_2214 = tpu.vector_load %arg6[%swap3A_2212, %swap3A_2213] {strides = array<i32>} : memref<2x1024xi32, #tpu.memory_space<vmem>>, vector<16xi32>,
      tpu.vector_store %arg6[%swap3A_2212, %swap3A_2213], %add3A_2210 {strides = array<i32>} : memref<2x1024xi32, #tpu.memory_space<vmem>>, vector<16xi32>,
      %get3A_2215 = arith.constant 1 : i32
      %get3A_2216 = arith.index_cast %get3A_2215 : i32 to index
      %get3A_2217 = arith.constant 960 : index
      %get3A_2218 = tpu.vector_load %arg5[%get3A_2216, %get3A_2217] {strides = array<i32>} : memref<2x1024xi32, #tpu.memory_space<vmem>>, vector<16xi32>,
      %add3A_2219 = arith.constant 57456 : i32
      %add3A_2220 = vector.broadcast %add3A_2219 : i32 to vector<16xi32>
      %add3A_2221 = arith.addi %get3A_2218, %add3A_2220 : vector<16xi32>
      %swap3A_2222 = arith.constant 1 : i32
      %swap3A_2223 = arith.index_cast %swap3A_2222 : i32 to index
      %swap3A_2224 = arith.constant 960 : index
      %swap3A_2225 = tpu.vector_load %arg6[%swap3A_2223, %swap3A_2224] {strides = array<i32>} : memref<2x1024xi32, #tpu.memory_space<vmem>>, vector<16xi32>,
      tpu.vector_store %arg6[%swap3A_2223, %swap3A_2224], %add3A_2221 {strides = array<i32>} : memref<2x1024xi32, #tpu.memory_space<vmem>>, vector<16xi32>,
      %get3A_2226 = arith.constant 1 : i32
      %get3A_2227 = arith.index_cast %get3A_2226 : i32 to index
      %get3A_2228 = arith.constant 976 : index
      %get3A_2229 = tpu.vector_load %arg5[%get3A_2227, %get3A_2228] {strides = array<i32>} : memref<2x1024xi32, #tpu.memory_space<vmem>>, vector<16xi32>,
      %add3A_2230 = arith.constant 57456 : i32
      %add3A_2231 = vector.broadcast %add3A_2230 : i32 to vector<16xi32>
      %add3A_2232 = arith.addi %get3A_2229, %add3A_2231 : vector<16xi32>
      %swap3A_2233 = arith.constant 1 : i32
      %swap3A_2234 = arith.index_cast %swap3A_2233 : i32 to index
      %swap3A_2235 = arith.constant 976 : index
      %swap3A_2236 = tpu.vector_load %arg6[%swap3A_2234, %swap3A_2235] {strides = array<i32>} : memref<2x1024xi32, #tpu.memory_space<vmem>>, vector<16xi32>,
      tpu.vector_store %arg6[%swap3A_2234, %swap3A_2235], %add3A_2232 {strides = array<i32>} : memref<2x1024xi32, #tpu.memory_space<vmem>>, vector<16xi32>,
      %get3A_2237 = arith.constant 1 : i32
      %get3A_2238 = arith.index_cast %get3A_2237 : i32 to index
      %get3A_2239 = arith.constant 992 : index
      %get3A_2240 = tpu.vector_load %arg5[%get3A_2238, %get3A_2239] {strides = array<i32>} : memref<2x1024xi32, #tpu.memory_space<vmem>>, vector<16xi32>,
      %add3A_2241 = arith.constant 57456 : i32
      %add3A_2242 = vector.broadcast %add3A_2241 : i32 to vector<16xi32>
      %add3A_2243 = arith.addi %get3A_2240, %add3A_2242 : vector<16xi32>
      %swap3A_2244 = arith.constant 1 : i32
      %swap3A_2245 = arith.index_cast %swap3A_2244 : i32 to index
      %swap3A_2246 = arith.constant 992 : index
      %swap3A_2247 = tpu.vector_load %arg6[%swap3A_2245, %swap3A_2246] {strides = array<i32>} : memref<2x1024xi32, #tpu.memory_space<vmem>>, vector<16xi32>,
      tpu.vector_store %arg6[%swap3A_2245, %swap3A_2246], %add3A_2243 {strides = array<i32>} : memref<2x1024xi32, #tpu.memory_space<vmem>>, vector<16xi32>,
      %get3A_2248 = arith.constant 1 : i32
      %get3A_2249 = arith.index_cast %get3A_2248 : i32 to index
      %get3A_2250 = arith.constant 1008 : index
      %get3A_2251 = tpu.vector_load %arg5[%get3A_2249, %get3A_2250] {strides = array<i32>} : memref<2x1024xi32, #tpu.memory_space<vmem>>, vector<16xi32>,
      %add3A_2252 = arith.constant 57456 : i32
      %add3A_2253 = vector.broadcast %add3A_2252 : i32 to vector<16xi32>
      %add3A_2254 = arith.addi %get3A_2251, %add3A_2253 : vector<16xi32>
      %swap3A_2255 = arith.constant 1 : i32
      %swap3A_2256 = arith.index_cast %swap3A_2255 : i32 to index
      %swap3A_2257 = arith.constant 1008 : index
      %swap3A_2258 = tpu.vector_load %arg6[%swap3A_2256, %swap3A_2257] {strides = array<i32>} : memref<2x1024xi32, #tpu.memory_space<vmem>>, vector<16xi32>,
      tpu.vector_store %arg6[%swap3A_2256, %swap3A_2257], %add3A_2254 {strides = array<i32>} : memref<2x1024xi32, #tpu.memory_space<vmem>>, vector<16xi32>,
      %dma_start3A_2259 = arith.constant 1 : i32
      %dma_start3A_2260 = arith.constant 1 : i32
      %dma_start3A_2261 = arith.constant 0 : i32
      %dma_start3A_2262 = arith.constant 0 : i32
      %dma_start3A_2263 = tpu.memref_slice %arg7[%dma_start3A_2260, %dma_start3A_2261, %dma_start3A_2262] : memref<2x1024x64xbf16, #tpu.memory_space<vmem>> -> memref<1x1024x64xbf16, #tpu.memory_space<vmem>>
      %dma_start3A_2264 = tpu.memref_squeeze %dma_start3A_2263 : memref<1x1024x64xbf16, #tpu.memory_space<vmem>> -> memref<1024x64xbf16, #tpu.memory_space<vmem>>
      %dma_start3A_2265 = arith.constant 0 : i32
      %dma_start3A_2266 = tpu.memref_slice %arg6[%dma_start3A_2259, %dma_start3A_2265] : memref<2x1024xi32, #tpu.memory_space<vmem>> -> memref<1x1024xi32, #tpu.memory_space<vmem>>
      %dma_start3A_2267 = tpu.memref_squeeze %dma_start3A_2266 : memref<1x1024xi32, #tpu.memory_space<vmem>> -> memref<1024xi32, #tpu.memory_space<vmem>>
      %dma_start3A_2268 = arith.constant 0 : i32
      %dma_start3A_2269 = arith.constant 0 : i32
      %dma_start3A_2270 = tpu.memref_slice %arg2[%dma_start3A_2268, %dma_start3A_2269] : memref<65664x64xbf16, #tpu.memory_space<hbm>> -> memref<65664x64xbf16, #tpu.memory_space<hbm>>
      tpu.enqueue_indirect_dma source(%dma_start3A_2270 : memref<65664x64xbf16, #tpu.memory_space<hbm>>) target(%dma_start3A_2264 : memref<1024x64xbf16, #tpu.memory_space<vmem>>) offsets(%dma_start3A_2267 : memref<1024xi32, #tpu.memory_space<vmem>>) semaphore(%arg12 : memref<!tpu.dma_semaphore, #tpu.memory_space<semaphore_mem>>)
      %add3A_2271 = arith.addi %mul3A_2, %min3A_1542 : i32
      %mul3A_2272 = arith.constant 1024 : i32
      %mul3A_2273 = arith.muli %add3A_2271, %mul3A_2272 : i32
      %dma_start3A_2274 = arith.constant 0 : i32
      %dma_start3A_2275 = arith.constant 0 : i32
      %dma_start3A_2276 = tpu.memref_slice %arg5[%dma_start3A_2274, %dma_start3A_2275] : memref<2x1024xi32, #tpu.memory_space<vmem>> -> memref<1x1024xi32, #tpu.memory_space<vmem>>
      %dma_start3A_2277 = tpu.memref_squeeze %dma_start3A_2276 : memref<1x1024xi32, #tpu.memory_space<vmem>> -> memref<1024xi32, #tpu.memory_space<vmem>>
      %dma_start3A_2278 = tpu.memref_slice %arg3[%mul3A_2273] : memref<6553600xi32, #tpu.memory_space<hbm>> -> memref<1024xi32, #tpu.memory_space<hbm>>
      %dma_start3A_2279 = arith.constant 0 : i32
      %dma_start3A_2280 = tpu.memref_slice %arg5[%dma_start3A_2274, %dma_start3A_2279] : memref<2x1024xi32, #tpu.memory_space<vmem>> -> memref<1x1024xi32, #tpu.memory_space<vmem>>
      %dma_start3A_2281 = tpu.memref_squeeze %dma_start3A_2280 : memref<1x1024xi32, #tpu.memory_space<vmem>> -> memref<1024xi32, #tpu.memory_space<vmem>>
      %dma_start3A_2282 = tpu.memref_slice %arg3[%mul3A_2273] : memref<6553600xi32, #tpu.memory_space<hbm>> -> memref<1024xi32, #tpu.memory_space<hbm>>
      tpu.enqueue_dma source(%dma_start3A_2282 : memref<1024xi32, #tpu.memory_space<hbm>>) target(%dma_start3A_2281 : memref<1024xi32, #tpu.memory_space<vmem>>) target_semaphore(%arg9 : memref<!tpu.dma_semaphore, #tpu.memory_space<semaphore_mem>>)
      %dma_wait3A_2283 = arith.constant 0 : i32
      %dma_wait3A_2284 = arith.constant 0 : i32
      %dma_wait3A_2285 = arith.constant 0 : i32
      %dma_wait3A_2286 = arith.constant 0 : i32
      %dma_wait3A_2287 = tpu.memref_slice %arg7[%dma_wait3A_2284, %dma_wait3A_2285, %dma_wait3A_2286] : memref<2x1024x64xbf16, #tpu.memory_space<vmem>> -> memref<1x1024x64xbf16, #tpu.memory_space<vmem>>
      %dma_wait3A_2288 = tpu.memref_squeeze %dma_wait3A_2287 : memref<1x1024x64xbf16, #tpu.memory_space<vmem>> -> memref<1024x64xbf16, #tpu.memory_space<vmem>>
      %dma_wait3A_2289 = arith.constant 0 : i32
      %dma_wait3A_2290 = tpu.memref_slice %arg6[%dma_wait3A_2283, %dma_wait3A_2289] : memref<2x1024xi32, #tpu.memory_space<vmem>> -> memref<1x1024xi32, #tpu.memory_space<vmem>>
      %dma_wait3A_2291 = tpu.memref_squeeze %dma_wait3A_2290 : memref<1x1024xi32, #tpu.memory_space<vmem>> -> memref<1024xi32, #tpu.memory_space<vmem>>
      %dma_wait3A_2292 = arith.constant 0 : i32
      %dma_wait3A_2293 = arith.constant 0 : i32
      %dma_wait3A_2294 = tpu.memref_slice %arg2[%dma_wait3A_2292, %dma_wait3A_2293] : memref<65664x64xbf16, #tpu.memory_space<hbm>> -> memref<65664x64xbf16, #tpu.memory_space<hbm>>
      tpu.wait_indirect_dma semaphore(%arg11 : memref<!tpu.dma_semaphore, #tpu.memory_space<semaphore_mem>>) src(%dma_wait3A_2294 : memref<65664x64xbf16, #tpu.memory_space<hbm>>) dst(%dma_wait3A_2288 : memref<1024x64xbf16, #tpu.memory_space<vmem>>)
      %add3A_2295 = arith.addi %mul3A_2, %mul3A_1535 : i32
      %jit3A_2296 = arith.constant 128 : i32
      %div3A_2297 = arith.divsi %add3A_2295, %jit3A_2296 : i32
      %sign3A_2298 = arith.constant 0 : i32
      %sign3A_2299 = arith.cmpi sgt, %add3A_2295, %sign3A_2298 : i32
      %sign3A_2300 = arith.extui %sign3A_2299 : i1 to i32
      %sign3A_2301 = arith.constant 0 : i32
      %sign3A_2302 = arith.cmpi slt, %add3A_2295, %sign3A_2301 : i32
      %sign3A_2303 = arith.extui %sign3A_2302 : i1 to i32
      %sign3A_2304 = arith.subi %sign3A_2300, %sign3A_2303 : i32
      %sign3A_2305 = arith.constant 0 : i32
      %sign3A_2306 = arith.cmpi sgt, %jit3A_2296, %sign3A_2305 : i32
      %sign3A_2307 = arith.extui %sign3A_2306 : i1 to i32
      %sign3A_2308 = arith.constant 0 : i32
      %sign3A_2309 = arith.cmpi slt, %jit3A_2296, %sign3A_2308 : i32
      %sign3A_2310 = arith.extui %sign3A_2309 : i1 to i32
      %sign3A_2311 = arith.subi %sign3A_2307, %sign3A_2310 : i32
      %ne3A_2312 = arith.cmpi ne, %sign3A_2304, %sign3A_2311 : i32
      %rem3A_2313 = arith.remsi %add3A_2295, %jit3A_2296 : i32
      %ne3A_2314 = arith.constant 0 : i32
      %ne3A_2315 = arith.cmpi ne, %rem3A_2313, %ne3A_2314 : i32
      %and3A_2316 = arith.andi %ne3A_2312, %ne3A_2315 : i1
      %sub3A_2317 = arith.constant 1 : i32
      %sub3A_2318 = arith.subi %div3A_2297, %sub3A_2317 : i32
      %select_n3A_2319 = arith.select %and3A_2316, %sub3A_2318, %div3A_2297 : i32
      %jit3A_2320 = arith.constant 128 : i32
      %eq3A_2321 = arith.constant 0 : i32
      %eq3A_2322 = arith.cmpi eq, %jit3A_2320, %eq3A_2321 : i32
      %jit3A_2323 = arith.constant 1 : i32
      %select_n3A_2324 = arith.select %eq3A_2322, %jit3A_2323, %jit3A_2320 : i32
      %rem3A_2325 = arith.remsi %add3A_2295, %select_n3A_2324 : i32
      %ne3A_2326 = arith.constant 0 : i32
      %ne3A_2327 = arith.cmpi ne, %rem3A_2325, %ne3A_2326 : i32
      %lt3A_2328 = arith.constant 0 : i32
      %lt3A_2329 = arith.cmpi slt, %rem3A_2325, %lt3A_2328 : i32
      %lt3A_2330 = arith.constant 0 : i32
      %lt3A_2331 = arith.cmpi slt, %select_n3A_2324, %lt3A_2330 : i32
      %ne3A_2332 = arith.xori %lt3A_2329, %lt3A_2331 : i1
      %and3A_2333 = arith.andi %ne3A_2332, %ne3A_2327 : i1
      %add3A_2334 = arith.addi %rem3A_2325, %select_n3A_2324 : i32
      %select_n3A_2335 = arith.select %and3A_2333, %add3A_2334, %rem3A_2325 : i32
      %mul3A_2336 = arith.constant 8 : i32
      %mul3A_2337 = arith.muli %select_n3A_2319, %mul3A_2336 : i32
      %add3A_2338 = arith.constant 0 : i32
      %add3A_2339 = arith.addi %mul3A_2337, %add3A_2338 : i32
      %mul3A_2340 = arith.constant 128 : i32
      %mul3A_2341 = arith.muli %add3A_2339, %mul3A_2340 : i32
      %add3A_2342 = arith.addi %mul3A_2341, %select_n3A_2335 : i32
      %mul3A_2343 = arith.constant 1024 : i32
      %mul3A_2344 = arith.muli %add3A_2342, %mul3A_2343 : i32
      %mul3A_2345 = arith.constant 8 : i32
      %mul3A_2346 = arith.muli %select_n3A_2319, %mul3A_2345 : i32
      %add3A_2347 = arith.constant 1 : i32
      %add3A_2348 = arith.addi %mul3A_2346, %add3A_2347 : i32
      %mul3A_2349 = arith.constant 128 : i32
      %mul3A_2350 = arith.muli %add3A_2348, %mul3A_2349 : i32
      %add3A_2351 = arith.addi %mul3A_2350, %select_n3A_2335 : i32
      %mul3A_2352 = arith.constant 1024 : i32
      %mul3A_2353 = arith.muli %add3A_2351, %mul3A_2352 : i32
      %mul3A_2354 = arith.constant 8 : i32
      %mul3A_2355 = arith.muli %select_n3A_2319, %mul3A_2354 : i32
      %add3A_2356 = arith.constant 2 : i32
      %add3A_2357 = arith.addi %mul3A_2355, %add3A_2356 : i32
      %mul3A_2358 = arith.constant 128 : i32
      %mul3A_2359 = arith.muli %add3A_2357, %mul3A_2358 : i32
      %add3A_2360 = arith.addi %mul3A_2359, %select_n3A_2335 : i32
      %mul3A_2361 = arith.constant 1024 : i32
      %mul3A_2362 = arith.muli %add3A_2360, %mul3A_2361 : i32
      %mul3A_2363 = arith.constant 8 : i32
      %mul3A_2364 = arith.muli %select_n3A_2319, %mul3A_2363 : i32
      %add3A_2365 = arith.constant 3 : i32
      %add3A_2366 = arith.addi %mul3A_2364, %add3A_2365 : i32
      %mul3A_2367 = arith.constant 128 : i32
      %mul3A_2368 = arith.muli %add3A_2366, %mul3A_2367 : i32
      %add3A_2369 = arith.addi %mul3A_2368, %select_n3A_2335 : i32
      %mul3A_2370 = arith.constant 1024 : i32
      %mul3A_2371 = arith.muli %add3A_2369, %mul3A_2370 : i32
      %mul3A_2372 = arith.constant 8 : i32
      %mul3A_2373 = arith.muli %select_n3A_2319, %mul3A_2372 : i32
      %add3A_2374 = arith.constant 4 : i32
      %add3A_2375 = arith.addi %mul3A_2373, %add3A_2374 : i32
      %mul3A_2376 = arith.constant 128 : i32
      %mul3A_2377 = arith.muli %add3A_2375, %mul3A_2376 : i32
      %add3A_2378 = arith.addi %mul3A_2377, %select_n3A_2335 : i32
      %mul3A_2379 = arith.constant 1024 : i32
      %mul3A_2380 = arith.muli %add3A_2378, %mul3A_2379 : i32
      %mul3A_2381 = arith.constant 8 : i32
      %mul3A_2382 = arith.muli %select_n3A_2319, %mul3A_2381 : i32
      %add3A_2383 = arith.constant 5 : i32
      %add3A_2384 = arith.addi %mul3A_2382, %add3A_2383 : i32
      %mul3A_2385 = arith.constant 128 : i32
      %mul3A_2386 = arith.muli %add3A_2384, %mul3A_2385 : i32
      %add3A_2387 = arith.addi %mul3A_2386, %select_n3A_2335 : i32
      %mul3A_2388 = arith.constant 1024 : i32
      %mul3A_2389 = arith.muli %add3A_2387, %mul3A_2388 : i32
      %mul3A_2390 = arith.constant 8 : i32
      %mul3A_2391 = arith.muli %select_n3A_2319, %mul3A_2390 : i32
      %add3A_2392 = arith.constant 6 : i32
      %add3A_2393 = arith.addi %mul3A_2391, %add3A_2392 : i32
      %mul3A_2394 = arith.constant 128 : i32
      %mul3A_2395 = arith.muli %add3A_2393, %mul3A_2394 : i32
      %add3A_2396 = arith.addi %mul3A_2395, %select_n3A_2335 : i32
      %mul3A_2397 = arith.constant 1024 : i32
      %mul3A_2398 = arith.muli %add3A_2396, %mul3A_2397 : i32
      %mul3A_2399 = arith.constant 8 : i32
      %mul3A_2400 = arith.muli %select_n3A_2319, %mul3A_2399 : i32
      %add3A_2401 = arith.constant 7 : i32
      %add3A_2402 = arith.addi %mul3A_2400, %add3A_2401 : i32
      %mul3A_2403 = arith.constant 128 : i32
      %mul3A_2404 = arith.muli %add3A_2402, %mul3A_2403 : i32
      %add3A_2405 = arith.addi %mul3A_2404, %select_n3A_2335 : i32
      %mul3A_2406 = arith.constant 1024 : i32
      %mul3A_2407 = arith.muli %add3A_2405, %mul3A_2406 : i32
      %dma_wait3A_2408 = arith.constant 0 : i32
      %dma_wait3A_2409 = arith.constant 0 : i32
      %dma_wait3A_2410 = tpu.memref_slice %arg8[%dma_wait3A_2408, %dma_wait3A_2409] : memref<2x8192xf32, #tpu.memory_space<vmem>> -> memref<1x1024xf32, #tpu.memory_space<vmem>>
      %dma_wait3A_2411 = tpu.memref_squeeze %dma_wait3A_2410 : memref<1x1024xf32, #tpu.memory_space<vmem>> -> memref<1024xf32, #tpu.memory_space<vmem>>
      %dma_wait3A_2412 = tpu.memref_slice %arg4[%mul3A_2344] : memref<52428800xf32, #tpu.memory_space<hbm>> -> memref<1024xf32, #tpu.memory_space<hbm>>
      %dma_wait3A_2413 = tpu.memref_slice %arg4[%mul3A_2344] : memref<52428800xf32, #tpu.memory_space<hbm>> -> memref<1024xf32, #tpu.memory_space<hbm>>
      %dma_wait3A_2414 = arith.constant 0 : i32
      %dma_wait3A_2415 = tpu.memref_slice %arg8[%dma_wait3A_2408, %dma_wait3A_2414] : memref<2x8192xf32, #tpu.memory_space<vmem>> -> memref<1x1024xf32, #tpu.memory_space<vmem>>
      %dma_wait3A_2416 = tpu.memref_squeeze %dma_wait3A_2415 : memref<1x1024xf32, #tpu.memory_space<vmem>> -> memref<1024xf32, #tpu.memory_space<vmem>>
      tpu.wait_dma2 semaphore(%arg13 : memref<!tpu.dma_semaphore, #tpu.memory_space<semaphore_mem>>) src(%dma_wait3A_2416 : memref<1024xf32, #tpu.memory_space<vmem>>) dst(%dma_wait3A_2413 : memref<1024xf32, #tpu.memory_space<hbm>>)
      %dma_wait3A_2417 = arith.constant 0 : i32
      %dma_wait3A_2418 = arith.constant 1024 : i32
      %dma_wait3A_2419 = tpu.memref_slice %arg8[%dma_wait3A_2417, %dma_wait3A_2418] : memref<2x8192xf32, #tpu.memory_space<vmem>> -> memref<1x1024xf32, #tpu.memory_space<vmem>>
      %dma_wait3A_2420 = tpu.memref_squeeze %dma_wait3A_2419 : memref<1x1024xf32, #tpu.memory_space<vmem>> -> memref<1024xf32, #tpu.memory_space<vmem>>
      %dma_wait3A_2421 = tpu.memref_slice %arg4[%mul3A_2353] : memref<52428800xf32, #tpu.memory_space<hbm>> -> memref<1024xf32, #tpu.memory_space<hbm>>
      %dma_wait3A_2422 = tpu.memref_slice %arg4[%mul3A_2353] : memref<52428800xf32, #tpu.memory_space<hbm>> -> memref<1024xf32, #tpu.memory_space<hbm>>
      %dma_wait3A_2423 = arith.constant 1024 : i32
      %dma_wait3A_2424 = tpu.memref_slice %arg8[%dma_wait3A_2417, %dma_wait3A_2423] : memref<2x8192xf32, #tpu.memory_space<vmem>> -> memref<1x1024xf32, #tpu.memory_space<vmem>>
      %dma_wait3A_2425 = tpu.memref_squeeze %dma_wait3A_2424 : memref<1x1024xf32, #tpu.memory_space<vmem>> -> memref<1024xf32, #tpu.memory_space<vmem>>
      tpu.wait_dma2 semaphore(%arg13 : memref<!tpu.dma_semaphore, #tpu.memory_space<semaphore_mem>>) src(%dma_wait3A_2425 : memref<1024xf32, #tpu.memory_space<vmem>>) dst(%dma_wait3A_2422 : memref<1024xf32, #tpu.memory_space<hbm>>)
      %dma_wait3A_2426 = arith.constant 0 : i32
      %dma_wait3A_2427 = arith.constant 2048 : i32
      %dma_wait3A_2428 = tpu.memref_slice %arg8[%dma_wait3A_2426, %dma_wait3A_2427] : memref<2x8192xf32, #tpu.memory_space<vmem>> -> memref<1x1024xf32, #tpu.memory_space<vmem>>
      %dma_wait3A_2429 = tpu.memref_squeeze %dma_wait3A_2428 : memref<1x1024xf32, #tpu.memory_space<vmem>> -> memref<1024xf32, #tpu.memory_space<vmem>>
      %dma_wait3A_2430 = tpu.memref_slice %arg4[%mul3A_2362] : memref<52428800xf32, #tpu.memory_space<hbm>> -> memref<1024xf32, #tpu.memory_space<hbm>>
      %dma_wait3A_2431 = tpu.memref_slice %arg4[%mul3A_2362] : memref<52428800xf32, #tpu.memory_space<hbm>> -> memref<1024xf32, #tpu.memory_space<hbm>>
      %dma_wait3A_2432 = arith.constant 2048 : i32
      %dma_wait3A_2433 = tpu.memref_slice %arg8[%dma_wait3A_2426, %dma_wait3A_2432] : memref<2x8192xf32, #tpu.memory_space<vmem>> -> memref<1x1024xf32, #tpu.memory_space<vmem>>
      %dma_wait3A_2434 = tpu.memref_squeeze %dma_wait3A_2433 : memref<1x1024xf32, #tpu.memory_space<vmem>> -> memref<1024xf32, #tpu.memory_space<vmem>>
      tpu.wait_dma2 semaphore(%arg13 : memref<!tpu.dma_semaphore, #tpu.memory_space<semaphore_mem>>) src(%dma_wait3A_2434 : memref<1024xf32, #tpu.memory_space<vmem>>) dst(%dma_wait3A_2431 : memref<1024xf32, #tpu.memory_space<hbm>>)
      %dma_wait3A_2435 = arith.constant 0 : i32
      %dma_wait3A_2436 = arith.constant 3072 : i32
      %dma_wait3A_2437 = tpu.memref_slice %arg8[%dma_wait3A_2435, %dma_wait3A_2436] : memref<2x8192xf32, #tpu.memory_space<vmem>> -> memref<1x1024xf32, #tpu.memory_space<vmem>>
      %dma_wait3A_2438 = tpu.memref_squeeze %dma_wait3A_2437 : memref<1x1024xf32, #tpu.memory_space<vmem>> -> memref<1024xf32, #tpu.memory_space<vmem>>
      %dma_wait3A_2439 = tpu.memref_slice %arg4[%mul3A_2371] : memref<52428800xf32, #tpu.memory_space<hbm>> -> memref<1024xf32, #tpu.memory_space<hbm>>
      %dma_wait3A_2440 = tpu.memref_slice %arg4[%mul3A_2371] : memref<52428800xf32, #tpu.memory_space<hbm>> -> memref<1024xf32, #tpu.memory_space<hbm>>
      %dma_wait3A_2441 = arith.constant 3072 : i32
      %dma_wait3A_2442 = tpu.memref_slice %arg8[%dma_wait3A_2435, %dma_wait3A_2441] : memref<2x8192xf32, #tpu.memory_space<vmem>> -> memref<1x1024xf32, #tpu.memory_space<vmem>>
      %dma_wait3A_2443 = tpu.memref_squeeze %dma_wait3A_2442 : memref<1x1024xf32, #tpu.memory_space<vmem>> -> memref<1024xf32, #tpu.memory_space<vmem>>
      tpu.wait_dma2 semaphore(%arg13 : memref<!tpu.dma_semaphore, #tpu.memory_space<semaphore_mem>>) src(%dma_wait3A_2443 : memref<1024xf32, #tpu.memory_space<vmem>>) dst(%dma_wait3A_2440 : memref<1024xf32, #tpu.memory_space<hbm>>)
      %dma_wait3A_2444 = arith.constant 0 : i32
      %dma_wait3A_2445 = arith.constant 4096 : i32
      %dma_wait3A_2446 = tpu.memref_slice %arg8[%dma_wait3A_2444, %dma_wait3A_2445] : memref<2x8192xf32, #tpu.memory_space<vmem>> -> memref<1x1024xf32, #tpu.memory_space<vmem>>
      %dma_wait3A_2447 = tpu.memref_squeeze %dma_wait3A_2446 : memref<1x1024xf32, #tpu.memory_space<vmem>> -> memref<1024xf32, #tpu.memory_space<vmem>>
      %dma_wait3A_2448 = tpu.memref_slice %arg4[%mul3A_2380] : memref<52428800xf32, #tpu.memory_space<hbm>> -> memref<1024xf32, #tpu.memory_space<hbm>>
      %dma_wait3A_2449 = tpu.memref_slice %arg4[%mul3A_2380] : memref<52428800xf32, #tpu.memory_space<hbm>> -> memref<1024xf32, #tpu.memory_space<hbm>>
      %dma_wait3A_2450 = arith.constant 4096 : i32
      %dma_wait3A_2451 = tpu.memref_slice %arg8[%dma_wait3A_2444, %dma_wait3A_2450] : memref<2x8192xf32, #tpu.memory_space<vmem>> -> memref<1x1024xf32, #tpu.memory_space<vmem>>
      %dma_wait3A_2452 = tpu.memref_squeeze %dma_wait3A_2451 : memref<1x1024xf32, #tpu.memory_space<vmem>> -> memref<1024xf32, #tpu.memory_space<vmem>>
      tpu.wait_dma2 semaphore(%arg13 : memref<!tpu.dma_semaphore, #tpu.memory_space<semaphore_mem>>) src(%dma_wait3A_2452 : memref<1024xf32, #tpu.memory_space<vmem>>) dst(%dma_wait3A_2449 : memref<1024xf32, #tpu.memory_space<hbm>>)
      %dma_wait3A_2453 = arith.constant 0 : i32
      %dma_wait3A_2454 = arith.constant 5120 : i32
      %dma_wait3A_2455 = tpu.memref_slice %arg8[%dma_wait3A_2453, %dma_wait3A_2454] : memref<2x8192xf32, #tpu.memory_space<vmem>> -> memref<1x1024xf32, #tpu.memory_space<vmem>>
      %dma_wait3A_2456 = tpu.memref_squeeze %dma_wait3A_2455 : memref<1x1024xf32, #tpu.memory_space<vmem>> -> memref<1024xf32, #tpu.memory_space<vmem>>
      %dma_wait3A_2457 = tpu.memref_slice %arg4[%mul3A_2389] : memref<52428800xf32, #tpu.memory_space<hbm>> -> memref<1024xf32, #tpu.memory_space<hbm>>
      %dma_wait3A_2458 = tpu.memref_slice %arg4[%mul3A_2389] : memref<52428800xf32, #tpu.memory_space<hbm>> -> memref<1024xf32, #tpu.memory_space<hbm>>
      %dma_wait3A_2459 = arith.constant 5120 : i32
      %dma_wait3A_2460 = tpu.memref_slice %arg8[%dma_wait3A_2453, %dma_wait3A_2459] : memref<2x8192xf32, #tpu.memory_space<vmem>> -> memref<1x1024xf32, #tpu.memory_space<vmem>>
      %dma_wait3A_2461 = tpu.memref_squeeze %dma_wait3A_2460 : memref<1x1024xf32, #tpu.memory_space<vmem>> -> memref<1024xf32, #tpu.memory_space<vmem>>
      tpu.wait_dma2 semaphore(%arg13 : memref<!tpu.dma_semaphore, #tpu.memory_space<semaphore_mem>>) src(%dma_wait3A_2461 : memref<1024xf32, #tpu.memory_space<vmem>>) dst(%dma_wait3A_2458 : memref<1024xf32, #tpu.memory_space<hbm>>)
      %dma_wait3A_2462 = arith.constant 0 : i32
      %dma_wait3A_2463 = arith.constant 6144 : i32
      %dma_wait3A_2464 = tpu.memref_slice %arg8[%dma_wait3A_2462, %dma_wait3A_2463] : memref<2x8192xf32, #tpu.memory_space<vmem>> -> memref<1x1024xf32, #tpu.memory_space<vmem>>
      %dma_wait3A_2465 = tpu.memref_squeeze %dma_wait3A_2464 : memref<1x1024xf32, #tpu.memory_space<vmem>> -> memref<1024xf32, #tpu.memory_space<vmem>>
      %dma_wait3A_2466 = tpu.memref_slice %arg4[%mul3A_2398] : memref<52428800xf32, #tpu.memory_space<hbm>> -> memref<1024xf32, #tpu.memory_space<hbm>>
      %dma_wait3A_2467 = tpu.memref_slice %arg4[%mul3A_2398] : memref<52428800xf32, #tpu.memory_space<hbm>> -> memref<1024xf32, #tpu.memory_space<hbm>>
      %dma_wait3A_2468 = arith.constant 6144 : i32
      %dma_wait3A_2469 = tpu.memref_slice %arg8[%dma_wait3A_2462, %dma_wait3A_2468] : memref<2x8192xf32, #tpu.memory_space<vmem>> -> memref<1x1024xf32, #tpu.memory_space<vmem>>
      %dma_wait3A_2470 = tpu.memref_squeeze %dma_wait3A_2469 : memref<1x1024xf32, #tpu.memory_space<vmem>> -> memref<1024xf32, #tpu.memory_space<vmem>>
      tpu.wait_dma2 semaphore(%arg13 : memref<!tpu.dma_semaphore, #tpu.memory_space<semaphore_mem>>) src(%dma_wait3A_2470 : memref<1024xf32, #tpu.memory_space<vmem>>) dst(%dma_wait3A_2467 : memref<1024xf32, #tpu.memory_space<hbm>>)
      %dma_wait3A_2471 = arith.constant 0 : i32
      %dma_wait3A_2472 = arith.constant 7168 : i32
      %dma_wait3A_2473 = tpu.memref_slice %arg8[%dma_wait3A_2471, %dma_wait3A_2472] : memref<2x8192xf32, #tpu.memory_space<vmem>> -> memref<1x1024xf32, #tpu.memory_space<vmem>>
      %dma_wait3A_2474 = tpu.memref_squeeze %dma_wait3A_2473 : memref<1x1024xf32, #tpu.memory_space<vmem>> -> memref<1024xf32, #tpu.memory_space<vmem>>
      %dma_wait3A_2475 = tpu.memref_slice %arg4[%mul3A_2407] : memref<52428800xf32, #tpu.memory_space<hbm>> -> memref<1024xf32, #tpu.memory_space<hbm>>
      %dma_wait3A_2476 = tpu.memref_slice %arg4[%mul3A_2407] : memref<52428800xf32, #tpu.memory_space<hbm>> -> memref<1024xf32, #tpu.memory_space<hbm>>
      %dma_wait3A_2477 = arith.constant 7168 : i32
      %dma_wait3A_2478 = tpu.memref_slice %arg8[%dma_wait3A_2471, %dma_wait3A_2477] : memref<2x8192xf32, #tpu.memory_space<vmem>> -> memref<1x1024xf32, #tpu.memory_space<vmem>>
      %dma_wait3A_2479 = tpu.memref_squeeze %dma_wait3A_2478 : memref<1x1024xf32, #tpu.memory_space<vmem>> -> memref<1024xf32, #tpu.memory_space<vmem>>
      tpu.wait_dma2 semaphore(%arg13 : memref<!tpu.dma_semaphore, #tpu.memory_space<semaphore_mem>>) src(%dma_wait3A_2479 : memref<1024xf32, #tpu.memory_space<vmem>>) dst(%dma_wait3A_2476 : memref<1024xf32, #tpu.memory_space<hbm>>)
      %parallel_loop3A = arith.constant 0 : i32
      %parallel_loop3A_2480 = arith.constant 128 : i32
      %parallel_loop3A_2481 = arith.constant 1 : i32
      scf.for %parallel_loop3A_3804 = %parallel_loop3A to %parallel_loop3A_2480 step %parallel_loop3A_2481  : i32 {
        %parallel_loop3A_3805 = arith.constant 0 : i32
        %parallel_loop3A_3806 = arith.addi %parallel_loop3A_3805, %parallel_loop3A_3804 : i32
        %parallel_loop3A_3807 = arith.constant 0 : i32
        %parallel_loop3A_3808 = arith.index_cast %parallel_loop3A_3807 : i32 to index
        %parallel_loop3A_3809 = arith.index_cast %parallel_loop3A_3806 : i32 to index
        %parallel_loop3A_3810 = arith.constant 0 : index
        %parallel_loop3A_3811 = tpu.vector_load %arg7[%parallel_loop3A_3808, %parallel_loop3A_3809, %parallel_loop3A_3810] {strides = array<i32>} : memref<2x1024x64xbf16, #tpu.memory_space<vmem>>, vector<32xbf16>,
        %parallel_loop3A_3812 = arith.constant 128 : i32
        %parallel_loop3A_3813 = arith.addi %parallel_loop3A_3812, %parallel_loop3A_3804 : i32
        %parallel_loop3A_3814 = arith.constant 0 : i32
        %parallel_loop3A_3815 = arith.index_cast %parallel_loop3A_3814 : i32 to index
        %parallel_loop3A_3816 = arith.index_cast %parallel_loop3A_3813 : i32 to index
        %parallel_loop3A_3817 = arith.constant 0 : index
        %parallel_loop3A_3818 = tpu.vector_load %arg7[%parallel_loop3A_3815, %parallel_loop3A_3816, %parallel_loop3A_3817] {strides = array<i32>} : memref<2x1024x64xbf16, #tpu.memory_space<vmem>>, vector<32xbf16>,
        %parallel_loop3A_3819 = arith.constant 256 : i32
        %parallel_loop3A_3820 = arith.addi %parallel_loop3A_3819, %parallel_loop3A_3804 : i32
        %parallel_loop3A_3821 = arith.constant 0 : i32
        %parallel_loop3A_3822 = arith.index_cast %parallel_loop3A_3821 : i32 to index
        %parallel_loop3A_3823 = arith.index_cast %parallel_loop3A_3820 : i32 to index
        %parallel_loop3A_3824 = arith.constant 0 : index
        %parallel_loop3A_3825 = tpu.vector_load %arg7[%parallel_loop3A_3822, %parallel_loop3A_3823, %parallel_loop3A_3824] {strides = array<i32>} : memref<2x1024x64xbf16, #tpu.memory_space<vmem>>, vector<32xbf16>,
        %parallel_loop3A_3826 = arith.constant 384 : i32
        %parallel_loop3A_3827 = arith.addi %parallel_loop3A_3826, %parallel_loop3A_3804 : i32
        %parallel_loop3A_3828 = arith.constant 0 : i32
        %parallel_loop3A_3829 = arith.index_cast %parallel_loop3A_3828 : i32 to index
        %parallel_loop3A_3830 = arith.index_cast %parallel_loop3A_3827 : i32 to index
        %parallel_loop3A_3831 = arith.constant 0 : index
        %parallel_loop3A_3832 = tpu.vector_load %arg7[%parallel_loop3A_3829, %parallel_loop3A_3830, %parallel_loop3A_3831] {strides = array<i32>} : memref<2x1024x64xbf16, #tpu.memory_space<vmem>>, vector<32xbf16>,
        %parallel_loop3A_3833 = arith.constant 512 : i32
        %parallel_loop3A_3834 = arith.addi %parallel_loop3A_3833, %parallel_loop3A_3804 : i32
        %parallel_loop3A_3835 = arith.constant 0 : i32
        %parallel_loop3A_3836 = arith.index_cast %parallel_loop3A_3835 : i32 to index
        %parallel_loop3A_3837 = arith.index_cast %parallel_loop3A_3834 : i32 to index
        %parallel_loop3A_3838 = arith.constant 0 : index
        %parallel_loop3A_3839 = tpu.vector_load %arg7[%parallel_loop3A_3836, %parallel_loop3A_3837, %parallel_loop3A_3838] {strides = array<i32>} : memref<2x1024x64xbf16, #tpu.memory_space<vmem>>, vector<32xbf16>,
        %parallel_loop3A_3840 = arith.constant 640 : i32
        %parallel_loop3A_3841 = arith.addi %parallel_loop3A_3840, %parallel_loop3A_3804 : i32
        %parallel_loop3A_3842 = arith.constant 0 : i32
        %parallel_loop3A_3843 = arith.index_cast %parallel_loop3A_3842 : i32 to index
        %parallel_loop3A_3844 = arith.index_cast %parallel_loop3A_3841 : i32 to index
        %parallel_loop3A_3845 = arith.constant 0 : index
        %parallel_loop3A_3846 = tpu.vector_load %arg7[%parallel_loop3A_3843, %parallel_loop3A_3844, %parallel_loop3A_3845] {strides = array<i32>} : memref<2x1024x64xbf16, #tpu.memory_space<vmem>>, vector<32xbf16>,
        %parallel_loop3A_3847 = arith.constant 768 : i32
        %parallel_loop3A_3848 = arith.addi %parallel_loop3A_3847, %parallel_loop3A_3804 : i32
        %parallel_loop3A_3849 = arith.constant 0 : i32
        %parallel_loop3A_3850 = arith.index_cast %parallel_loop3A_3849 : i32 to index
        %parallel_loop3A_3851 = arith.index_cast %parallel_loop3A_3848 : i32 to index
        %parallel_loop3A_3852 = arith.constant 0 : index
        %parallel_loop3A_3853 = tpu.vector_load %arg7[%parallel_loop3A_3850, %parallel_loop3A_3851, %parallel_loop3A_3852] {strides = array<i32>} : memref<2x1024x64xbf16, #tpu.memory_space<vmem>>, vector<32xbf16>,
        %parallel_loop3A_3854 = arith.constant 896 : i32
        %parallel_loop3A_3855 = arith.addi %parallel_loop3A_3854, %parallel_loop3A_3804 : i32
        %parallel_loop3A_3856 = arith.constant 0 : i32
        %parallel_loop3A_3857 = arith.index_cast %parallel_loop3A_3856 : i32 to index
        %parallel_loop3A_3858 = arith.index_cast %parallel_loop3A_3855 : i32 to index
        %parallel_loop3A_3859 = arith.constant 0 : index
        %parallel_loop3A_3860 = tpu.vector_load %arg7[%parallel_loop3A_3857, %parallel_loop3A_3858, %parallel_loop3A_3859] {strides = array<i32>} : memref<2x1024x64xbf16, #tpu.memory_space<vmem>>, vector<32xbf16>,
        %parallel_loop3A_3861 = arith.addf %parallel_loop3A_3811, %parallel_loop3A_3818 : vector<32xbf16>
        %parallel_loop3A_3862 = arith.addf %parallel_loop3A_3825, %parallel_loop3A_3832 : vector<32xbf16>
        %parallel_loop3A_3863 = arith.addf %parallel_loop3A_3839, %parallel_loop3A_3846 : vector<32xbf16>
        %parallel_loop3A_3864 = arith.addf %parallel_loop3A_3853, %parallel_loop3A_3860 : vector<32xbf16>
        %parallel_loop3A_3865 = arith.addf %parallel_loop3A_3861, %parallel_loop3A_3862 : vector<32xbf16>
        %parallel_loop3A_3866 = arith.addf %parallel_loop3A_3863, %parallel_loop3A_3864 : vector<32xbf16>
        %parallel_loop3A_3867 = arith.addf %parallel_loop3A_3865, %parallel_loop3A_3866 : vector<32xbf16>
        %parallel_loop3A_3868 = tpu.unpack_subelements %parallel_loop3A_3867, 0 {pack_format = #tpu.pack_format<interleaved>} : vector<32xbf16> -> vector<16xf32>
        %parallel_loop3A_3869 = tpu.unpack_subelements %parallel_loop3A_3867, 1 {pack_format = #tpu.pack_format<interleaved>} : vector<32xbf16> -> vector<16xf32>
        %parallel_loop3A_3870 = vector.broadcast %parallel_loop3A_3804 : i32 to vector<16xi32>
        %parallel_loop3A_3871 = arith.addi %add3A_8, %parallel_loop3A_3870 : vector<16xi32>
        %parallel_loop3A_3872 = arith.constant 0 : i32
        %parallel_loop3A_3873 = arith.constant 0 : i32
        %parallel_loop3A_3874 = tpu.memref_slice %arg8[%parallel_loop3A_3872, %parallel_loop3A_3873] : memref<2x8192xf32, #tpu.memory_space<vmem>> -> memref<1x8192xf32, #tpu.memory_space<vmem>>
        %parallel_loop3A_3875 = tpu.memref_squeeze %parallel_loop3A_3874 : memref<1x8192xf32, #tpu.memory_space<vmem>> -> memref<8192xf32, #tpu.memory_space<vmem>>
        tpu.vector_store_idx %parallel_loop3A_3875[%parallel_loop3A_3871], %parallel_loop3A_3868 : memref<8192xf32, #tpu.memory_space<vmem>>[vector<16xi32>], vector<16xf32>,
        %parallel_loop3A_3876 = vector.broadcast %parallel_loop3A_3804 : i32 to vector<16xi32>
        %parallel_loop3A_3877 = arith.addi %add3A_11, %parallel_loop3A_3876 : vector<16xi32>
        %parallel_loop3A_3878 = arith.constant 0 : i32
        %parallel_loop3A_3879 = arith.constant 0 : i32
        %parallel_loop3A_3880 = tpu.memref_slice %arg8[%parallel_loop3A_3878, %parallel_loop3A_3879] : memref<2x8192xf32, #tpu.memory_space<vmem>> -> memref<1x8192xf32, #tpu.memory_space<vmem>>
        %parallel_loop3A_3881 = tpu.memref_squeeze %parallel_loop3A_3880 : memref<1x8192xf32, #tpu.memory_space<vmem>> -> memref<8192xf32, #tpu.memory_space<vmem>>
        tpu.vector_store_idx %parallel_loop3A_3881[%parallel_loop3A_3877], %parallel_loop3A_3869 : memref<8192xf32, #tpu.memory_space<vmem>>[vector<16xi32>], vector<16xf32>,
        %parallel_loop3A_3882 = arith.constant 0 : i32
        %parallel_loop3A_3883 = arith.addi %parallel_loop3A_3882, %parallel_loop3A_3804 : i32
        %parallel_loop3A_3884 = arith.constant 0 : i32
        %parallel_loop3A_3885 = arith.index_cast %parallel_loop3A_3884 : i32 to index
        %parallel_loop3A_3886 = arith.index_cast %parallel_loop3A_3883 : i32 to index
        %parallel_loop3A_3887 = arith.constant 32 : index
        %parallel_loop3A_3888 = tpu.vector_load %arg7[%parallel_loop3A_3885, %parallel_loop3A_3886, %parallel_loop3A_3887] {strides = array<i32>} : memref<2x1024x64xbf16, #tpu.memory_space<vmem>>, vector<32xbf16>,
        %parallel_loop3A_3889 = arith.constant 128 : i32
        %parallel_loop3A_3890 = arith.addi %parallel_loop3A_3889, %parallel_loop3A_3804 : i32
        %parallel_loop3A_3891 = arith.constant 0 : i32
        %parallel_loop3A_3892 = arith.index_cast %parallel_loop3A_3891 : i32 to index
        %parallel_loop3A_3893 = arith.index_cast %parallel_loop3A_3890 : i32 to index
        %parallel_loop3A_3894 = arith.constant 32 : index
        %parallel_loop3A_3895 = tpu.vector_load %arg7[%parallel_loop3A_3892, %parallel_loop3A_3893, %parallel_loop3A_3894] {strides = array<i32>} : memref<2x1024x64xbf16, #tpu.memory_space<vmem>>, vector<32xbf16>,
        %parallel_loop3A_3896 = arith.constant 256 : i32
        %parallel_loop3A_3897 = arith.addi %parallel_loop3A_3896, %parallel_loop3A_3804 : i32
        %parallel_loop3A_3898 = arith.constant 0 : i32
        %parallel_loop3A_3899 = arith.index_cast %parallel_loop3A_3898 : i32 to index
        %parallel_loop3A_3900 = arith.index_cast %parallel_loop3A_3897 : i32 to index
        %parallel_loop3A_3901 = arith.constant 32 : index
        %parallel_loop3A_3902 = tpu.vector_load %arg7[%parallel_loop3A_3899, %parallel_loop3A_3900, %parallel_loop3A_3901] {strides = array<i32>} : memref<2x1024x64xbf16, #tpu.memory_space<vmem>>, vector<32xbf16>,
        %parallel_loop3A_3903 = arith.constant 384 : i32
        %parallel_loop3A_3904 = arith.addi %parallel_loop3A_3903, %parallel_loop3A_3804 : i32
        %parallel_loop3A_3905 = arith.constant 0 : i32
        %parallel_loop3A_3906 = arith.index_cast %parallel_loop3A_3905 : i32 to index
        %parallel_loop3A_3907 = arith.index_cast %parallel_loop3A_3904 : i32 to index
        %parallel_loop3A_3908 = arith.constant 32 : index
        %parallel_loop3A_3909 = tpu.vector_load %arg7[%parallel_loop3A_3906, %parallel_loop3A_3907, %parallel_loop3A_3908] {strides = array<i32>} : memref<2x1024x64xbf16, #tpu.memory_space<vmem>>, vector<32xbf16>,
        %parallel_loop3A_3910 = arith.constant 512 : i32
        %parallel_loop3A_3911 = arith.addi %parallel_loop3A_3910, %parallel_loop3A_3804 : i32
        %parallel_loop3A_3912 = arith.constant 0 : i32
        %parallel_loop3A_3913 = arith.index_cast %parallel_loop3A_3912 : i32 to index
        %parallel_loop3A_3914 = arith.index_cast %parallel_loop3A_3911 : i32 to index
        %parallel_loop3A_3915 = arith.constant 32 : index
        %parallel_loop3A_3916 = tpu.vector_load %arg7[%parallel_loop3A_3913, %parallel_loop3A_3914, %parallel_loop3A_3915] {strides = array<i32>} : memref<2x1024x64xbf16, #tpu.memory_space<vmem>>, vector<32xbf16>,
        %parallel_loop3A_3917 = arith.constant 640 : i32
        %parallel_loop3A_3918 = arith.addi %parallel_loop3A_3917, %parallel_loop3A_3804 : i32
        %parallel_loop3A_3919 = arith.constant 0 : i32
        %parallel_loop3A_3920 = arith.index_cast %parallel_loop3A_3919 : i32 to index
        %parallel_loop3A_3921 = arith.index_cast %parallel_loop3A_3918 : i32 to index
        %parallel_loop3A_3922 = arith.constant 32 : index
        %parallel_loop3A_3923 = tpu.vector_load %arg7[%parallel_loop3A_3920, %parallel_loop3A_3921, %parallel_loop3A_3922] {strides = array<i32>} : memref<2x1024x64xbf16, #tpu.memory_space<vmem>>, vector<32xbf16>,
        %parallel_loop3A_3924 = arith.constant 768 : i32
        %parallel_loop3A_3925 = arith.addi %parallel_loop3A_3924, %parallel_loop3A_3804 : i32
        %parallel_loop3A_3926 = arith.constant 0 : i32
        %parallel_loop3A_3927 = arith.index_cast %parallel_loop3A_3926 : i32 to index
        %parallel_loop3A_3928 = arith.index_cast %parallel_loop3A_3925 : i32 to index
        %parallel_loop3A_3929 = arith.constant 32 : index
        %parallel_loop3A_3930 = tpu.vector_load %arg7[%parallel_loop3A_3927, %parallel_loop3A_3928, %parallel_loop3A_3929] {strides = array<i32>} : memref<2x1024x64xbf16, #tpu.memory_space<vmem>>, vector<32xbf16>,
        %parallel_loop3A_3931 = arith.constant 896 : i32
        %parallel_loop3A_3932 = arith.addi %parallel_loop3A_3931, %parallel_loop3A_3804 : i32
        %parallel_loop3A_3933 = arith.constant 0 : i32
        %parallel_loop3A_3934 = arith.index_cast %parallel_loop3A_3933 : i32 to index
        %parallel_loop3A_3935 = arith.index_cast %parallel_loop3A_3932 : i32 to index
        %parallel_loop3A_3936 = arith.constant 32 : index
        %parallel_loop3A_3937 = tpu.vector_load %arg7[%parallel_loop3A_3934, %parallel_loop3A_3935, %parallel_loop3A_3936] {strides = array<i32>} : memref<2x1024x64xbf16, #tpu.memory_space<vmem>>, vector<32xbf16>,
        %parallel_loop3A_3938 = arith.addf %parallel_loop3A_3888, %parallel_loop3A_3895 : vector<32xbf16>
        %parallel_loop3A_3939 = arith.addf %parallel_loop3A_3902, %parallel_loop3A_3909 : vector<32xbf16>
        %parallel_loop3A_3940 = arith.addf %parallel_loop3A_3916, %parallel_loop3A_3923 : vector<32xbf16>
        %parallel_loop3A_3941 = arith.addf %parallel_loop3A_3930, %parallel_loop3A_3937 : vector<32xbf16>
        %parallel_loop3A_3942 = arith.addf %parallel_loop3A_3938, %parallel_loop3A_3939 : vector<32xbf16>
        %parallel_loop3A_3943 = arith.addf %parallel_loop3A_3940, %parallel_loop3A_3941 : vector<32xbf16>
        %parallel_loop3A_3944 = arith.addf %parallel_loop3A_3942, %parallel_loop3A_3943 : vector<32xbf16>
        %parallel_loop3A_3945 = tpu.unpack_subelements %parallel_loop3A_3944, 0 {pack_format = #tpu.pack_format<interleaved>} : vector<32xbf16> -> vector<16xf32>
        %parallel_loop3A_3946 = tpu.unpack_subelements %parallel_loop3A_3944, 1 {pack_format = #tpu.pack_format<interleaved>} : vector<32xbf16> -> vector<16xf32>
        %parallel_loop3A_3947 = vector.broadcast %parallel_loop3A_3804 : i32 to vector<16xi32>
        %parallel_loop3A_3948 = arith.addi %add3A_14, %parallel_loop3A_3947 : vector<16xi32>
        %parallel_loop3A_3949 = arith.constant 0 : i32
        %parallel_loop3A_3950 = arith.constant 0 : i32
        %parallel_loop3A_3951 = tpu.memref_slice %arg8[%parallel_loop3A_3949, %parallel_loop3A_3950] : memref<2x8192xf32, #tpu.memory_space<vmem>> -> memref<1x8192xf32, #tpu.memory_space<vmem>>
        %parallel_loop3A_3952 = tpu.memref_squeeze %parallel_loop3A_3951 : memref<1x8192xf32, #tpu.memory_space<vmem>> -> memref<8192xf32, #tpu.memory_space<vmem>>
        tpu.vector_store_idx %parallel_loop3A_3952[%parallel_loop3A_3948], %parallel_loop3A_3945 : memref<8192xf32, #tpu.memory_space<vmem>>[vector<16xi32>], vector<16xf32>,
        %parallel_loop3A_3953 = vector.broadcast %parallel_loop3A_3804 : i32 to vector<16xi32>
        %parallel_loop3A_3954 = arith.addi %add3A_17, %parallel_loop3A_3953 : vector<16xi32>
        %parallel_loop3A_3955 = arith.constant 0 : i32
        %parallel_loop3A_3956 = arith.constant 0 : i32
        %parallel_loop3A_3957 = tpu.memref_slice %arg8[%parallel_loop3A_3955, %parallel_loop3A_3956] : memref<2x8192xf32, #tpu.memory_space<vmem>> -> memref<1x8192xf32, #tpu.memory_space<vmem>>
        %parallel_loop3A_3958 = tpu.memref_squeeze %parallel_loop3A_3957 : memref<1x8192xf32, #tpu.memory_space<vmem>> -> memref<8192xf32, #tpu.memory_space<vmem>>
        tpu.vector_store_idx %parallel_loop3A_3958[%parallel_loop3A_3954], %parallel_loop3A_3946 : memref<8192xf32, #tpu.memory_space<vmem>>[vector<16xi32>], vector<16xf32>,
      } {sc.loop_unroll_factor = 8 : i64, sc.parallel_access}
      %add3A_2482 = arith.addi %mul3A_2, %mul3A_1535 : i32
      %jit3A_2483 = arith.constant 128 : i32
      %div3A_2484 = arith.divsi %add3A_2482, %jit3A_2483 : i32
      %sign3A_2485 = arith.constant 0 : i32
      %sign3A_2486 = arith.cmpi sgt, %add3A_2482, %sign3A_2485 : i32
      %sign3A_2487 = arith.extui %sign3A_2486 : i1 to i32
      %sign3A_2488 = arith.constant 0 : i32
      %sign3A_2489 = arith.cmpi slt, %add3A_2482, %sign3A_2488 : i32
      %sign3A_2490 = arith.extui %sign3A_2489 : i1 to i32
      %sign3A_2491 = arith.subi %sign3A_2487, %sign3A_2490 : i32
      %sign3A_2492 = arith.constant 0 : i32
      %sign3A_2493 = arith.cmpi sgt, %jit3A_2483, %sign3A_2492 : i32
      %sign3A_2494 = arith.extui %sign3A_2493 : i1 to i32
      %sign3A_2495 = arith.constant 0 : i32
      %sign3A_2496 = arith.cmpi slt, %jit3A_2483, %sign3A_2495 : i32
      %sign3A_2497 = arith.extui %sign3A_2496 : i1 to i32
      %sign3A_2498 = arith.subi %sign3A_2494, %sign3A_2497 : i32
      %ne3A_2499 = arith.cmpi ne, %sign3A_2491, %sign3A_2498 : i32
      %rem3A_2500 = arith.remsi %add3A_2482, %jit3A_2483 : i32
      %ne3A_2501 = arith.constant 0 : i32
      %ne3A_2502 = arith.cmpi ne, %rem3A_2500, %ne3A_2501 : i32
      %and3A_2503 = arith.andi %ne3A_2499, %ne3A_2502 : i1
      %sub3A_2504 = arith.constant 1 : i32
      %sub3A_2505 = arith.subi %div3A_2484, %sub3A_2504 : i32
      %select_n3A_2506 = arith.select %and3A_2503, %sub3A_2505, %div3A_2484 : i32
      %jit3A_2507 = arith.constant 128 : i32
      %eq3A_2508 = arith.constant 0 : i32
      %eq3A_2509 = arith.cmpi eq, %jit3A_2507, %eq3A_2508 : i32
      %jit3A_2510 = arith.constant 1 : i32
      %select_n3A_2511 = arith.select %eq3A_2509, %jit3A_2510, %jit3A_2507 : i32
      %rem3A_2512 = arith.remsi %add3A_2482, %select_n3A_2511 : i32
      %ne3A_2513 = arith.constant 0 : i32
      %ne3A_2514 = arith.cmpi ne, %rem3A_2512, %ne3A_2513 : i32
      %lt3A_2515 = arith.constant 0 : i32
      %lt3A_2516 = arith.cmpi slt, %rem3A_2512, %lt3A_2515 : i32
      %lt3A_2517 = arith.constant 0 : i32
      %lt3A_2518 = arith.cmpi slt, %select_n3A_2511, %lt3A_2517 : i32
      %ne3A_2519 = arith.xori %lt3A_2516, %lt3A_2518 : i1
      %and3A_2520 = arith.andi %ne3A_2519, %ne3A_2514 : i1
      %add3A_2521 = arith.addi %rem3A_2512, %select_n3A_2511 : i32
      %select_n3A_2522 = arith.select %and3A_2520, %add3A_2521, %rem3A_2512 : i32
      %mul3A_2523 = arith.constant 8 : i32
      %mul3A_2524 = arith.muli %select_n3A_2506, %mul3A_2523 : i32
      %add3A_2525 = arith.constant 0 : i32
      %add3A_2526 = arith.addi %mul3A_2524, %add3A_2525 : i32
      %mul3A_2527 = arith.constant 128 : i32
      %mul3A_2528 = arith.muli %add3A_2526, %mul3A_2527 : i32
      %add3A_2529 = arith.addi %mul3A_2528, %select_n3A_2522 : i32
      %mul3A_2530 = arith.constant 1024 : i32
      %mul3A_2531 = arith.muli %add3A_2529, %mul3A_2530 : i32
      %mul3A_2532 = arith.constant 8 : i32
      %mul3A_2533 = arith.muli %select_n3A_2506, %mul3A_2532 : i32
      %add3A_2534 = arith.constant 1 : i32
      %add3A_2535 = arith.addi %mul3A_2533, %add3A_2534 : i32
      %mul3A_2536 = arith.constant 128 : i32
      %mul3A_2537 = arith.muli %add3A_2535, %mul3A_2536 : i32
      %add3A_2538 = arith.addi %mul3A_2537, %select_n3A_2522 : i32
      %mul3A_2539 = arith.constant 1024 : i32
      %mul3A_2540 = arith.muli %add3A_2538, %mul3A_2539 : i32
      %mul3A_2541 = arith.constant 8 : i32
      %mul3A_2542 = arith.muli %select_n3A_2506, %mul3A_2541 : i32
      %add3A_2543 = arith.constant 2 : i32
      %add3A_2544 = arith.addi %mul3A_2542, %add3A_2543 : i32
      %mul3A_2545 = arith.constant 128 : i32
      %mul3A_2546 = arith.muli %add3A_2544, %mul3A_2545 : i32
      %add3A_2547 = arith.addi %mul3A_2546, %select_n3A_2522 : i32
      %mul3A_2548 = arith.constant 1024 : i32
      %mul3A_2549 = arith.muli %add3A_2547, %mul3A_2548 : i32
      %mul3A_2550 = arith.constant 8 : i32
      %mul3A_2551 = arith.muli %select_n3A_2506, %mul3A_2550 : i32
      %add3A_2552 = arith.constant 3 : i32
      %add3A_2553 = arith.addi %mul3A_2551, %add3A_2552 : i32
      %mul3A_2554 = arith.constant 128 : i32
      %mul3A_2555 = arith.muli %add3A_2553, %mul3A_2554 : i32
      %add3A_2556 = arith.addi %mul3A_2555, %select_n3A_2522 : i32
      %mul3A_2557 = arith.constant 1024 : i32
      %mul3A_2558 = arith.muli %add3A_2556, %mul3A_2557 : i32
      %mul3A_2559 = arith.constant 8 : i32
      %mul3A_2560 = arith.muli %select_n3A_2506, %mul3A_2559 : i32
      %add3A_2561 = arith.constant 4 : i32
      %add3A_2562 = arith.addi %mul3A_2560, %add3A_2561 : i32
      %mul3A_2563 = arith.constant 128 : i32
      %mul3A_2564 = arith.muli %add3A_2562, %mul3A_2563 : i32
      %add3A_2565 = arith.addi %mul3A_2564, %select_n3A_2522 : i32
      %mul3A_2566 = arith.constant 1024 : i32
      %mul3A_2567 = arith.muli %add3A_2565, %mul3A_2566 : i32
      %mul3A_2568 = arith.constant 8 : i32
      %mul3A_2569 = arith.muli %select_n3A_2506, %mul3A_2568 : i32
      %add3A_2570 = arith.constant 5 : i32
      %add3A_2571 = arith.addi %mul3A_2569, %add3A_2570 : i32
      %mul3A_2572 = arith.constant 128 : i32
      %mul3A_2573 = arith.muli %add3A_2571, %mul3A_2572 : i32
      %add3A_2574 = arith.addi %mul3A_2573, %select_n3A_2522 : i32
      %mul3A_2575 = arith.constant 1024 : i32
      %mul3A_2576 = arith.muli %add3A_2574, %mul3A_2575 : i32
      %mul3A_2577 = arith.constant 8 : i32
      %mul3A_2578 = arith.muli %select_n3A_2506, %mul3A_2577 : i32
      %add3A_2579 = arith.constant 6 : i32
      %add3A_2580 = arith.addi %mul3A_2578, %add3A_2579 : i32
      %mul3A_2581 = arith.constant 128 : i32
      %mul3A_2582 = arith.muli %add3A_2580, %mul3A_2581 : i32
      %add3A_2583 = arith.addi %mul3A_2582, %select_n3A_2522 : i32
      %mul3A_2584 = arith.constant 1024 : i32
      %mul3A_2585 = arith.muli %add3A_2583, %mul3A_2584 : i32
      %mul3A_2586 = arith.constant 8 : i32
      %mul3A_2587 = arith.muli %select_n3A_2506, %mul3A_2586 : i32
      %add3A_2588 = arith.constant 7 : i32
      %add3A_2589 = arith.addi %mul3A_2587, %add3A_2588 : i32
      %mul3A_2590 = arith.constant 128 : i32
      %mul3A_2591 = arith.muli %add3A_2589, %mul3A_2590 : i32
      %add3A_2592 = arith.addi %mul3A_2591, %select_n3A_2522 : i32
      %mul3A_2593 = arith.constant 1024 : i32
      %mul3A_2594 = arith.muli %add3A_2592, %mul3A_2593 : i32
      %dma_start3A_2595 = arith.constant 0 : i32
      %dma_start3A_2596 = arith.constant 0 : i32
      %dma_start3A_2597 = tpu.memref_slice %arg8[%dma_start3A_2595, %dma_start3A_2596] : memref<2x8192xf32, #tpu.memory_space<vmem>> -> memref<1x1024xf32, #tpu.memory_space<vmem>>
      %dma_start3A_2598 = tpu.memref_squeeze %dma_start3A_2597 : memref<1x1024xf32, #tpu.memory_space<vmem>> -> memref<1024xf32, #tpu.memory_space<vmem>>
      %dma_start3A_2599 = tpu.memref_slice %arg4[%mul3A_2531] : memref<52428800xf32, #tpu.memory_space<hbm>> -> memref<1024xf32, #tpu.memory_space<hbm>>
      %dma_start3A_2600 = tpu.memref_slice %arg4[%mul3A_2531] : memref<52428800xf32, #tpu.memory_space<hbm>> -> memref<1024xf32, #tpu.memory_space<hbm>>
      %dma_start3A_2601 = arith.constant 0 : i32
      %dma_start3A_2602 = tpu.memref_slice %arg8[%dma_start3A_2595, %dma_start3A_2601] : memref<2x8192xf32, #tpu.memory_space<vmem>> -> memref<1x1024xf32, #tpu.memory_space<vmem>>
      %dma_start3A_2603 = tpu.memref_squeeze %dma_start3A_2602 : memref<1x1024xf32, #tpu.memory_space<vmem>> -> memref<1024xf32, #tpu.memory_space<vmem>>
      tpu.enqueue_dma source(%dma_start3A_2603 : memref<1024xf32, #tpu.memory_space<vmem>>) target(%dma_start3A_2600 : memref<1024xf32, #tpu.memory_space<hbm>>) target_semaphore(%arg13 : memref<!tpu.dma_semaphore, #tpu.memory_space<semaphore_mem>>)
      %dma_start3A_2604 = arith.constant 0 : i32
      %dma_start3A_2605 = arith.constant 1024 : i32
      %dma_start3A_2606 = tpu.memref_slice %arg8[%dma_start3A_2604, %dma_start3A_2605] : memref<2x8192xf32, #tpu.memory_space<vmem>> -> memref<1x1024xf32, #tpu.memory_space<vmem>>
      %dma_start3A_2607 = tpu.memref_squeeze %dma_start3A_2606 : memref<1x1024xf32, #tpu.memory_space<vmem>> -> memref<1024xf32, #tpu.memory_space<vmem>>
      %dma_start3A_2608 = tpu.memref_slice %arg4[%mul3A_2540] : memref<52428800xf32, #tpu.memory_space<hbm>> -> memref<1024xf32, #tpu.memory_space<hbm>>
      %dma_start3A_2609 = tpu.memref_slice %arg4[%mul3A_2540] : memref<52428800xf32, #tpu.memory_space<hbm>> -> memref<1024xf32, #tpu.memory_space<hbm>>
      %dma_start3A_2610 = arith.constant 1024 : i32
      %dma_start3A_2611 = tpu.memref_slice %arg8[%dma_start3A_2604, %dma_start3A_2610] : memref<2x8192xf32, #tpu.memory_space<vmem>> -> memref<1x1024xf32, #tpu.memory_space<vmem>>
      %dma_start3A_2612 = tpu.memref_squeeze %dma_start3A_2611 : memref<1x1024xf32, #tpu.memory_space<vmem>> -> memref<1024xf32, #tpu.memory_space<vmem>>
      tpu.enqueue_dma source(%dma_start3A_2612 : memref<1024xf32, #tpu.memory_space<vmem>>) target(%dma_start3A_2609 : memref<1024xf32, #tpu.memory_space<hbm>>) target_semaphore(%arg13 : memref<!tpu.dma_semaphore, #tpu.memory_space<semaphore_mem>>)
      %dma_start3A_2613 = arith.constant 0 : i32
      %dma_start3A_2614 = arith.constant 2048 : i32
      %dma_start3A_2615 = tpu.memref_slice %arg8[%dma_start3A_2613, %dma_start3A_2614] : memref<2x8192xf32, #tpu.memory_space<vmem>> -> memref<1x1024xf32, #tpu.memory_space<vmem>>
      %dma_start3A_2616 = tpu.memref_squeeze %dma_start3A_2615 : memref<1x1024xf32, #tpu.memory_space<vmem>> -> memref<1024xf32, #tpu.memory_space<vmem>>
      %dma_start3A_2617 = tpu.memref_slice %arg4[%mul3A_2549] : memref<52428800xf32, #tpu.memory_space<hbm>> -> memref<1024xf32, #tpu.memory_space<hbm>>
      %dma_start3A_2618 = tpu.memref_slice %arg4[%mul3A_2549] : memref<52428800xf32, #tpu.memory_space<hbm>> -> memref<1024xf32, #tpu.memory_space<hbm>>
      %dma_start3A_2619 = arith.constant 2048 : i32
      %dma_start3A_2620 = tpu.memref_slice %arg8[%dma_start3A_2613, %dma_start3A_2619] : memref<2x8192xf32, #tpu.memory_space<vmem>> -> memref<1x1024xf32, #tpu.memory_space<vmem>>
      %dma_start3A_2621 = tpu.memref_squeeze %dma_start3A_2620 : memref<1x1024xf32, #tpu.memory_space<vmem>> -> memref<1024xf32, #tpu.memory_space<vmem>>
      tpu.enqueue_dma source(%dma_start3A_2621 : memref<1024xf32, #tpu.memory_space<vmem>>) target(%dma_start3A_2618 : memref<1024xf32, #tpu.memory_space<hbm>>) target_semaphore(%arg13 : memref<!tpu.dma_semaphore, #tpu.memory_space<semaphore_mem>>)
      %dma_start3A_2622 = arith.constant 0 : i32
      %dma_start3A_2623 = arith.constant 3072 : i32
      %dma_start3A_2624 = tpu.memref_slice %arg8[%dma_start3A_2622, %dma_start3A_2623] : memref<2x8192xf32, #tpu.memory_space<vmem>> -> memref<1x1024xf32, #tpu.memory_space<vmem>>
      %dma_start3A_2625 = tpu.memref_squeeze %dma_start3A_2624 : memref<1x1024xf32, #tpu.memory_space<vmem>> -> memref<1024xf32, #tpu.memory_space<vmem>>
      %dma_start3A_2626 = tpu.memref_slice %arg4[%mul3A_2558] : memref<52428800xf32, #tpu.memory_space<hbm>> -> memref<1024xf32, #tpu.memory_space<hbm>>
      %dma_start3A_2627 = tpu.memref_slice %arg4[%mul3A_2558] : memref<52428800xf32, #tpu.memory_space<hbm>> -> memref<1024xf32, #tpu.memory_space<hbm>>
      %dma_start3A_2628 = arith.constant 3072 : i32
      %dma_start3A_2629 = tpu.memref_slice %arg8[%dma_start3A_2622, %dma_start3A_2628] : memref<2x8192xf32, #tpu.memory_space<vmem>> -> memref<1x1024xf32, #tpu.memory_space<vmem>>
      %dma_start3A_2630 = tpu.memref_squeeze %dma_start3A_2629 : memref<1x1024xf32, #tpu.memory_space<vmem>> -> memref<1024xf32, #tpu.memory_space<vmem>>
      tpu.enqueue_dma source(%dma_start3A_2630 : memref<1024xf32, #tpu.memory_space<vmem>>) target(%dma_start3A_2627 : memref<1024xf32, #tpu.memory_space<hbm>>) target_semaphore(%arg13 : memref<!tpu.dma_semaphore, #tpu.memory_space<semaphore_mem>>)
      %dma_start3A_2631 = arith.constant 0 : i32
      %dma_start3A_2632 = arith.constant 4096 : i32
      %dma_start3A_2633 = tpu.memref_slice %arg8[%dma_start3A_2631, %dma_start3A_2632] : memref<2x8192xf32, #tpu.memory_space<vmem>> -> memref<1x1024xf32, #tpu.memory_space<vmem>>
      %dma_start3A_2634 = tpu.memref_squeeze %dma_start3A_2633 : memref<1x1024xf32, #tpu.memory_space<vmem>> -> memref<1024xf32, #tpu.memory_space<vmem>>
      %dma_start3A_2635 = tpu.memref_slice %arg4[%mul3A_2567] : memref<52428800xf32, #tpu.memory_space<hbm>> -> memref<1024xf32, #tpu.memory_space<hbm>>
      %dma_start3A_2636 = tpu.memref_slice %arg4[%mul3A_2567] : memref<52428800xf32, #tpu.memory_space<hbm>> -> memref<1024xf32, #tpu.memory_space<hbm>>
      %dma_start3A_2637 = arith.constant 4096 : i32
      %dma_start3A_2638 = tpu.memref_slice %arg8[%dma_start3A_2631, %dma_start3A_2637] : memref<2x8192xf32, #tpu.memory_space<vmem>> -> memref<1x1024xf32, #tpu.memory_space<vmem>>
      %dma_start3A_2639 = tpu.memref_squeeze %dma_start3A_2638 : memref<1x1024xf32, #tpu.memory_space<vmem>> -> memref<1024xf32, #tpu.memory_space<vmem>>
      tpu.enqueue_dma source(%dma_start3A_2639 : memref<1024xf32, #tpu.memory_space<vmem>>) target(%dma_start3A_2636 : memref<1024xf32, #tpu.memory_space<hbm>>) target_semaphore(%arg13 : memref<!tpu.dma_semaphore, #tpu.memory_space<semaphore_mem>>)
      %dma_start3A_2640 = arith.constant 0 : i32
      %dma_start3A_2641 = arith.constant 5120 : i32
      %dma_start3A_2642 = tpu.memref_slice %arg8[%dma_start3A_2640, %dma_start3A_2641] : memref<2x8192xf32, #tpu.memory_space<vmem>> -> memref<1x1024xf32, #tpu.memory_space<vmem>>
      %dma_start3A_2643 = tpu.memref_squeeze %dma_start3A_2642 : memref<1x1024xf32, #tpu.memory_space<vmem>> -> memref<1024xf32, #tpu.memory_space<vmem>>
      %dma_start3A_2644 = tpu.memref_slice %arg4[%mul3A_2576] : memref<52428800xf32, #tpu.memory_space<hbm>> -> memref<1024xf32, #tpu.memory_space<hbm>>
      %dma_start3A_2645 = tpu.memref_slice %arg4[%mul3A_2576] : memref<52428800xf32, #tpu.memory_space<hbm>> -> memref<1024xf32, #tpu.memory_space<hbm>>
      %dma_start3A_2646 = arith.constant 5120 : i32
      %dma_start3A_2647 = tpu.memref_slice %arg8[%dma_start3A_2640, %dma_start3A_2646] : memref<2x8192xf32, #tpu.memory_space<vmem>> -> memref<1x1024xf32, #tpu.memory_space<vmem>>
      %dma_start3A_2648 = tpu.memref_squeeze %dma_start3A_2647 : memref<1x1024xf32, #tpu.memory_space<vmem>> -> memref<1024xf32, #tpu.memory_space<vmem>>
      tpu.enqueue_dma source(%dma_start3A_2648 : memref<1024xf32, #tpu.memory_space<vmem>>) target(%dma_start3A_2645 : memref<1024xf32, #tpu.memory_space<hbm>>) target_semaphore(%arg13 : memref<!tpu.dma_semaphore, #tpu.memory_space<semaphore_mem>>)
      %dma_start3A_2649 = arith.constant 0 : i32
      %dma_start3A_2650 = arith.constant 6144 : i32
      %dma_start3A_2651 = tpu.memref_slice %arg8[%dma_start3A_2649, %dma_start3A_2650] : memref<2x8192xf32, #tpu.memory_space<vmem>> -> memref<1x1024xf32, #tpu.memory_space<vmem>>
      %dma_start3A_2652 = tpu.memref_squeeze %dma_start3A_2651 : memref<1x1024xf32, #tpu.memory_space<vmem>> -> memref<1024xf32, #tpu.memory_space<vmem>>
      %dma_start3A_2653 = tpu.memref_slice %arg4[%mul3A_2585] : memref<52428800xf32, #tpu.memory_space<hbm>> -> memref<1024xf32, #tpu.memory_space<hbm>>
      %dma_start3A_2654 = tpu.memref_slice %arg4[%mul3A_2585] : memref<52428800xf32, #tpu.memory_space<hbm>> -> memref<1024xf32, #tpu.memory_space<hbm>>
      %dma_start3A_2655 = arith.constant 6144 : i32
      %dma_start3A_2656 = tpu.memref_slice %arg8[%dma_start3A_2649, %dma_start3A_2655] : memref<2x8192xf32, #tpu.memory_space<vmem>> -> memref<1x1024xf32, #tpu.memory_space<vmem>>
      %dma_start3A_2657 = tpu.memref_squeeze %dma_start3A_2656 : memref<1x1024xf32, #tpu.memory_space<vmem>> -> memref<1024xf32, #tpu.memory_space<vmem>>
      tpu.enqueue_dma source(%dma_start3A_2657 : memref<1024xf32, #tpu.memory_space<vmem>>) target(%dma_start3A_2654 : memref<1024xf32, #tpu.memory_space<hbm>>) target_semaphore(%arg13 : memref<!tpu.dma_semaphore, #tpu.memory_space<semaphore_mem>>)
      %dma_start3A_2658 = arith.constant 0 : i32
      %dma_start3A_2659 = arith.constant 7168 : i32
      %dma_start3A_2660 = tpu.memref_slice %arg8[%dma_start3A_2658, %dma_start3A_2659] : memref<2x8192xf32, #tpu.memory_space<vmem>> -> memref<1x1024xf32, #tpu.memory_space<vmem>>
      %dma_start3A_2661 = tpu.memref_squeeze %dma_start3A_2660 : memref<1x1024xf32, #tpu.memory_space<vmem>> -> memref<1024xf32, #tpu.memory_space<vmem>>
      %dma_start3A_2662 = tpu.memref_slice %arg4[%mul3A_2594] : memref<52428800xf32, #tpu.memory_space<hbm>> -> memref<1024xf32, #tpu.memory_space<hbm>>
      %dma_start3A_2663 = tpu.memref_slice %arg4[%mul3A_2594] : memref<52428800xf32, #tpu.memory_space<hbm>> -> memref<1024xf32, #tpu.memory_space<hbm>>
      %dma_start3A_2664 = arith.constant 7168 : i32
      %dma_start3A_2665 = tpu.memref_slice %arg8[%dma_start3A_2658, %dma_start3A_2664] : memref<2x8192xf32, #tpu.memory_space<vmem>> -> memref<1x1024xf32, #tpu.memory_space<vmem>>
      %dma_start3A_2666 = tpu.memref_squeeze %dma_start3A_2665 : memref<1x1024xf32, #tpu.memory_space<vmem>> -> memref<1024xf32, #tpu.memory_space<vmem>>
      tpu.enqueue_dma source(%dma_start3A_2666 : memref<1024xf32, #tpu.memory_space<vmem>>) target(%dma_start3A_2663 : memref<1024xf32, #tpu.memory_space<hbm>>) target_semaphore(%arg13 : memref<!tpu.dma_semaphore, #tpu.memory_space<semaphore_mem>>)
      %mul3A_2667 = arith.constant 2 : i32
      %mul3A_2668 = arith.muli %mul3A_2667, %scan3A_1533 : i32
      %add3A_2669 = arith.constant 1 : i32
      %add3A_2670 = arith.addi %mul3A_2668, %add3A_2669 : i32
      %add3A_2671 = arith.constant 1 : i32
      %add3A_2672 = arith.addi %add3A_2670, %add3A_2671 : i32
      %min3A_2673 = arith.constant 199 : i32
      %min3A_2674 = arith.minsi %add3A_2672, %min3A_2673 : i32
      %add3A_2675 = arith.constant 2 : i32
      %add3A_2676 = arith.addi %add3A_2670, %add3A_2675 : i32
      %min3A_2677 = arith.constant 199 : i32
      %min3A_2678 = arith.minsi %add3A_2676, %min3A_2677 : i32
      %add3A_2679 = arith.addi %mul3A_2, %min3A_2674 : i32
      %mul3A_2680 = arith.constant 1024 : i32
      %mul3A_2681 = arith.muli %add3A_2679, %mul3A_2680 : i32
      %dma_wait3A_2682 = arith.constant 0 : i32
      %dma_wait3A_2683 = arith.constant 0 : i32
      %dma_wait3A_2684 = tpu.memref_slice %arg5[%dma_wait3A_2682, %dma_wait3A_2683] : memref<2x1024xi32, #tpu.memory_space<vmem>> -> memref<1x1024xi32, #tpu.memory_space<vmem>>
      %dma_wait3A_2685 = tpu.memref_squeeze %dma_wait3A_2684 : memref<1x1024xi32, #tpu.memory_space<vmem>> -> memref<1024xi32, #tpu.memory_space<vmem>>
      %dma_wait3A_2686 = tpu.memref_slice %arg3[%mul3A_2681] : memref<6553600xi32, #tpu.memory_space<hbm>> -> memref<1024xi32, #tpu.memory_space<hbm>>
      %dma_wait3A_2687 = arith.constant 0 : i32
      %dma_wait3A_2688 = tpu.memref_slice %arg5[%dma_wait3A_2682, %dma_wait3A_2687] : memref<2x1024xi32, #tpu.memory_space<vmem>> -> memref<1x1024xi32, #tpu.memory_space<vmem>>
      %dma_wait3A_2689 = tpu.memref_squeeze %dma_wait3A_2688 : memref<1x1024xi32, #tpu.memory_space<vmem>> -> memref<1024xi32, #tpu.memory_space<vmem>>
      %dma_wait3A_2690 = tpu.memref_slice %arg3[%mul3A_2681] : memref<6553600xi32, #tpu.memory_space<hbm>> -> memref<1024xi32, #tpu.memory_space<hbm>>
      tpu.wait_dma2 semaphore(%arg9 : memref<!tpu.dma_semaphore, #tpu.memory_space<semaphore_mem>>) src(%dma_wait3A_2690 : memref<1024xi32, #tpu.memory_space<hbm>>) dst(%dma_wait3A_2689 : memref<1024xi32, #tpu.memory_space<vmem>>)
      %get3A_2691 = arith.constant 0 : i32
      %get3A_2692 = arith.index_cast %get3A_2691 : i32 to index
      %get3A_2693 = arith.constant 0 : index
      %get3A_2694 = tpu.vector_load %arg5[%get3A_2692, %get3A_2693] {strides = array<i32>} : memref<2x1024xi32, #tpu.memory_space<vmem>>, vector<16xi32>,
      %add3A_2695 = arith.constant 0 : i32
      %add3A_2696 = vector.broadcast %add3A_2695 : i32 to vector<16xi32>
      %add3A_2697 = arith.addi %get3A_2694, %add3A_2696 : vector<16xi32>
      %swap3A_2698 = arith.constant 0 : i32
      %swap3A_2699 = arith.index_cast %swap3A_2698 : i32 to index
      %swap3A_2700 = arith.constant 0 : index
      %swap3A_2701 = tpu.vector_load %arg6[%swap3A_2699, %swap3A_2700] {strides = array<i32>} : memref<2x1024xi32, #tpu.memory_space<vmem>>, vector<16xi32>,
      tpu.vector_store %arg6[%swap3A_2699, %swap3A_2700], %add3A_2697 {strides = array<i32>} : memref<2x1024xi32, #tpu.memory_space<vmem>>, vector<16xi32>,
      %get3A_2702 = arith.constant 0 : i32
      %get3A_2703 = arith.index_cast %get3A_2702 : i32 to index
      %get3A_2704 = arith.constant 16 : index
      %get3A_2705 = tpu.vector_load %arg5[%get3A_2703, %get3A_2704] {strides = array<i32>} : memref<2x1024xi32, #tpu.memory_space<vmem>>, vector<16xi32>,
      %add3A_2706 = arith.constant 0 : i32
      %add3A_2707 = vector.broadcast %add3A_2706 : i32 to vector<16xi32>
      %add3A_2708 = arith.addi %get3A_2705, %add3A_2707 : vector<16xi32>
      %swap3A_2709 = arith.constant 0 : i32
      %swap3A_2710 = arith.index_cast %swap3A_2709 : i32 to index
      %swap3A_2711 = arith.constant 16 : index
      %swap3A_2712 = tpu.vector_load %arg6[%swap3A_2710, %swap3A_2711] {strides = array<i32>} : memref<2x1024xi32, #tpu.memory_space<vmem>>, vector<16xi32>,
      tpu.vector_store %arg6[%swap3A_2710, %swap3A_2711], %add3A_2708 {strides = array<i32>} : memref<2x1024xi32, #tpu.memory_space<vmem>>, vector<16xi32>,
      %get3A_2713 = arith.constant 0 : i32
      %get3A_2714 = arith.index_cast %get3A_2713 : i32 to index
      %get3A_2715 = arith.constant 32 : index
      %get3A_2716 = tpu.vector_load %arg5[%get3A_2714, %get3A_2715] {strides = array<i32>} : memref<2x1024xi32, #tpu.memory_space<vmem>>, vector<16xi32>,
      %add3A_2717 = arith.constant 0 : i32
      %add3A_2718 = vector.broadcast %add3A_2717 : i32 to vector<16xi32>
      %add3A_2719 = arith.addi %get3A_2716, %add3A_2718 : vector<16xi32>
      %swap3A_2720 = arith.constant 0 : i32
      %swap3A_2721 = arith.index_cast %swap3A_2720 : i32 to index
      %swap3A_2722 = arith.constant 32 : index
      %swap3A_2723 = tpu.vector_load %arg6[%swap3A_2721, %swap3A_2722] {strides = array<i32>} : memref<2x1024xi32, #tpu.memory_space<vmem>>, vector<16xi32>,
      tpu.vector_store %arg6[%swap3A_2721, %swap3A_2722], %add3A_2719 {strides = array<i32>} : memref<2x1024xi32, #tpu.memory_space<vmem>>, vector<16xi32>,
      %get3A_2724 = arith.constant 0 : i32
      %get3A_2725 = arith.index_cast %get3A_2724 : i32 to index
      %get3A_2726 = arith.constant 48 : index
      %get3A_2727 = tpu.vector_load %arg5[%get3A_2725, %get3A_2726] {strides = array<i32>} : memref<2x1024xi32, #tpu.memory_space<vmem>>, vector<16xi32>,
      %add3A_2728 = arith.constant 0 : i32
      %add3A_2729 = vector.broadcast %add3A_2728 : i32 to vector<16xi32>
      %add3A_2730 = arith.addi %get3A_2727, %add3A_2729 : vector<16xi32>
      %swap3A_2731 = arith.constant 0 : i32
      %swap3A_2732 = arith.index_cast %swap3A_2731 : i32 to index
      %swap3A_2733 = arith.constant 48 : index
      %swap3A_2734 = tpu.vector_load %arg6[%swap3A_2732, %swap3A_2733] {strides = array<i32>} : memref<2x1024xi32, #tpu.memory_space<vmem>>, vector<16xi32>,
      tpu.vector_store %arg6[%swap3A_2732, %swap3A_2733], %add3A_2730 {strides = array<i32>} : memref<2x1024xi32, #tpu.memory_space<vmem>>, vector<16xi32>,
      %get3A_2735 = arith.constant 0 : i32
      %get3A_2736 = arith.index_cast %get3A_2735 : i32 to index
      %get3A_2737 = arith.constant 64 : index
      %get3A_2738 = tpu.vector_load %arg5[%get3A_2736, %get3A_2737] {strides = array<i32>} : memref<2x1024xi32, #tpu.memory_space<vmem>>, vector<16xi32>,
      %add3A_2739 = arith.constant 0 : i32
      %add3A_2740 = vector.broadcast %add3A_2739 : i32 to vector<16xi32>
      %add3A_2741 = arith.addi %get3A_2738, %add3A_2740 : vector<16xi32>
      %swap3A_2742 = arith.constant 0 : i32
      %swap3A_2743 = arith.index_cast %swap3A_2742 : i32 to index
      %swap3A_2744 = arith.constant 64 : index
      %swap3A_2745 = tpu.vector_load %arg6[%swap3A_2743, %swap3A_2744] {strides = array<i32>} : memref<2x1024xi32, #tpu.memory_space<vmem>>, vector<16xi32>,
      tpu.vector_store %arg6[%swap3A_2743, %swap3A_2744], %add3A_2741 {strides = array<i32>} : memref<2x1024xi32, #tpu.memory_space<vmem>>, vector<16xi32>,
      %get3A_2746 = arith.constant 0 : i32
      %get3A_2747 = arith.index_cast %get3A_2746 : i32 to index
      %get3A_2748 = arith.constant 80 : index
      %get3A_2749 = tpu.vector_load %arg5[%get3A_2747, %get3A_2748] {strides = array<i32>} : memref<2x1024xi32, #tpu.memory_space<vmem>>, vector<16xi32>,
      %add3A_2750 = arith.constant 0 : i32
      %add3A_2751 = vector.broadcast %add3A_2750 : i32 to vector<16xi32>
      %add3A_2752 = arith.addi %get3A_2749, %add3A_2751 : vector<16xi32>
      %swap3A_2753 = arith.constant 0 : i32
      %swap3A_2754 = arith.index_cast %swap3A_2753 : i32 to index
      %swap3A_2755 = arith.constant 80 : index
      %swap3A_2756 = tpu.vector_load %arg6[%swap3A_2754, %swap3A_2755] {strides = array<i32>} : memref<2x1024xi32, #tpu.memory_space<vmem>>, vector<16xi32>,
      tpu.vector_store %arg6[%swap3A_2754, %swap3A_2755], %add3A_2752 {strides = array<i32>} : memref<2x1024xi32, #tpu.memory_space<vmem>>, vector<16xi32>,
      %get3A_2757 = arith.constant 0 : i32
      %get3A_2758 = arith.index_cast %get3A_2757 : i32 to index
      %get3A_2759 = arith.constant 96 : index
      %get3A_2760 = tpu.vector_load %arg5[%get3A_2758, %get3A_2759] {strides = array<i32>} : memref<2x1024xi32, #tpu.memory_space<vmem>>, vector<16xi32>,
      %add3A_2761 = arith.constant 0 : i32
      %add3A_2762 = vector.broadcast %add3A_2761 : i32 to vector<16xi32>
      %add3A_2763 = arith.addi %get3A_2760, %add3A_2762 : vector<16xi32>
      %swap3A_2764 = arith.constant 0 : i32
      %swap3A_2765 = arith.index_cast %swap3A_2764 : i32 to index
      %swap3A_2766 = arith.constant 96 : index
      %swap3A_2767 = tpu.vector_load %arg6[%swap3A_2765, %swap3A_2766] {strides = array<i32>} : memref<2x1024xi32, #tpu.memory_space<vmem>>, vector<16xi32>,
      tpu.vector_store %arg6[%swap3A_2765, %swap3A_2766], %add3A_2763 {strides = array<i32>} : memref<2x1024xi32, #tpu.memory_space<vmem>>, vector<16xi32>,
      %get3A_2768 = arith.constant 0 : i32
      %get3A_2769 = arith.index_cast %get3A_2768 : i32 to index
      %get3A_2770 = arith.constant 112 : index
      %get3A_2771 = tpu.vector_load %arg5[%get3A_2769, %get3A_2770] {strides = array<i32>} : memref<2x1024xi32, #tpu.memory_space<vmem>>, vector<16xi32>,
      %add3A_2772 = arith.constant 0 : i32
      %add3A_2773 = vector.broadcast %add3A_2772 : i32 to vector<16xi32>
      %add3A_2774 = arith.addi %get3A_2771, %add3A_2773 : vector<16xi32>
      %swap3A_2775 = arith.constant 0 : i32
      %swap3A_2776 = arith.index_cast %swap3A_2775 : i32 to index
      %swap3A_2777 = arith.constant 112 : index
      %swap3A_2778 = tpu.vector_load %arg6[%swap3A_2776, %swap3A_2777] {strides = array<i32>} : memref<2x1024xi32, #tpu.memory_space<vmem>>, vector<16xi32>,
      tpu.vector_store %arg6[%swap3A_2776, %swap3A_2777], %add3A_2774 {strides = array<i32>} : memref<2x1024xi32, #tpu.memory_space<vmem>>, vector<16xi32>,
      %get3A_2779 = arith.constant 0 : i32
      %get3A_2780 = arith.index_cast %get3A_2779 : i32 to index
      %get3A_2781 = arith.constant 128 : index
      %get3A_2782 = tpu.vector_load %arg5[%get3A_2780, %get3A_2781] {strides = array<i32>} : memref<2x1024xi32, #tpu.memory_space<vmem>>, vector<16xi32>,
      %add3A_2783 = arith.constant 8208 : i32
      %add3A_2784 = vector.broadcast %add3A_2783 : i32 to vector<16xi32>
      %add3A_2785 = arith.addi %get3A_2782, %add3A_2784 : vector<16xi32>
      %swap3A_2786 = arith.constant 0 : i32
      %swap3A_2787 = arith.index_cast %swap3A_2786 : i32 to index
      %swap3A_2788 = arith.constant 128 : index
      %swap3A_2789 = tpu.vector_load %arg6[%swap3A_2787, %swap3A_2788] {strides = array<i32>} : memref<2x1024xi32, #tpu.memory_space<vmem>>, vector<16xi32>,
      tpu.vector_store %arg6[%swap3A_2787, %swap3A_2788], %add3A_2785 {strides = array<i32>} : memref<2x1024xi32, #tpu.memory_space<vmem>>, vector<16xi32>,
      %get3A_2790 = arith.constant 0 : i32
      %get3A_2791 = arith.index_cast %get3A_2790 : i32 to index
      %get3A_2792 = arith.constant 144 : index
      %get3A_2793 = tpu.vector_load %arg5[%get3A_2791, %get3A_2792] {strides = array<i32>} : memref<2x1024xi32, #tpu.memory_space<vmem>>, vector<16xi32>,
      %add3A_2794 = arith.constant 8208 : i32
      %add3A_2795 = vector.broadcast %add3A_2794 : i32 to vector<16xi32>
      %add3A_2796 = arith.addi %get3A_2793, %add3A_2795 : vector<16xi32>
      %swap3A_2797 = arith.constant 0 : i32
      %swap3A_2798 = arith.index_cast %swap3A_2797 : i32 to index
      %swap3A_2799 = arith.constant 144 : index
      %swap3A_2800 = tpu.vector_load %arg6[%swap3A_2798, %swap3A_2799] {strides = array<i32>} : memref<2x1024xi32, #tpu.memory_space<vmem>>, vector<16xi32>,
      tpu.vector_store %arg6[%swap3A_2798, %swap3A_2799], %add3A_2796 {strides = array<i32>} : memref<2x1024xi32, #tpu.memory_space<vmem>>, vector<16xi32>,
      %get3A_2801 = arith.constant 0 : i32
      %get3A_2802 = arith.index_cast %get3A_2801 : i32 to index
      %get3A_2803 = arith.constant 160 : index
      %get3A_2804 = tpu.vector_load %arg5[%get3A_2802, %get3A_2803] {strides = array<i32>} : memref<2x1024xi32, #tpu.memory_space<vmem>>, vector<16xi32>,
      %add3A_2805 = arith.constant 8208 : i32
      %add3A_2806 = vector.broadcast %add3A_2805 : i32 to vector<16xi32>
      %add3A_2807 = arith.addi %get3A_2804, %add3A_2806 : vector<16xi32>
      %swap3A_2808 = arith.constant 0 : i32
      %swap3A_2809 = arith.index_cast %swap3A_2808 : i32 to index
      %swap3A_2810 = arith.constant 160 : index
      %swap3A_2811 = tpu.vector_load %arg6[%swap3A_2809, %swap3A_2810] {strides = array<i32>} : memref<2x1024xi32, #tpu.memory_space<vmem>>, vector<16xi32>,
      tpu.vector_store %arg6[%swap3A_2809, %swap3A_2810], %add3A_2807 {strides = array<i32>} : memref<2x1024xi32, #tpu.memory_space<vmem>>, vector<16xi32>,
      %get3A_2812 = arith.constant 0 : i32
      %get3A_2813 = arith.index_cast %get3A_2812 : i32 to index
      %get3A_2814 = arith.constant 176 : index
      %get3A_2815 = tpu.vector_load %arg5[%get3A_2813, %get3A_2814] {strides = array<i32>} : memref<2x1024xi32, #tpu.memory_space<vmem>>, vector<16xi32>,
      %add3A_2816 = arith.constant 8208 : i32
      %add3A_2817 = vector.broadcast %add3A_2816 : i32 to vector<16xi32>
      %add3A_2818 = arith.addi %get3A_2815, %add3A_2817 : vector<16xi32>
      %swap3A_2819 = arith.constant 0 : i32
      %swap3A_2820 = arith.index_cast %swap3A_2819 : i32 to index
      %swap3A_2821 = arith.constant 176 : index
      %swap3A_2822 = tpu.vector_load %arg6[%swap3A_2820, %swap3A_2821] {strides = array<i32>} : memref<2x1024xi32, #tpu.memory_space<vmem>>, vector<16xi32>,
      tpu.vector_store %arg6[%swap3A_2820, %swap3A_2821], %add3A_2818 {strides = array<i32>} : memref<2x1024xi32, #tpu.memory_space<vmem>>, vector<16xi32>,
      %get3A_2823 = arith.constant 0 : i32
      %get3A_2824 = arith.index_cast %get3A_2823 : i32 to index
      %get3A_2825 = arith.constant 192 : index
      %get3A_2826 = tpu.vector_load %arg5[%get3A_2824, %get3A_2825] {strides = array<i32>} : memref<2x1024xi32, #tpu.memory_space<vmem>>, vector<16xi32>,
      %add3A_2827 = arith.constant 8208 : i32
      %add3A_2828 = vector.broadcast %add3A_2827 : i32 to vector<16xi32>
      %add3A_2829 = arith.addi %get3A_2826, %add3A_2828 : vector<16xi32>
      %swap3A_2830 = arith.constant 0 : i32
      %swap3A_2831 = arith.index_cast %swap3A_2830 : i32 to index
      %swap3A_2832 = arith.constant 192 : index
      %swap3A_2833 = tpu.vector_load %arg6[%swap3A_2831, %swap3A_2832] {strides = array<i32>} : memref<2x1024xi32, #tpu.memory_space<vmem>>, vector<16xi32>,
      tpu.vector_store %arg6[%swap3A_2831, %swap3A_2832], %add3A_2829 {strides = array<i32>} : memref<2x1024xi32, #tpu.memory_space<vmem>>, vector<16xi32>,
      %get3A_2834 = arith.constant 0 : i32
      %get3A_2835 = arith.index_cast %get3A_2834 : i32 to index
      %get3A_2836 = arith.constant 208 : index
      %get3A_2837 = tpu.vector_load %arg5[%get3A_2835, %get3A_2836] {strides = array<i32>} : memref<2x1024xi32, #tpu.memory_space<vmem>>, vector<16xi32>,
      %add3A_2838 = arith.constant 8208 : i32
      %add3A_2839 = vector.broadcast %add3A_2838 : i32 to vector<16xi32>
      %add3A_2840 = arith.addi %get3A_2837, %add3A_2839 : vector<16xi32>
      %swap3A_2841 = arith.constant 0 : i32
      %swap3A_2842 = arith.index_cast %swap3A_2841 : i32 to index
      %swap3A_2843 = arith.constant 208 : index
      %swap3A_2844 = tpu.vector_load %arg6[%swap3A_2842, %swap3A_2843] {strides = array<i32>} : memref<2x1024xi32, #tpu.memory_space<vmem>>, vector<16xi32>,
      tpu.vector_store %arg6[%swap3A_2842, %swap3A_2843], %add3A_2840 {strides = array<i32>} : memref<2x1024xi32, #tpu.memory_space<vmem>>, vector<16xi32>,
      %get3A_2845 = arith.constant 0 : i32
      %get3A_2846 = arith.index_cast %get3A_2845 : i32 to index
      %get3A_2847 = arith.constant 224 : index
      %get3A_2848 = tpu.vector_load %arg5[%get3A_2846, %get3A_2847] {strides = array<i32>} : memref<2x1024xi32, #tpu.memory_space<vmem>>, vector<16xi32>,
      %add3A_2849 = arith.constant 8208 : i32
      %add3A_2850 = vector.broadcast %add3A_2849 : i32 to vector<16xi32>
      %add3A_2851 = arith.addi %get3A_2848, %add3A_2850 : vector<16xi32>
      %swap3A_2852 = arith.constant 0 : i32
      %swap3A_2853 = arith.index_cast %swap3A_2852 : i32 to index
      %swap3A_2854 = arith.constant 224 : index
      %swap3A_2855 = tpu.vector_load %arg6[%swap3A_2853, %swap3A_2854] {strides = array<i32>} : memref<2x1024xi32, #tpu.memory_space<vmem>>, vector<16xi32>,
      tpu.vector_store %arg6[%swap3A_2853, %swap3A_2854], %add3A_2851 {strides = array<i32>} : memref<2x1024xi32, #tpu.memory_space<vmem>>, vector<16xi32>,
      %get3A_2856 = arith.constant 0 : i32
      %get3A_2857 = arith.index_cast %get3A_2856 : i32 to index
      %get3A_2858 = arith.constant 240 : index
      %get3A_2859 = tpu.vector_load %arg5[%get3A_2857, %get3A_2858] {strides = array<i32>} : memref<2x1024xi32, #tpu.memory_space<vmem>>, vector<16xi32>,
      %add3A_2860 = arith.constant 8208 : i32
      %add3A_2861 = vector.broadcast %add3A_2860 : i32 to vector<16xi32>
      %add3A_2862 = arith.addi %get3A_2859, %add3A_2861 : vector<16xi32>
      %swap3A_2863 = arith.constant 0 : i32
      %swap3A_2864 = arith.index_cast %swap3A_2863 : i32 to index
      %swap3A_2865 = arith.constant 240 : index
      %swap3A_2866 = tpu.vector_load %arg6[%swap3A_2864, %swap3A_2865] {strides = array<i32>} : memref<2x1024xi32, #tpu.memory_space<vmem>>, vector<16xi32>,
      tpu.vector_store %arg6[%swap3A_2864, %swap3A_2865], %add3A_2862 {strides = array<i32>} : memref<2x1024xi32, #tpu.memory_space<vmem>>, vector<16xi32>,
      %get3A_2867 = arith.constant 0 : i32
      %get3A_2868 = arith.index_cast %get3A_2867 : i32 to index
      %get3A_2869 = arith.constant 256 : index
      %get3A_2870 = tpu.vector_load %arg5[%get3A_2868, %get3A_2869] {strides = array<i32>} : memref<2x1024xi32, #tpu.memory_space<vmem>>, vector<16xi32>,
      %add3A_2871 = arith.constant 16416 : i32
      %add3A_2872 = vector.broadcast %add3A_2871 : i32 to vector<16xi32>
      %add3A_2873 = arith.addi %get3A_2870, %add3A_2872 : vector<16xi32>
      %swap3A_2874 = arith.constant 0 : i32
      %swap3A_2875 = arith.index_cast %swap3A_2874 : i32 to index
      %swap3A_2876 = arith.constant 256 : index
      %swap3A_2877 = tpu.vector_load %arg6[%swap3A_2875, %swap3A_2876] {strides = array<i32>} : memref<2x1024xi32, #tpu.memory_space<vmem>>, vector<16xi32>,
      tpu.vector_store %arg6[%swap3A_2875, %swap3A_2876], %add3A_2873 {strides = array<i32>} : memref<2x1024xi32, #tpu.memory_space<vmem>>, vector<16xi32>,
      %get3A_2878 = arith.constant 0 : i32
      %get3A_2879 = arith.index_cast %get3A_2878 : i32 to index
      %get3A_2880 = arith.constant 272 : index
      %get3A_2881 = tpu.vector_load %arg5[%get3A_2879, %get3A_2880] {strides = array<i32>} : memref<2x1024xi32, #tpu.memory_space<vmem>>, vector<16xi32>,
      %add3A_2882 = arith.constant 16416 : i32
      %add3A_2883 = vector.broadcast %add3A_2882 : i32 to vector<16xi32>
      %add3A_2884 = arith.addi %get3A_2881, %add3A_2883 : vector<16xi32>
      %swap3A_2885 = arith.constant 0 : i32
      %swap3A_2886 = arith.index_cast %swap3A_2885 : i32 to index
      %swap3A_2887 = arith.constant 272 : index
      %swap3A_2888 = tpu.vector_load %arg6[%swap3A_2886, %swap3A_2887] {strides = array<i32>} : memref<2x1024xi32, #tpu.memory_space<vmem>>, vector<16xi32>,
      tpu.vector_store %arg6[%swap3A_2886, %swap3A_2887], %add3A_2884 {strides = array<i32>} : memref<2x1024xi32, #tpu.memory_space<vmem>>, vector<16xi32>,
      %get3A_2889 = arith.constant 0 : i32
      %get3A_2890 = arith.index_cast %get3A_2889 : i32 to index
      %get3A_2891 = arith.constant 288 : index
      %get3A_2892 = tpu.vector_load %arg5[%get3A_2890, %get3A_2891] {strides = array<i32>} : memref<2x1024xi32, #tpu.memory_space<vmem>>, vector<16xi32>,
      %add3A_2893 = arith.constant 16416 : i32
      %add3A_2894 = vector.broadcast %add3A_2893 : i32 to vector<16xi32>
      %add3A_2895 = arith.addi %get3A_2892, %add3A_2894 : vector<16xi32>
      %swap3A_2896 = arith.constant 0 : i32
      %swap3A_2897 = arith.index_cast %swap3A_2896 : i32 to index
      %swap3A_2898 = arith.constant 288 : index
      %swap3A_2899 = tpu.vector_load %arg6[%swap3A_2897, %swap3A_2898] {strides = array<i32>} : memref<2x1024xi32, #tpu.memory_space<vmem>>, vector<16xi32>,
      tpu.vector_store %arg6[%swap3A_2897, %swap3A_2898], %add3A_2895 {strides = array<i32>} : memref<2x1024xi32, #tpu.memory_space<vmem>>, vector<16xi32>,
      %get3A_2900 = arith.constant 0 : i32
      %get3A_2901 = arith.index_cast %get3A_2900 : i32 to index
      %get3A_2902 = arith.constant 304 : index
      %get3A_2903 = tpu.vector_load %arg5[%get3A_2901, %get3A_2902] {strides = array<i32>} : memref<2x1024xi32, #tpu.memory_space<vmem>>, vector<16xi32>,
      %add3A_2904 = arith.constant 16416 : i32
      %add3A_2905 = vector.broadcast %add3A_2904 : i32 to vector<16xi32>
      %add3A_2906 = arith.addi %get3A_2903, %add3A_2905 : vector<16xi32>
      %swap3A_2907 = arith.constant 0 : i32
      %swap3A_2908 = arith.index_cast %swap3A_2907 : i32 to index
      %swap3A_2909 = arith.constant 304 : index
      %swap3A_2910 = tpu.vector_load %arg6[%swap3A_2908, %swap3A_2909] {strides = array<i32>} : memref<2x1024xi32, #tpu.memory_space<vmem>>, vector<16xi32>,
      tpu.vector_store %arg6[%swap3A_2908, %swap3A_2909], %add3A_2906 {strides = array<i32>} : memref<2x1024xi32, #tpu.memory_space<vmem>>, vector<16xi32>,
      %get3A_2911 = arith.constant 0 : i32
      %get3A_2912 = arith.index_cast %get3A_2911 : i32 to index
      %get3A_2913 = arith.constant 320 : index
      %get3A_2914 = tpu.vector_load %arg5[%get3A_2912, %get3A_2913] {strides = array<i32>} : memref<2x1024xi32, #tpu.memory_space<vmem>>, vector<16xi32>,
      %add3A_2915 = arith.constant 16416 : i32
      %add3A_2916 = vector.broadcast %add3A_2915 : i32 to vector<16xi32>
      %add3A_2917 = arith.addi %get3A_2914, %add3A_2916 : vector<16xi32>
      %swap3A_2918 = arith.constant 0 : i32
      %swap3A_2919 = arith.index_cast %swap3A_2918 : i32 to index
      %swap3A_2920 = arith.constant 320 : index
      %swap3A_2921 = tpu.vector_load %arg6[%swap3A_2919, %swap3A_2920] {strides = array<i32>} : memref<2x1024xi32, #tpu.memory_space<vmem>>, vector<16xi32>,
      tpu.vector_store %arg6[%swap3A_2919, %swap3A_2920], %add3A_2917 {strides = array<i32>} : memref<2x1024xi32, #tpu.memory_space<vmem>>, vector<16xi32>,
      %get3A_2922 = arith.constant 0 : i32
      %get3A_2923 = arith.index_cast %get3A_2922 : i32 to index
      %get3A_2924 = arith.constant 336 : index
      %get3A_2925 = tpu.vector_load %arg5[%get3A_2923, %get3A_2924] {strides = array<i32>} : memref<2x1024xi32, #tpu.memory_space<vmem>>, vector<16xi32>,
      %add3A_2926 = arith.constant 16416 : i32
      %add3A_2927 = vector.broadcast %add3A_2926 : i32 to vector<16xi32>
      %add3A_2928 = arith.addi %get3A_2925, %add3A_2927 : vector<16xi32>
      %swap3A_2929 = arith.constant 0 : i32
      %swap3A_2930 = arith.index_cast %swap3A_2929 : i32 to index
      %swap3A_2931 = arith.constant 336 : index
      %swap3A_2932 = tpu.vector_load %arg6[%swap3A_2930, %swap3A_2931] {strides = array<i32>} : memref<2x1024xi32, #tpu.memory_space<vmem>>, vector<16xi32>,
      tpu.vector_store %arg6[%swap3A_2930, %swap3A_2931], %add3A_2928 {strides = array<i32>} : memref<2x1024xi32, #tpu.memory_space<vmem>>, vector<16xi32>,
      %get3A_2933 = arith.constant 0 : i32
      %get3A_2934 = arith.index_cast %get3A_2933 : i32 to index
      %get3A_2935 = arith.constant 352 : index
      %get3A_2936 = tpu.vector_load %arg5[%get3A_2934, %get3A_2935] {strides = array<i32>} : memref<2x1024xi32, #tpu.memory_space<vmem>>, vector<16xi32>,
      %add3A_2937 = arith.constant 16416 : i32
      %add3A_2938 = vector.broadcast %add3A_2937 : i32 to vector<16xi32>
      %add3A_2939 = arith.addi %get3A_2936, %add3A_2938 : vector<16xi32>
      %swap3A_2940 = arith.constant 0 : i32
      %swap3A_2941 = arith.index_cast %swap3A_2940 : i32 to index
      %swap3A_2942 = arith.constant 352 : index
      %swap3A_2943 = tpu.vector_load %arg6[%swap3A_2941, %swap3A_2942] {strides = array<i32>} : memref<2x1024xi32, #tpu.memory_space<vmem>>, vector<16xi32>,
      tpu.vector_store %arg6[%swap3A_2941, %swap3A_2942], %add3A_2939 {strides = array<i32>} : memref<2x1024xi32, #tpu.memory_space<vmem>>, vector<16xi32>,
      %get3A_2944 = arith.constant 0 : i32
      %get3A_2945 = arith.index_cast %get3A_2944 : i32 to index
      %get3A_2946 = arith.constant 368 : index
      %get3A_2947 = tpu.vector_load %arg5[%get3A_2945, %get3A_2946] {strides = array<i32>} : memref<2x1024xi32, #tpu.memory_space<vmem>>, vector<16xi32>,
      %add3A_2948 = arith.constant 16416 : i32
      %add3A_2949 = vector.broadcast %add3A_2948 : i32 to vector<16xi32>
      %add3A_2950 = arith.addi %get3A_2947, %add3A_2949 : vector<16xi32>
      %swap3A_2951 = arith.constant 0 : i32
      %swap3A_2952 = arith.index_cast %swap3A_2951 : i32 to index
      %swap3A_2953 = arith.constant 368 : index
      %swap3A_2954 = tpu.vector_load %arg6[%swap3A_2952, %swap3A_2953] {strides = array<i32>} : memref<2x1024xi32, #tpu.memory_space<vmem>>, vector<16xi32>,
      tpu.vector_store %arg6[%swap3A_2952, %swap3A_2953], %add3A_2950 {strides = array<i32>} : memref<2x1024xi32, #tpu.memory_space<vmem>>, vector<16xi32>,
      %get3A_2955 = arith.constant 0 : i32
      %get3A_2956 = arith.index_cast %get3A_2955 : i32 to index
      %get3A_2957 = arith.constant 384 : index
      %get3A_2958 = tpu.vector_load %arg5[%get3A_2956, %get3A_2957] {strides = array<i32>} : memref<2x1024xi32, #tpu.memory_space<vmem>>, vector<16xi32>,
      %add3A_2959 = arith.constant 24624 : i32
      %add3A_2960 = vector.broadcast %add3A_2959 : i32 to vector<16xi32>
      %add3A_2961 = arith.addi %get3A_2958, %add3A_2960 : vector<16xi32>
      %swap3A_2962 = arith.constant 0 : i32
      %swap3A_2963 = arith.index_cast %swap3A_2962 : i32 to index
      %swap3A_2964 = arith.constant 384 : index
      %swap3A_2965 = tpu.vector_load %arg6[%swap3A_2963, %swap3A_2964] {strides = array<i32>} : memref<2x1024xi32, #tpu.memory_space<vmem>>, vector<16xi32>,
      tpu.vector_store %arg6[%swap3A_2963, %swap3A_2964], %add3A_2961 {strides = array<i32>} : memref<2x1024xi32, #tpu.memory_space<vmem>>, vector<16xi32>,
      %get3A_2966 = arith.constant 0 : i32
      %get3A_2967 = arith.index_cast %get3A_2966 : i32 to index
      %get3A_2968 = arith.constant 400 : index
      %get3A_2969 = tpu.vector_load %arg5[%get3A_2967, %get3A_2968] {strides = array<i32>} : memref<2x1024xi32, #tpu.memory_space<vmem>>, vector<16xi32>,
      %add3A_2970 = arith.constant 24624 : i32
      %add3A_2971 = vector.broadcast %add3A_2970 : i32 to vector<16xi32>
      %add3A_2972 = arith.addi %get3A_2969, %add3A_2971 : vector<16xi32>
      %swap3A_2973 = arith.constant 0 : i32
      %swap3A_2974 = arith.index_cast %swap3A_2973 : i32 to index
      %swap3A_2975 = arith.constant 400 : index
      %swap3A_2976 = tpu.vector_load %arg6[%swap3A_2974, %swap3A_2975] {strides = array<i32>} : memref<2x1024xi32, #tpu.memory_space<vmem>>, vector<16xi32>,
      tpu.vector_store %arg6[%swap3A_2974, %swap3A_2975], %add3A_2972 {strides = array<i32>} : memref<2x1024xi32, #tpu.memory_space<vmem>>, vector<16xi32>,
      %get3A_2977 = arith.constant 0 : i32
      %get3A_2978 = arith.index_cast %get3A_2977 : i32 to index
      %get3A_2979 = arith.constant 416 : index
      %get3A_2980 = tpu.vector_load %arg5[%get3A_2978, %get3A_2979] {strides = array<i32>} : memref<2x1024xi32, #tpu.memory_space<vmem>>, vector<16xi32>,
      %add3A_2981 = arith.constant 24624 : i32
      %add3A_2982 = vector.broadcast %add3A_2981 : i32 to vector<16xi32>
      %add3A_2983 = arith.addi %get3A_2980, %add3A_2982 : vector<16xi32>
      %swap3A_2984 = arith.constant 0 : i32
      %swap3A_2985 = arith.index_cast %swap3A_2984 : i32 to index
      %swap3A_2986 = arith.constant 416 : index
      %swap3A_2987 = tpu.vector_load %arg6[%swap3A_2985, %swap3A_2986] {strides = array<i32>} : memref<2x1024xi32, #tpu.memory_space<vmem>>, vector<16xi32>,
      tpu.vector_store %arg6[%swap3A_2985, %swap3A_2986], %add3A_2983 {strides = array<i32>} : memref<2x1024xi32, #tpu.memory_space<vmem>>, vector<16xi32>,
      %get3A_2988 = arith.constant 0 : i32
      %get3A_2989 = arith.index_cast %get3A_2988 : i32 to index
      %get3A_2990 = arith.constant 432 : index
      %get3A_2991 = tpu.vector_load %arg5[%get3A_2989, %get3A_2990] {strides = array<i32>} : memref<2x1024xi32, #tpu.memory_space<vmem>>, vector<16xi32>,
      %add3A_2992 = arith.constant 24624 : i32
      %add3A_2993 = vector.broadcast %add3A_2992 : i32 to vector<16xi32>
      %add3A_2994 = arith.addi %get3A_2991, %add3A_2993 : vector<16xi32>
      %swap3A_2995 = arith.constant 0 : i32
      %swap3A_2996 = arith.index_cast %swap3A_2995 : i32 to index
      %swap3A_2997 = arith.constant 432 : index
      %swap3A_2998 = tpu.vector_load %arg6[%swap3A_2996, %swap3A_2997] {strides = array<i32>} : memref<2x1024xi32, #tpu.memory_space<vmem>>, vector<16xi32>,
      tpu.vector_store %arg6[%swap3A_2996, %swap3A_2997], %add3A_2994 {strides = array<i32>} : memref<2x1024xi32, #tpu.memory_space<vmem>>, vector<16xi32>,
      %get3A_2999 = arith.constant 0 : i32
      %get3A_3000 = arith.index_cast %get3A_2999 : i32 to index
      %get3A_3001 = arith.constant 448 : index
      %get3A_3002 = tpu.vector_load %arg5[%get3A_3000, %get3A_3001] {strides = array<i32>} : memref<2x1024xi32, #tpu.memory_space<vmem>>, vector<16xi32>,
      %add3A_3003 = arith.constant 24624 : i32
      %add3A_3004 = vector.broadcast %add3A_3003 : i32 to vector<16xi32>
      %add3A_3005 = arith.addi %get3A_3002, %add3A_3004 : vector<16xi32>
      %swap3A_3006 = arith.constant 0 : i32
      %swap3A_3007 = arith.index_cast %swap3A_3006 : i32 to index
      %swap3A_3008 = arith.constant 448 : index
      %swap3A_3009 = tpu.vector_load %arg6[%swap3A_3007, %swap3A_3008] {strides = array<i32>} : memref<2x1024xi32, #tpu.memory_space<vmem>>, vector<16xi32>,
      tpu.vector_store %arg6[%swap3A_3007, %swap3A_3008], %add3A_3005 {strides = array<i32>} : memref<2x1024xi32, #tpu.memory_space<vmem>>, vector<16xi32>,
      %get3A_3010 = arith.constant 0 : i32
      %get3A_3011 = arith.index_cast %get3A_3010 : i32 to index
      %get3A_3012 = arith.constant 464 : index
      %get3A_3013 = tpu.vector_load %arg5[%get3A_3011, %get3A_3012] {strides = array<i32>} : memref<2x1024xi32, #tpu.memory_space<vmem>>, vector<16xi32>,
      %add3A_3014 = arith.constant 24624 : i32
      %add3A_3015 = vector.broadcast %add3A_3014 : i32 to vector<16xi32>
      %add3A_3016 = arith.addi %get3A_3013, %add3A_3015 : vector<16xi32>
      %swap3A_3017 = arith.constant 0 : i32
      %swap3A_3018 = arith.index_cast %swap3A_3017 : i32 to index
      %swap3A_3019 = arith.constant 464 : index
      %swap3A_3020 = tpu.vector_load %arg6[%swap3A_3018, %swap3A_3019] {strides = array<i32>} : memref<2x1024xi32, #tpu.memory_space<vmem>>, vector<16xi32>,
      tpu.vector_store %arg6[%swap3A_3018, %swap3A_3019], %add3A_3016 {strides = array<i32>} : memref<2x1024xi32, #tpu.memory_space<vmem>>, vector<16xi32>,
      %get3A_3021 = arith.constant 0 : i32
      %get3A_3022 = arith.index_cast %get3A_3021 : i32 to index
      %get3A_3023 = arith.constant 480 : index
      %get3A_3024 = tpu.vector_load %arg5[%get3A_3022, %get3A_3023] {strides = array<i32>} : memref<2x1024xi32, #tpu.memory_space<vmem>>, vector<16xi32>,
      %add3A_3025 = arith.constant 24624 : i32
      %add3A_3026 = vector.broadcast %add3A_3025 : i32 to vector<16xi32>
      %add3A_3027 = arith.addi %get3A_3024, %add3A_3026 : vector<16xi32>
      %swap3A_3028 = arith.constant 0 : i32
      %swap3A_3029 = arith.index_cast %swap3A_3028 : i32 to index
      %swap3A_3030 = arith.constant 480 : index
      %swap3A_3031 = tpu.vector_load %arg6[%swap3A_3029, %swap3A_3030] {strides = array<i32>} : memref<2x1024xi32, #tpu.memory_space<vmem>>, vector<16xi32>,
      tpu.vector_store %arg6[%swap3A_3029, %swap3A_3030], %add3A_3027 {strides = array<i32>} : memref<2x1024xi32, #tpu.memory_space<vmem>>, vector<16xi32>,
      %get3A_3032 = arith.constant 0 : i32
      %get3A_3033 = arith.index_cast %get3A_3032 : i32 to index
      %get3A_3034 = arith.constant 496 : index
      %get3A_3035 = tpu.vector_load %arg5[%get3A_3033, %get3A_3034] {strides = array<i32>} : memref<2x1024xi32, #tpu.memory_space<vmem>>, vector<16xi32>,
      %add3A_3036 = arith.constant 24624 : i32
      %add3A_3037 = vector.broadcast %add3A_3036 : i32 to vector<16xi32>
      %add3A_3038 = arith.addi %get3A_3035, %add3A_3037 : vector<16xi32>
      %swap3A_3039 = arith.constant 0 : i32
      %swap3A_3040 = arith.index_cast %swap3A_3039 : i32 to index
      %swap3A_3041 = arith.constant 496 : index
      %swap3A_3042 = tpu.vector_load %arg6[%swap3A_3040, %swap3A_3041] {strides = array<i32>} : memref<2x1024xi32, #tpu.memory_space<vmem>>, vector<16xi32>,
      tpu.vector_store %arg6[%swap3A_3040, %swap3A_3041], %add3A_3038 {strides = array<i32>} : memref<2x1024xi32, #tpu.memory_space<vmem>>, vector<16xi32>,
      %get3A_3043 = arith.constant 0 : i32
      %get3A_3044 = arith.index_cast %get3A_3043 : i32 to index
      %get3A_3045 = arith.constant 512 : index
      %get3A_3046 = tpu.vector_load %arg5[%get3A_3044, %get3A_3045] {strides = array<i32>} : memref<2x1024xi32, #tpu.memory_space<vmem>>, vector<16xi32>,
      %add3A_3047 = arith.constant 32832 : i32
      %add3A_3048 = vector.broadcast %add3A_3047 : i32 to vector<16xi32>
      %add3A_3049 = arith.addi %get3A_3046, %add3A_3048 : vector<16xi32>
      %swap3A_3050 = arith.constant 0 : i32
      %swap3A_3051 = arith.index_cast %swap3A_3050 : i32 to index
      %swap3A_3052 = arith.constant 512 : index
      %swap3A_3053 = tpu.vector_load %arg6[%swap3A_3051, %swap3A_3052] {strides = array<i32>} : memref<2x1024xi32, #tpu.memory_space<vmem>>, vector<16xi32>,
      tpu.vector_store %arg6[%swap3A_3051, %swap3A_3052], %add3A_3049 {strides = array<i32>} : memref<2x1024xi32, #tpu.memory_space<vmem>>, vector<16xi32>,
      %get3A_3054 = arith.constant 0 : i32
      %get3A_3055 = arith.index_cast %get3A_3054 : i32 to index
      %get3A_3056 = arith.constant 528 : index
      %get3A_3057 = tpu.vector_load %arg5[%get3A_3055, %get3A_3056] {strides = array<i32>} : memref<2x1024xi32, #tpu.memory_space<vmem>>, vector<16xi32>,
      %add3A_3058 = arith.constant 32832 : i32
      %add3A_3059 = vector.broadcast %add3A_3058 : i32 to vector<16xi32>
      %add3A_3060 = arith.addi %get3A_3057, %add3A_3059 : vector<16xi32>
      %swap3A_3061 = arith.constant 0 : i32
      %swap3A_3062 = arith.index_cast %swap3A_3061 : i32 to index
      %swap3A_3063 = arith.constant 528 : index
      %swap3A_3064 = tpu.vector_load %arg6[%swap3A_3062, %swap3A_3063] {strides = array<i32>} : memref<2x1024xi32, #tpu.memory_space<vmem>>, vector<16xi32>,
      tpu.vector_store %arg6[%swap3A_3062, %swap3A_3063], %add3A_3060 {strides = array<i32>} : memref<2x1024xi32, #tpu.memory_space<vmem>>, vector<16xi32>,
      %get3A_3065 = arith.constant 0 : i32
      %get3A_3066 = arith.index_cast %get3A_3065 : i32 to index
      %get3A_3067 = arith.constant 544 : index
      %get3A_3068 = tpu.vector_load %arg5[%get3A_3066, %get3A_3067] {strides = array<i32>} : memref<2x1024xi32, #tpu.memory_space<vmem>>, vector<16xi32>,
      %add3A_3069 = arith.constant 32832 : i32
      %add3A_3070 = vector.broadcast %add3A_3069 : i32 to vector<16xi32>
      %add3A_3071 = arith.addi %get3A_3068, %add3A_3070 : vector<16xi32>
      %swap3A_3072 = arith.constant 0 : i32
      %swap3A_3073 = arith.index_cast %swap3A_3072 : i32 to index
      %swap3A_3074 = arith.constant 544 : index
      %swap3A_3075 = tpu.vector_load %arg6[%swap3A_3073, %swap3A_3074] {strides = array<i32>} : memref<2x1024xi32, #tpu.memory_space<vmem>>, vector<16xi32>,
      tpu.vector_store %arg6[%swap3A_3073, %swap3A_3074], %add3A_3071 {strides = array<i32>} : memref<2x1024xi32, #tpu.memory_space<vmem>>, vector<16xi32>,
      %get3A_3076 = arith.constant 0 : i32
      %get3A_3077 = arith.index_cast %get3A_3076 : i32 to index
      %get3A_3078 = arith.constant 560 : index
      %get3A_3079 = tpu.vector_load %arg5[%get3A_3077, %get3A_3078] {strides = array<i32>} : memref<2x1024xi32, #tpu.memory_space<vmem>>, vector<16xi32>,
      %add3A_3080 = arith.constant 32832 : i32
      %add3A_3081 = vector.broadcast %add3A_3080 : i32 to vector<16xi32>
      %add3A_3082 = arith.addi %get3A_3079, %add3A_3081 : vector<16xi32>
      %swap3A_3083 = arith.constant 0 : i32
      %swap3A_3084 = arith.index_cast %swap3A_3083 : i32 to index
      %swap3A_3085 = arith.constant 560 : index
      %swap3A_3086 = tpu.vector_load %arg6[%swap3A_3084, %swap3A_3085] {strides = array<i32>} : memref<2x1024xi32, #tpu.memory_space<vmem>>, vector<16xi32>,
      tpu.vector_store %arg6[%swap3A_3084, %swap3A_3085], %add3A_3082 {strides = array<i32>} : memref<2x1024xi32, #tpu.memory_space<vmem>>, vector<16xi32>,
      %get3A_3087 = arith.constant 0 : i32
      %get3A_3088 = arith.index_cast %get3A_3087 : i32 to index
      %get3A_3089 = arith.constant 576 : index
      %get3A_3090 = tpu.vector_load %arg5[%get3A_3088, %get3A_3089] {strides = array<i32>} : memref<2x1024xi32, #tpu.memory_space<vmem>>, vector<16xi32>,
      %add3A_3091 = arith.constant 32832 : i32
      %add3A_3092 = vector.broadcast %add3A_3091 : i32 to vector<16xi32>
      %add3A_3093 = arith.addi %get3A_3090, %add3A_3092 : vector<16xi32>
      %swap3A_3094 = arith.constant 0 : i32
      %swap3A_3095 = arith.index_cast %swap3A_3094 : i32 to index
      %swap3A_3096 = arith.constant 576 : index
      %swap3A_3097 = tpu.vector_load %arg6[%swap3A_3095, %swap3A_3096] {strides = array<i32>} : memref<2x1024xi32, #tpu.memory_space<vmem>>, vector<16xi32>,
      tpu.vector_store %arg6[%swap3A_3095, %swap3A_3096], %add3A_3093 {strides = array<i32>} : memref<2x1024xi32, #tpu.memory_space<vmem>>, vector<16xi32>,
      %get3A_3098 = arith.constant 0 : i32
      %get3A_3099 = arith.index_cast %get3A_3098 : i32 to index
      %get3A_3100 = arith.constant 592 : index
      %get3A_3101 = tpu.vector_load %arg5[%get3A_3099, %get3A_3100] {strides = array<i32>} : memref<2x1024xi32, #tpu.memory_space<vmem>>, vector<16xi32>,
      %add3A_3102 = arith.constant 32832 : i32
      %add3A_3103 = vector.broadcast %add3A_3102 : i32 to vector<16xi32>
      %add3A_3104 = arith.addi %get3A_3101, %add3A_3103 : vector<16xi32>
      %swap3A_3105 = arith.constant 0 : i32
      %swap3A_3106 = arith.index_cast %swap3A_3105 : i32 to index
      %swap3A_3107 = arith.constant 592 : index
      %swap3A_3108 = tpu.vector_load %arg6[%swap3A_3106, %swap3A_3107] {strides = array<i32>} : memref<2x1024xi32, #tpu.memory_space<vmem>>, vector<16xi32>,
      tpu.vector_store %arg6[%swap3A_3106, %swap3A_3107], %add3A_3104 {strides = array<i32>} : memref<2x1024xi32, #tpu.memory_space<vmem>>, vector<16xi32>,
      %get3A_3109 = arith.constant 0 : i32
      %get3A_3110 = arith.index_cast %get3A_3109 : i32 to index
      %get3A_3111 = arith.constant 608 : index
      %get3A_3112 = tpu.vector_load %arg5[%get3A_3110, %get3A_3111] {strides = array<i32>} : memref<2x1024xi32, #tpu.memory_space<vmem>>, vector<16xi32>,
      %add3A_3113 = arith.constant 32832 : i32
      %add3A_3114 = vector.broadcast %add3A_3113 : i32 to vector<16xi32>
      %add3A_3115 = arith.addi %get3A_3112, %add3A_3114 : vector<16xi32>
      %swap3A_3116 = arith.constant 0 : i32
      %swap3A_3117 = arith.index_cast %swap3A_3116 : i32 to index
      %swap3A_3118 = arith.constant 608 : index
      %swap3A_3119 = tpu.vector_load %arg6[%swap3A_3117, %swap3A_3118] {strides = array<i32>} : memref<2x1024xi32, #tpu.memory_space<vmem>>, vector<16xi32>,
      tpu.vector_store %arg6[%swap3A_3117, %swap3A_3118], %add3A_3115 {strides = array<i32>} : memref<2x1024xi32, #tpu.memory_space<vmem>>, vector<16xi32>,
      %get3A_3120 = arith.constant 0 : i32
      %get3A_3121 = arith.index_cast %get3A_3120 : i32 to index
      %get3A_3122 = arith.constant 624 : index
      %get3A_3123 = tpu.vector_load %arg5[%get3A_3121, %get3A_3122] {strides = array<i32>} : memref<2x1024xi32, #tpu.memory_space<vmem>>, vector<16xi32>,
      %add3A_3124 = arith.constant 32832 : i32
      %add3A_3125 = vector.broadcast %add3A_3124 : i32 to vector<16xi32>
      %add3A_3126 = arith.addi %get3A_3123, %add3A_3125 : vector<16xi32>
      %swap3A_3127 = arith.constant 0 : i32
      %swap3A_3128 = arith.index_cast %swap3A_3127 : i32 to index
      %swap3A_3129 = arith.constant 624 : index
      %swap3A_3130 = tpu.vector_load %arg6[%swap3A_3128, %swap3A_3129] {strides = array<i32>} : memref<2x1024xi32, #tpu.memory_space<vmem>>, vector<16xi32>,
      tpu.vector_store %arg6[%swap3A_3128, %swap3A_3129], %add3A_3126 {strides = array<i32>} : memref<2x1024xi32, #tpu.memory_space<vmem>>, vector<16xi32>,
      %get3A_3131 = arith.constant 0 : i32
      %get3A_3132 = arith.index_cast %get3A_3131 : i32 to index
      %get3A_3133 = arith.constant 640 : index
      %get3A_3134 = tpu.vector_load %arg5[%get3A_3132, %get3A_3133] {strides = array<i32>} : memref<2x1024xi32, #tpu.memory_space<vmem>>, vector<16xi32>,
      %add3A_3135 = arith.constant 41040 : i32
      %add3A_3136 = vector.broadcast %add3A_3135 : i32 to vector<16xi32>
      %add3A_3137 = arith.addi %get3A_3134, %add3A_3136 : vector<16xi32>
      %swap3A_3138 = arith.constant 0 : i32
      %swap3A_3139 = arith.index_cast %swap3A_3138 : i32 to index
      %swap3A_3140 = arith.constant 640 : index
      %swap3A_3141 = tpu.vector_load %arg6[%swap3A_3139, %swap3A_3140] {strides = array<i32>} : memref<2x1024xi32, #tpu.memory_space<vmem>>, vector<16xi32>,
      tpu.vector_store %arg6[%swap3A_3139, %swap3A_3140], %add3A_3137 {strides = array<i32>} : memref<2x1024xi32, #tpu.memory_space<vmem>>, vector<16xi32>,
      %get3A_3142 = arith.constant 0 : i32
      %get3A_3143 = arith.index_cast %get3A_3142 : i32 to index
      %get3A_3144 = arith.constant 656 : index
      %get3A_3145 = tpu.vector_load %arg5[%get3A_3143, %get3A_3144] {strides = array<i32>} : memref<2x1024xi32, #tpu.memory_space<vmem>>, vector<16xi32>,
      %add3A_3146 = arith.constant 41040 : i32
      %add3A_3147 = vector.broadcast %add3A_3146 : i32 to vector<16xi32>
      %add3A_3148 = arith.addi %get3A_3145, %add3A_3147 : vector<16xi32>
      %swap3A_3149 = arith.constant 0 : i32
      %swap3A_3150 = arith.index_cast %swap3A_3149 : i32 to index
      %swap3A_3151 = arith.constant 656 : index
      %swap3A_3152 = tpu.vector_load %arg6[%swap3A_3150, %swap3A_3151] {strides = array<i32>} : memref<2x1024xi32, #tpu.memory_space<vmem>>, vector<16xi32>,
      tpu.vector_store %arg6[%swap3A_3150, %swap3A_3151], %add3A_3148 {strides = array<i32>} : memref<2x1024xi32, #tpu.memory_space<vmem>>, vector<16xi32>,
      %get3A_3153 = arith.constant 0 : i32
      %get3A_3154 = arith.index_cast %get3A_3153 : i32 to index
      %get3A_3155 = arith.constant 672 : index
      %get3A_3156 = tpu.vector_load %arg5[%get3A_3154, %get3A_3155] {strides = array<i32>} : memref<2x1024xi32, #tpu.memory_space<vmem>>, vector<16xi32>,
      %add3A_3157 = arith.constant 41040 : i32
      %add3A_3158 = vector.broadcast %add3A_3157 : i32 to vector<16xi32>
      %add3A_3159 = arith.addi %get3A_3156, %add3A_3158 : vector<16xi32>
      %swap3A_3160 = arith.constant 0 : i32
      %swap3A_3161 = arith.index_cast %swap3A_3160 : i32 to index
      %swap3A_3162 = arith.constant 672 : index
      %swap3A_3163 = tpu.vector_load %arg6[%swap3A_3161, %swap3A_3162] {strides = array<i32>} : memref<2x1024xi32, #tpu.memory_space<vmem>>, vector<16xi32>,
      tpu.vector_store %arg6[%swap3A_3161, %swap3A_3162], %add3A_3159 {strides = array<i32>} : memref<2x1024xi32, #tpu.memory_space<vmem>>, vector<16xi32>,
      %get3A_3164 = arith.constant 0 : i32
      %get3A_3165 = arith.index_cast %get3A_3164 : i32 to index
      %get3A_3166 = arith.constant 688 : index
      %get3A_3167 = tpu.vector_load %arg5[%get3A_3165, %get3A_3166] {strides = array<i32>} : memref<2x1024xi32, #tpu.memory_space<vmem>>, vector<16xi32>,
      %add3A_3168 = arith.constant 41040 : i32
      %add3A_3169 = vector.broadcast %add3A_3168 : i32 to vector<16xi32>
      %add3A_3170 = arith.addi %get3A_3167, %add3A_3169 : vector<16xi32>
      %swap3A_3171 = arith.constant 0 : i32
      %swap3A_3172 = arith.index_cast %swap3A_3171 : i32 to index
      %swap3A_3173 = arith.constant 688 : index
      %swap3A_3174 = tpu.vector_load %arg6[%swap3A_3172, %swap3A_3173] {strides = array<i32>} : memref<2x1024xi32, #tpu.memory_space<vmem>>, vector<16xi32>,
      tpu.vector_store %arg6[%swap3A_3172, %swap3A_3173], %add3A_3170 {strides = array<i32>} : memref<2x1024xi32, #tpu.memory_space<vmem>>, vector<16xi32>,
      %get3A_3175 = arith.constant 0 : i32
      %get3A_3176 = arith.index_cast %get3A_3175 : i32 to index
      %get3A_3177 = arith.constant 704 : index
      %get3A_3178 = tpu.vector_load %arg5[%get3A_3176, %get3A_3177] {strides = array<i32>} : memref<2x1024xi32, #tpu.memory_space<vmem>>, vector<16xi32>,
      %add3A_3179 = arith.constant 41040 : i32
      %add3A_3180 = vector.broadcast %add3A_3179 : i32 to vector<16xi32>
      %add3A_3181 = arith.addi %get3A_3178, %add3A_3180 : vector<16xi32>
      %swap3A_3182 = arith.constant 0 : i32
      %swap3A_3183 = arith.index_cast %swap3A_3182 : i32 to index
      %swap3A_3184 = arith.constant 704 : index
      %swap3A_3185 = tpu.vector_load %arg6[%swap3A_3183, %swap3A_3184] {strides = array<i32>} : memref<2x1024xi32, #tpu.memory_space<vmem>>, vector<16xi32>,
      tpu.vector_store %arg6[%swap3A_3183, %swap3A_3184], %add3A_3181 {strides = array<i32>} : memref<2x1024xi32, #tpu.memory_space<vmem>>, vector<16xi32>,
      %get3A_3186 = arith.constant 0 : i32
      %get3A_3187 = arith.index_cast %get3A_3186 : i32 to index
      %get3A_3188 = arith.constant 720 : index
      %get3A_3189 = tpu.vector_load %arg5[%get3A_3187, %get3A_3188] {strides = array<i32>} : memref<2x1024xi32, #tpu.memory_space<vmem>>, vector<16xi32>,
      %add3A_3190 = arith.constant 41040 : i32
      %add3A_3191 = vector.broadcast %add3A_3190 : i32 to vector<16xi32>
      %add3A_3192 = arith.addi %get3A_3189, %add3A_3191 : vector<16xi32>
      %swap3A_3193 = arith.constant 0 : i32
      %swap3A_3194 = arith.index_cast %swap3A_3193 : i32 to index
      %swap3A_3195 = arith.constant 720 : index
      %swap3A_3196 = tpu.vector_load %arg6[%swap3A_3194, %swap3A_3195] {strides = array<i32>} : memref<2x1024xi32, #tpu.memory_space<vmem>>, vector<16xi32>,
      tpu.vector_store %arg6[%swap3A_3194, %swap3A_3195], %add3A_3192 {strides = array<i32>} : memref<2x1024xi32, #tpu.memory_space<vmem>>, vector<16xi32>,
      %get3A_3197 = arith.constant 0 : i32
      %get3A_3198 = arith.index_cast %get3A_3197 : i32 to index
      %get3A_3199 = arith.constant 736 : index
      %get3A_3200 = tpu.vector_load %arg5[%get3A_3198, %get3A_3199] {strides = array<i32>} : memref<2x1024xi32, #tpu.memory_space<vmem>>, vector<16xi32>,
      %add3A_3201 = arith.constant 41040 : i32
      %add3A_3202 = vector.broadcast %add3A_3201 : i32 to vector<16xi32>
      %add3A_3203 = arith.addi %get3A_3200, %add3A_3202 : vector<16xi32>
      %swap3A_3204 = arith.constant 0 : i32
      %swap3A_3205 = arith.index_cast %swap3A_3204 : i32 to index
      %swap3A_3206 = arith.constant 736 : index
      %swap3A_3207 = tpu.vector_load %arg6[%swap3A_3205, %swap3A_3206] {strides = array<i32>} : memref<2x1024xi32, #tpu.memory_space<vmem>>, vector<16xi32>,
      tpu.vector_store %arg6[%swap3A_3205, %swap3A_3206], %add3A_3203 {strides = array<i32>} : memref<2x1024xi32, #tpu.memory_space<vmem>>, vector<16xi32>,
      %get3A_3208 = arith.constant 0 : i32
      %get3A_3209 = arith.index_cast %get3A_3208 : i32 to index
      %get3A_3210 = arith.constant 752 : index
      %get3A_3211 = tpu.vector_load %arg5[%get3A_3209, %get3A_3210] {strides = array<i32>} : memref<2x1024xi32, #tpu.memory_space<vmem>>, vector<16xi32>,
      %add3A_3212 = arith.constant 41040 : i32
      %add3A_3213 = vector.broadcast %add3A_3212 : i32 to vector<16xi32>
      %add3A_3214 = arith.addi %get3A_3211, %add3A_3213 : vector<16xi32>
      %swap3A_3215 = arith.constant 0 : i32
      %swap3A_3216 = arith.index_cast %swap3A_3215 : i32 to index
      %swap3A_3217 = arith.constant 752 : index
      %swap3A_3218 = tpu.vector_load %arg6[%swap3A_3216, %swap3A_3217] {strides = array<i32>} : memref<2x1024xi32, #tpu.memory_space<vmem>>, vector<16xi32>,
      tpu.vector_store %arg6[%swap3A_3216, %swap3A_3217], %add3A_3214 {strides = array<i32>} : memref<2x1024xi32, #tpu.memory_space<vmem>>, vector<16xi32>,
      %get3A_3219 = arith.constant 0 : i32
      %get3A_3220 = arith.index_cast %get3A_3219 : i32 to index
      %get3A_3221 = arith.constant 768 : index
      %get3A_3222 = tpu.vector_load %arg5[%get3A_3220, %get3A_3221] {strides = array<i32>} : memref<2x1024xi32, #tpu.memory_space<vmem>>, vector<16xi32>,
      %add3A_3223 = arith.constant 49248 : i32
      %add3A_3224 = vector.broadcast %add3A_3223 : i32 to vector<16xi32>
      %add3A_3225 = arith.addi %get3A_3222, %add3A_3224 : vector<16xi32>
      %swap3A_3226 = arith.constant 0 : i32
      %swap3A_3227 = arith.index_cast %swap3A_3226 : i32 to index
      %swap3A_3228 = arith.constant 768 : index
      %swap3A_3229 = tpu.vector_load %arg6[%swap3A_3227, %swap3A_3228] {strides = array<i32>} : memref<2x1024xi32, #tpu.memory_space<vmem>>, vector<16xi32>,
      tpu.vector_store %arg6[%swap3A_3227, %swap3A_3228], %add3A_3225 {strides = array<i32>} : memref<2x1024xi32, #tpu.memory_space<vmem>>, vector<16xi32>,
      %get3A_3230 = arith.constant 0 : i32
      %get3A_3231 = arith.index_cast %get3A_3230 : i32 to index
      %get3A_3232 = arith.constant 784 : index
      %get3A_3233 = tpu.vector_load %arg5[%get3A_3231, %get3A_3232] {strides = array<i32>} : memref<2x1024xi32, #tpu.memory_space<vmem>>, vector<16xi32>,
      %add3A_3234 = arith.constant 49248 : i32
      %add3A_3235 = vector.broadcast %add3A_3234 : i32 to vector<16xi32>
      %add3A_3236 = arith.addi %get3A_3233, %add3A_3235 : vector<16xi32>
      %swap3A_3237 = arith.constant 0 : i32
      %swap3A_3238 = arith.index_cast %swap3A_3237 : i32 to index
      %swap3A_3239 = arith.constant 784 : index
      %swap3A_3240 = tpu.vector_load %arg6[%swap3A_3238, %swap3A_3239] {strides = array<i32>} : memref<2x1024xi32, #tpu.memory_space<vmem>>, vector<16xi32>,
      tpu.vector_store %arg6[%swap3A_3238, %swap3A_3239], %add3A_3236 {strides = array<i32>} : memref<2x1024xi32, #tpu.memory_space<vmem>>, vector<16xi32>,
      %get3A_3241 = arith.constant 0 : i32
      %get3A_3242 = arith.index_cast %get3A_3241 : i32 to index
      %get3A_3243 = arith.constant 800 : index
      %get3A_3244 = tpu.vector_load %arg5[%get3A_3242, %get3A_3243] {strides = array<i32>} : memref<2x1024xi32, #tpu.memory_space<vmem>>, vector<16xi32>,
      %add3A_3245 = arith.constant 49248 : i32
      %add3A_3246 = vector.broadcast %add3A_3245 : i32 to vector<16xi32>
      %add3A_3247 = arith.addi %get3A_3244, %add3A_3246 : vector<16xi32>
      %swap3A_3248 = arith.constant 0 : i32
      %swap3A_3249 = arith.index_cast %swap3A_3248 : i32 to index
      %swap3A_3250 = arith.constant 800 : index
      %swap3A_3251 = tpu.vector_load %arg6[%swap3A_3249, %swap3A_3250] {strides = array<i32>} : memref<2x1024xi32, #tpu.memory_space<vmem>>, vector<16xi32>,
      tpu.vector_store %arg6[%swap3A_3249, %swap3A_3250], %add3A_3247 {strides = array<i32>} : memref<2x1024xi32, #tpu.memory_space<vmem>>, vector<16xi32>,
      %get3A_3252 = arith.constant 0 : i32
      %get3A_3253 = arith.index_cast %get3A_3252 : i32 to index
      %get3A_3254 = arith.constant 816 : index
      %get3A_3255 = tpu.vector_load %arg5[%get3A_3253, %get3A_3254] {strides = array<i32>} : memref<2x1024xi32, #tpu.memory_space<vmem>>, vector<16xi32>,
      %add3A_3256 = arith.constant 49248 : i32
      %add3A_3257 = vector.broadcast %add3A_3256 : i32 to vector<16xi32>
      %add3A_3258 = arith.addi %get3A_3255, %add3A_3257 : vector<16xi32>
      %swap3A_3259 = arith.constant 0 : i32
      %swap3A_3260 = arith.index_cast %swap3A_3259 : i32 to index
      %swap3A_3261 = arith.constant 816 : index
      %swap3A_3262 = tpu.vector_load %arg6[%swap3A_3260, %swap3A_3261] {strides = array<i32>} : memref<2x1024xi32, #tpu.memory_space<vmem>>, vector<16xi32>,
      tpu.vector_store %arg6[%swap3A_3260, %swap3A_3261], %add3A_3258 {strides = array<i32>} : memref<2x1024xi32, #tpu.memory_space<vmem>>, vector<16xi32>,
      %get3A_3263 = arith.constant 0 : i32
      %get3A_3264 = arith.index_cast %get3A_3263 : i32 to index
      %get3A_3265 = arith.constant 832 : index
      %get3A_3266 = tpu.vector_load %arg5[%get3A_3264, %get3A_3265] {strides = array<i32>} : memref<2x1024xi32, #tpu.memory_space<vmem>>, vector<16xi32>,
      %add3A_3267 = arith.constant 49248 : i32
      %add3A_3268 = vector.broadcast %add3A_3267 : i32 to vector<16xi32>
      %add3A_3269 = arith.addi %get3A_3266, %add3A_3268 : vector<16xi32>
      %swap3A_3270 = arith.constant 0 : i32
      %swap3A_3271 = arith.index_cast %swap3A_3270 : i32 to index
      %swap3A_3272 = arith.constant 832 : index
      %swap3A_3273 = tpu.vector_load %arg6[%swap3A_3271, %swap3A_3272] {strides = array<i32>} : memref<2x1024xi32, #tpu.memory_space<vmem>>, vector<16xi32>,
      tpu.vector_store %arg6[%swap3A_3271, %swap3A_3272], %add3A_3269 {strides = array<i32>} : memref<2x1024xi32, #tpu.memory_space<vmem>>, vector<16xi32>,
      %get3A_3274 = arith.constant 0 : i32
      %get3A_3275 = arith.index_cast %get3A_3274 : i32 to index
      %get3A_3276 = arith.constant 848 : index
      %get3A_3277 = tpu.vector_load %arg5[%get3A_3275, %get3A_3276] {strides = array<i32>} : memref<2x1024xi32, #tpu.memory_space<vmem>>, vector<16xi32>,
      %add3A_3278 = arith.constant 49248 : i32
      %add3A_3279 = vector.broadcast %add3A_3278 : i32 to vector<16xi32>
      %add3A_3280 = arith.addi %get3A_3277, %add3A_3279 : vector<16xi32>
      %swap3A_3281 = arith.constant 0 : i32
      %swap3A_3282 = arith.index_cast %swap3A_3281 : i32 to index
      %swap3A_3283 = arith.constant 848 : index
      %swap3A_3284 = tpu.vector_load %arg6[%swap3A_3282, %swap3A_3283] {strides = array<i32>} : memref<2x1024xi32, #tpu.memory_space<vmem>>, vector<16xi32>,
      tpu.vector_store %arg6[%swap3A_3282, %swap3A_3283], %add3A_3280 {strides = array<i32>} : memref<2x1024xi32, #tpu.memory_space<vmem>>, vector<16xi32>,
      %get3A_3285 = arith.constant 0 : i32
      %get3A_3286 = arith.index_cast %get3A_3285 : i32 to index
      %get3A_3287 = arith.constant 864 : index
      %get3A_3288 = tpu.vector_load %arg5[%get3A_3286, %get3A_3287] {strides = array<i32>} : memref<2x1024xi32, #tpu.memory_space<vmem>>, vector<16xi32>,
      %add3A_3289 = arith.constant 49248 : i32
      %add3A_3290 = vector.broadcast %add3A_3289 : i32 to vector<16xi32>
      %add3A_3291 = arith.addi %get3A_3288, %add3A_3290 : vector<16xi32>
      %swap3A_3292 = arith.constant 0 : i32
      %swap3A_3293 = arith.index_cast %swap3A_3292 : i32 to index
      %swap3A_3294 = arith.constant 864 : index
      %swap3A_3295 = tpu.vector_load %arg6[%swap3A_3293, %swap3A_3294] {strides = array<i32>} : memref<2x1024xi32, #tpu.memory_space<vmem>>, vector<16xi32>,
      tpu.vector_store %arg6[%swap3A_3293, %swap3A_3294], %add3A_3291 {strides = array<i32>} : memref<2x1024xi32, #tpu.memory_space<vmem>>, vector<16xi32>,
      %get3A_3296 = arith.constant 0 : i32
      %get3A_3297 = arith.index_cast %get3A_3296 : i32 to index
      %get3A_3298 = arith.constant 880 : index
      %get3A_3299 = tpu.vector_load %arg5[%get3A_3297, %get3A_3298] {strides = array<i32>} : memref<2x1024xi32, #tpu.memory_space<vmem>>, vector<16xi32>,
      %add3A_3300 = arith.constant 49248 : i32
      %add3A_3301 = vector.broadcast %add3A_3300 : i32 to vector<16xi32>
      %add3A_3302 = arith.addi %get3A_3299, %add3A_3301 : vector<16xi32>
      %swap3A_3303 = arith.constant 0 : i32
      %swap3A_3304 = arith.index_cast %swap3A_3303 : i32 to index
      %swap3A_3305 = arith.constant 880 : index
      %swap3A_3306 = tpu.vector_load %arg6[%swap3A_3304, %swap3A_3305] {strides = array<i32>} : memref<2x1024xi32, #tpu.memory_space<vmem>>, vector<16xi32>,
      tpu.vector_store %arg6[%swap3A_3304, %swap3A_3305], %add3A_3302 {strides = array<i32>} : memref<2x1024xi32, #tpu.memory_space<vmem>>, vector<16xi32>,
      %get3A_3307 = arith.constant 0 : i32
      %get3A_3308 = arith.index_cast %get3A_3307 : i32 to index
      %get3A_3309 = arith.constant 896 : index
      %get3A_3310 = tpu.vector_load %arg5[%get3A_3308, %get3A_3309] {strides = array<i32>} : memref<2x1024xi32, #tpu.memory_space<vmem>>, vector<16xi32>,
      %add3A_3311 = arith.constant 57456 : i32
      %add3A_3312 = vector.broadcast %add3A_3311 : i32 to vector<16xi32>
      %add3A_3313 = arith.addi %get3A_3310, %add3A_3312 : vector<16xi32>
      %swap3A_3314 = arith.constant 0 : i32
      %swap3A_3315 = arith.index_cast %swap3A_3314 : i32 to index
      %swap3A_3316 = arith.constant 896 : index
      %swap3A_3317 = tpu.vector_load %arg6[%swap3A_3315, %swap3A_3316] {strides = array<i32>} : memref<2x1024xi32, #tpu.memory_space<vmem>>, vector<16xi32>,
      tpu.vector_store %arg6[%swap3A_3315, %swap3A_3316], %add3A_3313 {strides = array<i32>} : memref<2x1024xi32, #tpu.memory_space<vmem>>, vector<16xi32>,
      %get3A_3318 = arith.constant 0 : i32
      %get3A_3319 = arith.index_cast %get3A_3318 : i32 to index
      %get3A_3320 = arith.constant 912 : index
      %get3A_3321 = tpu.vector_load %arg5[%get3A_3319, %get3A_3320] {strides = array<i32>} : memref<2x1024xi32, #tpu.memory_space<vmem>>, vector<16xi32>,
      %add3A_3322 = arith.constant 57456 : i32
      %add3A_3323 = vector.broadcast %add3A_3322 : i32 to vector<16xi32>
      %add3A_3324 = arith.addi %get3A_3321, %add3A_3323 : vector<16xi32>
      %swap3A_3325 = arith.constant 0 : i32
      %swap3A_3326 = arith.index_cast %swap3A_3325 : i32 to index
      %swap3A_3327 = arith.constant 912 : index
      %swap3A_3328 = tpu.vector_load %arg6[%swap3A_3326, %swap3A_3327] {strides = array<i32>} : memref<2x1024xi32, #tpu.memory_space<vmem>>, vector<16xi32>,
      tpu.vector_store %arg6[%swap3A_3326, %swap3A_3327], %add3A_3324 {strides = array<i32>} : memref<2x1024xi32, #tpu.memory_space<vmem>>, vector<16xi32>,
      %get3A_3329 = arith.constant 0 : i32
      %get3A_3330 = arith.index_cast %get3A_3329 : i32 to index
      %get3A_3331 = arith.constant 928 : index
      %get3A_3332 = tpu.vector_load %arg5[%get3A_3330, %get3A_3331] {strides = array<i32>} : memref<2x1024xi32, #tpu.memory_space<vmem>>, vector<16xi32>,
      %add3A_3333 = arith.constant 57456 : i32
      %add3A_3334 = vector.broadcast %add3A_3333 : i32 to vector<16xi32>
      %add3A_3335 = arith.addi %get3A_3332, %add3A_3334 : vector<16xi32>
      %swap3A_3336 = arith.constant 0 : i32
      %swap3A_3337 = arith.index_cast %swap3A_3336 : i32 to index
      %swap3A_3338 = arith.constant 928 : index
      %swap3A_3339 = tpu.vector_load %arg6[%swap3A_3337, %swap3A_3338] {strides = array<i32>} : memref<2x1024xi32, #tpu.memory_space<vmem>>, vector<16xi32>,
      tpu.vector_store %arg6[%swap3A_3337, %swap3A_3338], %add3A_3335 {strides = array<i32>} : memref<2x1024xi32, #tpu.memory_space<vmem>>, vector<16xi32>,
      %get3A_3340 = arith.constant 0 : i32
      %get3A_3341 = arith.index_cast %get3A_3340 : i32 to index
      %get3A_3342 = arith.constant 944 : index
      %get3A_3343 = tpu.vector_load %arg5[%get3A_3341, %get3A_3342] {strides = array<i32>} : memref<2x1024xi32, #tpu.memory_space<vmem>>, vector<16xi32>,
      %add3A_3344 = arith.constant 57456 : i32
      %add3A_3345 = vector.broadcast %add3A_3344 : i32 to vector<16xi32>
      %add3A_3346 = arith.addi %get3A_3343, %add3A_3345 : vector<16xi32>
      %swap3A_3347 = arith.constant 0 : i32
      %swap3A_3348 = arith.index_cast %swap3A_3347 : i32 to index
      %swap3A_3349 = arith.constant 944 : index
      %swap3A_3350 = tpu.vector_load %arg6[%swap3A_3348, %swap3A_3349] {strides = array<i32>} : memref<2x1024xi32, #tpu.memory_space<vmem>>, vector<16xi32>,
      tpu.vector_store %arg6[%swap3A_3348, %swap3A_3349], %add3A_3346 {strides = array<i32>} : memref<2x1024xi32, #tpu.memory_space<vmem>>, vector<16xi32>,
      %get3A_3351 = arith.constant 0 : i32
      %get3A_3352 = arith.index_cast %get3A_3351 : i32 to index
      %get3A_3353 = arith.constant 960 : index
      %get3A_3354 = tpu.vector_load %arg5[%get3A_3352, %get3A_3353] {strides = array<i32>} : memref<2x1024xi32, #tpu.memory_space<vmem>>, vector<16xi32>,
      %add3A_3355 = arith.constant 57456 : i32
      %add3A_3356 = vector.broadcast %add3A_3355 : i32 to vector<16xi32>
      %add3A_3357 = arith.addi %get3A_3354, %add3A_3356 : vector<16xi32>
      %swap3A_3358 = arith.constant 0 : i32
      %swap3A_3359 = arith.index_cast %swap3A_3358 : i32 to index
      %swap3A_3360 = arith.constant 960 : index
      %swap3A_3361 = tpu.vector_load %arg6[%swap3A_3359, %swap3A_3360] {strides = array<i32>} : memref<2x1024xi32, #tpu.memory_space<vmem>>, vector<16xi32>,
      tpu.vector_store %arg6[%swap3A_3359, %swap3A_3360], %add3A_3357 {strides = array<i32>} : memref<2x1024xi32, #tpu.memory_space<vmem>>, vector<16xi32>,
      %get3A_3362 = arith.constant 0 : i32
      %get3A_3363 = arith.index_cast %get3A_3362 : i32 to index
      %get3A_3364 = arith.constant 976 : index
      %get3A_3365 = tpu.vector_load %arg5[%get3A_3363, %get3A_3364] {strides = array<i32>} : memref<2x1024xi32, #tpu.memory_space<vmem>>, vector<16xi32>,
      %add3A_3366 = arith.constant 57456 : i32
      %add3A_3367 = vector.broadcast %add3A_3366 : i32 to vector<16xi32>
      %add3A_3368 = arith.addi %get3A_3365, %add3A_3367 : vector<16xi32>
      %swap3A_3369 = arith.constant 0 : i32
      %swap3A_3370 = arith.index_cast %swap3A_3369 : i32 to index
      %swap3A_3371 = arith.constant 976 : index
      %swap3A_3372 = tpu.vector_load %arg6[%swap3A_3370, %swap3A_3371] {strides = array<i32>} : memref<2x1024xi32, #tpu.memory_space<vmem>>, vector<16xi32>,
      tpu.vector_store %arg6[%swap3A_3370, %swap3A_3371], %add3A_3368 {strides = array<i32>} : memref<2x1024xi32, #tpu.memory_space<vmem>>, vector<16xi32>,
      %get3A_3373 = arith.constant 0 : i32
      %get3A_3374 = arith.index_cast %get3A_3373 : i32 to index
      %get3A_3375 = arith.constant 992 : index
      %get3A_3376 = tpu.vector_load %arg5[%get3A_3374, %get3A_3375] {strides = array<i32>} : memref<2x1024xi32, #tpu.memory_space<vmem>>, vector<16xi32>,
      %add3A_3377 = arith.constant 57456 : i32
      %add3A_3378 = vector.broadcast %add3A_3377 : i32 to vector<16xi32>
      %add3A_3379 = arith.addi %get3A_3376, %add3A_3378 : vector<16xi32>
      %swap3A_3380 = arith.constant 0 : i32
      %swap3A_3381 = arith.index_cast %swap3A_3380 : i32 to index
      %swap3A_3382 = arith.constant 992 : index
      %swap3A_3383 = tpu.vector_load %arg6[%swap3A_3381, %swap3A_3382] {strides = array<i32>} : memref<2x1024xi32, #tpu.memory_space<vmem>>, vector<16xi32>,
      tpu.vector_store %arg6[%swap3A_3381, %swap3A_3382], %add3A_3379 {strides = array<i32>} : memref<2x1024xi32, #tpu.memory_space<vmem>>, vector<16xi32>,
      %get3A_3384 = arith.constant 0 : i32
      %get3A_3385 = arith.index_cast %get3A_3384 : i32 to index
      %get3A_3386 = arith.constant 1008 : index
      %get3A_3387 = tpu.vector_load %arg5[%get3A_3385, %get3A_3386] {strides = array<i32>} : memref<2x1024xi32, #tpu.memory_space<vmem>>, vector<16xi32>,
      %add3A_3388 = arith.constant 57456 : i32
      %add3A_3389 = vector.broadcast %add3A_3388 : i32 to vector<16xi32>
      %add3A_3390 = arith.addi %get3A_3387, %add3A_3389 : vector<16xi32>
      %swap3A_3391 = arith.constant 0 : i32
      %swap3A_3392 = arith.index_cast %swap3A_3391 : i32 to index
      %swap3A_3393 = arith.constant 1008 : index
      %swap3A_3394 = tpu.vector_load %arg6[%swap3A_3392, %swap3A_3393] {strides = array<i32>} : memref<2x1024xi32, #tpu.memory_space<vmem>>, vector<16xi32>,
      tpu.vector_store %arg6[%swap3A_3392, %swap3A_3393], %add3A_3390 {strides = array<i32>} : memref<2x1024xi32, #tpu.memory_space<vmem>>, vector<16xi32>,
      %dma_start3A_3395 = arith.constant 0 : i32
      %dma_start3A_3396 = arith.constant 0 : i32
      %dma_start3A_3397 = arith.constant 0 : i32
      %dma_start3A_3398 = arith.constant 0 : i32
      %dma_start3A_3399 = tpu.memref_slice %arg7[%dma_start3A_3396, %dma_start3A_3397, %dma_start3A_3398] : memref<2x1024x64xbf16, #tpu.memory_space<vmem>> -> memref<1x1024x64xbf16, #tpu.memory_space<vmem>>
      %dma_start3A_3400 = tpu.memref_squeeze %dma_start3A_3399 : memref<1x1024x64xbf16, #tpu.memory_space<vmem>> -> memref<1024x64xbf16, #tpu.memory_space<vmem>>
      %dma_start3A_3401 = arith.constant 0 : i32
      %dma_start3A_3402 = tpu.memref_slice %arg6[%dma_start3A_3395, %dma_start3A_3401] : memref<2x1024xi32, #tpu.memory_space<vmem>> -> memref<1x1024xi32, #tpu.memory_space<vmem>>
      %dma_start3A_3403 = tpu.memref_squeeze %dma_start3A_3402 : memref<1x1024xi32, #tpu.memory_space<vmem>> -> memref<1024xi32, #tpu.memory_space<vmem>>
      %dma_start3A_3404 = arith.constant 0 : i32
      %dma_start3A_3405 = arith.constant 0 : i32
      %dma_start3A_3406 = tpu.memref_slice %arg2[%dma_start3A_3404, %dma_start3A_3405] : memref<65664x64xbf16, #tpu.memory_space<hbm>> -> memref<65664x64xbf16, #tpu.memory_space<hbm>>
      tpu.enqueue_indirect_dma source(%dma_start3A_3406 : memref<65664x64xbf16, #tpu.memory_space<hbm>>) target(%dma_start3A_3400 : memref<1024x64xbf16, #tpu.memory_space<vmem>>) offsets(%dma_start3A_3403 : memref<1024xi32, #tpu.memory_space<vmem>>) semaphore(%arg11 : memref<!tpu.dma_semaphore, #tpu.memory_space<semaphore_mem>>)
      %add3A_3407 = arith.addi %mul3A_2, %min3A_2678 : i32
      %mul3A_3408 = arith.constant 1024 : i32
      %mul3A_3409 = arith.muli %add3A_3407, %mul3A_3408 : i32
      %dma_start3A_3410 = arith.constant 1 : i32
      %dma_start3A_3411 = arith.constant 0 : i32
      %dma_start3A_3412 = tpu.memref_slice %arg5[%dma_start3A_3410, %dma_start3A_3411] : memref<2x1024xi32, #tpu.memory_space<vmem>> -> memref<1x1024xi32, #tpu.memory_space<vmem>>
      %dma_start3A_3413 = tpu.memref_squeeze %dma_start3A_3412 : memref<1x1024xi32, #tpu.memory_space<vmem>> -> memref<1024xi32, #tpu.memory_space<vmem>>
      %dma_start3A_3414 = tpu.memref_slice %arg3[%mul3A_3409] : memref<6553600xi32, #tpu.memory_space<hbm>> -> memref<1024xi32, #tpu.memory_space<hbm>>
      %dma_start3A_3415 = arith.constant 0 : i32
      %dma_start3A_3416 = tpu.memref_slice %arg5[%dma_start3A_3410, %dma_start3A_3415] : memref<2x1024xi32, #tpu.memory_space<vmem>> -> memref<1x1024xi32, #tpu.memory_space<vmem>>
      %dma_start3A_3417 = tpu.memref_squeeze %dma_start3A_3416 : memref<1x1024xi32, #tpu.memory_space<vmem>> -> memref<1024xi32, #tpu.memory_space<vmem>>
      %dma_start3A_3418 = tpu.memref_slice %arg3[%mul3A_3409] : memref<6553600xi32, #tpu.memory_space<hbm>> -> memref<1024xi32, #tpu.memory_space<hbm>>
      tpu.enqueue_dma source(%dma_start3A_3418 : memref<1024xi32, #tpu.memory_space<hbm>>) target(%dma_start3A_3417 : memref<1024xi32, #tpu.memory_space<vmem>>) target_semaphore(%arg10 : memref<!tpu.dma_semaphore, #tpu.memory_space<semaphore_mem>>)
      %dma_wait3A_3419 = arith.constant 1 : i32
      %dma_wait3A_3420 = arith.constant 1 : i32
      %dma_wait3A_3421 = arith.constant 0 : i32
      %dma_wait3A_3422 = arith.constant 0 : i32
      %dma_wait3A_3423 = tpu.memref_slice %arg7[%dma_wait3A_3420, %dma_wait3A_3421, %dma_wait3A_3422] : memref<2x1024x64xbf16, #tpu.memory_space<vmem>> -> memref<1x1024x64xbf16, #tpu.memory_space<vmem>>
      %dma_wait3A_3424 = tpu.memref_squeeze %dma_wait3A_3423 : memref<1x1024x64xbf16, #tpu.memory_space<vmem>> -> memref<1024x64xbf16, #tpu.memory_space<vmem>>
      %dma_wait3A_3425 = arith.constant 0 : i32
      %dma_wait3A_3426 = tpu.memref_slice %arg6[%dma_wait3A_3419, %dma_wait3A_3425] : memref<2x1024xi32, #tpu.memory_space<vmem>> -> memref<1x1024xi32, #tpu.memory_space<vmem>>
      %dma_wait3A_3427 = tpu.memref_squeeze %dma_wait3A_3426 : memref<1x1024xi32, #tpu.memory_space<vmem>> -> memref<1024xi32, #tpu.memory_space<vmem>>
      %dma_wait3A_3428 = arith.constant 0 : i32
      %dma_wait3A_3429 = arith.constant 0 : i32
      %dma_wait3A_3430 = tpu.memref_slice %arg2[%dma_wait3A_3428, %dma_wait3A_3429] : memref<65664x64xbf16, #tpu.memory_space<hbm>> -> memref<65664x64xbf16, #tpu.memory_space<hbm>>
      tpu.wait_indirect_dma semaphore(%arg12 : memref<!tpu.dma_semaphore, #tpu.memory_space<semaphore_mem>>) src(%dma_wait3A_3430 : memref<65664x64xbf16, #tpu.memory_space<hbm>>) dst(%dma_wait3A_3424 : memref<1024x64xbf16, #tpu.memory_space<vmem>>)
      %add3A_3431 = arith.addi %mul3A_2, %add3A_2670 : i32
      %jit3A_3432 = arith.constant 128 : i32
      %div3A_3433 = arith.divsi %add3A_3431, %jit3A_3432 : i32
      %sign3A_3434 = arith.constant 0 : i32
      %sign3A_3435 = arith.cmpi sgt, %add3A_3431, %sign3A_3434 : i32
      %sign3A_3436 = arith.extui %sign3A_3435 : i1 to i32
      %sign3A_3437 = arith.constant 0 : i32
      %sign3A_3438 = arith.cmpi slt, %add3A_3431, %sign3A_3437 : i32
      %sign3A_3439 = arith.extui %sign3A_3438 : i1 to i32
      %sign3A_3440 = arith.subi %sign3A_3436, %sign3A_3439 : i32
      %sign3A_3441 = arith.constant 0 : i32
      %sign3A_3442 = arith.cmpi sgt, %jit3A_3432, %sign3A_3441 : i32
      %sign3A_3443 = arith.extui %sign3A_3442 : i1 to i32
      %sign3A_3444 = arith.constant 0 : i32
      %sign3A_3445 = arith.cmpi slt, %jit3A_3432, %sign3A_3444 : i32
      %sign3A_3446 = arith.extui %sign3A_3445 : i1 to i32
      %sign3A_3447 = arith.subi %sign3A_3443, %sign3A_3446 : i32
      %ne3A_3448 = arith.cmpi ne, %sign3A_3440, %sign3A_3447 : i32
      %rem3A_3449 = arith.remsi %add3A_3431, %jit3A_3432 : i32
      %ne3A_3450 = arith.constant 0 : i32
      %ne3A_3451 = arith.cmpi ne, %rem3A_3449, %ne3A_3450 : i32
      %and3A_3452 = arith.andi %ne3A_3448, %ne3A_3451 : i1
      %sub3A_3453 = arith.constant 1 : i32
      %sub3A_3454 = arith.subi %div3A_3433, %sub3A_3453 : i32
      %select_n3A_3455 = arith.select %and3A_3452, %sub3A_3454, %div3A_3433 : i32
      %jit3A_3456 = arith.constant 128 : i32
      %eq3A_3457 = arith.constant 0 : i32
      %eq3A_3458 = arith.cmpi eq, %jit3A_3456, %eq3A_3457 : i32
      %jit3A_3459 = arith.constant 1 : i32
      %select_n3A_3460 = arith.select %eq3A_3458, %jit3A_3459, %jit3A_3456 : i32
      %rem3A_3461 = arith.remsi %add3A_3431, %select_n3A_3460 : i32
      %ne3A_3462 = arith.constant 0 : i32
      %ne3A_3463 = arith.cmpi ne, %rem3A_3461, %ne3A_3462 : i32
      %lt3A_3464 = arith.constant 0 : i32
      %lt3A_3465 = arith.cmpi slt, %rem3A_3461, %lt3A_3464 : i32
      %lt3A_3466 = arith.constant 0 : i32
      %lt3A_3467 = arith.cmpi slt, %select_n3A_3460, %lt3A_3466 : i32
      %ne3A_3468 = arith.xori %lt3A_3465, %lt3A_3467 : i1
      %and3A_3469 = arith.andi %ne3A_3468, %ne3A_3463 : i1
      %add3A_3470 = arith.addi %rem3A_3461, %select_n3A_3460 : i32
      %select_n3A_3471 = arith.select %and3A_3469, %add3A_3470, %rem3A_3461 : i32
      %mul3A_3472 = arith.constant 8 : i32
      %mul3A_3473 = arith.muli %select_n3A_3455, %mul3A_3472 : i32
      %add3A_3474 = arith.constant 0 : i32
      %add3A_3475 = arith.addi %mul3A_3473, %add3A_3474 : i32
      %mul3A_3476 = arith.constant 128 : i32
      %mul3A_3477 = arith.muli %add3A_3475, %mul3A_3476 : i32
      %add3A_3478 = arith.addi %mul3A_3477, %select_n3A_3471 : i32
      %mul3A_3479 = arith.constant 1024 : i32
      %mul3A_3480 = arith.muli %add3A_3478, %mul3A_3479 : i32
      %mul3A_3481 = arith.constant 8 : i32
      %mul3A_3482 = arith.muli %select_n3A_3455, %mul3A_3481 : i32
      %add3A_3483 = arith.constant 1 : i32
      %add3A_3484 = arith.addi %mul3A_3482, %add3A_3483 : i32
      %mul3A_3485 = arith.constant 128 : i32
      %mul3A_3486 = arith.muli %add3A_3484, %mul3A_3485 : i32
      %add3A_3487 = arith.addi %mul3A_3486, %select_n3A_3471 : i32
      %mul3A_3488 = arith.constant 1024 : i32
      %mul3A_3489 = arith.muli %add3A_3487, %mul3A_3488 : i32
      %mul3A_3490 = arith.constant 8 : i32
      %mul3A_3491 = arith.muli %select_n3A_3455, %mul3A_3490 : i32
      %add3A_3492 = arith.constant 2 : i32
      %add3A_3493 = arith.addi %mul3A_3491, %add3A_3492 : i32
      %mul3A_3494 = arith.constant 128 : i32
      %mul3A_3495 = arith.muli %add3A_3493, %mul3A_3494 : i32
      %add3A_3496 = arith.addi %mul3A_3495, %select_n3A_3471 : i32
      %mul3A_3497 = arith.constant 1024 : i32
      %mul3A_3498 = arith.muli %add3A_3496, %mul3A_3497 : i32
      %mul3A_3499 = arith.constant 8 : i32
      %mul3A_3500 = arith.muli %select_n3A_3455, %mul3A_3499 : i32
      %add3A_3501 = arith.constant 3 : i32
      %add3A_3502 = arith.addi %mul3A_3500, %add3A_3501 : i32
      %mul3A_3503 = arith.constant 128 : i32
      %mul3A_3504 = arith.muli %add3A_3502, %mul3A_3503 : i32
      %add3A_3505 = arith.addi %mul3A_3504, %select_n3A_3471 : i32
      %mul3A_3506 = arith.constant 1024 : i32
      %mul3A_3507 = arith.muli %add3A_3505, %mul3A_3506 : i32
      %mul3A_3508 = arith.constant 8 : i32
      %mul3A_3509 = arith.muli %select_n3A_3455, %mul3A_3508 : i32
      %add3A_3510 = arith.constant 4 : i32
      %add3A_3511 = arith.addi %mul3A_3509, %add3A_3510 : i32
      %mul3A_3512 = arith.constant 128 : i32
      %mul3A_3513 = arith.muli %add3A_3511, %mul3A_3512 : i32
      %add3A_3514 = arith.addi %mul3A_3513, %select_n3A_3471 : i32
      %mul3A_3515 = arith.constant 1024 : i32
      %mul3A_3516 = arith.muli %add3A_3514, %mul3A_3515 : i32
      %mul3A_3517 = arith.constant 8 : i32
      %mul3A_3518 = arith.muli %select_n3A_3455, %mul3A_3517 : i32
      %add3A_3519 = arith.constant 5 : i32
      %add3A_3520 = arith.addi %mul3A_3518, %add3A_3519 : i32
      %mul3A_3521 = arith.constant 128 : i32
      %mul3A_3522 = arith.muli %add3A_3520, %mul3A_3521 : i32
      %add3A_3523 = arith.addi %mul3A_3522, %select_n3A_3471 : i32
      %mul3A_3524 = arith.constant 1024 : i32
      %mul3A_3525 = arith.muli %add3A_3523, %mul3A_3524 : i32
      %mul3A_3526 = arith.constant 8 : i32
      %mul3A_3527 = arith.muli %select_n3A_3455, %mul3A_3526 : i32
      %add3A_3528 = arith.constant 6 : i32
      %add3A_3529 = arith.addi %mul3A_3527, %add3A_3528 : i32
      %mul3A_3530 = arith.constant 128 : i32
      %mul3A_3531 = arith.muli %add3A_3529, %mul3A_3530 : i32
      %add3A_3532 = arith.addi %mul3A_3531, %select_n3A_3471 : i32
      %mul3A_3533 = arith.constant 1024 : i32
      %mul3A_3534 = arith.muli %add3A_3532, %mul3A_3533 : i32
      %mul3A_3535 = arith.constant 8 : i32
      %mul3A_3536 = arith.muli %select_n3A_3455, %mul3A_3535 : i32
      %add3A_3537 = arith.constant 7 : i32
      %add3A_3538 = arith.addi %mul3A_3536, %add3A_3537 : i32
      %mul3A_3539 = arith.constant 128 : i32
      %mul3A_3540 = arith.muli %add3A_3538, %mul3A_3539 : i32
      %add3A_3541 = arith.addi %mul3A_3540, %select_n3A_3471 : i32
      %mul3A_3542 = arith.constant 1024 : i32
      %mul3A_3543 = arith.muli %add3A_3541, %mul3A_3542 : i32
      %dma_wait3A_3544 = arith.constant 1 : i32
      %dma_wait3A_3545 = arith.constant 0 : i32
      %dma_wait3A_3546 = tpu.memref_slice %arg8[%dma_wait3A_3544, %dma_wait3A_3545] : memref<2x8192xf32, #tpu.memory_space<vmem>> -> memref<1x1024xf32, #tpu.memory_space<vmem>>
      %dma_wait3A_3547 = tpu.memref_squeeze %dma_wait3A_3546 : memref<1x1024xf32, #tpu.memory_space<vmem>> -> memref<1024xf32, #tpu.memory_space<vmem>>
      %dma_wait3A_3548 = tpu.memref_slice %arg4[%mul3A_3480] : memref<52428800xf32, #tpu.memory_space<hbm>> -> memref<1024xf32, #tpu.memory_space<hbm>>
      %dma_wait3A_3549 = tpu.memref_slice %arg4[%mul3A_3480] : memref<52428800xf32, #tpu.memory_space<hbm>> -> memref<1024xf32, #tpu.memory_space<hbm>>
      %dma_wait3A_3550 = arith.constant 0 : i32
      %dma_wait3A_3551 = tpu.memref_slice %arg8[%dma_wait3A_3544, %dma_wait3A_3550] : memref<2x8192xf32, #tpu.memory_space<vmem>> -> memref<1x1024xf32, #tpu.memory_space<vmem>>
      %dma_wait3A_3552 = tpu.memref_squeeze %dma_wait3A_3551 : memref<1x1024xf32, #tpu.memory_space<vmem>> -> memref<1024xf32, #tpu.memory_space<vmem>>
      tpu.wait_dma2 semaphore(%arg14 : memref<!tpu.dma_semaphore, #tpu.memory_space<semaphore_mem>>) src(%dma_wait3A_3552 : memref<1024xf32, #tpu.memory_space<vmem>>) dst(%dma_wait3A_3549 : memref<1024xf32, #tpu.memory_space<hbm>>)
      %dma_wait3A_3553 = arith.constant 1 : i32
      %dma_wait3A_3554 = arith.constant 1024 : i32
      %dma_wait3A_3555 = tpu.memref_slice %arg8[%dma_wait3A_3553, %dma_wait3A_3554] : memref<2x8192xf32, #tpu.memory_space<vmem>> -> memref<1x1024xf32, #tpu.memory_space<vmem>>
      %dma_wait3A_3556 = tpu.memref_squeeze %dma_wait3A_3555 : memref<1x1024xf32, #tpu.memory_space<vmem>> -> memref<1024xf32, #tpu.memory_space<vmem>>
      %dma_wait3A_3557 = tpu.memref_slice %arg4[%mul3A_3489] : memref<52428800xf32, #tpu.memory_space<hbm>> -> memref<1024xf32, #tpu.memory_space<hbm>>
      %dma_wait3A_3558 = tpu.memref_slice %arg4[%mul3A_3489] : memref<52428800xf32, #tpu.memory_space<hbm>> -> memref<1024xf32, #tpu.memory_space<hbm>>
      %dma_wait3A_3559 = arith.constant 1024 : i32
      %dma_wait3A_3560 = tpu.memref_slice %arg8[%dma_wait3A_3553, %dma_wait3A_3559] : memref<2x8192xf32, #tpu.memory_space<vmem>> -> memref<1x1024xf32, #tpu.memory_space<vmem>>
      %dma_wait3A_3561 = tpu.memref_squeeze %dma_wait3A_3560 : memref<1x1024xf32, #tpu.memory_space<vmem>> -> memref<1024xf32, #tpu.memory_space<vmem>>
      tpu.wait_dma2 semaphore(%arg14 : memref<!tpu.dma_semaphore, #tpu.memory_space<semaphore_mem>>) src(%dma_wait3A_3561 : memref<1024xf32, #tpu.memory_space<vmem>>) dst(%dma_wait3A_3558 : memref<1024xf32, #tpu.memory_space<hbm>>)
      %dma_wait3A_3562 = arith.constant 1 : i32
      %dma_wait3A_3563 = arith.constant 2048 : i32
      %dma_wait3A_3564 = tpu.memref_slice %arg8[%dma_wait3A_3562, %dma_wait3A_3563] : memref<2x8192xf32, #tpu.memory_space<vmem>> -> memref<1x1024xf32, #tpu.memory_space<vmem>>
      %dma_wait3A_3565 = tpu.memref_squeeze %dma_wait3A_3564 : memref<1x1024xf32, #tpu.memory_space<vmem>> -> memref<1024xf32, #tpu.memory_space<vmem>>
      %dma_wait3A_3566 = tpu.memref_slice %arg4[%mul3A_3498] : memref<52428800xf32, #tpu.memory_space<hbm>> -> memref<1024xf32, #tpu.memory_space<hbm>>
      %dma_wait3A_3567 = tpu.memref_slice %arg4[%mul3A_3498] : memref<52428800xf32, #tpu.memory_space<hbm>> -> memref<1024xf32, #tpu.memory_space<hbm>>
      %dma_wait3A_3568 = arith.constant 2048 : i32
      %dma_wait3A_3569 = tpu.memref_slice %arg8[%dma_wait3A_3562, %dma_wait3A_3568] : memref<2x8192xf32, #tpu.memory_space<vmem>> -> memref<1x1024xf32, #tpu.memory_space<vmem>>
      %dma_wait3A_3570 = tpu.memref_squeeze %dma_wait3A_3569 : memref<1x1024xf32, #tpu.memory_space<vmem>> -> memref<1024xf32, #tpu.memory_space<vmem>>
      tpu.wait_dma2 semaphore(%arg14 : memref<!tpu.dma_semaphore, #tpu.memory_space<semaphore_mem>>) src(%dma_wait3A_3570 : memref<1024xf32, #tpu.memory_space<vmem>>) dst(%dma_wait3A_3567 : memref<1024xf32, #tpu.memory_space<hbm>>)
      %dma_wait3A_3571 = arith.constant 1 : i32
      %dma_wait3A_3572 = arith.constant 3072 : i32
      %dma_wait3A_3573 = tpu.memref_slice %arg8[%dma_wait3A_3571, %dma_wait3A_3572] : memref<2x8192xf32, #tpu.memory_space<vmem>> -> memref<1x1024xf32, #tpu.memory_space<vmem>>
      %dma_wait3A_3574 = tpu.memref_squeeze %dma_wait3A_3573 : memref<1x1024xf32, #tpu.memory_space<vmem>> -> memref<1024xf32, #tpu.memory_space<vmem>>
      %dma_wait3A_3575 = tpu.memref_slice %arg4[%mul3A_3507] : memref<52428800xf32, #tpu.memory_space<hbm>> -> memref<1024xf32, #tpu.memory_space<hbm>>
      %dma_wait3A_3576 = tpu.memref_slice %arg4[%mul3A_3507] : memref<52428800xf32, #tpu.memory_space<hbm>> -> memref<1024xf32, #tpu.memory_space<hbm>>
      %dma_wait3A_3577 = arith.constant 3072 : i32
      %dma_wait3A_3578 = tpu.memref_slice %arg8[%dma_wait3A_3571, %dma_wait3A_3577] : memref<2x8192xf32, #tpu.memory_space<vmem>> -> memref<1x1024xf32, #tpu.memory_space<vmem>>
      %dma_wait3A_3579 = tpu.memref_squeeze %dma_wait3A_3578 : memref<1x1024xf32, #tpu.memory_space<vmem>> -> memref<1024xf32, #tpu.memory_space<vmem>>
      tpu.wait_dma2 semaphore(%arg14 : memref<!tpu.dma_semaphore, #tpu.memory_space<semaphore_mem>>) src(%dma_wait3A_3579 : memref<1024xf32, #tpu.memory_space<vmem>>) dst(%dma_wait3A_3576 : memref<1024xf32, #tpu.memory_space<hbm>>)
      %dma_wait3A_3580 = arith.constant 1 : i32
      %dma_wait3A_3581 = arith.constant 4096 : i32
      %dma_wait3A_3582 = tpu.memref_slice %arg8[%dma_wait3A_3580, %dma_wait3A_3581] : memref<2x8192xf32, #tpu.memory_space<vmem>> -> memref<1x1024xf32, #tpu.memory_space<vmem>>
      %dma_wait3A_3583 = tpu.memref_squeeze %dma_wait3A_3582 : memref<1x1024xf32, #tpu.memory_space<vmem>> -> memref<1024xf32, #tpu.memory_space<vmem>>
      %dma_wait3A_3584 = tpu.memref_slice %arg4[%mul3A_3516] : memref<52428800xf32, #tpu.memory_space<hbm>> -> memref<1024xf32, #tpu.memory_space<hbm>>
      %dma_wait3A_3585 = tpu.memref_slice %arg4[%mul3A_3516] : memref<52428800xf32, #tpu.memory_space<hbm>> -> memref<1024xf32, #tpu.memory_space<hbm>>
      %dma_wait3A_3586 = arith.constant 4096 : i32
      %dma_wait3A_3587 = tpu.memref_slice %arg8[%dma_wait3A_3580, %dma_wait3A_3586] : memref<2x8192xf32, #tpu.memory_space<vmem>> -> memref<1x1024xf32, #tpu.memory_space<vmem>>
      %dma_wait3A_3588 = tpu.memref_squeeze %dma_wait3A_3587 : memref<1x1024xf32, #tpu.memory_space<vmem>> -> memref<1024xf32, #tpu.memory_space<vmem>>
      tpu.wait_dma2 semaphore(%arg14 : memref<!tpu.dma_semaphore, #tpu.memory_space<semaphore_mem>>) src(%dma_wait3A_3588 : memref<1024xf32, #tpu.memory_space<vmem>>) dst(%dma_wait3A_3585 : memref<1024xf32, #tpu.memory_space<hbm>>)
      %dma_wait3A_3589 = arith.constant 1 : i32
      %dma_wait3A_3590 = arith.constant 5120 : i32
      %dma_wait3A_3591 = tpu.memref_slice %arg8[%dma_wait3A_3589, %dma_wait3A_3590] : memref<2x8192xf32, #tpu.memory_space<vmem>> -> memref<1x1024xf32, #tpu.memory_space<vmem>>
      %dma_wait3A_3592 = tpu.memref_squeeze %dma_wait3A_3591 : memref<1x1024xf32, #tpu.memory_space<vmem>> -> memref<1024xf32, #tpu.memory_space<vmem>>
      %dma_wait3A_3593 = tpu.memref_slice %arg4[%mul3A_3525] : memref<52428800xf32, #tpu.memory_space<hbm>> -> memref<1024xf32, #tpu.memory_space<hbm>>
      %dma_wait3A_3594 = tpu.memref_slice %arg4[%mul3A_3525] : memref<52428800xf32, #tpu.memory_space<hbm>> -> memref<1024xf32, #tpu.memory_space<hbm>>
      %dma_wait3A_3595 = arith.constant 5120 : i32
      %dma_wait3A_3596 = tpu.memref_slice %arg8[%dma_wait3A_3589, %dma_wait3A_3595] : memref<2x8192xf32, #tpu.memory_space<vmem>> -> memref<1x1024xf32, #tpu.memory_space<vmem>>
      %dma_wait3A_3597 = tpu.memref_squeeze %dma_wait3A_3596 : memref<1x1024xf32, #tpu.memory_space<vmem>> -> memref<1024xf32, #tpu.memory_space<vmem>>
      tpu.wait_dma2 semaphore(%arg14 : memref<!tpu.dma_semaphore, #tpu.memory_space<semaphore_mem>>) src(%dma_wait3A_3597 : memref<1024xf32, #tpu.memory_space<vmem>>) dst(%dma_wait3A_3594 : memref<1024xf32, #tpu.memory_space<hbm>>)
      %dma_wait3A_3598 = arith.constant 1 : i32
      %dma_wait3A_3599 = arith.constant 6144 : i32
      %dma_wait3A_3600 = tpu.memref_slice %arg8[%dma_wait3A_3598, %dma_wait3A_3599] : memref<2x8192xf32, #tpu.memory_space<vmem>> -> memref<1x1024xf32, #tpu.memory_space<vmem>>
      %dma_wait3A_3601 = tpu.memref_squeeze %dma_wait3A_3600 : memref<1x1024xf32, #tpu.memory_space<vmem>> -> memref<1024xf32, #tpu.memory_space<vmem>>
      %dma_wait3A_3602 = tpu.memref_slice %arg4[%mul3A_3534] : memref<52428800xf32, #tpu.memory_space<hbm>> -> memref<1024xf32, #tpu.memory_space<hbm>>
      %dma_wait3A_3603 = tpu.memref_slice %arg4[%mul3A_3534] : memref<52428800xf32, #tpu.memory_space<hbm>> -> memref<1024xf32, #tpu.memory_space<hbm>>
      %dma_wait3A_3604 = arith.constant 6144 : i32
      %dma_wait3A_3605 = tpu.memref_slice %arg8[%dma_wait3A_3598, %dma_wait3A_3604] : memref<2x8192xf32, #tpu.memory_space<vmem>> -> memref<1x1024xf32, #tpu.memory_space<vmem>>
      %dma_wait3A_3606 = tpu.memref_squeeze %dma_wait3A_3605 : memref<1x1024xf32, #tpu.memory_space<vmem>> -> memref<1024xf32, #tpu.memory_space<vmem>>
      tpu.wait_dma2 semaphore(%arg14 : memref<!tpu.dma_semaphore, #tpu.memory_space<semaphore_mem>>) src(%dma_wait3A_3606 : memref<1024xf32, #tpu.memory_space<vmem>>) dst(%dma_wait3A_3603 : memref<1024xf32, #tpu.memory_space<hbm>>)
      %dma_wait3A_3607 = arith.constant 1 : i32
      %dma_wait3A_3608 = arith.constant 7168 : i32
      %dma_wait3A_3609 = tpu.memref_slice %arg8[%dma_wait3A_3607, %dma_wait3A_3608] : memref<2x8192xf32, #tpu.memory_space<vmem>> -> memref<1x1024xf32, #tpu.memory_space<vmem>>
      %dma_wait3A_3610 = tpu.memref_squeeze %dma_wait3A_3609 : memref<1x1024xf32, #tpu.memory_space<vmem>> -> memref<1024xf32, #tpu.memory_space<vmem>>
      %dma_wait3A_3611 = tpu.memref_slice %arg4[%mul3A_3543] : memref<52428800xf32, #tpu.memory_space<hbm>> -> memref<1024xf32, #tpu.memory_space<hbm>>
      %dma_wait3A_3612 = tpu.memref_slice %arg4[%mul3A_3543] : memref<52428800xf32, #tpu.memory_space<hbm>> -> memref<1024xf32, #tpu.memory_space<hbm>>
      %dma_wait3A_3613 = arith.constant 7168 : i32
      %dma_wait3A_3614 = tpu.memref_slice %arg8[%dma_wait3A_3607, %dma_wait3A_3613] : memref<2x8192xf32, #tpu.memory_space<vmem>> -> memref<1x1024xf32, #tpu.memory_space<vmem>>
      %dma_wait3A_3615 = tpu.memref_squeeze %dma_wait3A_3614 : memref<1x1024xf32, #tpu.memory_space<vmem>> -> memref<1024xf32, #tpu.memory_space<vmem>>
      tpu.wait_dma2 semaphore(%arg14 : memref<!tpu.dma_semaphore, #tpu.memory_space<semaphore_mem>>) src(%dma_wait3A_3615 : memref<1024xf32, #tpu.memory_space<vmem>>) dst(%dma_wait3A_3612 : memref<1024xf32, #tpu.memory_space<hbm>>)
      %parallel_loop3A_3616 = arith.constant 0 : i32
      %parallel_loop3A_3617 = arith.constant 128 : i32
      %parallel_loop3A_3618 = arith.constant 1 : i32
      scf.for %parallel_loop3A_3804 = %parallel_loop3A_3616 to %parallel_loop3A_3617 step %parallel_loop3A_3618  : i32 {
        %parallel_loop3A_3805 = arith.constant 0 : i32
        %parallel_loop3A_3806 = arith.addi %parallel_loop3A_3805, %parallel_loop3A_3804 : i32
        %parallel_loop3A_3807 = arith.constant 1 : i32
        %parallel_loop3A_3808 = arith.index_cast %parallel_loop3A_3807 : i32 to index
        %parallel_loop3A_3809 = arith.index_cast %parallel_loop3A_3806 : i32 to index
        %parallel_loop3A_3810 = arith.constant 0 : index
        %parallel_loop3A_3811 = tpu.vector_load %arg7[%parallel_loop3A_3808, %parallel_loop3A_3809, %parallel_loop3A_3810] {strides = array<i32>} : memref<2x1024x64xbf16, #tpu.memory_space<vmem>>, vector<32xbf16>,
        %parallel_loop3A_3812 = arith.constant 128 : i32
        %parallel_loop3A_3813 = arith.addi %parallel_loop3A_3812, %parallel_loop3A_3804 : i32
        %parallel_loop3A_3814 = arith.constant 1 : i32
        %parallel_loop3A_3815 = arith.index_cast %parallel_loop3A_3814 : i32 to index
        %parallel_loop3A_3816 = arith.index_cast %parallel_loop3A_3813 : i32 to index
        %parallel_loop3A_3817 = arith.constant 0 : index
        %parallel_loop3A_3818 = tpu.vector_load %arg7[%parallel_loop3A_3815, %parallel_loop3A_3816, %parallel_loop3A_3817] {strides = array<i32>} : memref<2x1024x64xbf16, #tpu.memory_space<vmem>>, vector<32xbf16>,
        %parallel_loop3A_3819 = arith.constant 256 : i32
        %parallel_loop3A_3820 = arith.addi %parallel_loop3A_3819, %parallel_loop3A_3804 : i32
        %parallel_loop3A_3821 = arith.constant 1 : i32
        %parallel_loop3A_3822 = arith.index_cast %parallel_loop3A_3821 : i32 to index
        %parallel_loop3A_3823 = arith.index_cast %parallel_loop3A_3820 : i32 to index
        %parallel_loop3A_3824 = arith.constant 0 : index
        %parallel_loop3A_3825 = tpu.vector_load %arg7[%parallel_loop3A_3822, %parallel_loop3A_3823, %parallel_loop3A_3824] {strides = array<i32>} : memref<2x1024x64xbf16, #tpu.memory_space<vmem>>, vector<32xbf16>,
        %parallel_loop3A_3826 = arith.constant 384 : i32
        %parallel_loop3A_3827 = arith.addi %parallel_loop3A_3826, %parallel_loop3A_3804 : i32
        %parallel_loop3A_3828 = arith.constant 1 : i32
        %parallel_loop3A_3829 = arith.index_cast %parallel_loop3A_3828 : i32 to index
        %parallel_loop3A_3830 = arith.index_cast %parallel_loop3A_3827 : i32 to index
        %parallel_loop3A_3831 = arith.constant 0 : index
        %parallel_loop3A_3832 = tpu.vector_load %arg7[%parallel_loop3A_3829, %parallel_loop3A_3830, %parallel_loop3A_3831] {strides = array<i32>} : memref<2x1024x64xbf16, #tpu.memory_space<vmem>>, vector<32xbf16>,
        %parallel_loop3A_3833 = arith.constant 512 : i32
        %parallel_loop3A_3834 = arith.addi %parallel_loop3A_3833, %parallel_loop3A_3804 : i32
        %parallel_loop3A_3835 = arith.constant 1 : i32
        %parallel_loop3A_3836 = arith.index_cast %parallel_loop3A_3835 : i32 to index
        %parallel_loop3A_3837 = arith.index_cast %parallel_loop3A_3834 : i32 to index
        %parallel_loop3A_3838 = arith.constant 0 : index
        %parallel_loop3A_3839 = tpu.vector_load %arg7[%parallel_loop3A_3836, %parallel_loop3A_3837, %parallel_loop3A_3838] {strides = array<i32>} : memref<2x1024x64xbf16, #tpu.memory_space<vmem>>, vector<32xbf16>,
        %parallel_loop3A_3840 = arith.constant 640 : i32
        %parallel_loop3A_3841 = arith.addi %parallel_loop3A_3840, %parallel_loop3A_3804 : i32
        %parallel_loop3A_3842 = arith.constant 1 : i32
        %parallel_loop3A_3843 = arith.index_cast %parallel_loop3A_3842 : i32 to index
        %parallel_loop3A_3844 = arith.index_cast %parallel_loop3A_3841 : i32 to index
        %parallel_loop3A_3845 = arith.constant 0 : index
        %parallel_loop3A_3846 = tpu.vector_load %arg7[%parallel_loop3A_3843, %parallel_loop3A_3844, %parallel_loop3A_3845] {strides = array<i32>} : memref<2x1024x64xbf16, #tpu.memory_space<vmem>>, vector<32xbf16>,
        %parallel_loop3A_3847 = arith.constant 768 : i32
        %parallel_loop3A_3848 = arith.addi %parallel_loop3A_3847, %parallel_loop3A_3804 : i32
        %parallel_loop3A_3849 = arith.constant 1 : i32
        %parallel_loop3A_3850 = arith.index_cast %parallel_loop3A_3849 : i32 to index
        %parallel_loop3A_3851 = arith.index_cast %parallel_loop3A_3848 : i32 to index
        %parallel_loop3A_3852 = arith.constant 0 : index
        %parallel_loop3A_3853 = tpu.vector_load %arg7[%parallel_loop3A_3850, %parallel_loop3A_3851, %parallel_loop3A_3852] {strides = array<i32>} : memref<2x1024x64xbf16, #tpu.memory_space<vmem>>, vector<32xbf16>,
        %parallel_loop3A_3854 = arith.constant 896 : i32
        %parallel_loop3A_3855 = arith.addi %parallel_loop3A_3854, %parallel_loop3A_3804 : i32
        %parallel_loop3A_3856 = arith.constant 1 : i32
        %parallel_loop3A_3857 = arith.index_cast %parallel_loop3A_3856 : i32 to index
        %parallel_loop3A_3858 = arith.index_cast %parallel_loop3A_3855 : i32 to index
        %parallel_loop3A_3859 = arith.constant 0 : index
        %parallel_loop3A_3860 = tpu.vector_load %arg7[%parallel_loop3A_3857, %parallel_loop3A_3858, %parallel_loop3A_3859] {strides = array<i32>} : memref<2x1024x64xbf16, #tpu.memory_space<vmem>>, vector<32xbf16>,
        %parallel_loop3A_3861 = arith.addf %parallel_loop3A_3811, %parallel_loop3A_3818 : vector<32xbf16>
        %parallel_loop3A_3862 = arith.addf %parallel_loop3A_3825, %parallel_loop3A_3832 : vector<32xbf16>
        %parallel_loop3A_3863 = arith.addf %parallel_loop3A_3839, %parallel_loop3A_3846 : vector<32xbf16>
        %parallel_loop3A_3864 = arith.addf %parallel_loop3A_3853, %parallel_loop3A_3860 : vector<32xbf16>
        %parallel_loop3A_3865 = arith.addf %parallel_loop3A_3861, %parallel_loop3A_3862 : vector<32xbf16>
        %parallel_loop3A_3866 = arith.addf %parallel_loop3A_3863, %parallel_loop3A_3864 : vector<32xbf16>
        %parallel_loop3A_3867 = arith.addf %parallel_loop3A_3865, %parallel_loop3A_3866 : vector<32xbf16>
        %parallel_loop3A_3868 = tpu.unpack_subelements %parallel_loop3A_3867, 0 {pack_format = #tpu.pack_format<interleaved>} : vector<32xbf16> -> vector<16xf32>
        %parallel_loop3A_3869 = tpu.unpack_subelements %parallel_loop3A_3867, 1 {pack_format = #tpu.pack_format<interleaved>} : vector<32xbf16> -> vector<16xf32>
        %parallel_loop3A_3870 = vector.broadcast %parallel_loop3A_3804 : i32 to vector<16xi32>
        %parallel_loop3A_3871 = arith.addi %add3A_8, %parallel_loop3A_3870 : vector<16xi32>
        %parallel_loop3A_3872 = arith.constant 1 : i32
        %parallel_loop3A_3873 = arith.constant 0 : i32
        %parallel_loop3A_3874 = tpu.memref_slice %arg8[%parallel_loop3A_3872, %parallel_loop3A_3873] : memref<2x8192xf32, #tpu.memory_space<vmem>> -> memref<1x8192xf32, #tpu.memory_space<vmem>>
        %parallel_loop3A_3875 = tpu.memref_squeeze %parallel_loop3A_3874 : memref<1x8192xf32, #tpu.memory_space<vmem>> -> memref<8192xf32, #tpu.memory_space<vmem>>
        tpu.vector_store_idx %parallel_loop3A_3875[%parallel_loop3A_3871], %parallel_loop3A_3868 : memref<8192xf32, #tpu.memory_space<vmem>>[vector<16xi32>], vector<16xf32>,
        %parallel_loop3A_3876 = vector.broadcast %parallel_loop3A_3804 : i32 to vector<16xi32>
        %parallel_loop3A_3877 = arith.addi %add3A_11, %parallel_loop3A_3876 : vector<16xi32>
        %parallel_loop3A_3878 = arith.constant 1 : i32
        %parallel_loop3A_3879 = arith.constant 0 : i32
        %parallel_loop3A_3880 = tpu.memref_slice %arg8[%parallel_loop3A_3878, %parallel_loop3A_3879] : memref<2x8192xf32, #tpu.memory_space<vmem>> -> memref<1x8192xf32, #tpu.memory_space<vmem>>
        %parallel_loop3A_3881 = tpu.memref_squeeze %parallel_loop3A_3880 : memref<1x8192xf32, #tpu.memory_space<vmem>> -> memref<8192xf32, #tpu.memory_space<vmem>>
        tpu.vector_store_idx %parallel_loop3A_3881[%parallel_loop3A_3877], %parallel_loop3A_3869 : memref<8192xf32, #tpu.memory_space<vmem>>[vector<16xi32>], vector<16xf32>,
        %parallel_loop3A_3882 = arith.constant 0 : i32
        %parallel_loop3A_3883 = arith.addi %parallel_loop3A_3882, %parallel_loop3A_3804 : i32
        %parallel_loop3A_3884 = arith.constant 1 : i32
        %parallel_loop3A_3885 = arith.index_cast %parallel_loop3A_3884 : i32 to index
        %parallel_loop3A_3886 = arith.index_cast %parallel_loop3A_3883 : i32 to index
        %parallel_loop3A_3887 = arith.constant 32 : index
        %parallel_loop3A_3888 = tpu.vector_load %arg7[%parallel_loop3A_3885, %parallel_loop3A_3886, %parallel_loop3A_3887] {strides = array<i32>} : memref<2x1024x64xbf16, #tpu.memory_space<vmem>>, vector<32xbf16>,
        %parallel_loop3A_3889 = arith.constant 128 : i32
        %parallel_loop3A_3890 = arith.addi %parallel_loop3A_3889, %parallel_loop3A_3804 : i32
        %parallel_loop3A_3891 = arith.constant 1 : i32
        %parallel_loop3A_3892 = arith.index_cast %parallel_loop3A_3891 : i32 to index
        %parallel_loop3A_3893 = arith.index_cast %parallel_loop3A_3890 : i32 to index
        %parallel_loop3A_3894 = arith.constant 32 : index
        %parallel_loop3A_3895 = tpu.vector_load %arg7[%parallel_loop3A_3892, %parallel_loop3A_3893, %parallel_loop3A_3894] {strides = array<i32>} : memref<2x1024x64xbf16, #tpu.memory_space<vmem>>, vector<32xbf16>,
        %parallel_loop3A_3896 = arith.constant 256 : i32
        %parallel_loop3A_3897 = arith.addi %parallel_loop3A_3896, %parallel_loop3A_3804 : i32
        %parallel_loop3A_3898 = arith.constant 1 : i32
        %parallel_loop3A_3899 = arith.index_cast %parallel_loop3A_3898 : i32 to index
        %parallel_loop3A_3900 = arith.index_cast %parallel_loop3A_3897 : i32 to index
        %parallel_loop3A_3901 = arith.constant 32 : index
        %parallel_loop3A_3902 = tpu.vector_load %arg7[%parallel_loop3A_3899, %parallel_loop3A_3900, %parallel_loop3A_3901] {strides = array<i32>} : memref<2x1024x64xbf16, #tpu.memory_space<vmem>>, vector<32xbf16>,
        %parallel_loop3A_3903 = arith.constant 384 : i32
        %parallel_loop3A_3904 = arith.addi %parallel_loop3A_3903, %parallel_loop3A_3804 : i32
        %parallel_loop3A_3905 = arith.constant 1 : i32
        %parallel_loop3A_3906 = arith.index_cast %parallel_loop3A_3905 : i32 to index
        %parallel_loop3A_3907 = arith.index_cast %parallel_loop3A_3904 : i32 to index
        %parallel_loop3A_3908 = arith.constant 32 : index
        %parallel_loop3A_3909 = tpu.vector_load %arg7[%parallel_loop3A_3906, %parallel_loop3A_3907, %parallel_loop3A_3908] {strides = array<i32>} : memref<2x1024x64xbf16, #tpu.memory_space<vmem>>, vector<32xbf16>,
        %parallel_loop3A_3910 = arith.constant 512 : i32
        %parallel_loop3A_3911 = arith.addi %parallel_loop3A_3910, %parallel_loop3A_3804 : i32
        %parallel_loop3A_3912 = arith.constant 1 : i32
        %parallel_loop3A_3913 = arith.index_cast %parallel_loop3A_3912 : i32 to index
        %parallel_loop3A_3914 = arith.index_cast %parallel_loop3A_3911 : i32 to index
        %parallel_loop3A_3915 = arith.constant 32 : index
        %parallel_loop3A_3916 = tpu.vector_load %arg7[%parallel_loop3A_3913, %parallel_loop3A_3914, %parallel_loop3A_3915] {strides = array<i32>} : memref<2x1024x64xbf16, #tpu.memory_space<vmem>>, vector<32xbf16>,
        %parallel_loop3A_3917 = arith.constant 640 : i32
        %parallel_loop3A_3918 = arith.addi %parallel_loop3A_3917, %parallel_loop3A_3804 : i32
        %parallel_loop3A_3919 = arith.constant 1 : i32
        %parallel_loop3A_3920 = arith.index_cast %parallel_loop3A_3919 : i32 to index
        %parallel_loop3A_3921 = arith.index_cast %parallel_loop3A_3918 : i32 to index
        %parallel_loop3A_3922 = arith.constant 32 : index
        %parallel_loop3A_3923 = tpu.vector_load %arg7[%parallel_loop3A_3920, %parallel_loop3A_3921, %parallel_loop3A_3922] {strides = array<i32>} : memref<2x1024x64xbf16, #tpu.memory_space<vmem>>, vector<32xbf16>,
        %parallel_loop3A_3924 = arith.constant 768 : i32
        %parallel_loop3A_3925 = arith.addi %parallel_loop3A_3924, %parallel_loop3A_3804 : i32
        %parallel_loop3A_3926 = arith.constant 1 : i32
        %parallel_loop3A_3927 = arith.index_cast %parallel_loop3A_3926 : i32 to index
        %parallel_loop3A_3928 = arith.index_cast %parallel_loop3A_3925 : i32 to index
        %parallel_loop3A_3929 = arith.constant 32 : index
        %parallel_loop3A_3930 = tpu.vector_load %arg7[%parallel_loop3A_3927, %parallel_loop3A_3928, %parallel_loop3A_3929] {strides = array<i32>} : memref<2x1024x64xbf16, #tpu.memory_space<vmem>>, vector<32xbf16>,
        %parallel_loop3A_3931 = arith.constant 896 : i32
        %parallel_loop3A_3932 = arith.addi %parallel_loop3A_3931, %parallel_loop3A_3804 : i32
        %parallel_loop3A_3933 = arith.constant 1 : i32
        %parallel_loop3A_3934 = arith.index_cast %parallel_loop3A_3933 : i32 to index
        %parallel_loop3A_3935 = arith.index_cast %parallel_loop3A_3932 : i32 to index
        %parallel_loop3A_3936 = arith.constant 32 : index
        %parallel_loop3A_3937 = tpu.vector_load %arg7[%parallel_loop3A_3934, %parallel_loop3A_3935, %parallel_loop3A_3936] {strides = array<i32>} : memref<2x1024x64xbf16, #tpu.memory_space<vmem>>, vector<32xbf16>,
        %parallel_loop3A_3938 = arith.addf %parallel_loop3A_3888, %parallel_loop3A_3895 : vector<32xbf16>
        %parallel_loop3A_3939 = arith.addf %parallel_loop3A_3902, %parallel_loop3A_3909 : vector<32xbf16>
        %parallel_loop3A_3940 = arith.addf %parallel_loop3A_3916, %parallel_loop3A_3923 : vector<32xbf16>
        %parallel_loop3A_3941 = arith.addf %parallel_loop3A_3930, %parallel_loop3A_3937 : vector<32xbf16>
        %parallel_loop3A_3942 = arith.addf %parallel_loop3A_3938, %parallel_loop3A_3939 : vector<32xbf16>
        %parallel_loop3A_3943 = arith.addf %parallel_loop3A_3940, %parallel_loop3A_3941 : vector<32xbf16>
        %parallel_loop3A_3944 = arith.addf %parallel_loop3A_3942, %parallel_loop3A_3943 : vector<32xbf16>
        %parallel_loop3A_3945 = tpu.unpack_subelements %parallel_loop3A_3944, 0 {pack_format = #tpu.pack_format<interleaved>} : vector<32xbf16> -> vector<16xf32>
        %parallel_loop3A_3946 = tpu.unpack_subelements %parallel_loop3A_3944, 1 {pack_format = #tpu.pack_format<interleaved>} : vector<32xbf16> -> vector<16xf32>
        %parallel_loop3A_3947 = vector.broadcast %parallel_loop3A_3804 : i32 to vector<16xi32>
        %parallel_loop3A_3948 = arith.addi %add3A_14, %parallel_loop3A_3947 : vector<16xi32>
        %parallel_loop3A_3949 = arith.constant 1 : i32
        %parallel_loop3A_3950 = arith.constant 0 : i32
        %parallel_loop3A_3951 = tpu.memref_slice %arg8[%parallel_loop3A_3949, %parallel_loop3A_3950] : memref<2x8192xf32, #tpu.memory_space<vmem>> -> memref<1x8192xf32, #tpu.memory_space<vmem>>
        %parallel_loop3A_3952 = tpu.memref_squeeze %parallel_loop3A_3951 : memref<1x8192xf32, #tpu.memory_space<vmem>> -> memref<8192xf32, #tpu.memory_space<vmem>>
        tpu.vector_store_idx %parallel_loop3A_3952[%parallel_loop3A_3948], %parallel_loop3A_3945 : memref<8192xf32, #tpu.memory_space<vmem>>[vector<16xi32>], vector<16xf32>,
        %parallel_loop3A_3953 = vector.broadcast %parallel_loop3A_3804 : i32 to vector<16xi32>
        %parallel_loop3A_3954 = arith.addi %add3A_17, %parallel_loop3A_3953 : vector<16xi32>
        %parallel_loop3A_3955 = arith.constant 1 : i32
        %parallel_loop3A_3956 = arith.constant 0 : i32
        %parallel_loop3A_3957 = tpu.memref_slice %arg8[%parallel_loop3A_3955, %parallel_loop3A_3956] : memref<2x8192xf32, #tpu.memory_space<vmem>> -> memref<1x8192xf32, #tpu.memory_space<vmem>>
        %parallel_loop3A_3958 = tpu.memref_squeeze %parallel_loop3A_3957 : memref<1x8192xf32, #tpu.memory_space<vmem>> -> memref<8192xf32, #tpu.memory_space<vmem>>
        tpu.vector_store_idx %parallel_loop3A_3958[%parallel_loop3A_3954], %parallel_loop3A_3946 : memref<8192xf32, #tpu.memory_space<vmem>>[vector<16xi32>], vector<16xf32>,
      } {sc.loop_unroll_factor = 8 : i64, sc.parallel_access}
      %add3A_3619 = arith.addi %mul3A_2, %add3A_2670 : i32
      %jit3A_3620 = arith.constant 128 : i32
      %div3A_3621 = arith.divsi %add3A_3619, %jit3A_3620 : i32
      %sign3A_3622 = arith.constant 0 : i32
      %sign3A_3623 = arith.cmpi sgt, %add3A_3619, %sign3A_3622 : i32
      %sign3A_3624 = arith.extui %sign3A_3623 : i1 to i32
      %sign3A_3625 = arith.constant 0 : i32
      %sign3A_3626 = arith.cmpi slt, %add3A_3619, %sign3A_3625 : i32
      %sign3A_3627 = arith.extui %sign3A_3626 : i1 to i32
      %sign3A_3628 = arith.subi %sign3A_3624, %sign3A_3627 : i32
      %sign3A_3629 = arith.constant 0 : i32
      %sign3A_3630 = arith.cmpi sgt, %jit3A_3620, %sign3A_3629 : i32
      %sign3A_3631 = arith.extui %sign3A_3630 : i1 to i32
      %sign3A_3632 = arith.constant 0 : i32
      %sign3A_3633 = arith.cmpi slt, %jit3A_3620, %sign3A_3632 : i32
      %sign3A_3634 = arith.extui %sign3A_3633 : i1 to i32
      %sign3A_3635 = arith.subi %sign3A_3631, %sign3A_3634 : i32
      %ne3A_3636 = arith.cmpi ne, %sign3A_3628, %sign3A_3635 : i32
      %rem3A_3637 = arith.remsi %add3A_3619, %jit3A_3620 : i32
      %ne3A_3638 = arith.constant 0 : i32
      %ne3A_3639 = arith.cmpi ne, %rem3A_3637, %ne3A_3638 : i32
      %and3A_3640 = arith.andi %ne3A_3636, %ne3A_3639 : i1
      %sub3A_3641 = arith.constant 1 : i32
      %sub3A_3642 = arith.subi %div3A_3621, %sub3A_3641 : i32
      %select_n3A_3643 = arith.select %and3A_3640, %sub3A_3642, %div3A_3621 : i32
      %jit3A_3644 = arith.constant 128 : i32
      %eq3A_3645 = arith.constant 0 : i32
      %eq3A_3646 = arith.cmpi eq, %jit3A_3644, %eq3A_3645 : i32
      %jit3A_3647 = arith.constant 1 : i32
      %select_n3A_3648 = arith.select %eq3A_3646, %jit3A_3647, %jit3A_3644 : i32
      %rem3A_3649 = arith.remsi %add3A_3619, %select_n3A_3648 : i32
      %ne3A_3650 = arith.constant 0 : i32
      %ne3A_3651 = arith.cmpi ne, %rem3A_3649, %ne3A_3650 : i32
      %lt3A_3652 = arith.constant 0 : i32
      %lt3A_3653 = arith.cmpi slt, %rem3A_3649, %lt3A_3652 : i32
      %lt3A_3654 = arith.constant 0 : i32
      %lt3A_3655 = arith.cmpi slt, %select_n3A_3648, %lt3A_3654 : i32
      %ne3A_3656 = arith.xori %lt3A_3653, %lt3A_3655 : i1
      %and3A_3657 = arith.andi %ne3A_3656, %ne3A_3651 : i1
      %add3A_3658 = arith.addi %rem3A_3649, %select_n3A_3648 : i32
      %select_n3A_3659 = arith.select %and3A_3657, %add3A_3658, %rem3A_3649 : i32
      %mul3A_3660 = arith.constant 8 : i32
      %mul3A_3661 = arith.muli %select_n3A_3643, %mul3A_3660 : i32
      %add3A_3662 = arith.constant 0 : i32
      %add3A_3663 = arith.addi %mul3A_3661, %add3A_3662 : i32
      %mul3A_3664 = arith.constant 128 : i32
      %mul3A_3665 = arith.muli %add3A_3663, %mul3A_3664 : i32
      %add3A_3666 = arith.addi %mul3A_3665, %select_n3A_3659 : i32
      %mul3A_3667 = arith.constant 1024 : i32
      %mul3A_3668 = arith.muli %add3A_3666, %mul3A_3667 : i32
      %mul3A_3669 = arith.constant 8 : i32
      %mul3A_3670 = arith.muli %select_n3A_3643, %mul3A_3669 : i32
      %add3A_3671 = arith.constant 1 : i32
      %add3A_3672 = arith.addi %mul3A_3670, %add3A_3671 : i32
      %mul3A_3673 = arith.constant 128 : i32
      %mul3A_3674 = arith.muli %add3A_3672, %mul3A_3673 : i32
      %add3A_3675 = arith.addi %mul3A_3674, %select_n3A_3659 : i32
      %mul3A_3676 = arith.constant 1024 : i32
      %mul3A_3677 = arith.muli %add3A_3675, %mul3A_3676 : i32
      %mul3A_3678 = arith.constant 8 : i32
      %mul3A_3679 = arith.muli %select_n3A_3643, %mul3A_3678 : i32
      %add3A_3680 = arith.constant 2 : i32
      %add3A_3681 = arith.addi %mul3A_3679, %add3A_3680 : i32
      %mul3A_3682 = arith.constant 128 : i32
      %mul3A_3683 = arith.muli %add3A_3681, %mul3A_3682 : i32
      %add3A_3684 = arith.addi %mul3A_3683, %select_n3A_3659 : i32
      %mul3A_3685 = arith.constant 1024 : i32
      %mul3A_3686 = arith.muli %add3A_3684, %mul3A_3685 : i32
      %mul3A_3687 = arith.constant 8 : i32
      %mul3A_3688 = arith.muli %select_n3A_3643, %mul3A_3687 : i32
      %add3A_3689 = arith.constant 3 : i32
      %add3A_3690 = arith.addi %mul3A_3688, %add3A_3689 : i32
      %mul3A_3691 = arith.constant 128 : i32
      %mul3A_3692 = arith.muli %add3A_3690, %mul3A_3691 : i32
      %add3A_3693 = arith.addi %mul3A_3692, %select_n3A_3659 : i32
      %mul3A_3694 = arith.constant 1024 : i32
      %mul3A_3695 = arith.muli %add3A_3693, %mul3A_3694 : i32
      %mul3A_3696 = arith.constant 8 : i32
      %mul3A_3697 = arith.muli %select_n3A_3643, %mul3A_3696 : i32
      %add3A_3698 = arith.constant 4 : i32
      %add3A_3699 = arith.addi %mul3A_3697, %add3A_3698 : i32
      %mul3A_3700 = arith.constant 128 : i32
      %mul3A_3701 = arith.muli %add3A_3699, %mul3A_3700 : i32
      %add3A_3702 = arith.addi %mul3A_3701, %select_n3A_3659 : i32
      %mul3A_3703 = arith.constant 1024 : i32
      %mul3A_3704 = arith.muli %add3A_3702, %mul3A_3703 : i32
      %mul3A_3705 = arith.constant 8 : i32
      %mul3A_3706 = arith.muli %select_n3A_3643, %mul3A_3705 : i32
      %add3A_3707 = arith.constant 5 : i32
      %add3A_3708 = arith.addi %mul3A_3706, %add3A_3707 : i32
      %mul3A_3709 = arith.constant 128 : i32
      %mul3A_3710 = arith.muli %add3A_3708, %mul3A_3709 : i32
      %add3A_3711 = arith.addi %mul3A_3710, %select_n3A_3659 : i32
      %mul3A_3712 = arith.constant 1024 : i32
      %mul3A_3713 = arith.muli %add3A_3711, %mul3A_3712 : i32
      %mul3A_3714 = arith.constant 8 : i32
      %mul3A_3715 = arith.muli %select_n3A_3643, %mul3A_3714 : i32
      %add3A_3716 = arith.constant 6 : i32
      %add3A_3717 = arith.addi %mul3A_3715, %add3A_3716 : i32
      %mul3A_3718 = arith.constant 128 : i32
      %mul3A_3719 = arith.muli %add3A_3717, %mul3A_3718 : i32
      %add3A_3720 = arith.addi %mul3A_3719, %select_n3A_3659 : i32
      %mul3A_3721 = arith.constant 1024 : i32
      %mul3A_3722 = arith.muli %add3A_3720, %mul3A_3721 : i32
      %mul3A_3723 = arith.constant 8 : i32
      %mul3A_3724 = arith.muli %select_n3A_3643, %mul3A_3723 : i32
      %add3A_3725 = arith.constant 7 : i32
      %add3A_3726 = arith.addi %mul3A_3724, %add3A_3725 : i32
      %mul3A_3727 = arith.constant 128 : i32
      %mul3A_3728 = arith.muli %add3A_3726, %mul3A_3727 : i32
      %add3A_3729 = arith.addi %mul3A_3728, %select_n3A_3659 : i32
      %mul3A_3730 = arith.constant 1024 : i32
      %mul3A_3731 = arith.muli %add3A_3729, %mul3A_3730 : i32
      %dma_start3A_3732 = arith.constant 1 : i32
      %dma_start3A_3733 = arith.constant 0 : i32
      %dma_start3A_3734 = tpu.memref_slice %arg8[%dma_start3A_3732, %dma_start3A_3733] : memref<2x8192xf32, #tpu.memory_space<vmem>> -> memref<1x1024xf32, #tpu.memory_space<vmem>>
      %dma_start3A_3735 = tpu.memref_squeeze %dma_start3A_3734 : memref<1x1024xf32, #tpu.memory_space<vmem>> -> memref<1024xf32, #tpu.memory_space<vmem>>
      %dma_start3A_3736 = tpu.memref_slice %arg4[%mul3A_3668] : memref<52428800xf32, #tpu.memory_space<hbm>> -> memref<1024xf32, #tpu.memory_space<hbm>>
      %dma_start3A_3737 = tpu.memref_slice %arg4[%mul3A_3668] : memref<52428800xf32, #tpu.memory_space<hbm>> -> memref<1024xf32, #tpu.memory_space<hbm>>
      %dma_start3A_3738 = arith.constant 0 : i32
      %dma_start3A_3739 = tpu.memref_slice %arg8[%dma_start3A_3732, %dma_start3A_3738] : memref<2x8192xf32, #tpu.memory_space<vmem>> -> memref<1x1024xf32, #tpu.memory_space<vmem>>
      %dma_start3A_3740 = tpu.memref_squeeze %dma_start3A_3739 : memref<1x1024xf32, #tpu.memory_space<vmem>> -> memref<1024xf32, #tpu.memory_space<vmem>>
      tpu.enqueue_dma source(%dma_start3A_3740 : memref<1024xf32, #tpu.memory_space<vmem>>) target(%dma_start3A_3737 : memref<1024xf32, #tpu.memory_space<hbm>>) target_semaphore(%arg14 : memref<!tpu.dma_semaphore, #tpu.memory_space<semaphore_mem>>)
      %dma_start3A_3741 = arith.constant 1 : i32
      %dma_start3A_3742 = arith.constant 1024 : i32
      %dma_start3A_3743 = tpu.memref_slice %arg8[%dma_start3A_3741, %dma_start3A_3742] : memref<2x8192xf32, #tpu.memory_space<vmem>> -> memref<1x1024xf32, #tpu.memory_space<vmem>>
      %dma_start3A_3744 = tpu.memref_squeeze %dma_start3A_3743 : memref<1x1024xf32, #tpu.memory_space<vmem>> -> memref<1024xf32, #tpu.memory_space<vmem>>
      %dma_start3A_3745 = tpu.memref_slice %arg4[%mul3A_3677] : memref<52428800xf32, #tpu.memory_space<hbm>> -> memref<1024xf32, #tpu.memory_space<hbm>>
      %dma_start3A_3746 = tpu.memref_slice %arg4[%mul3A_3677] : memref<52428800xf32, #tpu.memory_space<hbm>> -> memref<1024xf32, #tpu.memory_space<hbm>>
      %dma_start3A_3747 = arith.constant 1024 : i32
      %dma_start3A_3748 = tpu.memref_slice %arg8[%dma_start3A_3741, %dma_start3A_3747] : memref<2x8192xf32, #tpu.memory_space<vmem>> -> memref<1x1024xf32, #tpu.memory_space<vmem>>
      %dma_start3A_3749 = tpu.memref_squeeze %dma_start3A_3748 : memref<1x1024xf32, #tpu.memory_space<vmem>> -> memref<1024xf32, #tpu.memory_space<vmem>>
      tpu.enqueue_dma source(%dma_start3A_3749 : memref<1024xf32, #tpu.memory_space<vmem>>) target(%dma_start3A_3746 : memref<1024xf32, #tpu.memory_space<hbm>>) target_semaphore(%arg14 : memref<!tpu.dma_semaphore, #tpu.memory_space<semaphore_mem>>)
      %dma_start3A_3750 = arith.constant 1 : i32
      %dma_start3A_3751 = arith.constant 2048 : i32
      %dma_start3A_3752 = tpu.memref_slice %arg8[%dma_start3A_3750, %dma_start3A_3751] : memref<2x8192xf32, #tpu.memory_space<vmem>> -> memref<1x1024xf32, #tpu.memory_space<vmem>>
      %dma_start3A_3753 = tpu.memref_squeeze %dma_start3A_3752 : memref<1x1024xf32, #tpu.memory_space<vmem>> -> memref<1024xf32, #tpu.memory_space<vmem>>
      %dma_start3A_3754 = tpu.memref_slice %arg4[%mul3A_3686] : memref<52428800xf32, #tpu.memory_space<hbm>> -> memref<1024xf32, #tpu.memory_space<hbm>>
      %dma_start3A_3755 = tpu.memref_slice %arg4[%mul3A_3686] : memref<52428800xf32, #tpu.memory_space<hbm>> -> memref<1024xf32, #tpu.memory_space<hbm>>
      %dma_start3A_3756 = arith.constant 2048 : i32
      %dma_start3A_3757 = tpu.memref_slice %arg8[%dma_start3A_3750, %dma_start3A_3756] : memref<2x8192xf32, #tpu.memory_space<vmem>> -> memref<1x1024xf32, #tpu.memory_space<vmem>>
      %dma_start3A_3758 = tpu.memref_squeeze %dma_start3A_3757 : memref<1x1024xf32, #tpu.memory_space<vmem>> -> memref<1024xf32, #tpu.memory_space<vmem>>
      tpu.enqueue_dma source(%dma_start3A_3758 : memref<1024xf32, #tpu.memory_space<vmem>>) target(%dma_start3A_3755 : memref<1024xf32, #tpu.memory_space<hbm>>) target_semaphore(%arg14 : memref<!tpu.dma_semaphore, #tpu.memory_space<semaphore_mem>>)
      %dma_start3A_3759 = arith.constant 1 : i32
      %dma_start3A_3760 = arith.constant 3072 : i32
      %dma_start3A_3761 = tpu.memref_slice %arg8[%dma_start3A_3759, %dma_start3A_3760] : memref<2x8192xf32, #tpu.memory_space<vmem>> -> memref<1x1024xf32, #tpu.memory_space<vmem>>
      %dma_start3A_3762 = tpu.memref_squeeze %dma_start3A_3761 : memref<1x1024xf32, #tpu.memory_space<vmem>> -> memref<1024xf32, #tpu.memory_space<vmem>>
      %dma_start3A_3763 = tpu.memref_slice %arg4[%mul3A_3695] : memref<52428800xf32, #tpu.memory_space<hbm>> -> memref<1024xf32, #tpu.memory_space<hbm>>
      %dma_start3A_3764 = tpu.memref_slice %arg4[%mul3A_3695] : memref<52428800xf32, #tpu.memory_space<hbm>> -> memref<1024xf32, #tpu.memory_space<hbm>>
      %dma_start3A_3765 = arith.constant 3072 : i32
      %dma_start3A_3766 = tpu.memref_slice %arg8[%dma_start3A_3759, %dma_start3A_3765] : memref<2x8192xf32, #tpu.memory_space<vmem>> -> memref<1x1024xf32, #tpu.memory_space<vmem>>
      %dma_start3A_3767 = tpu.memref_squeeze %dma_start3A_3766 : memref<1x1024xf32, #tpu.memory_space<vmem>> -> memref<1024xf32, #tpu.memory_space<vmem>>
      tpu.enqueue_dma source(%dma_start3A_3767 : memref<1024xf32, #tpu.memory_space<vmem>>) target(%dma_start3A_3764 : memref<1024xf32, #tpu.memory_space<hbm>>) target_semaphore(%arg14 : memref<!tpu.dma_semaphore, #tpu.memory_space<semaphore_mem>>)
      %dma_start3A_3768 = arith.constant 1 : i32
      %dma_start3A_3769 = arith.constant 4096 : i32
      %dma_start3A_3770 = tpu.memref_slice %arg8[%dma_start3A_3768, %dma_start3A_3769] : memref<2x8192xf32, #tpu.memory_space<vmem>> -> memref<1x1024xf32, #tpu.memory_space<vmem>>
      %dma_start3A_3771 = tpu.memref_squeeze %dma_start3A_3770 : memref<1x1024xf32, #tpu.memory_space<vmem>> -> memref<1024xf32, #tpu.memory_space<vmem>>
      %dma_start3A_3772 = tpu.memref_slice %arg4[%mul3A_3704] : memref<52428800xf32, #tpu.memory_space<hbm>> -> memref<1024xf32, #tpu.memory_space<hbm>>
      %dma_start3A_3773 = tpu.memref_slice %arg4[%mul3A_3704] : memref<52428800xf32, #tpu.memory_space<hbm>> -> memref<1024xf32, #tpu.memory_space<hbm>>
      %dma_start3A_3774 = arith.constant 4096 : i32
      %dma_start3A_3775 = tpu.memref_slice %arg8[%dma_start3A_3768, %dma_start3A_3774] : memref<2x8192xf32, #tpu.memory_space<vmem>> -> memref<1x1024xf32, #tpu.memory_space<vmem>>
      %dma_start3A_3776 = tpu.memref_squeeze %dma_start3A_3775 : memref<1x1024xf32, #tpu.memory_space<vmem>> -> memref<1024xf32, #tpu.memory_space<vmem>>
      tpu.enqueue_dma source(%dma_start3A_3776 : memref<1024xf32, #tpu.memory_space<vmem>>) target(%dma_start3A_3773 : memref<1024xf32, #tpu.memory_space<hbm>>) target_semaphore(%arg14 : memref<!tpu.dma_semaphore, #tpu.memory_space<semaphore_mem>>)
      %dma_start3A_3777 = arith.constant 1 : i32
      %dma_start3A_3778 = arith.constant 5120 : i32
      %dma_start3A_3779 = tpu.memref_slice %arg8[%dma_start3A_3777, %dma_start3A_3778] : memref<2x8192xf32, #tpu.memory_space<vmem>> -> memref<1x1024xf32, #tpu.memory_space<vmem>>
      %dma_start3A_3780 = tpu.memref_squeeze %dma_start3A_3779 : memref<1x1024xf32, #tpu.memory_space<vmem>> -> memref<1024xf32, #tpu.memory_space<vmem>>
      %dma_start3A_3781 = tpu.memref_slice %arg4[%mul3A_3713] : memref<52428800xf32, #tpu.memory_space<hbm>> -> memref<1024xf32, #tpu.memory_space<hbm>>
      %dma_start3A_3782 = tpu.memref_slice %arg4[%mul3A_3713] : memref<52428800xf32, #tpu.memory_space<hbm>> -> memref<1024xf32, #tpu.memory_space<hbm>>
      %dma_start3A_3783 = arith.constant 5120 : i32
      %dma_start3A_3784 = tpu.memref_slice %arg8[%dma_start3A_3777, %dma_start3A_3783] : memref<2x8192xf32, #tpu.memory_space<vmem>> -> memref<1x1024xf32, #tpu.memory_space<vmem>>
      %dma_start3A_3785 = tpu.memref_squeeze %dma_start3A_3784 : memref<1x1024xf32, #tpu.memory_space<vmem>> -> memref<1024xf32, #tpu.memory_space<vmem>>
      tpu.enqueue_dma source(%dma_start3A_3785 : memref<1024xf32, #tpu.memory_space<vmem>>) target(%dma_start3A_3782 : memref<1024xf32, #tpu.memory_space<hbm>>) target_semaphore(%arg14 : memref<!tpu.dma_semaphore, #tpu.memory_space<semaphore_mem>>)
      %dma_start3A_3786 = arith.constant 1 : i32
      %dma_start3A_3787 = arith.constant 6144 : i32
      %dma_start3A_3788 = tpu.memref_slice %arg8[%dma_start3A_3786, %dma_start3A_3787] : memref<2x8192xf32, #tpu.memory_space<vmem>> -> memref<1x1024xf32, #tpu.memory_space<vmem>>
      %dma_start3A_3789 = tpu.memref_squeeze %dma_start3A_3788 : memref<1x1024xf32, #tpu.memory_space<vmem>> -> memref<1024xf32, #tpu.memory_space<vmem>>
      %dma_start3A_3790 = tpu.memref_slice %arg4[%mul3A_3722] : memref<52428800xf32, #tpu.memory_space<hbm>> -> memref<1024xf32, #tpu.memory_space<hbm>>
      %dma_start3A_3791 = tpu.memref_slice %arg4[%mul3A_3722] : memref<52428800xf32, #tpu.memory_space<hbm>> -> memref<1024xf32, #tpu.memory_space<hbm>>
      %dma_start3A_3792 = arith.constant 6144 : i32
      %dma_start3A_3793 = tpu.memref_slice %arg8[%dma_start3A_3786, %dma_start3A_3792] : memref<2x8192xf32, #tpu.memory_space<vmem>> -> memref<1x1024xf32, #tpu.memory_space<vmem>>
      %dma_start3A_3794 = tpu.memref_squeeze %dma_start3A_3793 : memref<1x1024xf32, #tpu.memory_space<vmem>> -> memref<1024xf32, #tpu.memory_space<vmem>>
      tpu.enqueue_dma source(%dma_start3A_3794 : memref<1024xf32, #tpu.memory_space<vmem>>) target(%dma_start3A_3791 : memref<1024xf32, #tpu.memory_space<hbm>>) target_semaphore(%arg14 : memref<!tpu.dma_semaphore, #tpu.memory_space<semaphore_mem>>)
      %dma_start3A_3795 = arith.constant 1 : i32
      %dma_start3A_3796 = arith.constant 7168 : i32
      %dma_start3A_3797 = tpu.memref_slice %arg8[%dma_start3A_3795, %dma_start3A_3796] : memref<2x8192xf32, #tpu.memory_space<vmem>> -> memref<1x1024xf32, #tpu.memory_space<vmem>>
      %dma_start3A_3798 = tpu.memref_squeeze %dma_start3A_3797 : memref<1x1024xf32, #tpu.memory_space<vmem>> -> memref<1024xf32, #tpu.memory_space<vmem>>
      %dma_start3A_3799 = tpu.memref_slice %arg4[%mul3A_3731] : memref<52428800xf32, #tpu.memory_space<hbm>> -> memref<1024xf32, #tpu.memory_space<hbm>>
      %dma_start3A_3800 = tpu.memref_slice %arg4[%mul3A_3731] : memref<52428800xf32, #tpu.memory_space<hbm>> -> memref<1024xf32, #tpu.memory_space<hbm>>
      %dma_start3A_3801 = arith.constant 7168 : i32
      %dma_start3A_3802 = tpu.memref_slice %arg8[%dma_start3A_3795, %dma_start3A_3801] : memref<2x8192xf32, #tpu.memory_space<vmem>> -> memref<1x1024xf32, #tpu.memory_space<vmem>>
      %dma_start3A_3803 = tpu.memref_squeeze %dma_start3A_3802 : memref<1x1024xf32, #tpu.memory_space<vmem>> -> memref<1024xf32, #tpu.memory_space<vmem>>
      tpu.enqueue_dma source(%dma_start3A_3803 : memref<1024xf32, #tpu.memory_space<vmem>>) target(%dma_start3A_3800 : memref<1024xf32, #tpu.memory_space<hbm>>) target_semaphore(%arg14 : memref<!tpu.dma_semaphore, #tpu.memory_space<semaphore_mem>>)
    }
    %scan3A_1135 = arith.constant 100 : i32
    %dma_wait3A_1136 = arith.constant 0 : i32
    %dma_wait3A_1137 = arith.constant 0 : i32
    %dma_wait3A_1138 = arith.constant 0 : i32
    %dma_wait3A_1139 = arith.constant 0 : i32
    %dma_wait3A_1140 = tpu.memref_slice %arg7[%dma_wait3A_1137, %dma_wait3A_1138, %dma_wait3A_1139] : memref<2x1024x64xbf16, #tpu.memory_space<vmem>> -> memref<1x1024x64xbf16, #tpu.memory_space<vmem>>
    %dma_wait3A_1141 = tpu.memref_squeeze %dma_wait3A_1140 : memref<1x1024x64xbf16, #tpu.memory_space<vmem>> -> memref<1024x64xbf16, #tpu.memory_space<vmem>>
    %dma_wait3A_1142 = arith.constant 0 : i32
    %dma_wait3A_1143 = tpu.memref_slice %arg6[%dma_wait3A_1136, %dma_wait3A_1142] : memref<2x1024xi32, #tpu.memory_space<vmem>> -> memref<1x1024xi32, #tpu.memory_space<vmem>>
    %dma_wait3A_1144 = tpu.memref_squeeze %dma_wait3A_1143 : memref<1x1024xi32, #tpu.memory_space<vmem>> -> memref<1024xi32, #tpu.memory_space<vmem>>
    %dma_wait3A_1145 = arith.constant 0 : i32
    %dma_wait3A_1146 = arith.constant 0 : i32
    %dma_wait3A_1147 = tpu.memref_slice %arg2[%dma_wait3A_1145, %dma_wait3A_1146] : memref<65664x64xbf16, #tpu.memory_space<hbm>> -> memref<65664x64xbf16, #tpu.memory_space<hbm>>
    tpu.wait_indirect_dma semaphore(%arg11 : memref<!tpu.dma_semaphore, #tpu.memory_space<semaphore_mem>>) src(%dma_wait3A_1147 : memref<65664x64xbf16, #tpu.memory_space<hbm>>) dst(%dma_wait3A_1141 : memref<1024x64xbf16, #tpu.memory_space<vmem>>)
    %add3A_1148 = arith.constant 199 : i32
    %add3A_1149 = arith.addi %mul3A_2, %add3A_1148 : i32
    %mul3A_1150 = arith.constant 1024 : i32
    %mul3A_1151 = arith.muli %add3A_1149, %mul3A_1150 : i32
    %dma_wait3A_1152 = arith.constant 1 : i32
    %dma_wait3A_1153 = arith.constant 0 : i32
    %dma_wait3A_1154 = tpu.memref_slice %arg5[%dma_wait3A_1152, %dma_wait3A_1153] : memref<2x1024xi32, #tpu.memory_space<vmem>> -> memref<1x1024xi32, #tpu.memory_space<vmem>>
    %dma_wait3A_1155 = tpu.memref_squeeze %dma_wait3A_1154 : memref<1x1024xi32, #tpu.memory_space<vmem>> -> memref<1024xi32, #tpu.memory_space<vmem>>
    %dma_wait3A_1156 = tpu.memref_slice %arg3[%mul3A_1151] : memref<6553600xi32, #tpu.memory_space<hbm>> -> memref<1024xi32, #tpu.memory_space<hbm>>
    %dma_wait3A_1157 = arith.constant 0 : i32
    %dma_wait3A_1158 = tpu.memref_slice %arg5[%dma_wait3A_1152, %dma_wait3A_1157] : memref<2x1024xi32, #tpu.memory_space<vmem>> -> memref<1x1024xi32, #tpu.memory_space<vmem>>
    %dma_wait3A_1159 = tpu.memref_squeeze %dma_wait3A_1158 : memref<1x1024xi32, #tpu.memory_space<vmem>> -> memref<1024xi32, #tpu.memory_space<vmem>>
    %dma_wait3A_1160 = tpu.memref_slice %arg3[%mul3A_1151] : memref<6553600xi32, #tpu.memory_space<hbm>> -> memref<1024xi32, #tpu.memory_space<hbm>>
    tpu.wait_dma2 semaphore(%arg10 : memref<!tpu.dma_semaphore, #tpu.memory_space<semaphore_mem>>) src(%dma_wait3A_1160 : memref<1024xi32, #tpu.memory_space<hbm>>) dst(%dma_wait3A_1159 : memref<1024xi32, #tpu.memory_space<vmem>>)
    %add3A_1161 = arith.constant 198 : i32
    %add3A_1162 = arith.addi %mul3A_2, %add3A_1161 : i32
    %jit3A_1163 = arith.constant 128 : i32
    %div3A_1164 = arith.divsi %add3A_1162, %jit3A_1163 : i32
    %sign3A_1165 = arith.constant 0 : i32
    %sign3A_1166 = arith.cmpi sgt, %add3A_1162, %sign3A_1165 : i32
    %sign3A_1167 = arith.extui %sign3A_1166 : i1 to i32
    %sign3A_1168 = arith.constant 0 : i32
    %sign3A_1169 = arith.cmpi slt, %add3A_1162, %sign3A_1168 : i32
    %sign3A_1170 = arith.extui %sign3A_1169 : i1 to i32
    %sign3A_1171 = arith.subi %sign3A_1167, %sign3A_1170 : i32
    %sign3A_1172 = arith.constant 0 : i32
    %sign3A_1173 = arith.cmpi sgt, %jit3A_1163, %sign3A_1172 : i32
    %sign3A_1174 = arith.extui %sign3A_1173 : i1 to i32
    %sign3A_1175 = arith.constant 0 : i32
    %sign3A_1176 = arith.cmpi slt, %jit3A_1163, %sign3A_1175 : i32
    %sign3A_1177 = arith.extui %sign3A_1176 : i1 to i32
    %sign3A_1178 = arith.subi %sign3A_1174, %sign3A_1177 : i32
    %ne3A_1179 = arith.cmpi ne, %sign3A_1171, %sign3A_1178 : i32
    %rem3A_1180 = arith.remsi %add3A_1162, %jit3A_1163 : i32
    %ne3A_1181 = arith.constant 0 : i32
    %ne3A_1182 = arith.cmpi ne, %rem3A_1180, %ne3A_1181 : i32
    %and3A_1183 = arith.andi %ne3A_1179, %ne3A_1182 : i1
    %sub3A_1184 = arith.constant 1 : i32
    %sub3A_1185 = arith.subi %div3A_1164, %sub3A_1184 : i32
    %select_n3A_1186 = arith.select %and3A_1183, %sub3A_1185, %div3A_1164 : i32
    %jit3A_1187 = arith.constant 128 : i32
    %eq3A_1188 = arith.constant 0 : i32
    %eq3A_1189 = arith.cmpi eq, %jit3A_1187, %eq3A_1188 : i32
    %jit3A_1190 = arith.constant 1 : i32
    %select_n3A_1191 = arith.select %eq3A_1189, %jit3A_1190, %jit3A_1187 : i32
    %rem3A_1192 = arith.remsi %add3A_1162, %select_n3A_1191 : i32
    %ne3A_1193 = arith.constant 0 : i32
    %ne3A_1194 = arith.cmpi ne, %rem3A_1192, %ne3A_1193 : i32
    %lt3A_1195 = arith.constant 0 : i32
    %lt3A_1196 = arith.cmpi slt, %rem3A_1192, %lt3A_1195 : i32
    %lt3A_1197 = arith.constant 0 : i32
    %lt3A_1198 = arith.cmpi slt, %select_n3A_1191, %lt3A_1197 : i32
    %ne3A_1199 = arith.xori %lt3A_1196, %lt3A_1198 : i1
    %and3A_1200 = arith.andi %ne3A_1199, %ne3A_1194 : i1
    %add3A_1201 = arith.addi %rem3A_1192, %select_n3A_1191 : i32
    %select_n3A_1202 = arith.select %and3A_1200, %add3A_1201, %rem3A_1192 : i32
    %mul3A_1203 = arith.constant 8 : i32
    %mul3A_1204 = arith.muli %select_n3A_1186, %mul3A_1203 : i32
    %add3A_1205 = arith.constant 0 : i32
    %add3A_1206 = arith.addi %mul3A_1204, %add3A_1205 : i32
    %mul3A_1207 = arith.constant 128 : i32
    %mul3A_1208 = arith.muli %add3A_1206, %mul3A_1207 : i32
    %add3A_1209 = arith.addi %mul3A_1208, %select_n3A_1202 : i32
    %mul3A_1210 = arith.constant 1024 : i32
    %mul3A_1211 = arith.muli %add3A_1209, %mul3A_1210 : i32
    %mul3A_1212 = arith.constant 8 : i32
    %mul3A_1213 = arith.muli %select_n3A_1186, %mul3A_1212 : i32
    %add3A_1214 = arith.constant 1 : i32
    %add3A_1215 = arith.addi %mul3A_1213, %add3A_1214 : i32
    %mul3A_1216 = arith.constant 128 : i32
    %mul3A_1217 = arith.muli %add3A_1215, %mul3A_1216 : i32
    %add3A_1218 = arith.addi %mul3A_1217, %select_n3A_1202 : i32
    %mul3A_1219 = arith.constant 1024 : i32
    %mul3A_1220 = arith.muli %add3A_1218, %mul3A_1219 : i32
    %mul3A_1221 = arith.constant 8 : i32
    %mul3A_1222 = arith.muli %select_n3A_1186, %mul3A_1221 : i32
    %add3A_1223 = arith.constant 2 : i32
    %add3A_1224 = arith.addi %mul3A_1222, %add3A_1223 : i32
    %mul3A_1225 = arith.constant 128 : i32
    %mul3A_1226 = arith.muli %add3A_1224, %mul3A_1225 : i32
    %add3A_1227 = arith.addi %mul3A_1226, %select_n3A_1202 : i32
    %mul3A_1228 = arith.constant 1024 : i32
    %mul3A_1229 = arith.muli %add3A_1227, %mul3A_1228 : i32
    %mul3A_1230 = arith.constant 8 : i32
    %mul3A_1231 = arith.muli %select_n3A_1186, %mul3A_1230 : i32
    %add3A_1232 = arith.constant 3 : i32
    %add3A_1233 = arith.addi %mul3A_1231, %add3A_1232 : i32
    %mul3A_1234 = arith.constant 128 : i32
    %mul3A_1235 = arith.muli %add3A_1233, %mul3A_1234 : i32
    %add3A_1236 = arith.addi %mul3A_1235, %select_n3A_1202 : i32
    %mul3A_1237 = arith.constant 1024 : i32
    %mul3A_1238 = arith.muli %add3A_1236, %mul3A_1237 : i32
    %mul3A_1239 = arith.constant 8 : i32
    %mul3A_1240 = arith.muli %select_n3A_1186, %mul3A_1239 : i32
    %add3A_1241 = arith.constant 4 : i32
    %add3A_1242 = arith.addi %mul3A_1240, %add3A_1241 : i32
    %mul3A_1243 = arith.constant 128 : i32
    %mul3A_1244 = arith.muli %add3A_1242, %mul3A_1243 : i32
    %add3A_1245 = arith.addi %mul3A_1244, %select_n3A_1202 : i32
    %mul3A_1246 = arith.constant 1024 : i32
    %mul3A_1247 = arith.muli %add3A_1245, %mul3A_1246 : i32
    %mul3A_1248 = arith.constant 8 : i32
    %mul3A_1249 = arith.muli %select_n3A_1186, %mul3A_1248 : i32
    %add3A_1250 = arith.constant 5 : i32
    %add3A_1251 = arith.addi %mul3A_1249, %add3A_1250 : i32
    %mul3A_1252 = arith.constant 128 : i32
    %mul3A_1253 = arith.muli %add3A_1251, %mul3A_1252 : i32
    %add3A_1254 = arith.addi %mul3A_1253, %select_n3A_1202 : i32
    %mul3A_1255 = arith.constant 1024 : i32
    %mul3A_1256 = arith.muli %add3A_1254, %mul3A_1255 : i32
    %mul3A_1257 = arith.constant 8 : i32
    %mul3A_1258 = arith.muli %select_n3A_1186, %mul3A_1257 : i32
    %add3A_1259 = arith.constant 6 : i32
    %add3A_1260 = arith.addi %mul3A_1258, %add3A_1259 : i32
    %mul3A_1261 = arith.constant 128 : i32
    %mul3A_1262 = arith.muli %add3A_1260, %mul3A_1261 : i32
    %add3A_1263 = arith.addi %mul3A_1262, %select_n3A_1202 : i32
    %mul3A_1264 = arith.constant 1024 : i32
    %mul3A_1265 = arith.muli %add3A_1263, %mul3A_1264 : i32
    %mul3A_1266 = arith.constant 8 : i32
    %mul3A_1267 = arith.muli %select_n3A_1186, %mul3A_1266 : i32
    %add3A_1268 = arith.constant 7 : i32
    %add3A_1269 = arith.addi %mul3A_1267, %add3A_1268 : i32
    %mul3A_1270 = arith.constant 128 : i32
    %mul3A_1271 = arith.muli %add3A_1269, %mul3A_1270 : i32
    %add3A_1272 = arith.addi %mul3A_1271, %select_n3A_1202 : i32
    %mul3A_1273 = arith.constant 1024 : i32
    %mul3A_1274 = arith.muli %add3A_1272, %mul3A_1273 : i32
    %dma_wait3A_1275 = arith.constant 0 : i32
    %dma_wait3A_1276 = arith.constant 0 : i32
    %dma_wait3A_1277 = tpu.memref_slice %arg8[%dma_wait3A_1275, %dma_wait3A_1276] : memref<2x8192xf32, #tpu.memory_space<vmem>> -> memref<1x1024xf32, #tpu.memory_space<vmem>>
    %dma_wait3A_1278 = tpu.memref_squeeze %dma_wait3A_1277 : memref<1x1024xf32, #tpu.memory_space<vmem>> -> memref<1024xf32, #tpu.memory_space<vmem>>
    %dma_wait3A_1279 = tpu.memref_slice %arg4[%mul3A_1211] : memref<52428800xf32, #tpu.memory_space<hbm>> -> memref<1024xf32, #tpu.memory_space<hbm>>
    %dma_wait3A_1280 = tpu.memref_slice %arg4[%mul3A_1211] : memref<52428800xf32, #tpu.memory_space<hbm>> -> memref<1024xf32, #tpu.memory_space<hbm>>
    %dma_wait3A_1281 = arith.constant 0 : i32
    %dma_wait3A_1282 = tpu.memref_slice %arg8[%dma_wait3A_1275, %dma_wait3A_1281] : memref<2x8192xf32, #tpu.memory_space<vmem>> -> memref<1x1024xf32, #tpu.memory_space<vmem>>
    %dma_wait3A_1283 = tpu.memref_squeeze %dma_wait3A_1282 : memref<1x1024xf32, #tpu.memory_space<vmem>> -> memref<1024xf32, #tpu.memory_space<vmem>>
    tpu.wait_dma2 semaphore(%arg13 : memref<!tpu.dma_semaphore, #tpu.memory_space<semaphore_mem>>) src(%dma_wait3A_1283 : memref<1024xf32, #tpu.memory_space<vmem>>) dst(%dma_wait3A_1280 : memref<1024xf32, #tpu.memory_space<hbm>>)
    %dma_wait3A_1284 = arith.constant 0 : i32
    %dma_wait3A_1285 = arith.constant 1024 : i32
    %dma_wait3A_1286 = tpu.memref_slice %arg8[%dma_wait3A_1284, %dma_wait3A_1285] : memref<2x8192xf32, #tpu.memory_space<vmem>> -> memref<1x1024xf32, #tpu.memory_space<vmem>>
    %dma_wait3A_1287 = tpu.memref_squeeze %dma_wait3A_1286 : memref<1x1024xf32, #tpu.memory_space<vmem>> -> memref<1024xf32, #tpu.memory_space<vmem>>
    %dma_wait3A_1288 = tpu.memref_slice %arg4[%mul3A_1220] : memref<52428800xf32, #tpu.memory_space<hbm>> -> memref<1024xf32, #tpu.memory_space<hbm>>
    %dma_wait3A_1289 = tpu.memref_slice %arg4[%mul3A_1220] : memref<52428800xf32, #tpu.memory_space<hbm>> -> memref<1024xf32, #tpu.memory_space<hbm>>
    %dma_wait3A_1290 = arith.constant 1024 : i32
    %dma_wait3A_1291 = tpu.memref_slice %arg8[%dma_wait3A_1284, %dma_wait3A_1290] : memref<2x8192xf32, #tpu.memory_space<vmem>> -> memref<1x1024xf32, #tpu.memory_space<vmem>>
    %dma_wait3A_1292 = tpu.memref_squeeze %dma_wait3A_1291 : memref<1x1024xf32, #tpu.memory_space<vmem>> -> memref<1024xf32, #tpu.memory_space<vmem>>
    tpu.wait_dma2 semaphore(%arg13 : memref<!tpu.dma_semaphore, #tpu.memory_space<semaphore_mem>>) src(%dma_wait3A_1292 : memref<1024xf32, #tpu.memory_space<vmem>>) dst(%dma_wait3A_1289 : memref<1024xf32, #tpu.memory_space<hbm>>)
    %dma_wait3A_1293 = arith.constant 0 : i32
    %dma_wait3A_1294 = arith.constant 2048 : i32
    %dma_wait3A_1295 = tpu.memref_slice %arg8[%dma_wait3A_1293, %dma_wait3A_1294] : memref<2x8192xf32, #tpu.memory_space<vmem>> -> memref<1x1024xf32, #tpu.memory_space<vmem>>
    %dma_wait3A_1296 = tpu.memref_squeeze %dma_wait3A_1295 : memref<1x1024xf32, #tpu.memory_space<vmem>> -> memref<1024xf32, #tpu.memory_space<vmem>>
    %dma_wait3A_1297 = tpu.memref_slice %arg4[%mul3A_1229] : memref<52428800xf32, #tpu.memory_space<hbm>> -> memref<1024xf32, #tpu.memory_space<hbm>>
    %dma_wait3A_1298 = tpu.memref_slice %arg4[%mul3A_1229] : memref<52428800xf32, #tpu.memory_space<hbm>> -> memref<1024xf32, #tpu.memory_space<hbm>>
    %dma_wait3A_1299 = arith.constant 2048 : i32
    %dma_wait3A_1300 = tpu.memref_slice %arg8[%dma_wait3A_1293, %dma_wait3A_1299] : memref<2x8192xf32, #tpu.memory_space<vmem>> -> memref<1x1024xf32, #tpu.memory_space<vmem>>
    %dma_wait3A_1301 = tpu.memref_squeeze %dma_wait3A_1300 : memref<1x1024xf32, #tpu.memory_space<vmem>> -> memref<1024xf32, #tpu.memory_space<vmem>>
    tpu.wait_dma2 semaphore(%arg13 : memref<!tpu.dma_semaphore, #tpu.memory_space<semaphore_mem>>) src(%dma_wait3A_1301 : memref<1024xf32, #tpu.memory_space<vmem>>) dst(%dma_wait3A_1298 : memref<1024xf32, #tpu.memory_space<hbm>>)
    %dma_wait3A_1302 = arith.constant 0 : i32
    %dma_wait3A_1303 = arith.constant 3072 : i32
    %dma_wait3A_1304 = tpu.memref_slice %arg8[%dma_wait3A_1302, %dma_wait3A_1303] : memref<2x8192xf32, #tpu.memory_space<vmem>> -> memref<1x1024xf32, #tpu.memory_space<vmem>>
    %dma_wait3A_1305 = tpu.memref_squeeze %dma_wait3A_1304 : memref<1x1024xf32, #tpu.memory_space<vmem>> -> memref<1024xf32, #tpu.memory_space<vmem>>
    %dma_wait3A_1306 = tpu.memref_slice %arg4[%mul3A_1238] : memref<52428800xf32, #tpu.memory_space<hbm>> -> memref<1024xf32, #tpu.memory_space<hbm>>
    %dma_wait3A_1307 = tpu.memref_slice %arg4[%mul3A_1238] : memref<52428800xf32, #tpu.memory_space<hbm>> -> memref<1024xf32, #tpu.memory_space<hbm>>
    %dma_wait3A_1308 = arith.constant 3072 : i32
    %dma_wait3A_1309 = tpu.memref_slice %arg8[%dma_wait3A_1302, %dma_wait3A_1308] : memref<2x8192xf32, #tpu.memory_space<vmem>> -> memref<1x1024xf32, #tpu.memory_space<vmem>>
    %dma_wait3A_1310 = tpu.memref_squeeze %dma_wait3A_1309 : memref<1x1024xf32, #tpu.memory_space<vmem>> -> memref<1024xf32, #tpu.memory_space<vmem>>
    tpu.wait_dma2 semaphore(%arg13 : memref<!tpu.dma_semaphore, #tpu.memory_space<semaphore_mem>>) src(%dma_wait3A_1310 : memref<1024xf32, #tpu.memory_space<vmem>>) dst(%dma_wait3A_1307 : memref<1024xf32, #tpu.memory_space<hbm>>)
    %dma_wait3A_1311 = arith.constant 0 : i32
    %dma_wait3A_1312 = arith.constant 4096 : i32
    %dma_wait3A_1313 = tpu.memref_slice %arg8[%dma_wait3A_1311, %dma_wait3A_1312] : memref<2x8192xf32, #tpu.memory_space<vmem>> -> memref<1x1024xf32, #tpu.memory_space<vmem>>
    %dma_wait3A_1314 = tpu.memref_squeeze %dma_wait3A_1313 : memref<1x1024xf32, #tpu.memory_space<vmem>> -> memref<1024xf32, #tpu.memory_space<vmem>>
    %dma_wait3A_1315 = tpu.memref_slice %arg4[%mul3A_1247] : memref<52428800xf32, #tpu.memory_space<hbm>> -> memref<1024xf32, #tpu.memory_space<hbm>>
    %dma_wait3A_1316 = tpu.memref_slice %arg4[%mul3A_1247] : memref<52428800xf32, #tpu.memory_space<hbm>> -> memref<1024xf32, #tpu.memory_space<hbm>>
    %dma_wait3A_1317 = arith.constant 4096 : i32
    %dma_wait3A_1318 = tpu.memref_slice %arg8[%dma_wait3A_1311, %dma_wait3A_1317] : memref<2x8192xf32, #tpu.memory_space<vmem>> -> memref<1x1024xf32, #tpu.memory_space<vmem>>
    %dma_wait3A_1319 = tpu.memref_squeeze %dma_wait3A_1318 : memref<1x1024xf32, #tpu.memory_space<vmem>> -> memref<1024xf32, #tpu.memory_space<vmem>>
    tpu.wait_dma2 semaphore(%arg13 : memref<!tpu.dma_semaphore, #tpu.memory_space<semaphore_mem>>) src(%dma_wait3A_1319 : memref<1024xf32, #tpu.memory_space<vmem>>) dst(%dma_wait3A_1316 : memref<1024xf32, #tpu.memory_space<hbm>>)
    %dma_wait3A_1320 = arith.constant 0 : i32
    %dma_wait3A_1321 = arith.constant 5120 : i32
    %dma_wait3A_1322 = tpu.memref_slice %arg8[%dma_wait3A_1320, %dma_wait3A_1321] : memref<2x8192xf32, #tpu.memory_space<vmem>> -> memref<1x1024xf32, #tpu.memory_space<vmem>>
    %dma_wait3A_1323 = tpu.memref_squeeze %dma_wait3A_1322 : memref<1x1024xf32, #tpu.memory_space<vmem>> -> memref<1024xf32, #tpu.memory_space<vmem>>
    %dma_wait3A_1324 = tpu.memref_slice %arg4[%mul3A_1256] : memref<52428800xf32, #tpu.memory_space<hbm>> -> memref<1024xf32, #tpu.memory_space<hbm>>
    %dma_wait3A_1325 = tpu.memref_slice %arg4[%mul3A_1256] : memref<52428800xf32, #tpu.memory_space<hbm>> -> memref<1024xf32, #tpu.memory_space<hbm>>
    %dma_wait3A_1326 = arith.constant 5120 : i32
    %dma_wait3A_1327 = tpu.memref_slice %arg8[%dma_wait3A_1320, %dma_wait3A_1326] : memref<2x8192xf32, #tpu.memory_space<vmem>> -> memref<1x1024xf32, #tpu.memory_space<vmem>>
    %dma_wait3A_1328 = tpu.memref_squeeze %dma_wait3A_1327 : memref<1x1024xf32, #tpu.memory_space<vmem>> -> memref<1024xf32, #tpu.memory_space<vmem>>
    tpu.wait_dma2 semaphore(%arg13 : memref<!tpu.dma_semaphore, #tpu.memory_space<semaphore_mem>>) src(%dma_wait3A_1328 : memref<1024xf32, #tpu.memory_space<vmem>>) dst(%dma_wait3A_1325 : memref<1024xf32, #tpu.memory_space<hbm>>)
    %dma_wait3A_1329 = arith.constant 0 : i32
    %dma_wait3A_1330 = arith.constant 6144 : i32
    %dma_wait3A_1331 = tpu.memref_slice %arg8[%dma_wait3A_1329, %dma_wait3A_1330] : memref<2x8192xf32, #tpu.memory_space<vmem>> -> memref<1x1024xf32, #tpu.memory_space<vmem>>
    %dma_wait3A_1332 = tpu.memref_squeeze %dma_wait3A_1331 : memref<1x1024xf32, #tpu.memory_space<vmem>> -> memref<1024xf32, #tpu.memory_space<vmem>>
    %dma_wait3A_1333 = tpu.memref_slice %arg4[%mul3A_1265] : memref<52428800xf32, #tpu.memory_space<hbm>> -> memref<1024xf32, #tpu.memory_space<hbm>>
    %dma_wait3A_1334 = tpu.memref_slice %arg4[%mul3A_1265] : memref<52428800xf32, #tpu.memory_space<hbm>> -> memref<1024xf32, #tpu.memory_space<hbm>>
    %dma_wait3A_1335 = arith.constant 6144 : i32
    %dma_wait3A_1336 = tpu.memref_slice %arg8[%dma_wait3A_1329, %dma_wait3A_1335] : memref<2x8192xf32, #tpu.memory_space<vmem>> -> memref<1x1024xf32, #tpu.memory_space<vmem>>
    %dma_wait3A_1337 = tpu.memref_squeeze %dma_wait3A_1336 : memref<1x1024xf32, #tpu.memory_space<vmem>> -> memref<1024xf32, #tpu.memory_space<vmem>>
    tpu.wait_dma2 semaphore(%arg13 : memref<!tpu.dma_semaphore, #tpu.memory_space<semaphore_mem>>) src(%dma_wait3A_1337 : memref<1024xf32, #tpu.memory_space<vmem>>) dst(%dma_wait3A_1334 : memref<1024xf32, #tpu.memory_space<hbm>>)
    %dma_wait3A_1338 = arith.constant 0 : i32
    %dma_wait3A_1339 = arith.constant 7168 : i32
    %dma_wait3A_1340 = tpu.memref_slice %arg8[%dma_wait3A_1338, %dma_wait3A_1339] : memref<2x8192xf32, #tpu.memory_space<vmem>> -> memref<1x1024xf32, #tpu.memory_space<vmem>>
    %dma_wait3A_1341 = tpu.memref_squeeze %dma_wait3A_1340 : memref<1x1024xf32, #tpu.memory_space<vmem>> -> memref<1024xf32, #tpu.memory_space<vmem>>
    %dma_wait3A_1342 = tpu.memref_slice %arg4[%mul3A_1274] : memref<52428800xf32, #tpu.memory_space<hbm>> -> memref<1024xf32, #tpu.memory_space<hbm>>
    %dma_wait3A_1343 = tpu.memref_slice %arg4[%mul3A_1274] : memref<52428800xf32, #tpu.memory_space<hbm>> -> memref<1024xf32, #tpu.memory_space<hbm>>
    %dma_wait3A_1344 = arith.constant 7168 : i32
    %dma_wait3A_1345 = tpu.memref_slice %arg8[%dma_wait3A_1338, %dma_wait3A_1344] : memref<2x8192xf32, #tpu.memory_space<vmem>> -> memref<1x1024xf32, #tpu.memory_space<vmem>>
    %dma_wait3A_1346 = tpu.memref_squeeze %dma_wait3A_1345 : memref<1x1024xf32, #tpu.memory_space<vmem>> -> memref<1024xf32, #tpu.memory_space<vmem>>
    tpu.wait_dma2 semaphore(%arg13 : memref<!tpu.dma_semaphore, #tpu.memory_space<semaphore_mem>>) src(%dma_wait3A_1346 : memref<1024xf32, #tpu.memory_space<vmem>>) dst(%dma_wait3A_1343 : memref<1024xf32, #tpu.memory_space<hbm>>)
    %add3A_1347 = arith.constant 199 : i32
    %add3A_1348 = arith.addi %mul3A_2, %add3A_1347 : i32
    %jit3A_1349 = arith.constant 128 : i32
    %div3A_1350 = arith.divsi %add3A_1348, %jit3A_1349 : i32
    %sign3A_1351 = arith.constant 0 : i32
    %sign3A_1352 = arith.cmpi sgt, %add3A_1348, %sign3A_1351 : i32
    %sign3A_1353 = arith.extui %sign3A_1352 : i1 to i32
    %sign3A_1354 = arith.constant 0 : i32
    %sign3A_1355 = arith.cmpi slt, %add3A_1348, %sign3A_1354 : i32
    %sign3A_1356 = arith.extui %sign3A_1355 : i1 to i32
    %sign3A_1357 = arith.subi %sign3A_1353, %sign3A_1356 : i32
    %sign3A_1358 = arith.constant 0 : i32
    %sign3A_1359 = arith.cmpi sgt, %jit3A_1349, %sign3A_1358 : i32
    %sign3A_1360 = arith.extui %sign3A_1359 : i1 to i32
    %sign3A_1361 = arith.constant 0 : i32
    %sign3A_1362 = arith.cmpi slt, %jit3A_1349, %sign3A_1361 : i32
    %sign3A_1363 = arith.extui %sign3A_1362 : i1 to i32
    %sign3A_1364 = arith.subi %sign3A_1360, %sign3A_1363 : i32
    %ne3A_1365 = arith.cmpi ne, %sign3A_1357, %sign3A_1364 : i32
    %rem3A_1366 = arith.remsi %add3A_1348, %jit3A_1349 : i32
    %ne3A_1367 = arith.constant 0 : i32
    %ne3A_1368 = arith.cmpi ne, %rem3A_1366, %ne3A_1367 : i32
    %and3A_1369 = arith.andi %ne3A_1365, %ne3A_1368 : i1
    %sub3A_1370 = arith.constant 1 : i32
    %sub3A_1371 = arith.subi %div3A_1350, %sub3A_1370 : i32
    %select_n3A_1372 = arith.select %and3A_1369, %sub3A_1371, %div3A_1350 : i32
    %jit3A_1373 = arith.constant 128 : i32
    %eq3A_1374 = arith.constant 0 : i32
    %eq3A_1375 = arith.cmpi eq, %jit3A_1373, %eq3A_1374 : i32
    %jit3A_1376 = arith.constant 1 : i32
    %select_n3A_1377 = arith.select %eq3A_1375, %jit3A_1376, %jit3A_1373 : i32
    %rem3A_1378 = arith.remsi %add3A_1348, %select_n3A_1377 : i32
    %ne3A_1379 = arith.constant 0 : i32
    %ne3A_1380 = arith.cmpi ne, %rem3A_1378, %ne3A_1379 : i32
    %lt3A_1381 = arith.constant 0 : i32
    %lt3A_1382 = arith.cmpi slt, %rem3A_1378, %lt3A_1381 : i32
    %lt3A_1383 = arith.constant 0 : i32
    %lt3A_1384 = arith.cmpi slt, %select_n3A_1377, %lt3A_1383 : i32
    %ne3A_1385 = arith.xori %lt3A_1382, %lt3A_1384 : i1
    %and3A_1386 = arith.andi %ne3A_1385, %ne3A_1380 : i1
    %add3A_1387 = arith.addi %rem3A_1378, %select_n3A_1377 : i32
    %select_n3A_1388 = arith.select %and3A_1386, %add3A_1387, %rem3A_1378 : i32
    %mul3A_1389 = arith.constant 8 : i32
    %mul3A_1390 = arith.muli %select_n3A_1372, %mul3A_1389 : i32
    %add3A_1391 = arith.constant 0 : i32
    %add3A_1392 = arith.addi %mul3A_1390, %add3A_1391 : i32
    %mul3A_1393 = arith.constant 128 : i32
    %mul3A_1394 = arith.muli %add3A_1392, %mul3A_1393 : i32
    %add3A_1395 = arith.addi %mul3A_1394, %select_n3A_1388 : i32
    %mul3A_1396 = arith.constant 1024 : i32
    %mul3A_1397 = arith.muli %add3A_1395, %mul3A_1396 : i32
    %mul3A_1398 = arith.constant 8 : i32
    %mul3A_1399 = arith.muli %select_n3A_1372, %mul3A_1398 : i32
    %add3A_1400 = arith.constant 1 : i32
    %add3A_1401 = arith.addi %mul3A_1399, %add3A_1400 : i32
    %mul3A_1402 = arith.constant 128 : i32
    %mul3A_1403 = arith.muli %add3A_1401, %mul3A_1402 : i32
    %add3A_1404 = arith.addi %mul3A_1403, %select_n3A_1388 : i32
    %mul3A_1405 = arith.constant 1024 : i32
    %mul3A_1406 = arith.muli %add3A_1404, %mul3A_1405 : i32
    %mul3A_1407 = arith.constant 8 : i32
    %mul3A_1408 = arith.muli %select_n3A_1372, %mul3A_1407 : i32
    %add3A_1409 = arith.constant 2 : i32
    %add3A_1410 = arith.addi %mul3A_1408, %add3A_1409 : i32
    %mul3A_1411 = arith.constant 128 : i32
    %mul3A_1412 = arith.muli %add3A_1410, %mul3A_1411 : i32
    %add3A_1413 = arith.addi %mul3A_1412, %select_n3A_1388 : i32
    %mul3A_1414 = arith.constant 1024 : i32
    %mul3A_1415 = arith.muli %add3A_1413, %mul3A_1414 : i32
    %mul3A_1416 = arith.constant 8 : i32
    %mul3A_1417 = arith.muli %select_n3A_1372, %mul3A_1416 : i32
    %add3A_1418 = arith.constant 3 : i32
    %add3A_1419 = arith.addi %mul3A_1417, %add3A_1418 : i32
    %mul3A_1420 = arith.constant 128 : i32
    %mul3A_1421 = arith.muli %add3A_1419, %mul3A_1420 : i32
    %add3A_1422 = arith.addi %mul3A_1421, %select_n3A_1388 : i32
    %mul3A_1423 = arith.constant 1024 : i32
    %mul3A_1424 = arith.muli %add3A_1422, %mul3A_1423 : i32
    %mul3A_1425 = arith.constant 8 : i32
    %mul3A_1426 = arith.muli %select_n3A_1372, %mul3A_1425 : i32
    %add3A_1427 = arith.constant 4 : i32
    %add3A_1428 = arith.addi %mul3A_1426, %add3A_1427 : i32
    %mul3A_1429 = arith.constant 128 : i32
    %mul3A_1430 = arith.muli %add3A_1428, %mul3A_1429 : i32
    %add3A_1431 = arith.addi %mul3A_1430, %select_n3A_1388 : i32
    %mul3A_1432 = arith.constant 1024 : i32
    %mul3A_1433 = arith.muli %add3A_1431, %mul3A_1432 : i32
    %mul3A_1434 = arith.constant 8 : i32
    %mul3A_1435 = arith.muli %select_n3A_1372, %mul3A_1434 : i32
    %add3A_1436 = arith.constant 5 : i32
    %add3A_1437 = arith.addi %mul3A_1435, %add3A_1436 : i32
    %mul3A_1438 = arith.constant 128 : i32
    %mul3A_1439 = arith.muli %add3A_1437, %mul3A_1438 : i32
    %add3A_1440 = arith.addi %mul3A_1439, %select_n3A_1388 : i32
    %mul3A_1441 = arith.constant 1024 : i32
    %mul3A_1442 = arith.muli %add3A_1440, %mul3A_1441 : i32
    %mul3A_1443 = arith.constant 8 : i32
    %mul3A_1444 = arith.muli %select_n3A_1372, %mul3A_1443 : i32
    %add3A_1445 = arith.constant 6 : i32
    %add3A_1446 = arith.addi %mul3A_1444, %add3A_1445 : i32
    %mul3A_1447 = arith.constant 128 : i32
    %mul3A_1448 = arith.muli %add3A_1446, %mul3A_1447 : i32
    %add3A_1449 = arith.addi %mul3A_1448, %select_n3A_1388 : i32
    %mul3A_1450 = arith.constant 1024 : i32
    %mul3A_1451 = arith.muli %add3A_1449, %mul3A_1450 : i32
    %mul3A_1452 = arith.constant 8 : i32
    %mul3A_1453 = arith.muli %select_n3A_1372, %mul3A_1452 : i32
    %add3A_1454 = arith.constant 7 : i32
    %add3A_1455 = arith.addi %mul3A_1453, %add3A_1454 : i32
    %mul3A_1456 = arith.constant 128 : i32
    %mul3A_1457 = arith.muli %add3A_1455, %mul3A_1456 : i32
    %add3A_1458 = arith.addi %mul3A_1457, %select_n3A_1388 : i32
    %mul3A_1459 = arith.constant 1024 : i32
    %mul3A_1460 = arith.muli %add3A_1458, %mul3A_1459 : i32
    %dma_wait3A_1461 = arith.constant 1 : i32
    %dma_wait3A_1462 = arith.constant 0 : i32
    %dma_wait3A_1463 = tpu.memref_slice %arg8[%dma_wait3A_1461, %dma_wait3A_1462] : memref<2x8192xf32, #tpu.memory_space<vmem>> -> memref<1x1024xf32, #tpu.memory_space<vmem>>
    %dma_wait3A_1464 = tpu.memref_squeeze %dma_wait3A_1463 : memref<1x1024xf32, #tpu.memory_space<vmem>> -> memref<1024xf32, #tpu.memory_space<vmem>>
    %dma_wait3A_1465 = tpu.memref_slice %arg4[%mul3A_1397] : memref<52428800xf32, #tpu.memory_space<hbm>> -> memref<1024xf32, #tpu.memory_space<hbm>>
    %dma_wait3A_1466 = tpu.memref_slice %arg4[%mul3A_1397] : memref<52428800xf32, #tpu.memory_space<hbm>> -> memref<1024xf32, #tpu.memory_space<hbm>>
    %dma_wait3A_1467 = arith.constant 0 : i32
    %dma_wait3A_1468 = tpu.memref_slice %arg8[%dma_wait3A_1461, %dma_wait3A_1467] : memref<2x8192xf32, #tpu.memory_space<vmem>> -> memref<1x1024xf32, #tpu.memory_space<vmem>>
    %dma_wait3A_1469 = tpu.memref_squeeze %dma_wait3A_1468 : memref<1x1024xf32, #tpu.memory_space<vmem>> -> memref<1024xf32, #tpu.memory_space<vmem>>
    tpu.wait_dma2 semaphore(%arg14 : memref<!tpu.dma_semaphore, #tpu.memory_space<semaphore_mem>>) src(%dma_wait3A_1469 : memref<1024xf32, #tpu.memory_space<vmem>>) dst(%dma_wait3A_1466 : memref<1024xf32, #tpu.memory_space<hbm>>)
    %dma_wait3A_1470 = arith.constant 1 : i32
    %dma_wait3A_1471 = arith.constant 1024 : i32
    %dma_wait3A_1472 = tpu.memref_slice %arg8[%dma_wait3A_1470, %dma_wait3A_1471] : memref<2x8192xf32, #tpu.memory_space<vmem>> -> memref<1x1024xf32, #tpu.memory_space<vmem>>
    %dma_wait3A_1473 = tpu.memref_squeeze %dma_wait3A_1472 : memref<1x1024xf32, #tpu.memory_space<vmem>> -> memref<1024xf32, #tpu.memory_space<vmem>>
    %dma_wait3A_1474 = tpu.memref_slice %arg4[%mul3A_1406] : memref<52428800xf32, #tpu.memory_space<hbm>> -> memref<1024xf32, #tpu.memory_space<hbm>>
    %dma_wait3A_1475 = tpu.memref_slice %arg4[%mul3A_1406] : memref<52428800xf32, #tpu.memory_space<hbm>> -> memref<1024xf32, #tpu.memory_space<hbm>>
    %dma_wait3A_1476 = arith.constant 1024 : i32
    %dma_wait3A_1477 = tpu.memref_slice %arg8[%dma_wait3A_1470, %dma_wait3A_1476] : memref<2x8192xf32, #tpu.memory_space<vmem>> -> memref<1x1024xf32, #tpu.memory_space<vmem>>
    %dma_wait3A_1478 = tpu.memref_squeeze %dma_wait3A_1477 : memref<1x1024xf32, #tpu.memory_space<vmem>> -> memref<1024xf32, #tpu.memory_space<vmem>>
    tpu.wait_dma2 semaphore(%arg14 : memref<!tpu.dma_semaphore, #tpu.memory_space<semaphore_mem>>) src(%dma_wait3A_1478 : memref<1024xf32, #tpu.memory_space<vmem>>) dst(%dma_wait3A_1475 : memref<1024xf32, #tpu.memory_space<hbm>>)
    %dma_wait3A_1479 = arith.constant 1 : i32
    %dma_wait3A_1480 = arith.constant 2048 : i32
    %dma_wait3A_1481 = tpu.memref_slice %arg8[%dma_wait3A_1479, %dma_wait3A_1480] : memref<2x8192xf32, #tpu.memory_space<vmem>> -> memref<1x1024xf32, #tpu.memory_space<vmem>>
    %dma_wait3A_1482 = tpu.memref_squeeze %dma_wait3A_1481 : memref<1x1024xf32, #tpu.memory_space<vmem>> -> memref<1024xf32, #tpu.memory_space<vmem>>
    %dma_wait3A_1483 = tpu.memref_slice %arg4[%mul3A_1415] : memref<52428800xf32, #tpu.memory_space<hbm>> -> memref<1024xf32, #tpu.memory_space<hbm>>
    %dma_wait3A_1484 = tpu.memref_slice %arg4[%mul3A_1415] : memref<52428800xf32, #tpu.memory_space<hbm>> -> memref<1024xf32, #tpu.memory_space<hbm>>
    %dma_wait3A_1485 = arith.constant 2048 : i32
    %dma_wait3A_1486 = tpu.memref_slice %arg8[%dma_wait3A_1479, %dma_wait3A_1485] : memref<2x8192xf32, #tpu.memory_space<vmem>> -> memref<1x1024xf32, #tpu.memory_space<vmem>>
    %dma_wait3A_1487 = tpu.memref_squeeze %dma_wait3A_1486 : memref<1x1024xf32, #tpu.memory_space<vmem>> -> memref<1024xf32, #tpu.memory_space<vmem>>
    tpu.wait_dma2 semaphore(%arg14 : memref<!tpu.dma_semaphore, #tpu.memory_space<semaphore_mem>>) src(%dma_wait3A_1487 : memref<1024xf32, #tpu.memory_space<vmem>>) dst(%dma_wait3A_1484 : memref<1024xf32, #tpu.memory_space<hbm>>)
    %dma_wait3A_1488 = arith.constant 1 : i32
    %dma_wait3A_1489 = arith.constant 3072 : i32
    %dma_wait3A_1490 = tpu.memref_slice %arg8[%dma_wait3A_1488, %dma_wait3A_1489] : memref<2x8192xf32, #tpu.memory_space<vmem>> -> memref<1x1024xf32, #tpu.memory_space<vmem>>
    %dma_wait3A_1491 = tpu.memref_squeeze %dma_wait3A_1490 : memref<1x1024xf32, #tpu.memory_space<vmem>> -> memref<1024xf32, #tpu.memory_space<vmem>>
    %dma_wait3A_1492 = tpu.memref_slice %arg4[%mul3A_1424] : memref<52428800xf32, #tpu.memory_space<hbm>> -> memref<1024xf32, #tpu.memory_space<hbm>>
    %dma_wait3A_1493 = tpu.memref_slice %arg4[%mul3A_1424] : memref<52428800xf32, #tpu.memory_space<hbm>> -> memref<1024xf32, #tpu.memory_space<hbm>>
    %dma_wait3A_1494 = arith.constant 3072 : i32
    %dma_wait3A_1495 = tpu.memref_slice %arg8[%dma_wait3A_1488, %dma_wait3A_1494] : memref<2x8192xf32, #tpu.memory_space<vmem>> -> memref<1x1024xf32, #tpu.memory_space<vmem>>
    %dma_wait3A_1496 = tpu.memref_squeeze %dma_wait3A_1495 : memref<1x1024xf32, #tpu.memory_space<vmem>> -> memref<1024xf32, #tpu.memory_space<vmem>>
    tpu.wait_dma2 semaphore(%arg14 : memref<!tpu.dma_semaphore, #tpu.memory_space<semaphore_mem>>) src(%dma_wait3A_1496 : memref<1024xf32, #tpu.memory_space<vmem>>) dst(%dma_wait3A_1493 : memref<1024xf32, #tpu.memory_space<hbm>>)
    %dma_wait3A_1497 = arith.constant 1 : i32
    %dma_wait3A_1498 = arith.constant 4096 : i32
    %dma_wait3A_1499 = tpu.memref_slice %arg8[%dma_wait3A_1497, %dma_wait3A_1498] : memref<2x8192xf32, #tpu.memory_space<vmem>> -> memref<1x1024xf32, #tpu.memory_space<vmem>>
    %dma_wait3A_1500 = tpu.memref_squeeze %dma_wait3A_1499 : memref<1x1024xf32, #tpu.memory_space<vmem>> -> memref<1024xf32, #tpu.memory_space<vmem>>
    %dma_wait3A_1501 = tpu.memref_slice %arg4[%mul3A_1433] : memref<52428800xf32, #tpu.memory_space<hbm>> -> memref<1024xf32, #tpu.memory_space<hbm>>
    %dma_wait3A_1502 = tpu.memref_slice %arg4[%mul3A_1433] : memref<52428800xf32, #tpu.memory_space<hbm>> -> memref<1024xf32, #tpu.memory_space<hbm>>
    %dma_wait3A_1503 = arith.constant 4096 : i32
    %dma_wait3A_1504 = tpu.memref_slice %arg8[%dma_wait3A_1497, %dma_wait3A_1503] : memref<2x8192xf32, #tpu.memory_space<vmem>> -> memref<1x1024xf32, #tpu.memory_space<vmem>>
    %dma_wait3A_1505 = tpu.memref_squeeze %dma_wait3A_1504 : memref<1x1024xf32, #tpu.memory_space<vmem>> -> memref<1024xf32, #tpu.memory_space<vmem>>
    tpu.wait_dma2 semaphore(%arg14 : memref<!tpu.dma_semaphore, #tpu.memory_space<semaphore_mem>>) src(%dma_wait3A_1505 : memref<1024xf32, #tpu.memory_space<vmem>>) dst(%dma_wait3A_1502 : memref<1024xf32, #tpu.memory_space<hbm>>)
    %dma_wait3A_1506 = arith.constant 1 : i32
    %dma_wait3A_1507 = arith.constant 5120 : i32
    %dma_wait3A_1508 = tpu.memref_slice %arg8[%dma_wait3A_1506, %dma_wait3A_1507] : memref<2x8192xf32, #tpu.memory_space<vmem>> -> memref<1x1024xf32, #tpu.memory_space<vmem>>
    %dma_wait3A_1509 = tpu.memref_squeeze %dma_wait3A_1508 : memref<1x1024xf32, #tpu.memory_space<vmem>> -> memref<1024xf32, #tpu.memory_space<vmem>>
    %dma_wait3A_1510 = tpu.memref_slice %arg4[%mul3A_1442] : memref<52428800xf32, #tpu.memory_space<hbm>> -> memref<1024xf32, #tpu.memory_space<hbm>>
    %dma_wait3A_1511 = tpu.memref_slice %arg4[%mul3A_1442] : memref<52428800xf32, #tpu.memory_space<hbm>> -> memref<1024xf32, #tpu.memory_space<hbm>>
    %dma_wait3A_1512 = arith.constant 5120 : i32
    %dma_wait3A_1513 = tpu.memref_slice %arg8[%dma_wait3A_1506, %dma_wait3A_1512] : memref<2x8192xf32, #tpu.memory_space<vmem>> -> memref<1x1024xf32, #tpu.memory_space<vmem>>
    %dma_wait3A_1514 = tpu.memref_squeeze %dma_wait3A_1513 : memref<1x1024xf32, #tpu.memory_space<vmem>> -> memref<1024xf32, #tpu.memory_space<vmem>>
    tpu.wait_dma2 semaphore(%arg14 : memref<!tpu.dma_semaphore, #tpu.memory_space<semaphore_mem>>) src(%dma_wait3A_1514 : memref<1024xf32, #tpu.memory_space<vmem>>) dst(%dma_wait3A_1511 : memref<1024xf32, #tpu.memory_space<hbm>>)
    %dma_wait3A_1515 = arith.constant 1 : i32
    %dma_wait3A_1516 = arith.constant 6144 : i32
    %dma_wait3A_1517 = tpu.memref_slice %arg8[%dma_wait3A_1515, %dma_wait3A_1516] : memref<2x8192xf32, #tpu.memory_space<vmem>> -> memref<1x1024xf32, #tpu.memory_space<vmem>>
    %dma_wait3A_1518 = tpu.memref_squeeze %dma_wait3A_1517 : memref<1x1024xf32, #tpu.memory_space<vmem>> -> memref<1024xf32, #tpu.memory_space<vmem>>
    %dma_wait3A_1519 = tpu.memref_slice %arg4[%mul3A_1451] : memref<52428800xf32, #tpu.memory_space<hbm>> -> memref<1024xf32, #tpu.memory_space<hbm>>
    %dma_wait3A_1520 = tpu.memref_slice %arg4[%mul3A_1451] : memref<52428800xf32, #tpu.memory_space<hbm>> -> memref<1024xf32, #tpu.memory_space<hbm>>
    %dma_wait3A_1521 = arith.constant 6144 : i32
    %dma_wait3A_1522 = tpu.memref_slice %arg8[%dma_wait3A_1515, %dma_wait3A_1521] : memref<2x8192xf32, #tpu.memory_space<vmem>> -> memref<1x1024xf32, #tpu.memory_space<vmem>>
    %dma_wait3A_1523 = tpu.memref_squeeze %dma_wait3A_1522 : memref<1x1024xf32, #tpu.memory_space<vmem>> -> memref<1024xf32, #tpu.memory_space<vmem>>
    tpu.wait_dma2 semaphore(%arg14 : memref<!tpu.dma_semaphore, #tpu.memory_space<semaphore_mem>>) src(%dma_wait3A_1523 : memref<1024xf32, #tpu.memory_space<vmem>>) dst(%dma_wait3A_1520 : memref<1024xf32, #tpu.memory_space<hbm>>)
    %dma_wait3A_1524 = arith.constant 1 : i32
    %dma_wait3A_1525 = arith.constant 7168 : i32
    %dma_wait3A_1526 = tpu.memref_slice %arg8[%dma_wait3A_1524, %dma_wait3A_1525] : memref<2x8192xf32, #tpu.memory_space<vmem>> -> memref<1x1024xf32, #tpu.memory_space<vmem>>
    %dma_wait3A_1527 = tpu.memref_squeeze %dma_wait3A_1526 : memref<1x1024xf32, #tpu.memory_space<vmem>> -> memref<1024xf32, #tpu.memory_space<vmem>>
    %dma_wait3A_1528 = tpu.memref_slice %arg4[%mul3A_1460] : memref<52428800xf32, #tpu.memory_space<hbm>> -> memref<1024xf32, #tpu.memory_space<hbm>>
    %dma_wait3A_1529 = tpu.memref_slice %arg4[%mul3A_1460] : memref<52428800xf32, #tpu.memory_space<hbm>> -> memref<1024xf32, #tpu.memory_space<hbm>>
    %dma_wait3A_1530 = arith.constant 7168 : i32
    %dma_wait3A_1531 = tpu.memref_slice %arg8[%dma_wait3A_1524, %dma_wait3A_1530] : memref<2x8192xf32, #tpu.memory_space<vmem>> -> memref<1x1024xf32, #tpu.memory_space<vmem>>
    %dma_wait3A_1532 = tpu.memref_squeeze %dma_wait3A_1531 : memref<1x1024xf32, #tpu.memory_space<vmem>> -> memref<1024xf32, #tpu.memory_space<vmem>>
    tpu.wait_dma2 semaphore(%arg14 : memref<!tpu.dma_semaphore, #tpu.memory_space<semaphore_mem>>) src(%dma_wait3A_1532 : memref<1024xf32, #tpu.memory_space<vmem>>) dst(%dma_wait3A_1529 : memref<1024xf32, #tpu.memory_space<hbm>>)
    return
  }
}

module attributes {stable_mosaic.version = 14 : i64} {
  func.func @_table_body(%arg0: i32, %arg1: memref<8208x32xf32, #tpu.memory_space<vmem>>, %arg2: memref<1x32x64xf32, #tpu.memory_space<vmem>>, %arg3: memref<1x64xf32, #tpu.memory_space<vmem>>, %arg4: memref<8208x64xbf16, #tpu.memory_space<vmem>>) attributes {dimension_semantics = [#tpu.dimension_semantics<arbitrary>], iteration_bounds = array<i64: 8>, scalar_prefetch = 0 : i64, scratch_operands = 0 : i64, tpu.core_type = #tpu.core_type<tc>, window_params = [{pipeline_mode = #tpu.pipeline_mode<synchronous>, transform_indices = @transform_0, window_bounds = array<i64: 8208, 32>}, {transform_indices = @transform_1, window_bounds = array<i64: 1, 32, 64>}, {pipeline_mode = #tpu.pipeline_mode<synchronous>, transform_indices = @transform_2, window_bounds = array<i64: 1, 64>}, {transform_indices = @transform_3, window_bounds = array<i64: 8208, 64>}]} {
    %get3A = arith.constant 0 : index
    %get3A_0 = arith.constant 0 : index
    %get3A_1 = vector.load %arg1[%get3A, %get3A_0] : memref<8208x32xf32, #tpu.memory_space<vmem>>, vector<8208x32xf32>
    %get3A_2 = arith.constant 0 : index
    %get3A_3 = arith.constant 0 : index
    %get3A_4 = arith.constant 0 : index
    %get3A_5 = vector.load %arg2[%get3A_2, %get3A_3, %get3A_4] : memref<1x32x64xf32, #tpu.memory_space<vmem>>, vector<1x32x64xf32>
    %get3A_6 = vector.shape_cast %get3A_5 : vector<1x32x64xf32> to vector<32x64xf32>
    %dot_general3A = arith.constant dense<0.000000e+00> : vector<8208x64xf32>
    %dot_general3A_7 = tpu.matmul %get3A_1, %get3A_6, %dot_general3A {dimension_numbers = #tpu.dot_dimension_numbers<[1], [0], [0], [1], [0, 0, 1, 1], [], []>, transpose_lhs_hint = false} : vector<8208x32xf32>, vector<32x64xf32>, vector<8208x64xf32> -> vector<8208x64xf32>
    %get3A_8 = arith.constant 0 : index
    %get3A_9 = arith.constant 0 : index
    %get3A_10 = vector.load %arg3[%get3A_8, %get3A_9] : memref<1x64xf32, #tpu.memory_space<vmem>>, vector<1x64xf32>
    %eq3A = arith.constant 0 : i32
    %eq3A_11 = arith.cmpi eq, %arg0, %eq3A : i32
    %convert_element_type3A = arith.extui %eq3A_11 : i1 to i32
    %convert_element_type3A_12 = arith.sitofp %convert_element_type3A : i32 to f32
    %mul3A = vector.broadcast %convert_element_type3A_12 : f32 to vector<1x64xf32>
    %mul3A_13 = arith.mulf %get3A_10, %mul3A : vector<1x64xf32>
    %add3A = vector.broadcast %mul3A_13 : vector<1x64xf32> to vector<8208x64xf32>
    %add3A_14 = arith.addf %dot_general3A_7, %add3A : vector<8208x64xf32>
    %convert_element_type3A_15 = arith.truncf %add3A_14 : vector<8208x64xf32> to vector<8208x64xbf16>
    %swap3A = arith.constant 0 : index
    %swap3A_16 = arith.constant 0 : index
    %swap3A_17 = vector.load %arg4[%swap3A, %swap3A_16] : memref<8208x64xbf16, #tpu.memory_space<vmem>>, vector<8208x64xbf16>
    tpu.vector_store %arg4[%swap3A, %swap3A_16], %convert_element_type3A_15 {strides = array<i32>} : memref<8208x64xbf16, #tpu.memory_space<vmem>>, vector<8208x64xbf16>,
    return
  }
  func.func @transform_0(%arg0: i32) -> (i32, i32) {
    %c0_i32 = arith.constant 0 : i32
    %c0_i32_0 = arith.constant 0 : i32
    %c0_i32_1 = arith.constant 0 : i32
    return %c0_i32, %c0_i32_0 : i32, i32
  }
  func.func @transform_1(%arg0: i32) -> (i32, i32, i32) {
    %c0_i32 = arith.constant 0 : i32
    %c0_i32_0 = arith.constant 0 : i32
    %c0_i32_1 = arith.constant 0 : i32
    return %arg0, %c0_i32, %c0_i32_0 : i32, i32, i32
  }
  func.func @transform_2(%arg0: i32) -> (i32, i32) {
    %c0_i32 = arith.constant 0 : i32
    %c0_i32_0 = arith.constant 0 : i32
    %c0_i32_1 = arith.constant 0 : i32
    return %c0_i32, %c0_i32_0 : i32, i32
  }
  func.func @transform_3(%arg0: i32) -> (i32, i32) {
    %c0_i32 = arith.constant 0 : i32
    %c0_i32_0 = arith.constant 0 : i32
    return %arg0, %c0_i32 : i32, i32
  }
}

</mosaic_0001>

<sc_bundles>
// kernel: kernel.4.cloned.1.call-start
scs
__scs_entry_jumppad:
0x0: {  	(pc) =	sbr.rel $0x88, $3  }
0x1: {  	(tag) =	ssettag $0x0;
	lr =	simm.s32 $0x1  }
0x2: {  	[smem:$0x3F9D] =	sst lr;
	_ =	strace $0xD0000000  }
0x3: {  	_ = 	snop  }
0x4: {  	_ = 	snop  }
0x5: {  	_ = 	snop  }
0x6: {  	_ = 	snop  }
0x7: {  	_ = 	snop  }
__scs_overlays_trampoline_lowered:
0x8: {  	[smem:$0x3FAC] =	sst s0  }
0x9: {  	[smem:$0x3FAD] =	sst s1  }
0xa: {  	[smem:$0x3FAE] =	sst s2  }
0xb: {  	[smem:$0x3FAF] =	sst s3  }
0xc: {  	[smem:$0x3FB0] =	sst s4  }
0xd: {  	[smem:$0x3FB1] =	sst s5  }
0xe: {  	[smem:$0x3FB2] =	sst s6  }
0xf: {  	[smem:$0x3FB3] =	sst s7  }
0x10: {  	[smem:$0x3FB4] =	sst s8  }
0x11: {  	[smem:$0x3FB5] =	sst s9;
	s0 =	simm.s32 @!p0 $0x0  }
0x12: {  	s1 =	sld [smem:$0x3F9B];
	s0 =	simm.s32 @p0 $0x1  }
0x13: {  	[smem:$0x3FB6] =	sst s0;
	s0 =	simm.s32 @!p1 $0x0  }
0x14: {  	s2 =	sld [smem:$0x3F9A];
	s0 =	simm.s32 @p1 $0x1  }
0x15: {  	[smem:$0x3FB7] =	sst s0;
	s0 =	simm.s32 @!p2 $0x0  }
0x16: {  	s3 =	sld [smem:$0x3FDB];
	s0 =	simm.s32 @p2 $0x1  }
0x17: {  	s4 =	simm.s32 $0x1BF5;
	[smem:$0x3FB9] =	sst s0  }
0x18: {  	s0 =	sld [smem:$0x3F9C];
	_ =	swait.ge [sflag:s4], $0x0  }
0x19: {  	s7 =	sld [smem:$0x3F9D]  }
0x1a: {  	s8 =	sadd.s32 $0xFFFFE003, lr  }
0x1b: {  	s9 =	sadd.s32 $0xFFFFFEF7, lr;
	s5 =	simm.s32 $0xFFFFFFFF;
	p2 =	slt.u32 s8, $0xFFFFF086  }
0x1c: {  	p1 =	slt.u32 s9, $0xF7A;
	s5 =	simm.s32 @!p2 $0x0  }
0x1d: {  	s5 =	simm.s32 @p1 $0x1;
	p0 =	seq.s32 s7, s2  }
0x1e: {  	s7 =	smul.u32 @!p0 $0xF7A, s2;
	p2 =	seq.s32 @!p0 s5, $0x0  }
0x1f: {  	s9 =	smul.u32 $0xF7A, s1;
	s8 =	simm.s32 @!p0 $0x1BF5;
	p2 =	por !p2, p0  }
0x20: {  	[sflag:s8] =	ssyncset.s32 @!p0 $0xFFFFF086;
	s6 =	sadd.s32 @!p0 s3, s7;
	s7 =	simm.s32 @!p0 $0x108  }
0x21: {  	s3 =	sadd.s32 s3, s9;
	s6 =	sadd.s32 @!p0 $0x88, s6;
	s7 =	simm.s32 @p2 $0x1082  }
0x22: {  	[simem:s7], [sflag:s8] =	dma.local @!p0 [hbm:s6], $0xF7A  }
0x23: {  	s9 =	sor.u32 $0xD0000000, s2;
	s6 =	simm.s32 $0x108;
	_ =	swait.ge @!p0 [sflag:s8], $0x0  }
0x24: {  	s3 =	sadd.s32 $0x88, s3;
	s6 =	simm.s32 @!p1 $0x1082;
	[sflag:s4] =	ssyncset.s32 $0xFFFFF086  }
0x25: {  	[simem:s6], [sflag:s4] =	dma.local [hbm:s3], $0xF7A  }
0x26: {  	[smem:$0x3F9D] =	sst s1;
	(tag) =	ssettag s2;
	_ =	strace s9  }
0x27: {  	s1 =	sld [smem:$0x3FAD]  }
0x28: {  	s2 =	sld [smem:$0x3FAE]  }
0x29: {  	s4 =	sld [smem:$0x3FB0]  }
0x2a: {  	p0 =	seq.s32 s5, $0x0;
	s5 =	sld [smem:$0x3FB1]  }
0x2b: {  	s6 =	sld [smem:$0x3FB2]  }
0x2c: {  	s7 =	sld [smem:$0x3FB3]  }
0x2d: {  	s3 =	simm.s32 $0x108;
	s8 =	sld [smem:$0x3FB4]  }
0x2e: {  	s3 =	simm.s32 @!p0 $0x1082;
	s9 =	sld [smem:$0x3FB5]  }
0x2f: {  	lr =	sadd.s32 s0, s3;
	s0 =	sld [smem:$0x3FAC]  }
0x30: {  	s3 =	sld [smem:$0x3FAF]  }
0x31: {  	[smem:$0x3FB8] =	sst s10  }
0x32: {  	s10 =	sld [smem:$0x3FB6];
	_ =	sdelay $0x3  }
0x33: {  	p0 =	seq.s32 s10, $0x1;
	s10 =	sld [smem:$0x3FB8];
	_ =	sdelay $0x3  }
0x34: {  	[smem:$0x3FB8] =	sst s10  }
0x35: {  	s10 =	sld [smem:$0x3FB7];
	_ =	sdelay $0x3  }
0x36: {  	p1 =	seq.s32 s10, $0x1;
	s10 =	sld [smem:$0x3FB8];
	_ =	sdelay $0x3  }
0x37: {  	[smem:$0x3FB8] =	sst s10  }
0x38: {  	s10 =	sld [smem:$0x3FB9]  }
0x39: {  	_ = 	snop;
	(pc) =	sbr.ind lr, $3  }
0x3a: {  	_ = 	snop  }
0x3b: {  	_ = 	snop  }
0x3c: {  	p2 =	seq.s32 s10, $0x1;
	s10 =	sld [smem:$0x3FB8]  }
0x3d: {  	_ =	shalt  }
0x3e: {  	_ =	shalt  }
0x3f: {  	_ =	shalt  }
0x40: {  	_ =	shalt  }
0x41: {  	_ =	shalt  }
0x42: {  	_ =	shalt  }
0x43: {  	_ =	shalt  }
0x44: {  	_ =	shalt  }
0x45: {  	_ =	shalt  }
0x46: {  	_ =	shalt  }
0x47: {  	_ =	shalt  }
0x48: {  	_ =	shalt  }
0x49: {  	_ =	shalt  }
0x4a: {  	_ =	shalt  }
0x4b: {  	_ =	shalt  }
0x4c: {  	_ =	shalt  }
0x4d: {  	_ =	shalt  }
0x4e: {  	_ =	shalt  }
0x4f: {  	_ =	shalt  }
0x50: {  	_ =	shalt  }
0x51: {  	_ =	shalt  }
0x52: {  	_ =	shalt  }
0x53: {  	_ =	shalt  }
0x54: {  	_ =	shalt  }
0x55: {  	_ =	shalt  }
0x56: {  	_ =	shalt  }
0x57: {  	_ =	shalt  }
0x58: {  	_ =	shalt  }
0x59: {  	_ =	shalt  }
0x5a: {  	_ =	shalt  }
0x5b: {  	_ =	shalt  }
0x5c: {  	_ =	shalt  }
0x5d: {  	_ =	shalt  }
0x5e: {  	_ =	shalt  }
0x5f: {  	_ =	shalt  }
0x60: {  	_ =	shalt  }
0x61: {  	_ =	shalt  }
0x62: {  	_ =	shalt  }
0x63: {  	_ =	shalt  }
0x64: {  	_ =	shalt  }
0x65: {  	_ =	shalt  }
0x66: {  	_ =	shalt  }
0x67: {  	_ =	shalt  }
0x68: {  	_ =	shalt  }
0x69: {  	_ =	shalt  }
0x6a: {  	_ =	shalt  }
0x6b: {  	_ =	shalt  }
0x6c: {  	_ =	shalt  }
0x6d: {  	_ =	shalt  }
0x6e: {  	_ =	shalt  }
0x6f: {  	_ =	shalt  }
0x70: {  	_ =	shalt  }
0x71: {  	_ =	shalt  }
0x72: {  	_ =	shalt  }
0x73: {  	_ =	shalt  }
0x74: {  	_ =	shalt  }
0x75: {  	_ =	shalt  }
0x76: {  	_ =	shalt  }
0x77: {  	_ =	shalt  }
0x78: {  	_ =	shalt  }
0x79: {  	_ =	shalt  }
0x7a: {  	_ =	shalt  }
0x7b: {  	_ =	shalt  }
0x7c: {  	_ =	shalt  }
0x7d: {  	_ =	shalt  }
0x7e: {  	_ =	shalt  }
0x7f: {  	_ =	shalt  }
0x80: {  	_ =	shalt  }
0x81: {  	_ =	shalt  }
0x82: {  	_ =	shalt  }
0x83: {  	_ =	shalt  }
0x84: {  	_ =	shalt  }
0x85: {  	_ =	shalt  }
0x86: {  	_ =	shalt  }
0x87: {  	_ =	shalt  }
.Lfunc_end0:
.L_simem_size_0:
called_computation_lowered:
.L_overlay_start_0:
0x88: {  	s2 =	sld [smem:$0x3FD9]  }
0x89: {  	s3 =	sld [smem:$0x3FFE];
	_ =	sdelay $0x1  }
0x8a: {  	s1 =	srdreg.scid  }
0x8b: {  	s0 =	sand.u32 $0x1, s1  }
0x8c: {  	s17 =	sshll.u32 s0, $0xA;
	s2 =	sadd.s32 s3, s2  }
0x8d: {  	s2 =	sadd.s32 s2, s17  }
0x8e: {  	[smem:$0x3FC4] =	sst s2  }
0x8f: {  	_ = 	snop  }
0x90: {  	s2 =	sld [smem:$0x3FC9]  }
0x91: {  	s18 =	sld [smem:$0x3FD0];
	(tm) =	ssettm $0x1  }
0x92: {  	s4 =	sld [smem:$0x3FFB];
	_ =	sdelay $0x3  }
0x93: {  	_ =	strace s4  }
0x94: {  	s4 =	sld [smem:$0x3FFC];
	_ =	sdelay $0x3  }
0x95: {  	_ =	strace s4  }
0x96: {  	s4 =	sld [smem:$0x3FFD];
	_ =	sdelay $0x3  }
0x97: {  	_ =	strace s4  }
0x98: {  	_ =	strace $0x8FFFFFFF  }
0x99: {  	s19 =	sld [smem:$0x3FDB];
	_ =	sdelay $0x1  }
0x9a: {  	s5 =	simm.s32 $_scs_section_size  }
0x9b: {  	s6 =	simm.s32 $_size__tile_overlayer_lowered;
	s7 =	simm.s32 $_tile_overlayer_lowered  }
0x9c: {  	s22 =	simm.s32 $0x1BFF;
	s21 =	sshll.u32 s7, $0x1;
	s4 =	sadd.s32 s5, s19  }
0x9d: {  	s8 =	simm.s32 $0x0;
	s20 =	sshll.u32 s6, $0x1;
	s6 =	sadd.s32 s21, s4  }
0x9e: {  	[timem:s8], [sflag:s22] =	dma.local [hbm:s6], s20  }
0x9f: {  	_ =	swait.ge [sflag:s22], s20  }
0xa0: {  	s5 =	ssub.s32 $0x0, s20;
	[sflag:s22] =	ssyncset.done $0x0  }
0xa1: {  	[sflag:s22] =	ssyncadd.s32 s5;
	_ =	sdelay $0x1  }
0xa2: {  	s23 =	simm.s32 $0x1B8B  }
0xa3: {  	_ =	swait.ge [sflag:s23], $0x1  }
0xa4: {  	[sflag:s23] =	ssyncset.done $0x0  }
0xa5: {  	s25 =	simm.s32 $0x1B8E;
	s24 =	sld [smem:$0x3FFE];
	[sflag:s23] =	ssyncadd.s32 $0xFFFFFFFF  }
0xa6: {  	s26 =	simm.s32 $execute0_lowered;
	[smem:$0x3FD2] =	sst s25  }
0xa7: {  	s6 =	sshll.u32 s26, $0x1;
	_ =	strace $0x80000046;
	[dreg:$0x1] =	wrdreg $0xFFFFFFFF  }
0xa8: {  	s28 =	simm.s32 $_size_execute0_lowered;
	s4 =	sadd.s32 s4, s6;
	[dreg:$0x0] =	wrdreg $0x0  }
0xa9: {  	s6 =	sshll.u32 s28, $0x1;
	[dreg:$0x2] =	wrdreg s4  }
0xaa: {  	[dreg:$0x3] =	wrdreg s6  }
0xab: {  	[dreg:$0x4] =	wrdreg $0xC0  }
0xac: {  	_ =	task [dreg:s8], $0x5FFFF  }
0xad: {  	[dreg:$0x1] =	wrdreg $0xFFFFFFFF  }
0xae: {  	[dreg:$0x0] =	wrdreg $0x60  }
0xaf: {  	[dreg:$0x2] =	wrdreg s24  }
0xb0: {  	[dreg:$0x3] =	wrdreg s2  }
0xb1: {  	[dreg:$0x4] =	wrdreg s18  }
0xb2: {  	[dreg:$0x5] =	wrdreg $0x9  }
0xb3: {  	_ =	task.clear_ibuf [dreg:s8], $0x6FFFF;
	_ =	strace $0x90000046  }
0xb4: {  	s29 =	simm.s32 $0x9;
	_ =	strace $0x80000048  }
0xb5: {  	_ =	swait.ge [sflag:s29], $0x1  }
0xb6: {  	[sflag:s29] =	ssyncadd.s32 $0xFFFFFFFF  }
0xb7: {  	_ =	strace $0x90000048  }
0xb8: {  	_ =	sfence  }
0xb9: {  	s30 =	sld [smem:$0x0];
	_ =	sdelay $0x2  }
0xba: {  	s31 =	sshll.u32 s1, $0xD;
	s1 =	sshrl.u32 s1, $0x2  }
0xbb: {  	s3 =	sand.u32 $0x4000, s31;
	s1 =	sadd.s32 s1, s30  }
0xbc: {  	s0 =	sor.u32 s3, s0;
	s1 =	sshll.u32 s1, $0x11  }
0xbd: {  	s0 =	sor.u32 s1, s0  }
0xbe: {  	s0 =	sadd.s32 $0x8F2B, s0  }
0xbf: {  	[sflag:s0] =	ssyncadd.remote.s32 $0x1  }
0xc0: {  	_ =	sfence.sel $0xFFFF  }
0xc1: {  	[dreg:$0x0] =	wrdreg $0xFFFFFFFF;
	(pc) =	sbr.abs _section_cstart, $3  }
0xc2: {  	[dreg:$0x1] =	wrdreg $0xFFFFFFFF  }
0xc3: {  	_ =	task.clear_ibuf [dreg:s8], $0x2FFFF;
	_ =	strace $0x9FFFFFFF  }
0xc4: {  	(tm) =	ssettm $0x7FFFFFFF  }
0xc5: {  	_ =	shalt  }
tec
execute0_lowered:
.L_overlay_start_1:
0x0: {  	(tag) =	ssettag $0x1  }
0x1: {  	s0 =	rddreg [dreg:$0x0]  }
0x2: {  	s1 =	srdreg.scid;
	s8 =	rddreg [dreg:$0x1]  }
0x3: {  	s2 =	stileid.u32;
	s9 =	rddreg [dreg:$0x2];
	s4 =	simm.s32 $0x0  }
0x4: {  	s1 =	sand.u32 $0x1, s1;
	s2 =	sshll.u32 s2, $0x1;
	[smem:$0x7FF] =	sst s4  }
0x5: {  	s0 =	sadd.s32 $0x600, s0;
	s24 =	sadd.s32 $0x4000, s9;
	s2 =	sor.u32 s1, s2  }
0x6: {  	s11 =	sadd.s32 $0x8000, s9;
	s1 =	ssub.s32 $0x2, s1;
	s3 =	smul.u32 $0x190000, s2  }
0x7: {  	_ =	strace $0x80000047;
	[dreg:$0xb] =	wrdreg s0;
	s6 =	smul.u32 $0x12000, s2  }
0x8: {  	[dreg:$0xd] =	wrdreg s24;
	s21 =	sshrl.u32 s1, $0x1;
	s7 =	smul.u32 $0x6400, s2  }
0x9: {  	[dreg:$0x1b] =	wrdreg s11;
	s10 =	smul.u32 $0xC8, s2;
	s0 =	ssub.s32 s1, s21  }
0xa: {  	s3 =	sand.u32 $0x3F00000, s3;
	s6 =	sand.u32 $0x1E000, s6;
	s23 =	sadd.s32 s8, s7  }
0xb: {  	s29 =	sor.u32 $0x1, s10;
	s0 =	smax.u32 s0, $0x1;
	[dreg:$0x4] =	wrdreg s23  }
0xc: {  	s22 =	sor.u32 s6, s3;
	s31 =	sshll.u32 s29, $0xA;
	[dreg:$0x18] =	wrdreg s0  }
0xd: {  	s1 =	sshrl.u32 s22, $0x3;
	s6 =	sand.u32 $0x1E400, s31;
	s31 =	sor.u32 $0x3, s10  }
0xe: {  	s25 =	sadd.s32 s9, s1;
	[dreg:$0x1a] =	wrdreg s31  }
0xf: {  	s26 =	sadd.s32 s1, s24;
	[dreg:$0x5] =	wrdreg s25  }
0x10: {  	s12 =	sadd.s32 $0xC000, s9;
	s28 =	sadd.s32 s1, s11;
	[dreg:$0x6] =	wrdreg s26  }
0x11: {  	s14 =	sadd.s32 $0x10000, s9;
	s30 =	sadd.s32 s1, s12;
	[dreg:$0x7] =	wrdreg s28  }
0x12: {  	s16 =	sadd.s32 $0x14000, s9;
	s13 =	sadd.s32 s1, s14;
	[dreg:$0x8] =	wrdreg s30  }
0x13: {  	s18 =	sadd.s32 $0x18000, s9;
	s5 =	sadd.s32 s1, s16;
	[dreg:$0x9] =	wrdreg s13  }
0x14: {  	s15 =	sadd.s32 $0x1C000, s9;
	[dreg:$0xa] =	wrdreg s5;
	s5 =	sadd.s32 s1, s18  }
0x15: {  	s3 =	sor.u32 s3, s6;
	s1 =	sadd.s32 s1, s15;
	[dreg:$0xc] =	wrdreg s5  }
0x16: {  	s3 =	sshrl.u32 s3, $0x3;
	s30 =	sor.u32 $0x2, s10;
	[dreg:$0xe] =	wrdreg s1  }
0x17: {  	s21 =	sadd.s32 s9, s3;
	[dreg:$0x19] =	wrdreg s30  }
0x18: {  	s22 =	sadd.s32 s3, s24;
	[dreg:$0xf] =	wrdreg s21  }
0x19: {  	s17 =	smov.u32 s12;
	s23 =	sadd.s32 s3, s11;
	[dreg:$0x10] =	wrdreg s22  }
0x1a: {  	s19 =	smov.u32 s14;
	s24 =	sadd.s32 s3, s12;
	[dreg:$0x11] =	wrdreg s23  }
0x1b: {  	s20 =	sshll.u32 s29, $0x7;
	s25 =	sadd.s32 s3, s14;
	[dreg:$0x12] =	wrdreg s24  }
0x1c: {  	s13 =	smov.u32 s15;
	s26 =	sadd.s32 s3, s16;
	[dreg:$0x13] =	wrdreg s25  }
0x1d: {  	s5 =	smov.u32 s18;
	s28 =	sadd.s32 s3, s18;
	[dreg:$0x14] =	wrdreg s26  }
0x1e: {  	v0 =	vlaneseq.u32;
	s29 =	sadd.s32 s3, s15;
	s1 =	sadd.s32 s8, s20;
	[dreg:$0x15] =	wrdreg s28  }
0x1f: {  	v0 =	vmul.u32 $0x100, v0;
	s11 =	smov.u32 s10;
	s10 =	simm.s32 $0x11000;
	[dreg:$0x16] =	wrdreg s29  }
0x20: {  	s21 =	smov.u32 s16;
	[dreg:$0x17] =	wrdreg s1;
	s24 =	simm.s32 $0x13000  }
0x21: {  	v1 =	vor.u32 $0x80, v0;
	v2 =	vor.u32 $0x1000, v0;
	v3 =	vor.u32 $0x1080, v0;
	s22 =	simm.s32 $0x5;
	s25 =	simm.s32 $0x6;
	s1 =	simm.s32 $0x0  }
.LBB2_1:
0x22: {  	[dreg:$0x1c] =	wrdreg s1  }
0x23: {  	s0 =	rddreg [dreg:$0x4]  }
0x24: {  	[tilespmem:s4], [sflag:$0x1] =	stream.linear.gather [hbm4b:s0+s4], $0x400, $0x38;
	[tilespmem:$0x15000] =	vst v63  }
0x25: {  	s7 =	rddreg [dreg:$0x5]  }
0x26: {  	[hbm4b:s7+s4] =	stream.linear.scatter [tilespmem:s10], [sflag:$0x5], $0x400, $0x38;
	[tilespmem:$0x15000] =	vst v63  }
0x27: {  	s8 =	rddreg [dreg:$0x6];
	s9 =	simm.s32 $0x11400  }
0x28: {  	[hbm4b:s8+s4] =	stream.linear.scatter [tilespmem:s9], [sflag:$0x5], $0x400, $0x38;
	[tilespmem:$0x15000] =	vst v63  }
0x29: {  	s12 =	rddreg [dreg:$0x7];
	s14 =	simm.s32 $0x11800  }
0x2a: {  	[hbm4b:s12+s4] =	stream.linear.scatter [tilespmem:s14], [sflag:$0x5], $0x400, $0x38;
	[tilespmem:$0x15000] =	vst v63  }
0x2b: {  	s15 =	rddreg [dreg:$0x8];
	s16 =	simm.s32 $0x11C00  }
0x2c: {  	[hbm4b:s15+s4] =	stream.linear.scatter [tilespmem:s16], [sflag:$0x5], $0x400, $0x38;
	[tilespmem:$0x15000] =	vst v63  }
0x2d: {  	s18 =	rddreg [dreg:$0x9];
	s20 =	simm.s32 $0x12000  }
0x2e: {  	[hbm4b:s18+s4] =	stream.linear.scatter [tilespmem:s20], [sflag:$0x5], $0x400, $0x38;
	[tilespmem:$0x15000] =	vst v63  }
0x2f: {  	s23 =	rddreg [dreg:$0xa];
	s26 =	simm.s32 $0x12400  }
0x30: {  	[hbm4b:s23+s4] =	stream.linear.scatter [tilespmem:s26], [sflag:$0x5], $0x400, $0x38;
	[tilespmem:$0x15000] =	vst v63  }
0x31: {  	s28 =	rddreg [dreg:$0xc];
	s29 =	simm.s32 $0x12800  }
0x32: {  	[hbm4b:s28+s4] =	stream.linear.scatter [tilespmem:s29], [sflag:$0x5], $0x400, $0x38;
	[tilespmem:$0x15000] =	vst v63  }
0x33: {  	s30 =	rddreg [dreg:$0xe];
	s31 =	simm.s32 $0x12C00  }
0x34: {  	[hbm4b:s30+s4] =	stream.linear.scatter [tilespmem:s31], [sflag:$0x5], $0x400, $0x38;
	[tilespmem:$0x15000] =	vst v63  }
0x35: {  	s1 =	rddreg [dreg:$0xf]  }
0x36: {  	[hbm4b:s1+s4] =	stream.linear.scatter [tilespmem:s24], [sflag:$0x6], $0x400, $0x38;
	[tilespmem:$0x15000] =	vst v63  }
0x37: {  	s2 =	rddreg [dreg:$0x10];
	s3 =	simm.s32 $0x13400  }
0x38: {  	[hbm4b:s2+s4] =	stream.linear.scatter [tilespmem:s3], [sflag:$0x6], $0x400, $0x38;
	[tilespmem:$0x15000] =	vst v63  }
0x39: {  	s6 =	rddreg [dreg:$0x11];
	s7 =	simm.s32 $0x13800  }
0x3a: {  	[hbm4b:s6+s4] =	stream.linear.scatter [tilespmem:s7], [sflag:$0x6], $0x400, $0x38;
	[tilespmem:$0x15000] =	vst v63  }
0x3b: {  	s8 =	rddreg [dreg:$0x12];
	s9 =	simm.s32 $0x13C00  }
0x3c: {  	[hbm4b:s8+s4] =	stream.linear.scatter [tilespmem:s9], [sflag:$0x6], $0x400, $0x38;
	[tilespmem:$0x15000] =	vst v63  }
0x3d: {  	s12 =	rddreg [dreg:$0x13];
	s14 =	simm.s32 $0x14000  }
0x3e: {  	[hbm4b:s12+s4] =	stream.linear.scatter [tilespmem:s14], [sflag:$0x6], $0x400, $0x38;
	[tilespmem:$0x15000] =	vst v63  }
0x3f: {  	s15 =	rddreg [dreg:$0x14];
	s16 =	simm.s32 $0x14400  }
0x40: {  	[hbm4b:s15+s4] =	stream.linear.scatter [tilespmem:s16], [sflag:$0x6], $0x400, $0x38;
	[tilespmem:$0x15000] =	vst v63  }
0x41: {  	s18 =	rddreg [dreg:$0x15];
	s20 =	simm.s32 $0x14800  }
0x42: {  	[hbm4b:s18+s4] =	stream.linear.scatter [tilespmem:s20], [sflag:$0x6], $0x400, $0x38;
	[tilespmem:$0x15000] =	vst v63  }
0x43: {  	s23 =	rddreg [dreg:$0x16];
	s26 =	simm.s32 $0x14C00;
	s28 =	simm.s32 $0x1  }
0x44: {  	[hbm4b:s23+s4] =	stream.linear.scatter [tilespmem:s26], [sflag:$0x6], $0x400, $0x38;
	[tilespmem:$0x15000] =	vst v63  }
0x45: {  	_ =	swait.ge [sflag:s28], $0x400  }
0x46: {  	[sflag:s28] =	ssyncset.done $0x0  }
0x47: {  	[sflag:s28] =	ssyncadd.s32 $0xFFFFFC00  }
0x48: {  	v4 =	vld [tilespmem:$0x0]  }
0x49: {  	v5 =	vld [tilespmem:$0x10]  }
0x4a: {  	v6 =	vld [tilespmem:$0x20]  }
0x4b: {  	v7 =	vld [tilespmem:$0x30]  }
0x4c: {  	v8 =	vld [tilespmem:$0x40]  }
0x4d: {  	v9 =	vld [tilespmem:$0x50]  }
0x4e: {  	v19 =	vld [tilespmem:$0x80];
	[tilespmem:$0x800] =	vst v4  }
0x4f: {  	v4 =	vld [tilespmem:$0x60];
	[tilespmem:$0x810] =	vst v5  }
0x50: {  	v5 =	vld [tilespmem:$0x70];
	[tilespmem:$0x820] =	vst v6  }
0x51: {  	v20 =	vld [tilespmem:$0x90];
	[tilespmem:$0x830] =	vst v7  }
0x52: {  	v21 =	vld [tilespmem:$0xA0];
	[tilespmem:$0x840] =	vst v8  }
0x53: {  	v22 =	vld [tilespmem:$0xB0];
	[tilespmem:$0x850] =	vst v9  }
0x54: {  	[tilespmem:$0x860] =	vst v4;
	v4 =	vld [tilespmem:$0xC0]  }
0x55: {  	v23 =	vld [tilespmem:$0xD0];
	[tilespmem:$0x870] =	vst v5;
	v5 =	vadd.s32 $0x2010, v19  }
0x56: {  	v24 =	vld [tilespmem:$0xE0];
	[tilespmem:$0x880] =	vst v5;
	v5 =	vadd.s32 $0x2010, v20  }
0x57: {  	v25 =	vld [tilespmem:$0xF0];
	[tilespmem:$0x890] =	vst v5;
	v5 =	vadd.s32 $0x2010, v21  }
0x58: {  	v26 =	vld [tilespmem:$0x100];
	[tilespmem:$0x8A0] =	vst v5;
	v5 =	vadd.s32 $0x2010, v22  }
0x59: {  	[tilespmem:$0x8B0] =	vst v5;
	v5 =	vld [tilespmem:$0x110];
	v4 =	vadd.s32 $0x2010, v4  }
0x5a: {  	v27 =	vld [tilespmem:$0x120];
	[tilespmem:$0x8C0] =	vst v4;
	v4 =	vadd.s32 $0x2010, v23  }
0x5b: {  	v28 =	vld [tilespmem:$0x130];
	[tilespmem:$0x8D0] =	vst v4;
	v4 =	vadd.s32 $0x2010, v24  }
0x5c: {  	v29 =	vld [tilespmem:$0x140];
	[tilespmem:$0x8E0] =	vst v4;
	v4 =	vadd.s32 $0x2010, v25  }
0x5d: {  	v30 =	vld [tilespmem:$0x150];
	[tilespmem:$0x8F0] =	vst v4;
	v4 =	vadd.s32 $0x4020, v26  }
0x5e: {  	[tilespmem:$0x900] =	vst v4;
	v4 =	vadd.s32 $0x4020, v5;
	v5 =	vld [tilespmem:$0x160]  }
0x5f: {  	v31 =	vld [tilespmem:$0x170];
	[tilespmem:$0x910] =	vst v4;
	v4 =	vadd.s32 $0x4020, v27  }
0x60: {  	v32 =	vld [tilespmem:$0x180];
	[tilespmem:$0x920] =	vst v4;
	v4 =	vadd.s32 $0x4020, v28  }
0x61: {  	v33 =	vld [tilespmem:$0x190];
	[tilespmem:$0x930] =	vst v4;
	v4 =	vadd.s32 $0x4020, v29  }
0x62: {  	v34 =	vld [tilespmem:$0x1A0];
	[tilespmem:$0x940] =	vst v4;
	v4 =	vadd.s32 $0x4020, v30  }
0x63: {  	[tilespmem:$0x950] =	vst v4;
	v4 =	vadd.s32 $0x4020, v5;
	v5 =	vld [tilespmem:$0x1B0]  }
0x64: {  	v35 =	vld [tilespmem:$0x1C0];
	[tilespmem:$0x960] =	vst v4;
	v4 =	vadd.s32 $0x4020, v31  }
0x65: {  	v36 =	vld [tilespmem:$0x1D0];
	[tilespmem:$0x970] =	vst v4;
	v4 =	vadd.s32 $0x6030, v32  }
0x66: {  	v37 =	vld [tilespmem:$0x1E0];
	[tilespmem:$0x980] =	vst v4;
	v4 =	vadd.s32 $0x6030, v33  }
0x67: {  	v38 =	vld [tilespmem:$0x1F0];
	[tilespmem:$0x990] =	vst v4;
	v4 =	vadd.s32 $0x6030, v34  }
0x68: {  	[tilespmem:$0x9A0] =	vst v4;
	v4 =	vadd.s32 $0x6030, v5;
	v5 =	vld [tilespmem:$0x200]  }
0x69: {  	v39 =	vld [tilespmem:$0x210];
	[tilespmem:$0x9B0] =	vst v4;
	v4 =	vadd.s32 $0x6030, v35  }
0x6a: {  	v40 =	vld [tilespmem:$0x220];
	[tilespmem:$0x9C0] =	vst v4;
	v4 =	vadd.s32 $0x6030, v36  }
0x6b: {  	v41 =	vld [tilespmem:$0x230];
	[tilespmem:$0x9D0] =	vst v4;
	v4 =	vadd.s32 $0x6030, v37  }
0x6c: {  	v42 =	vld [tilespmem:$0x240];
	[tilespmem:$0x9E0] =	vst v4;
	v4 =	vadd.s32 $0x6030, v38  }
0x6d: {  	[tilespmem:$0x9F0] =	vst v4;
	v4 =	vadd.s32 $0x8040, v5;
	v5 =	vld [tilespmem:$0x250]  }
0x6e: {  	v43 =	vld [tilespmem:$0x260];
	[tilespmem:$0xA00] =	vst v4;
	v4 =	vadd.s32 $0x8040, v39  }
0x6f: {  	v44 =	vld [tilespmem:$0x270];
	[tilespmem:$0xA10] =	vst v4;
	v4 =	vadd.s32 $0x8040, v40  }
0x70: {  	v45 =	vld [tilespmem:$0x280];
	[tilespmem:$0xA20] =	vst v4;
	v4 =	vadd.s32 $0x8040, v41  }
0x71: {  	v46 =	vld [tilespmem:$0x290];
	[tilespmem:$0xA30] =	vst v4;
	v4 =	vadd.s32 $0x8040, v42  }
0x72: {  	[tilespmem:$0xA40] =	vst v4;
	v4 =	vadd.s32 $0x8040, v5;
	v5 =	vld [tilespmem:$0x2A0]  }
0x73: {  	v47 =	vld [tilespmem:$0x2B0];
	[tilespmem:$0xA50] =	vst v4;
	v4 =	vadd.s32 $0x8040, v43  }
0x74: {  	v48 =	vld [tilespmem:$0x2C0];
	[tilespmem:$0xA60] =	vst v4;
	v4 =	vadd.s32 $0x8040, v44  }
0x75: {  	v49 =	vld [tilespmem:$0x2D0];
	[tilespmem:$0xA70] =	vst v4;
	v4 =	vadd.s32 $0xA050, v45  }
0x76: {  	v50 =	vld [tilespmem:$0x2E0];
	[tilespmem:$0xA80] =	vst v4;
	v4 =	vadd.s32 $0xA050, v46  }
0x77: {  	[tilespmem:$0xA90] =	vst v4;
	v4 =	vadd.s32 $0xA050, v5;
	v5 =	vld [tilespmem:$0x2F0]  }
0x78: {  	v51 =	vld [tilespmem:$0x300];
	[tilespmem:$0xAA0] =	vst v4;
	v4 =	vadd.s32 $0xA050, v47  }
0x79: {  	v52 =	vld [tilespmem:$0x310];
	[tilespmem:$0xAB0] =	vst v4;
	v4 =	vadd.s32 $0xA050, v48  }
0x7a: {  	v53 =	vld [tilespmem:$0x320];
	[tilespmem:$0xAC0] =	vst v4;
	v4 =	vadd.s32 $0xA050, v49  }
0x7b: {  	v54 =	vld [tilespmem:$0x330];
	[tilespmem:$0xAD0] =	vst v4;
	v4 =	vadd.s32 $0xA050, v50  }
0x7c: {  	[tilespmem:$0xAE0] =	vst v4;
	v4 =	vadd.s32 $0xA050, v5;
	v5 =	vld [tilespmem:$0x340]  }
0x7d: {  	v55 =	vld [tilespmem:$0x350];
	[tilespmem:$0xAF0] =	vst v4;
	v4 =	vadd.s32 $0xC060, v51  }
0x7e: {  	v56 =	vld [tilespmem:$0x360];
	[tilespmem:$0xB00] =	vst v4;
	v4 =	vadd.s32 $0xC060, v52  }
0x7f: {  	v57 =	vld [tilespmem:$0x370];
	[tilespmem:$0xB10] =	vst v4;
	v4 =	vadd.s32 $0xC060, v53  }
0x80: {  	v58 =	vld [tilespmem:$0x380];
	[tilespmem:$0xB20] =	vst v4;
	v4 =	vadd.s32 $0xC060, v54  }
0x81: {  	[tilespmem:$0xB30] =	vst v4;
	v4 =	vadd.s32 $0xC060, v5;
	v5 =	vld [tilespmem:$0x390]  }
0x82: {  	v59 =	vld [tilespmem:$0x3A0];
	[tilespmem:$0xB40] =	vst v4;
	v4 =	vadd.s32 $0xC060, v55  }
0x83: {  	v60 =	vld [tilespmem:$0x3B0];
	[tilespmem:$0xB50] =	vst v4;
	v4 =	vadd.s32 $0xC060, v56  }
0x84: {  	v61 =	vld [tilespmem:$0x3C0];
	[tilespmem:$0xB60] =	vst v4;
	v4 =	vadd.s32 $0xC060, v57  }
0x85: {  	v62 =	vld [tilespmem:$0x3D0];
	[tilespmem:$0xB70] =	vst v4;
	v4 =	vadd.s32 $0xE070, v58  }
0x86: {  	[tilespmem:$0xB80] =	vst v4;
	v4 =	vadd.s32 $0xE070, v5;
	v5 =	vld [tilespmem:$0x3E0]  }
0x87: {  	v63 =	vld [tilespmem:$0x3F0];
	[tilespmem:$0xB90] =	vst v4;
	v4 =	vadd.s32 $0xE070, v59  }
0x88: {  	[tilespmem:$0xBA0] =	vst v4;
	v4 =	vadd.s32 $0xE070, v60  }
0x89: {  	[tilespmem:$0xBB0] =	vst v4;
	v4 =	vadd.s32 $0xE070, v61  }
0x8a: {  	[tilespmem:$0xBC0] =	vst v4;
	v4 =	vadd.s32 $0xE070, v62  }
0x8b: {  	[tilespmem:$0xBD0] =	vst v4;
	v4 =	vadd.s32 $0xE070, v5  }
0x8c: {  	s30 =	simm.s32 $0x400;
	[tilespmem:$0xBE0] =	vst v4;
	v4 =	vadd.s32 $0xE070, v63  }
0x8d: {  	s2 =	simm.s32 $0x800;
	s3 =	simm.s32 $0x1000;
	s29 =	rddreg [dreg:$0xb];
	[tilespmem:$0xBF0] =	vst v4  }
0x8e: {  	[tilespmem:s3], [sflag:$0x3] =	stream.indirect.gather [hbm4b:s29+s30], $0x20, s2, s30, $0xb8;
	[tilespmem:$0x15000] =	vst v63  }
0x8f: {  	s15 =	simm.s32 $0x400;
	s26 =	simm.s32 $0x0;
	s31 =	rddreg [dreg:$0x17]  }
0x90: {  	[tilespmem:s30], [sflag:$0x2] =	stream.linear.gather [hbm4b:s31+s4], $0x400, $0x38;
	[tilespmem:$0x15000] =	vst v63  }
.LBB2_2:
0x91: {  	s0 =	simm.s32 $0x2  }
0x92: {  	_ =	swait.ge [sflag:s0], $0x400  }
0x93: {  	[sflag:s0] =	ssyncset.done $0x0  }
0x94: {  	[sflag:s0] =	ssyncadd.s32 $0xFFFFFC00  }
0x95: {  	v4 =	vld [tilespmem:$0x400]  }
0x96: {  	v5 =	vld [tilespmem:$0x410]  }
0x97: {  	v6 =	vld [tilespmem:$0x420]  }
0x98: {  	v7 =	vld [tilespmem:$0x430]  }
0x99: {  	v8 =	vld [tilespmem:$0x440]  }
0x9a: {  	v9 =	vld [tilespmem:$0x450]  }
0x9b: {  	[tilespmem:$0xC00] =	vst v4;
	v4 =	vld [tilespmem:$0x460]  }
0x9c: {  	[tilespmem:$0xC10] =	vst v5;
	v5 =	vld [tilespmem:$0x470]  }
0x9d: {  	[tilespmem:$0xC20] =	vst v6;
	v6 =	vld [tilespmem:$0x480]  }
0x9e: {  	[tilespmem:$0xC30] =	vst v7;
	v7 =	vld [tilespmem:$0x490]  }
0x9f: {  	[tilespmem:$0xC40] =	vst v8;
	v8 =	vld [tilespmem:$0x4A0]  }
0xa0: {  	[tilespmem:$0xC50] =	vst v9;
	v9 =	vld [tilespmem:$0x4B0]  }
0xa1: {  	[tilespmem:$0xC60] =	vst v4;
	v4 =	vld [tilespmem:$0x4C0]  }
0xa2: {  	[tilespmem:$0xC70] =	vst v5;
	v5 =	vadd.s32 $0x2010, v6;
	v6 =	vld [tilespmem:$0x4D0]  }
0xa3: {  	[tilespmem:$0xC80] =	vst v5;
	v5 =	vadd.s32 $0x2010, v7;
	v7 =	vld [tilespmem:$0x4E0]  }
0xa4: {  	[tilespmem:$0xC90] =	vst v5;
	v5 =	vadd.s32 $0x2010, v8;
	v8 =	vld [tilespmem:$0x4F0]  }
0xa5: {  	[tilespmem:$0xCA0] =	vst v5;
	v5 =	vadd.s32 $0x2010, v9;
	v9 =	vld [tilespmem:$0x500]  }
0xa6: {  	[tilespmem:$0xCB0] =	vst v5;
	v5 =	vld [tilespmem:$0x510];
	v4 =	vadd.s32 $0x2010, v4  }
0xa7: {  	[tilespmem:$0xCC0] =	vst v4;
	v4 =	vadd.s32 $0x2010, v6;
	v6 =	vld [tilespmem:$0x520]  }
0xa8: {  	[tilespmem:$0xCD0] =	vst v4;
	v4 =	vadd.s32 $0x2010, v7;
	v7 =	vld [tilespmem:$0x530]  }
0xa9: {  	[tilespmem:$0xCE0] =	vst v4;
	v4 =	vadd.s32 $0x2010, v8;
	v8 =	vld [tilespmem:$0x540]  }
0xaa: {  	[tilespmem:$0xCF0] =	vst v4;
	v4 =	vadd.s32 $0x4020, v9;
	v9 =	vld [tilespmem:$0x550]  }
0xab: {  	[tilespmem:$0xD00] =	vst v4;
	v4 =	vadd.s32 $0x4020, v5;
	v5 =	vld [tilespmem:$0x560]  }
0xac: {  	[tilespmem:$0xD10] =	vst v4;
	v4 =	vadd.s32 $0x4020, v6;
	v6 =	vld [tilespmem:$0x570]  }
0xad: {  	[tilespmem:$0xD20] =	vst v4;
	v4 =	vadd.s32 $0x4020, v7;
	v7 =	vld [tilespmem:$0x580]  }
0xae: {  	[tilespmem:$0xD30] =	vst v4;
	v4 =	vadd.s32 $0x4020, v8;
	v8 =	vld [tilespmem:$0x590]  }
0xaf: {  	[tilespmem:$0xD40] =	vst v4;
	v4 =	vadd.s32 $0x4020, v9;
	v9 =	vld [tilespmem:$0x5A0]  }
0xb0: {  	[tilespmem:$0xD50] =	vst v4;
	v4 =	vadd.s32 $0x4020, v5;
	v5 =	vld [tilespmem:$0x5B0]  }
0xb1: {  	[tilespmem:$0xD60] =	vst v4;
	v4 =	vadd.s32 $0x4020, v6;
	v6 =	vld [tilespmem:$0x5C0]  }
0xb2: {  	[tilespmem:$0xD70] =	vst v4;
	v4 =	vadd.s32 $0x6030, v7;
	v7 =	vld [tilespmem:$0x5D0]  }
0xb3: {  	[tilespmem:$0xD80] =	vst v4;
	v4 =	vadd.s32 $0x6030, v8;
	v8 =	vld [tilespmem:$0x5E0]  }
0xb4: {  	[tilespmem:$0xD90] =	vst v4;
	v4 =	vadd.s32 $0x6030, v9;
	v9 =	vld [tilespmem:$0x5F0]  }
0xb5: {  	[tilespmem:$0xDA0] =	vst v4;
	v4 =	vadd.s32 $0x6030, v5;
	v5 =	vld [tilespmem:$0x600]  }
0xb6: {  	[tilespmem:$0xDB0] =	vst v4;
	v4 =	vadd.s32 $0x6030, v6;
	v6 =	vld [tilespmem:$0x610]  }
0xb7: {  	[tilespmem:$0xDC0] =	vst v4;
	v4 =	vadd.s32 $0x6030, v7;
	v7 =	vld [tilespmem:$0x620]  }
0xb8: {  	[tilespmem:$0xDD0] =	vst v4;
	v4 =	vadd.s32 $0x6030, v8;
	v8 =	vld [tilespmem:$0x630]  }
0xb9: {  	[tilespmem:$0xDE0] =	vst v4;
	v4 =	vadd.s32 $0x6030, v9;
	v9 =	vld [tilespmem:$0x640]  }
0xba: {  	[tilespmem:$0xDF0] =	vst v4;
	v4 =	vadd.s32 $0x8040, v5;
	v5 =	vld [tilespmem:$0x650]  }
0xbb: {  	[tilespmem:$0xE00] =	vst v4;
	v4 =	vadd.s32 $0x8040, v6;
	v6 =	vld [tilespmem:$0x660]  }
0xbc: {  	[tilespmem:$0xE10] =	vst v4;
	v4 =	vadd.s32 $0x8040, v7;
	v7 =	vld [tilespmem:$0x670]  }
0xbd: {  	[tilespmem:$0xE20] =	vst v4;
	v4 =	vadd.s32 $0x8040, v8;
	v8 =	vld [tilespmem:$0x680]  }
0xbe: {  	[tilespmem:$0xE30] =	vst v4;
	v4 =	vadd.s32 $0x8040, v9;
	v9 =	vld [tilespmem:$0x690]  }
0xbf: {  	[tilespmem:$0xE40] =	vst v4;
	v4 =	vadd.s32 $0x8040, v5;
	v5 =	vld [tilespmem:$0x6A0]  }
0xc0: {  	[tilespmem:$0xE50] =	vst v4;
	v4 =	vadd.s32 $0x8040, v6;
	v6 =	vld [tilespmem:$0x6B0]  }
0xc1: {  	[tilespmem:$0xE60] =	vst v4;
	v4 =	vadd.s32 $0x8040, v7;
	v7 =	vld [tilespmem:$0x6C0]  }
0xc2: {  	[tilespmem:$0xE70] =	vst v4;
	v4 =	vadd.s32 $0xA050, v8;
	v8 =	vld [tilespmem:$0x6D0]  }
0xc3: {  	[tilespmem:$0xE80] =	vst v4;
	v4 =	vadd.s32 $0xA050, v9;
	v9 =	vld [tilespmem:$0x6E0]  }
0xc4: {  	[tilespmem:$0xE90] =	vst v4;
	v4 =	vadd.s32 $0xA050, v5;
	v5 =	vld [tilespmem:$0x6F0]  }
0xc5: {  	[tilespmem:$0xEA0] =	vst v4;
	v4 =	vadd.s32 $0xA050, v6;
	v6 =	vld [tilespmem:$0x700]  }
0xc6: {  	[tilespmem:$0xEB0] =	vst v4;
	v4 =	vadd.s32 $0xA050, v7;
	v7 =	vld [tilespmem:$0x710]  }
0xc7: {  	[tilespmem:$0xEC0] =	vst v4;
	v4 =	vadd.s32 $0xA050, v8;
	v8 =	vld [tilespmem:$0x720]  }
0xc8: {  	[tilespmem:$0xED0] =	vst v4;
	v4 =	vadd.s32 $0xA050, v9;
	v9 =	vld [tilespmem:$0x730]  }
0xc9: {  	[tilespmem:$0xEE0] =	vst v4;
	v4 =	vadd.s32 $0xA050, v5;
	v5 =	vld [tilespmem:$0x740]  }
0xca: {  	[tilespmem:$0xEF0] =	vst v4;
	v4 =	vadd.s32 $0xC060, v6;
	v6 =	vld [tilespmem:$0x750]  }
0xcb: {  	[tilespmem:$0xF00] =	vst v4;
	v4 =	vadd.s32 $0xC060, v7;
	v7 =	vld [tilespmem:$0x760]  }
0xcc: {  	[tilespmem:$0xF10] =	vst v4;
	v4 =	vadd.s32 $0xC060, v8;
	v8 =	vld [tilespmem:$0x770]  }
0xcd: {  	[tilespmem:$0xF20] =	vst v4;
	v4 =	vadd.s32 $0xC060, v9;
	v9 =	vld [tilespmem:$0x780]  }
0xce: {  	[tilespmem:$0xF30] =	vst v4;
	v4 =	vadd.s32 $0xC060, v5;
	v5 =	vld [tilespmem:$0x790]  }
0xcf: {  	[tilespmem:$0xF40] =	vst v4;
	v4 =	vadd.s32 $0xC060, v6;
	v6 =	vld [tilespmem:$0x7A0]  }
0xd0: {  	[tilespmem:$0xF50] =	vst v4;
	v4 =	vadd.s32 $0xC060, v7;
	v7 =	vld [tilespmem:$0x7B0]  }
0xd1: {  	[tilespmem:$0xF60] =	vst v4;
	v4 =	vadd.s32 $0xC060, v8;
	v8 =	vld [tilespmem:$0x7C0]  }
0xd2: {  	[tilespmem:$0xF70] =	vst v4;
	v4 =	vadd.s32 $0xE070, v9;
	v9 =	vld [tilespmem:$0x7D0]  }
0xd3: {  	[tilespmem:$0xF80] =	vst v4;
	v4 =	vadd.s32 $0xE070, v5;
	v5 =	vld [tilespmem:$0x7E0]  }
0xd4: {  	[tilespmem:$0xF90] =	vst v4;
	v4 =	vadd.s32 $0xE070, v6;
	v6 =	vld [tilespmem:$0x7F0]  }
0xd5: {  	[tilespmem:$0xFA0] =	vst v4;
	v4 =	vadd.s32 $0xE070, v7  }
0xd6: {  	[tilespmem:$0xFB0] =	vst v4;
	v4 =	vadd.s32 $0xE070, v8  }
0xd7: {  	s28 =	sshll.u32 s26, $0x1;
	[tilespmem:$0xFC0] =	vst v4;
	v4 =	vadd.s32 $0xE070, v9  }
0xd8: {  	s8 =	smin.u32 s28, $0xC5;
	s9 =	rddreg [dreg:$0x19];
	[tilespmem:$0xFD0] =	vst v4;
	v4 =	vadd.s32 $0xE070, v5  }
0xd9: {  	s1 =	simm.s32 $0xC00;
	s7 =	rddreg [dreg:$0xb];
	s0 =	sadd.s32 s8, s9;
	[tilespmem:$0xFE0] =	vst v4;
	v4 =	vadd.s32 $0xE070, v6  }
0xda: {  	s2 =	simm.s32 $0x9000;
	s0 =	sshll.u32 s0, $0x7;
	s12 =	rddreg [dreg:$0x1];
	[tilespmem:$0xFF0] =	vst v4  }
0xdb: {  	[tilespmem:s2], [sflag:$0x4] =	stream.indirect.gather [hbm4b:s7+s15], $0x20, s1, s15, $0xb8;
	[tilespmem:$0x15000] =	vst v63  }
0xdc: {  	s14 =	simm.s32 $0x3;
	s9 =	simm.s32 $0x0;
	s0 =	sadd.s32 s12, s0  }
0xdd: {  	[tilespmem:s9], [sflag:$0x1] =	stream.linear.gather [hbm4b:s0+s9], $0x400, $0x38;
	[tilespmem:$0x15000] =	vst v63  }
0xde: {  	_ =	swait.ge [sflag:s14], $0x8000  }
0xdf: {  	[sflag:s14] =	ssyncset.done $0x0  }
0xe0: {  	[sflag:s14] =	ssyncadd.s32 $0xFFFF8000  }
0xe1: {  	_ =	swait.ge [sflag:s22], $0x400  }
0xe2: {  	[sflag:s22] =	ssyncset.done $0x0  }
0xe3: {  	[sflag:s22] =	ssyncadd.s32 $0xFFFFFC00  }
0xe4: {  	_ =	swait.ge [sflag:s22], $0x400  }
0xe5: {  	[sflag:s22] =	ssyncset.done $0x0  }
0xe6: {  	[sflag:s22] =	ssyncadd.s32 $0xFFFFFC00  }
0xe7: {  	_ =	swait.ge [sflag:s22], $0x400  }
0xe8: {  	[sflag:s22] =	ssyncset.done $0x0  }
0xe9: {  	[sflag:s22] =	ssyncadd.s32 $0xFFFFFC00  }
0xea: {  	_ =	swait.ge [sflag:s22], $0x400  }
0xeb: {  	[sflag:s22] =	ssyncset.done $0x0  }
0xec: {  	[sflag:s22] =	ssyncadd.s32 $0xFFFFFC00  }
0xed: {  	_ =	swait.ge [sflag:s22], $0x400  }
0xee: {  	[sflag:s22] =	ssyncset.done $0x0  }
0xef: {  	[sflag:s22] =	ssyncadd.s32 $0xFFFFFC00  }
0xf0: {  	_ =	swait.ge [sflag:s22], $0x400  }
0xf1: {  	[sflag:s22] =	ssyncset.done $0x0  }
0xf2: {  	[sflag:s22] =	ssyncadd.s32 $0xFFFFFC00  }
0xf3: {  	_ =	swait.ge [sflag:s22], $0x400  }
0xf4: {  	[sflag:s22] =	ssyncset.done $0x0  }
0xf5: {  	[sflag:s22] =	ssyncadd.s32 $0xFFFFFC00  }
0xf6: {  	_ =	swait.ge [sflag:s22], $0x400  }
0xf7: {  	[sflag:s22] =	ssyncset.done $0x0  }
0xf8: {  	s29 =	simm.s32 $0x1000;
	[sflag:s22] =	ssyncadd.s32 $0xFFFFFC00  }
0xf9: {  	v5 =	vld [tilespmem:s29+$0xE0]  }
0xfa: {  	v6 =	vld [tilespmem:s29+$0x10E0]  }
0xfb: {  	v7 =	vld [tilespmem:s29+$0x20E0]  }
0xfc: {  	v9 =	vld [tilespmem:s29+$0x30E0]  }
0xfd: {  	v10 =	vld [tilespmem:s29+$0x40E0]  }
0xfe: {  	v11 =	vld [tilespmem:s29+$0x50E0]  }
0xff: {  	v12 =	vld [tilespmem:s29+$0x60E0]  }
0x100: {  	v13 =	vld [tilespmem:s29+$0x70E0]  }
0x101: {  	v4 =	vld [tilespmem:s29+$0x1000]  }
0x102: {  	s15 =	sadd.s32 s11, s28;
	v16 =	vld [tilespmem:s29+$0x2000]  }
0x103: {  	s16 =	sshll.u32 s15, $0xA;
	s0 =	sshll.u32 s15, $0x7;
	v19 =	vld [tilespmem:s29+$0x3000]  }
0x104: {  	s1 =	sand.u32 $0x7FFE0000, s16;
	s0 =	sand.u32 $0x3F00, s0;
	v8 =	vld [tilespmem:s29+$0x4000];
	v5 =	vadd.bf16 v6, v5;
	v6 =	vadd.bf16 v9, v7  }
0x105: {  	s12 =	simm.s32 $0x7;
	s0 =	sor.u32 s0, s1;
	v14 =	vld [tilespmem:s29+$0x5000];
	v7 =	vadd.bf16 v11, v10;
	v9 =	vadd.bf16 v13, v12  }
0x106: {  	s14 =	sadd.s32 s0, s17;
	s16 =	sadd.s32 s0, s19;
	s20 =	rddreg [dreg:$0xd];
	v15 =	vld [tilespmem:s29+$0x6000]  }
0x107: {  	s2 =	sadd.s32 s0, s21;
	s3 =	sadd.s32 s0, s5;
	s23 =	rddreg [dreg:$0x1b];
	v17 =	vld [tilespmem:s29+$0x7000];
	v10 =	vadd.bf16 v6, v5;
	v9 =	vadd.bf16 v9, v7;
	v6 =	vor.u32 s12, v0  }
0x108: {  	s7 =	sadd.s32 s0, s13;
	s31 =	sadd.s32 s0, s20;
	s18 =	rddreg [dreg:$0x2];
	v18 =	vld [tilespmem:s29+$0x20];
	v7 =	vor.u32 s12, v1  }
0x109: {  	s1 =	sadd.s32 s0, s23;
	s23 =	simm.s32 $0x8;
	s30 =	sadd.s32 s18, s0;
	v5 =	vadd.bf16 v19, v16;
	v19 =	vld [tilespmem:s29+$0x1020];
	v9 =	vadd.bf16 v9, v10  }
.LBB2_3:
0x10a: {  	p0 =	slt.u32 s23, $0x78;
	v8 =	vadd.bf16 v14, v8;
	v10 =	vld [tilespmem:s29+$0x2020]  }
0x10b: {  	v11 =	vld [tilespmem:s29+$0x3020];
	v12 =	vunpack.i.l.bf16.f32 v9  }
0x10c: {  	v9 =	vunpack.i.u.bf16.f32 v9;
	v13 =	vadd.bf16 v17, v15;
	v14 =	vld [tilespmem:s29+$0x4020];
	[tilespmem:v6+s10+$0x0] =	vst.idx.msk $0xffff, v12  }
0x10d: {  	v12 =	vld [tilespmem:s29+$0x5020];
	[tilespmem:v7+s10+$0x0] =	vst.idx.msk $0xffff, v9  }
0x10e: {  	v6 =	vadd.bf16 v13, v8;
	v7 =	vadd.bf16 v19, v18;
	v8 =	vld [tilespmem:s29+$0xF0]  }
0x10f: {  	v9 =	vld [tilespmem:s29+$0x10F0]  }
0x110: {  	v10 =	vadd.bf16 v11, v10;
	v11 =	vld [tilespmem:s29+$0x20F0]  }
0x111: {  	v13 =	vld [tilespmem:s29+$0x30F0]  }
0x112: {  	v12 =	vadd.bf16 v12, v14;
	v7 =	vadd.bf16 v10, v7;
	v10 =	vld [tilespmem:s29+$0x40F0]  }
0x113: {  	v14 =	vld [tilespmem:s29+$0x50F0]  }
0x114: {  	v15 =	vld [tilespmem:s29+$0x60F0]  }
0x115: {  	v16 =	vld [tilespmem:s29+$0x70F0]  }
0x116: {  	v17 =	vld [tilespmem:s29+$0x6020]  }
0x117: {  	v18 =	vld [tilespmem:s29+$0x7020]  }
0x118: {  	v19 =	vld [tilespmem:s29+$0x40]  }
0x119: {  	v8 =	vadd.bf16 v9, v8;
	v9 =	vadd.bf16 v13, v11;
	v20 =	vld [tilespmem:s29+$0x1040]  }
0x11a: {  	v10 =	vadd.bf16 v14, v10;
	v11 =	vld [tilespmem:s29+$0x2040];
	v13 =	vadd.bf16 v16, v15  }
0x11b: {  	v14 =	vld [tilespmem:s29+$0x3040]  }
0x11c: {  	v8 =	vadd.bf16 v9, v8;
	v15 =	vld [tilespmem:s29+$0x4040];
	v9 =	vadd.bf16 v13, v10;
	v10 =	vor.u32 s12, v2  }
0x11d: {  	v13 =	vadd.bf16 v18, v17;
	v17 =	vor.u32 s12, v3;
	v16 =	vld [tilespmem:s29+$0x5040]  }
0x11e: {  	s8 =	sadd.s32 $0x1, s9;
	v18 =	vld [tilespmem:s29+$0x6040];
	v19 =	vadd.bf16 v20, v19;
	v8 =	vadd.bf16 v9, v8  }
0x11f: {  	v9 =	vadd.bf16 v13, v12;
	v12 =	vor.u32 s8, v0;
	v13 =	vld [tilespmem:s29+$0x7040]  }
0x120: {  	v20 =	vor.u32 s8, v1;
	v11 =	vadd.bf16 v14, v11;
	v14 =	vld [tilespmem:s29+$0x60];
	v21 =	vunpack.i.l.bf16.f32 v8  }
0x121: {  	v7 =	vadd.bf16 v9, v7;
	v8 =	vunpack.i.u.bf16.f32 v8;
	v9 =	vld [tilespmem:s29+$0x1060];
	[tilespmem:v10+s10+$0x0] =	vst.idx.msk $0xffff, v21  }
0x122: {  	v10 =	vadd.bf16 v16, v15;
	v11 =	vadd.bf16 v11, v19;
	v15 =	vld [tilespmem:s29+$0x2060];
	[tilespmem:v17+s10+$0x0] =	vst.idx.msk $0xffff, v8  }
0x123: {  	v8 =	vunpack.i.u.bf16.f32 v7;
	v7 =	vunpack.i.l.bf16.f32 v7;
	v16 =	vld [tilespmem:s29+$0x3060]  }
0x124: {  	[tilespmem:v12+s10+$0x0] =	vst.idx.msk $0xffff, v7;
	v7 =	vadd.bf16 v13, v18;
	v12 =	vld [tilespmem:s29+$0x4060]  }
0x125: {  	[tilespmem:v20+s10+$0x0] =	vst.idx.msk $0xffff, v8;
	v8 =	vld [tilespmem:s29+$0x5060]  }
0x126: {  	s12 =	sadd.s32 $0x2, s9;
	v7 =	vadd.bf16 v7, v10;
	v10 =	vld [tilespmem:s29+$0x6060];
	v9 =	vadd.bf16 v9, v14  }
0x127: {  	v13 =	vor.u32 s12, v0;
	v14 =	vld [tilespmem:s29+$0x7060]  }
0x128: {  	v7 =	vadd.bf16 v7, v11;
	v11 =	vor.u32 s12, v1;
	v15 =	vadd.bf16 v16, v15;
	v16 =	vld [tilespmem:s29+$0x80]  }
0x129: {  	v17 =	vld [tilespmem:s29+$0x1080]  }
0x12a: {  	v18 =	vunpack.i.u.bf16.f32 v7;
	v8 =	vadd.bf16 v8, v12;
	v9 =	vadd.bf16 v15, v9;
	v12 =	vld [tilespmem:s29+$0x2080]  }
0x12b: {  	v7 =	vunpack.i.l.bf16.f32 v7;
	v15 =	vld [tilespmem:s29+$0x3080]  }
0x12c: {  	[tilespmem:v13+s10+$0x0] =	vst.idx.msk $0xffff, v7;
	v7 =	vadd.bf16 v14, v10;
	v10 =	vld [tilespmem:s29+$0x4080]  }
0x12d: {  	[tilespmem:v11+s10+$0x0] =	vst.idx.msk $0xffff, v18;
	v11 =	vld [tilespmem:s29+$0x5080]  }
0x12e: {  	s0 =	sadd.s32 $0x3, s9;
	v7 =	vadd.bf16 v7, v8;
	v8 =	vld [tilespmem:s29+$0x6080];
	v13 =	vadd.bf16 v17, v16  }
0x12f: {  	v14 =	vor.u32 s0, v0;
	v16 =	vld [tilespmem:s29+$0x7080]  }
0x130: {  	v7 =	vadd.bf16 v7, v9;
	v9 =	vor.u32 s0, v1;
	v12 =	vadd.bf16 v15, v12;
	v15 =	vld [tilespmem:s29+$0xA0]  }
0x131: {  	v17 =	vld [tilespmem:s29+$0x10A0]  }
0x132: {  	v18 =	vunpack.i.u.bf16.f32 v7;
	v10 =	vadd.bf16 v11, v10;
	v11 =	vadd.bf16 v12, v13;
	v12 =	vld [tilespmem:s29+$0x20A0]  }
0x133: {  	v7 =	vunpack.i.l.bf16.f32 v7;
	v13 =	vld [tilespmem:s29+$0x30A0]  }
0x134: {  	[tilespmem:v14+s10+$0x0] =	vst.idx.msk $0xffff, v7;
	v7 =	vadd.bf16 v16, v8;
	v8 =	vld [tilespmem:s29+$0x40A0]  }
0x135: {  	[tilespmem:v9+s10+$0x0] =	vst.idx.msk $0xffff, v18;
	v9 =	vld [tilespmem:s29+$0x50A0]  }
0x136: {  	s20 =	sadd.s32 $0x4, s9;
	v7 =	vadd.bf16 v7, v10;
	v10 =	vld [tilespmem:s29+$0x60A0];
	v14 =	vadd.bf16 v17, v15  }
0x137: {  	v15 =	vor.u32 s20, v0;
	v16 =	vld [tilespmem:s29+$0x70A0]  }
0x138: {  	v7 =	vadd.bf16 v7, v11;
	v11 =	vor.u32 s20, v1;
	v12 =	vadd.bf16 v13, v12;
	v13 =	vld [tilespmem:s29+$0xC0]  }
0x139: {  	v17 =	vld [tilespmem:s29+$0x10C0]  }
0x13a: {  	v18 =	vunpack.i.u.bf16.f32 v7;
	v8 =	vadd.bf16 v9, v8;
	v9 =	vadd.bf16 v12, v14;
	v12 =	vld [tilespmem:s29+$0x20C0]  }
0x13b: {  	v7 =	vunpack.i.l.bf16.f32 v7;
	v14 =	vld [tilespmem:s29+$0x30C0]  }
0x13c: {  	[tilespmem:v15+s10+$0x0] =	vst.idx.msk $0xffff, v7;
	v7 =	vadd.bf16 v16, v10;
	v10 =	vld [tilespmem:s29+$0x40C0]  }
0x13d: {  	[tilespmem:v11+s10+$0x0] =	vst.idx.msk $0xffff, v18;
	v11 =	vld [tilespmem:s29+$0x50C0]  }
0x13e: {  	s18 =	sadd.s32 $0x5, s9;
	v7 =	vadd.bf16 v7, v8;
	v8 =	vld [tilespmem:s29+$0x60C0];
	v13 =	vadd.bf16 v17, v13  }
0x13f: {  	v15 =	vor.u32 s18, v0;
	v16 =	vld [tilespmem:s29+$0x70C0]  }
0x140: {  	v17 =	vld [tilespmem:s29+$0x0];
	v7 =	vadd.bf16 v7, v9;
	v9 =	vor.u32 s18, v1;
	v12 =	vadd.bf16 v14, v12  }
0x141: {  	v14 =	vld [tilespmem:s29+$0x30]  }
0x142: {  	v18 =	vld [tilespmem:s29+$0x1030];
	v19 =	vunpack.i.u.bf16.f32 v7;
	v10 =	vadd.bf16 v11, v10;
	v11 =	vadd.bf16 v12, v13  }
0x143: {  	v7 =	vunpack.i.l.bf16.f32 v7;
	v12 =	vld [tilespmem:s29+$0x2030]  }
0x144: {  	v13 =	vld [tilespmem:s29+$0x3030];
	[tilespmem:v15+s10+$0x0] =	vst.idx.msk $0xffff, v7;
	v7 =	vadd.bf16 v16, v8  }
0x145: {  	s6 =	sadd.s32 $0x6, s9;
	v4 =	vadd.bf16 v4, v17;
	v8 =	vld [tilespmem:s29+$0x4030];
	[tilespmem:v9+s10+$0x0] =	vst.idx.msk $0xffff, v19  }
0x146: {  	v9 =	vld [tilespmem:s29+$0x5030];
	v7 =	vadd.bf16 v7, v10;
	v10 =	vor.u32 s6, v0  }
0x147: {  	v4 =	vadd.bf16 v5, v4;
	v5 =	vor.u32 s9, v0;
	v15 =	vld [tilespmem:s29+$0x6030];
	v14 =	vadd.bf16 v18, v14  }
0x148: {  	v16 =	vor.u32 s9, v1;
	v17 =	vld [tilespmem:s29+$0x7030];
	v7 =	vadd.bf16 v7, v11  }
0x149: {  	v4 =	vadd.bf16 v6, v4;
	v6 =	vadd.bf16 v13, v12;
	v11 =	vld [tilespmem:s29+$0x50];
	v12 =	vor.u32 s6, v1  }
0x14a: {  	v13 =	vld [tilespmem:s29+$0x1050];
	v18 =	vunpack.i.u.bf16.f32 v7;
	v7 =	vunpack.i.l.bf16.f32 v7  }
0x14b: {  	v19 =	vunpack.i.u.bf16.f32 v4;
	v4 =	vunpack.i.l.bf16.f32 v4;
	v8 =	vadd.bf16 v9, v8;
	v9 =	vld [tilespmem:s29+$0x2050];
	[tilespmem:v10+s10+$0x0] =	vst.idx.msk $0xffff, v7  }
0x14c: {  	[tilespmem:v5+s10+$0x0] =	vst.idx.msk $0xffff, v4;
	v4 =	vadd.bf16 v6, v14;
	v5 =	vld [tilespmem:s29+$0x3050]  }
0x14d: {  	[tilespmem:v16+s10+$0x0] =	vst.idx.msk $0xffff, v19;
	v6 =	vadd.bf16 v17, v15;
	v7 =	vld [tilespmem:s29+$0x4050]  }
0x14e: {  	v10 =	vld [tilespmem:s29+$0x10];
	[tilespmem:v12+s10+$0x0] =	vst.idx.msk $0xffff, v18  }
0x14f: {  	v12 =	vld [tilespmem:s29+$0x1010];
	v6 =	vadd.bf16 v6, v8;
	v8 =	vor.u32 s8, v2;
	v11 =	vadd.bf16 v13, v11  }
0x150: {  	v14 =	vor.u32 s8, v3;
	v13 =	vld [tilespmem:s29+$0x2010]  }
0x151: {  	v15 =	vld [tilespmem:s29+$0x3010];
	v4 =	vadd.bf16 v6, v4;
	v5 =	vadd.bf16 v5, v9  }
0x152: {  	v6 =	vld [tilespmem:s29+$0x4010]  }
0x153: {  	v9 =	vld [tilespmem:s29+$0x5010];
	v16 =	vunpack.i.u.bf16.f32 v4;
	v4 =	vunpack.i.l.bf16.f32 v4;
	v5 =	vadd.bf16 v5, v11  }
0x154: {  	v11 =	vld [tilespmem:s29+$0x6010];
	v10 =	vadd.bf16 v12, v10;
	[tilespmem:v8+s10+$0x0] =	vst.idx.msk $0xffff, v4  }
0x155: {  	v4 =	vld [tilespmem:s29+$0x7010];
	[tilespmem:v14+s10+$0x0] =	vst.idx.msk $0xffff, v16  }
0x156: {  	v8 =	vadd.bf16 v15, v13;
	v12 =	vld [tilespmem:s29+$0x5050]  }
0x157: {  	v13 =	vld [tilespmem:s29+$0x6050]  }
0x158: {  	v6 =	vadd.bf16 v9, v6;
	v8 =	vadd.bf16 v8, v10;
	v9 =	vld [tilespmem:s29+$0x7050]  }
0x159: {  	v10 =	vld [tilespmem:s29+$0x70]  }
0x15a: {  	v4 =	vadd.bf16 v4, v11;
	v11 =	vld [tilespmem:s29+$0x1070]  }
0x15b: {  	v7 =	vadd.bf16 v12, v7;
	v12 =	vld [tilespmem:s29+$0x2070]  }
0x15c: {  	v4 =	vadd.bf16 v4, v6;
	v6 =	vor.u32 s9, v2;
	v14 =	vld [tilespmem:s29+$0x3070]  }
0x15d: {  	v15 =	vor.u32 s9, v3;
	s9 =	smov.u32 s23;
	v9 =	vadd.bf16 v9, v13;
	v13 =	vld [tilespmem:s29+$0x4070]  }
0x15e: {  	v4 =	vadd.bf16 v4, v8;
	v8 =	vld [tilespmem:s29+$0x5070]  }
0x15f: {  	v7 =	vadd.bf16 v9, v7;
	v9 =	vld [tilespmem:s29+$0x6070];
	v10 =	vadd.bf16 v11, v10  }
0x160: {  	v16 =	vor.u32 s12, v2;
	v11 =	vunpack.i.u.bf16.f32 v4;
	v4 =	vunpack.i.l.bf16.f32 v4;
	v17 =	vld [tilespmem:s29+$0x7070]  }
0x161: {  	[tilespmem:v6+s10+$0x0] =	vst.idx.msk $0xffff, v4;
	v4 =	vadd.bf16 v7, v5;
	v5 =	vor.u32 s12, v3;
	v6 =	vadd.bf16 v14, v12;
	v7 =	vld [tilespmem:s29+$0x90]  }
0x162: {  	[tilespmem:v15+s10+$0x0] =	vst.idx.msk $0xffff, v11;
	v11 =	vld [tilespmem:s29+$0x1090]  }
0x163: {  	v12 =	vunpack.i.u.bf16.f32 v4;
	v8 =	vadd.bf16 v8, v13;
	v6 =	vadd.bf16 v6, v10;
	v10 =	vld [tilespmem:s29+$0x2090]  }
0x164: {  	v4 =	vunpack.i.l.bf16.f32 v4;
	v13 =	vld [tilespmem:s29+$0x3090]  }
0x165: {  	[tilespmem:v16+s10+$0x0] =	vst.idx.msk $0xffff, v4;
	v4 =	vadd.bf16 v17, v9;
	v9 =	vld [tilespmem:s29+$0x4090]  }
0x166: {  	[tilespmem:v5+s10+$0x0] =	vst.idx.msk $0xffff, v12;
	v5 =	vld [tilespmem:s29+$0x5090]  }
0x167: {  	v4 =	vadd.bf16 v4, v8;
	v8 =	vld [tilespmem:s29+$0x6090];
	v7 =	vadd.bf16 v11, v7  }
0x168: {  	v11 =	vor.u32 s0, v2;
	v12 =	vld [tilespmem:s29+$0x7090]  }
0x169: {  	v4 =	vadd.bf16 v4, v6;
	v6 =	vor.u32 s0, v3;
	v10 =	vadd.bf16 v13, v10;
	v13 =	vld [tilespmem:s29+$0xB0]  }
0x16a: {  	v14 =	vld [tilespmem:s29+$0x10B0]  }
0x16b: {  	v15 =	vunpack.i.u.bf16.f32 v4;
	v5 =	vadd.bf16 v5, v9;
	v7 =	vadd.bf16 v10, v7;
	v9 =	vld [tilespmem:s29+$0x20B0]  }
0x16c: {  	v4 =	vunpack.i.l.bf16.f32 v4;
	v10 =	vld [tilespmem:s29+$0x30B0]  }
0x16d: {  	[tilespmem:v11+s10+$0x0] =	vst.idx.msk $0xffff, v4;
	v4 =	vadd.bf16 v12, v8;
	v8 =	vld [tilespmem:s29+$0x40B0]  }
0x16e: {  	[tilespmem:v6+s10+$0x0] =	vst.idx.msk $0xffff, v15;
	v6 =	vld [tilespmem:s29+$0x50B0]  }
0x16f: {  	v4 =	vadd.bf16 v4, v5;
	v5 =	vld [tilespmem:s29+$0x60B0];
	v11 =	vadd.bf16 v14, v13  }
0x170: {  	v12 =	vor.u32 s20, v2;
	v13 =	vld [tilespmem:s29+$0x70B0]  }
0x171: {  	v4 =	vadd.bf16 v4, v7;
	v7 =	vor.u32 s20, v3;
	v9 =	vadd.bf16 v10, v9;
	v10 =	vld [tilespmem:s29+$0xD0]  }
0x172: {  	v14 =	vld [tilespmem:s29+$0x10D0]  }
0x173: {  	v15 =	vunpack.i.u.bf16.f32 v4;
	v6 =	vadd.bf16 v6, v8;
	v8 =	vadd.bf16 v9, v11;
	v9 =	vld [tilespmem:s29+$0x20D0]  }
0x174: {  	v4 =	vunpack.i.l.bf16.f32 v4;
	v11 =	vld [tilespmem:s29+$0x30D0]  }
0x175: {  	[tilespmem:v12+s10+$0x0] =	vst.idx.msk $0xffff, v4;
	v4 =	vadd.bf16 v13, v5;
	v5 =	vld [tilespmem:s29+$0x40D0]  }
0x176: {  	[tilespmem:v7+s10+$0x0] =	vst.idx.msk $0xffff, v15;
	v7 =	vld [tilespmem:s29+$0x50D0]  }
0x177: {  	v4 =	vadd.bf16 v4, v6;
	v6 =	vld [tilespmem:s29+$0x60D0];
	v10 =	vadd.bf16 v14, v10  }
0x178: {  	v12 =	vor.u32 s18, v2;
	v13 =	vld [tilespmem:s29+$0x70D0];
	s29 =	sadd.s32 $0x100, s29  }
0x179: {  	v14 =	vld [tilespmem:s29+$0xE0];
	v4 =	vadd.bf16 v4, v8;
	v8 =	vor.u32 s18, v3;
	v9 =	vadd.bf16 v11, v9  }
0x17a: {  	v11 =	vld [tilespmem:s29+$0x10E0]  }
0x17b: {  	v15 =	vld [tilespmem:s29+$0x20E0];
	v16 =	vunpack.i.u.bf16.f32 v4;
	v5 =	vadd.bf16 v7, v5;
	v7 =	vadd.bf16 v9, v10  }
0x17c: {  	v4 =	vunpack.i.l.bf16.f32 v4;
	v9 =	vld [tilespmem:s29+$0x30E0]  }
0x17d: {  	v10 =	vld [tilespmem:s29+$0x40E0];
	[tilespmem:v12+s10+$0x0] =	vst.idx.msk $0xffff, v4;
	v4 =	vadd.bf16 v13, v6  }
0x17e: {  	v6 =	vld [tilespmem:s29+$0x50E0];
	[tilespmem:v8+s10+$0x0] =	vst.idx.msk $0xffff, v16  }
0x17f: {  	v13 =	vor.u32 s6, v2;
	v12 =	vld [tilespmem:s29+$0x60E0];
	v5 =	vadd.bf16 v4, v5  }
0x180: {  	v17 =	vor.u32 s6, v3;
	v16 =	vld [tilespmem:s29+$0x70E0]  }
0x181: {  	v4 =	vld [tilespmem:s29+$0x1000];
	v5 =	vadd.bf16 v5, v7  }
0x182: {  	v7 =	vld [tilespmem:s29+$0x2000]  }
0x183: {  	v18 =	vld [tilespmem:s29+$0x3000];
	v19 =	vunpack.i.u.bf16.f32 v5;
	v5 =	vunpack.i.l.bf16.f32 v5  }
0x184: {  	v11 =	vadd.bf16 v11, v14;
	v9 =	vadd.bf16 v9, v15;
	v8 =	vld [tilespmem:s29+$0x4000];
	[tilespmem:v13+s10+$0x0] =	vst.idx.msk $0xffff, v5  }
.Ltmp0:
0x185: {  	v5 =	vadd.bf16 v6, v10;
	v14 =	vld [tilespmem:s29+$0x5000];
	v6 =	vadd.bf16 v16, v12;
	[tilespmem:v17+s10+$0x0] =	vst.idx.msk $0xffff, v19;
	(pc) =	sbr.rel @p0 .LBB2_3-.Ltmp0, $4  }
0x186: {  	s12 =	sadd.s32 $0x7, s23;
	v15 =	vld [tilespmem:s29+$0x6000]  }
0x187: {  	v9 =	vadd.bf16 v9, v11;
	v17 =	vld [tilespmem:s29+$0x7000];
	v10 =	vadd.bf16 v6, v5;
	v6 =	vor.u32 s12, v0  }
0x188: {  	v5 =	vadd.bf16 v18, v7;
	v18 =	vld [tilespmem:s29+$0x20];
	v7 =	vor.u32 s12, v1  }
0x189: {  	s23 =	sadd.s32 $0x8, s23;
	v19 =	vld [tilespmem:s29+$0x1020];
	v9 =	vadd.bf16 v10, v9  }
0x18a: {  	v20 =	vld [tilespmem:s29+$0x2020]  }
0x18b: {  	v21 =	vld [tilespmem:s29+$0x3020]  }
0x18c: {  	v22 =	vld [tilespmem:s29+$0x4020]  }
0x18d: {  	v23 =	vld [tilespmem:s29+$0x5020]  }
0x18e: {  	v24 =	vld [tilespmem:s29+$0x6020]  }
0x18f: {  	v25 =	vld [tilespmem:s29+$0x7020]  }
0x190: {  	v26 =	vld [tilespmem:s29+$0x40]  }
0x191: {  	v27 =	vld [tilespmem:s29+$0x1040]  }
0x192: {  	v28 =	vld [tilespmem:s29+$0x2040]  }
0x193: {  	v29 =	vld [tilespmem:s29+$0x3040]  }
0x194: {  	v30 =	vld [tilespmem:s29+$0x4040]  }
0x195: {  	v31 =	vld [tilespmem:s29+$0x5040]  }
0x196: {  	v32 =	vld [tilespmem:s29+$0x6040]  }
0x197: {  	v33 =	vld [tilespmem:s29+$0x7040]  }
0x198: {  	v34 =	vld [tilespmem:s29+$0x60]  }
0x199: {  	v35 =	vld [tilespmem:s29+$0x1060]  }
0x19a: {  	v36 =	vld [tilespmem:s29+$0x2060]  }
0x19b: {  	v37 =	vld [tilespmem:s29+$0x3060]  }
0x19c: {  	v38 =	vld [tilespmem:s29+$0x4060]  }
0x19d: {  	v39 =	vld [tilespmem:s29+$0x5060]  }
0x19e: {  	v40 =	vld [tilespmem:s29+$0x6060]  }
0x19f: {  	v41 =	vld [tilespmem:s29+$0x7060]  }
0x1a0: {  	v42 =	vld [tilespmem:s29+$0x80]  }
0x1a1: {  	v43 =	vld [tilespmem:s29+$0x1080]  }
0x1a2: {  	v44 =	vld [tilespmem:s29+$0x2080]  }
0x1a3: {  	v45 =	vld [tilespmem:s29+$0x3080]  }
0x1a4: {  	v46 =	vld [tilespmem:s29+$0x4080]  }
0x1a5: {  	v47 =	vld [tilespmem:s29+$0x5080]  }
0x1a6: {  	v48 =	vld [tilespmem:s29+$0x6080]  }
0x1a7: {  	v49 =	vld [tilespmem:s29+$0x7080]  }
0x1a8: {  	v50 =	vld [tilespmem:s29+$0xA0]  }
0x1a9: {  	v51 =	vld [tilespmem:s29+$0x10A0]  }
0x1aa: {  	v52 =	vld [tilespmem:s29+$0x20A0]  }
0x1ab: {  	v53 =	vld [tilespmem:s29+$0x30A0]  }
0x1ac: {  	v54 =	vld [tilespmem:s29+$0x40A0]  }
0x1ad: {  	v55 =	vld [tilespmem:s29+$0x50A0]  }
0x1ae: {  	v56 =	vld [tilespmem:s29+$0x60A0]  }
0x1af: {  	v57 =	vld [tilespmem:s29+$0x30C0];
	v10 =	vunpack.i.l.bf16.f32 v9  }
0x1b0: {  	v58 =	vld [tilespmem:s29+$0x50C0];
	v9 =	vunpack.i.u.bf16.f32 v9;
	[tilespmem:v6+s10+$0x0] =	vst.idx.msk $0xffff, v10  }
0x1b1: {  	v60 =	vld [tilespmem:s29+$0x60C0];
	[tilespmem:v7+s10+$0x0] =	vst.idx.msk $0xffff, v9  }
0x1b2: {  	v11 =	vld [tilespmem:s29+$0xF0]  }
0x1b3: {  	v12 =	vld [tilespmem:s29+$0x10F0]  }
0x1b4: {  	v13 =	vld [tilespmem:s29+$0x20F0]  }
0x1b5: {  	v16 =	vld [tilespmem:s29+$0x30F0]  }
0x1b6: {  	v9 =	vld [tilespmem:s29+$0x40F0]  }
0x1b7: {  	v10 =	vld [tilespmem:s29+$0x50F0];
	v18 =	vadd.bf16 v19, v18;
	v19 =	vadd.bf16 v21, v20  }
0x1b8: {  	v6 =	vld [tilespmem:s29+$0x60F0];
	v61 =	vadd.bf16 v23, v22;
	v62 =	vadd.bf16 v25, v24  }
0x1b9: {  	s0 =	sadd.s32 $0x1, s9;
	v7 =	vld [tilespmem:s29+$0x70F0]  }
0x1ba: {  	v20 =	vld [tilespmem:s29+$0x70A0];
	v21 =	vor.u32 s0, v0;
	v18 =	vadd.bf16 v19, v18;
	v19 =	vadd.bf16 v62, v61  }
0x1bb: {  	v23 =	vld [tilespmem:s29+$0xC0];
	v25 =	vor.u32 s0, v1  }
0x1bc: {  	v24 =	vld [tilespmem:s29+$0x10C0];
	v18 =	vadd.bf16 v19, v18  }
0x1bd: {  	v22 =	vld [tilespmem:s29+$0x20C0]  }
0x1be: {  	v26 =	vadd.bf16 v27, v26;
	v63 =	vadd.bf16 v29, v28;
	v19 =	vld [tilespmem:s29+$0x40C0];
	v59 =	vunpack.i.l.bf16.f32 v18  }
0x1bf: {  	v61 =	vadd.bf16 v31, v30;
	v62 =	vadd.bf16 v33, v32;
	v18 =	vunpack.i.u.bf16.f32 v18;
	[tilespmem:v21+s10+$0x0] =	vst.idx.msk $0xffff, v59;
	v21 =	vld [tilespmem:s29+$0x70C0]  }
0x1c0: {  	s6 =	sadd.s32 $0x2, s9;
	[tilespmem:v25+s10+$0x0] =	vst.idx.msk $0xffff, v18;
	v18 =	vld [tilespmem:s29+$0x0]  }
0x1c1: {  	v26 =	vadd.bf16 v63, v26;
	v33 =	vor.u32 s6, v0;
	v63 =	vadd.bf16 v62, v61;
	v25 =	vld [tilespmem:s29+$0x30]  }
0x1c2: {  	v8 =	vadd.bf16 v14, v8;
	v14 =	vor.u32 s6, v1;
	v29 =	vld [tilespmem:s29+$0x1030]  }
0x1c3: {  	v15 =	vadd.bf16 v17, v15;
	v17 =	vadd.bf16 v63, v26;
	v30 =	vld [tilespmem:s29+$0x2030]  }
0x1c4: {  	v26 =	vld [tilespmem:s29+$0x3030]  }
0x1c5: {  	v8 =	vadd.bf16 v15, v8;
	v15 =	vunpack.i.l.bf16.f32 v17;
	v27 =	vld [tilespmem:s29+$0x5030]  }
0x1c6: {  	v17 =	vunpack.i.u.bf16.f32 v17;
	[tilespmem:v33+s10+$0x0] =	vst.idx.msk $0xffff, v15;
	v15 =	vld [tilespmem:s29+$0x6030];
	v4 =	vadd.bf16 v4, v18  }
0x1c7: {  	v61 =	vadd.bf16 v35, v34;
	v62 =	vadd.bf16 v37, v36;
	[tilespmem:v14+s10+$0x0] =	vst.idx.msk $0xffff, v17;
	v17 =	vld [tilespmem:s29+$0x7030]  }
0x1c8: {  	v28 =	vld [tilespmem:s29+$0x1050];
	v4 =	vadd.bf16 v5, v4;
	v5 =	vor.u32 s9, v0  }
0x1c9: {  	v31 =	vadd.bf16 v62, v61;
	v14 =	vor.u32 s9, v1;
	v32 =	vld [tilespmem:s29+$0x2050]  }
0x1ca: {  	v62 =	vadd.bf16 v45, v44;
	v44 =	vld [tilespmem:s29+$0x7050];
	v4 =	vadd.bf16 v8, v4  }
0x1cb: {  	v18 =	vld [tilespmem:s29+$0x4030]  }
0x1cc: {  	v8 =	vld [tilespmem:s29+$0x50];
	v59 =	vunpack.i.l.bf16.f32 v4  }
0x1cd: {  	v4 =	vunpack.i.u.bf16.f32 v4;
	[tilespmem:v5+s10+$0x0] =	vst.idx.msk $0xffff, v59;
	v5 =	vld [tilespmem:s29+$0x3050]  }
0x1ce: {  	[tilespmem:v14+s10+$0x0] =	vst.idx.msk $0xffff, v4;
	v4 =	vld [tilespmem:s29+$0x4050]  }
0x1cf: {  	v14 =	vld [tilespmem:s29+$0x10]  }
0x1d0: {  	v63 =	vadd.bf16 v39, v38;
	v59 =	vadd.bf16 v41, v40;
	v34 =	vld [tilespmem:s29+$0x1010]  }
0x1d1: {  	s18 =	sadd.s32 $0x3, s9;
	v37 =	vld [tilespmem:s29+$0x2010]  }
0x1d2: {  	v35 =	vor.u32 s18, v0;
	v38 =	vld [tilespmem:s29+$0x3010];
	v61 =	vadd.bf16 v59, v63  }
0x1d3: {  	v39 =	vor.u32 s18, v1;
	v36 =	vld [tilespmem:s29+$0x4010]  }
0x1d4: {  	v40 =	vld [tilespmem:s29+$0x5010];
	v31 =	vadd.bf16 v61, v31  }
0x1d5: {  	v33 =	vld [tilespmem:s29+$0x6010]  }
0x1d6: {  	v41 =	vld [tilespmem:s29+$0x7010];
	v59 =	vunpack.i.l.bf16.f32 v31  }
0x1d7: {  	v53 =	vadd.bf16 v53, v52;
	v63 =	vadd.bf16 v47, v46;
	v61 =	vld [tilespmem:s29+$0x5050];
	v31 =	vunpack.i.u.bf16.f32 v31;
	[tilespmem:v35+s10+$0x0] =	vst.idx.msk $0xffff, v59  }
0x1d8: {  	v35 =	vadd.bf16 v43, v42;
	v43 =	vld [tilespmem:s29+$0x6050];
	v59 =	vadd.bf16 v49, v48;
	[tilespmem:v39+s10+$0x0] =	vst.idx.msk $0xffff, v31  }
0x1d9: {  	s8 =	sadd.s32 $0x4, s9;
	v11 =	vadd.bf16 v12, v11;
	v12 =	vadd.bf16 v16, v13;
	v13 =	vld [tilespmem:s29+$0x70]  }
0x1da: {  	v16 =	vadd.bf16 v62, v35;
	v31 =	vadd.bf16 v59, v63;
	v62 =	vor.u32 s8, v0;
	v39 =	vld [tilespmem:s29+$0x1070]  }
0x1db: {  	v55 =	vadd.bf16 v55, v54;
	v9 =	vadd.bf16 v10, v9;
	v63 =	vor.u32 s8, v1;
	v45 =	vld [tilespmem:s29+$0x2070]  }
0x1dc: {  	v10 =	vadd.bf16 v51, v50;
	v46 =	vld [tilespmem:s29+$0x3070];
	v16 =	vadd.bf16 v31, v16  }
0x1dd: {  	v6 =	vadd.bf16 v7, v6;
	v20 =	vadd.bf16 v20, v56;
	v48 =	vld [tilespmem:s29+$0x4070]  }
0x1de: {  	v7 =	vadd.bf16 v12, v11;
	v10 =	vadd.bf16 v53, v10;
	v12 =	vld [tilespmem:s29+$0x5070];
	v11 =	vunpack.i.l.bf16.f32 v16  }
0x1df: {  	v6 =	vadd.bf16 v6, v9;
	[tilespmem:v62+s10+$0x0] =	vst.idx.msk $0xffff, v11;
	v11 =	vunpack.i.u.bf16.f32 v16;
	v16 =	vadd.bf16 v20, v55;
	v20 =	vld [tilespmem:s29+$0x6070]  }
0x1e0: {  	v9 =	vadd.bf16 v24, v23;
	v19 =	vadd.bf16 v58, v19;
	[tilespmem:v63+s10+$0x0] =	vst.idx.msk $0xffff, v11;
	v11 =	vld [tilespmem:s29+$0x7070]  }
0x1e1: {  	s20 =	sadd.s32 $0x5, s9;
	v10 =	vadd.bf16 v16, v10;
	v16 =	vadd.bf16 v57, v22;
	v22 =	vld [tilespmem:s29+$0x90]  }
0x1e2: {  	v56 =	vor.u32 s20, v0;
	v15 =	vadd.bf16 v17, v15;
	v18 =	vadd.bf16 v27, v18;
	v24 =	vld [tilespmem:s29+$0x1090]  }
0x1e3: {  	v21 =	vadd.bf16 v21, v60;
	v26 =	vadd.bf16 v26, v30;
	v57 =	vor.u32 s20, v1;
	v30 =	vld [tilespmem:s29+$0x2090]  }
0x1e4: {  	v25 =	vadd.bf16 v29, v25;
	v15 =	vadd.bf16 v15, v18;
	v17 =	vld [tilespmem:s29+$0x3090]  }
0x1e5: {  	v8 =	vadd.bf16 v28, v8;
	v5 =	vadd.bf16 v5, v32;
	v18 =	vld [tilespmem:s29+$0x5090]  }
0x1e6: {  	v23 =	vld [tilespmem:s29+$0x6090];
	v9 =	vadd.bf16 v16, v9;
	v16 =	vadd.bf16 v21, v19;
	v59 =	vunpack.i.l.bf16.f32 v10  }
0x1e7: {  	v6 =	vadd.bf16 v6, v7;
	v58 =	vadd.bf16 v26, v25;
	v19 =	vld [tilespmem:s29+$0x4090];
	v10 =	vunpack.i.u.bf16.f32 v10;
	[tilespmem:v56+s10+$0x0] =	vst.idx.msk $0xffff, v59  }
0x1e8: {  	v5 =	vadd.bf16 v5, v8;
	v7 =	vadd.bf16 v16, v9;
	v9 =	vld [tilespmem:s29+$0x7090];
	[tilespmem:v57+s10+$0x0] =	vst.idx.msk $0xffff, v10  }
0x1e9: {  	s23 =	sadd.s32 $0x6, s9;
	v50 =	vor.u32 s0, v3;
	v14 =	vadd.bf16 v34, v14;
	v4 =	vadd.bf16 v61, v4;
	v8 =	vld [tilespmem:s29+$0xB0]  }
0x1ea: {  	v60 =	vor.u32 s23, v0;
	v47 =	vadd.bf16 v44, v43;
	v62 =	vadd.bf16 v38, v37;
	v63 =	vld [tilespmem:s29+$0x10B0]  }
0x1eb: {  	v37 =	vor.u32 s23, v1;
	v38 =	vadd.bf16 v40, v36;
	v40 =	vadd.bf16 v41, v33;
	v41 =	vld [tilespmem:s29+$0x20B0]  }
0x1ec: {  	v15 =	vadd.bf16 v15, v58;
	v58 =	vor.u32 s6, v2;
	v4 =	vadd.bf16 v47, v4;
	v49 =	vld [tilespmem:s29+$0x30B0]  }
0x1ed: {  	v42 =	vor.u32 s0, v2;
	v13 =	vadd.bf16 v39, v13;
	v14 =	vadd.bf16 v62, v14;
	v52 =	vld [tilespmem:s29+$0x40B0]  }
0x1ee: {  	v51 =	vadd.bf16 v40, v38;
	v53 =	vunpack.i.u.bf16.f32 v7;
	v7 =	vunpack.i.l.bf16.f32 v7;
	v54 =	vld [tilespmem:s29+$0x50B0]  }
0x1ef: {  	v61 =	vor.u32 s18, v2;
	v4 =	vadd.bf16 v4, v5;
	v5 =	vadd.bf16 v46, v45;
	v55 =	vld [tilespmem:s29+$0x60B0];
	[tilespmem:v60+s10+$0x0] =	vst.idx.msk $0xffff, v7  }
0x1f0: {  	v12 =	vadd.bf16 v12, v48;
	v14 =	vadd.bf16 v51, v14;
	v10 =	vor.u32 s12, v2;
	v57 =	vld [tilespmem:s29+$0x70B0];
	[tilespmem:v37+s10+$0x0] =	vst.idx.msk $0xffff, v53  }
0x1f1: {  	v62 =	vor.u32 s18, v3;
	v5 =	vadd.bf16 v5, v13;
	v11 =	vadd.bf16 v11, v20;
	v20 =	vld [tilespmem:s29+$0xD0]  }
0x1f2: {  	v16 =	vor.u32 s12, v3;
	v22 =	vadd.bf16 v24, v22;
	v17 =	vadd.bf16 v17, v30;
	v60 =	vld [tilespmem:s29+$0x10D0]  }
0x1f3: {  	v56 =	vor.u32 s9, v3;
	v11 =	vadd.bf16 v11, v12;
	v18 =	vadd.bf16 v18, v19;
	v19 =	vld [tilespmem:s29+$0x20D0]  }
0x1f4: {  	v13 =	vadd.bf16 v17, v22;
	v17 =	vunpack.i.l.bf16.f32 v6;
	v9 =	vadd.bf16 v9, v23;
	v12 =	vld [tilespmem:s29+$0x30D0]  }
0x1f5: {  	v59 =	vor.u32 s6, v3;
	v7 =	vor.u32 s9, v2;
	v6 =	vunpack.i.u.bf16.f32 v6;
	[tilespmem:v10+s10+$0x0] =	vst.idx.msk $0xffff, v17;
	v10 =	vld [tilespmem:s29+$0x50D0]  }
0x1f6: {  	v5 =	vadd.bf16 v11, v5;
	v17 =	vunpack.i.u.bf16.f32 v14;
	v9 =	vadd.bf16 v9, v18;
	v18 =	vld [tilespmem:s29+$0x40D0]  }
0x1f7: {  	v8 =	vadd.bf16 v63, v8;
	[tilespmem:v16+s10+$0x0] =	vst.idx.msk $0xffff, v6;
	v6 =	vunpack.i.l.bf16.f32 v15;
	v11 =	vadd.bf16 v49, v41;
	v16 =	vld [tilespmem:s29+$0x70D0]  }
0x1f8: {  	v63 =	vunpack.i.u.bf16.f32 v4;
	[tilespmem:v42+s10+$0x0] =	vst.idx.msk $0xffff, v6;
	v6 =	vunpack.i.u.bf16.f32 v15;
	v9 =	vadd.bf16 v9, v13;
	v13 =	vld [tilespmem:s29+$0x60D0]  }
0x1f9: {  	v4 =	vunpack.i.l.bf16.f32 v4;
	v15 =	vadd.bf16 v54, v52;
	[tilespmem:v50+s10+$0x0] =	vst.idx.msk $0xffff, v6;
	v6 =	vunpack.i.l.bf16.f32 v14  }
0x1fa: {  	v14 =	vadd.bf16 v57, v55;
	[tilespmem:v7+s10+$0x0] =	vst.idx.msk $0xffff, v6;
	v6 =	vadd.bf16 v11, v8;
	v7 =	vunpack.i.u.bf16.f32 v5  }
0x1fb: {  	[tilespmem:v58+s10+$0x0] =	vst.idx.msk $0xffff, v4;
	v5 =	vunpack.i.l.bf16.f32 v5;
	v11 =	vor.u32 s8, v2;
	v4 =	vadd.bf16 v60, v20  }
0x1fc: {  	[tilespmem:v59+s10+$0x0] =	vst.idx.msk $0xffff, v63;
	v12 =	vadd.bf16 v12, v19;
	v8 =	vadd.bf16 v14, v15;
	v14 =	vor.u32 s8, v3  }
0x1fd: {  	[tilespmem:v56+s10+$0x0] =	vst.idx.msk $0xffff, v17;
	v15 =	vor.u32 s20, v2;
	v10 =	vadd.bf16 v10, v18;
	v13 =	vadd.bf16 v16, v13  }
0x1fe: {  	[tilespmem:v61+s10+$0x0] =	vst.idx.msk $0xffff, v5;
	v5 =	vunpack.i.l.bf16.f32 v9;
	v6 =	vadd.bf16 v8, v6;
	v8 =	vor.u32 s20, v3  }
0x1ff: {  	[tilespmem:v62+s10+$0x0] =	vst.idx.msk $0xffff, v7;
	v4 =	vadd.bf16 v12, v4;
	v7 =	vadd.bf16 v13, v10;
	v10 =	vor.u32 s23, v2  }
0x200: {  	v9 =	vunpack.i.u.bf16.f32 v9;
	[tilespmem:v11+s10+$0x0] =	vst.idx.msk $0xffff, v5;
	v5 =	vor.u32 s23, v3  }
0x201: {  	[tilespmem:v14+s10+$0x0] =	vst.idx.msk $0xffff, v9;
	v9 =	vunpack.i.l.bf16.f32 v6;
	v4 =	vadd.bf16 v7, v4  }
0x202: {  	v6 =	vunpack.i.u.bf16.f32 v6;
	[tilespmem:v15+s10+$0x0] =	vst.idx.msk $0xffff, v9  }
0x203: {  	[tilespmem:v8+s10+$0x0] =	vst.idx.msk $0xffff, v6;
	v6 =	vunpack.i.l.bf16.f32 v4  }
0x204: {  	v4 =	vunpack.i.u.bf16.f32 v4;
	[tilespmem:v10+s10+$0x0] =	vst.idx.msk $0xffff, v6  }
0x205: {  	s29 =	simm.s32 $0x0;
	[tilespmem:v5+s10+$0x0] =	vst.idx.msk $0xffff, v4  }
0x206: {  	[hbm4b:s30+s29] =	stream.linear.scatter [tilespmem:s10], [sflag:$0x5], $0x400, $0x38;
	[tilespmem:$0x15000] =	vst v63  }
0x207: {  	s6 =	simm.s32 $0x11400  }
0x208: {  	[hbm4b:s31+s29] =	stream.linear.scatter [tilespmem:s6], [sflag:$0x5], $0x400, $0x38;
	[tilespmem:$0x15000] =	vst v63  }
0x209: {  	s8 =	simm.s32 $0x11800  }
0x20a: {  	[hbm4b:s1+s29] =	stream.linear.scatter [tilespmem:s8], [sflag:$0x5], $0x400, $0x38;
	[tilespmem:$0x15000] =	vst v63  }
0x20b: {  	s9 =	simm.s32 $0x11C00  }
0x20c: {  	[hbm4b:s14+s29] =	stream.linear.scatter [tilespmem:s9], [sflag:$0x5], $0x400, $0x38;
	[tilespmem:$0x15000] =	vst v63  }
0x20d: {  	s12 =	simm.s32 $0x12000  }
0x20e: {  	[hbm4b:s16+s29] =	stream.linear.scatter [tilespmem:s12], [sflag:$0x5], $0x400, $0x38;
	[tilespmem:$0x15000] =	vst v63  }
0x20f: {  	s14 =	simm.s32 $0x12400  }
0x210: {  	[hbm4b:s2+s29] =	stream.linear.scatter [tilespmem:s14], [sflag:$0x5], $0x400, $0x38;
	[tilespmem:$0x15000] =	vst v63  }
0x211: {  	s15 =	simm.s32 $0x12800  }
0x212: {  	[hbm4b:s3+s29] =	stream.linear.scatter [tilespmem:s15], [sflag:$0x5], $0x400, $0x38;
	[tilespmem:$0x15000] =	vst v63  }
0x213: {  	s18 =	simm.s32 $0x1;
	s16 =	simm.s32 $0x12C00  }
0x214: {  	[hbm4b:s7+s29] =	stream.linear.scatter [tilespmem:s16], [sflag:$0x5], $0x400, $0x38;
	[tilespmem:$0x15000] =	vst v63  }
0x215: {  	_ =	swait.ge [sflag:s18], $0x400  }
0x216: {  	[sflag:s18] =	ssyncset.done $0x0  }
0x217: {  	[sflag:s18] =	ssyncadd.s32 $0xFFFFFC00  }
0x218: {  	v4 =	vld [tilespmem:$0x0]  }
0x219: {  	v5 =	vld [tilespmem:$0x10]  }
0x21a: {  	v6 =	vld [tilespmem:$0x20]  }
0x21b: {  	v7 =	vld [tilespmem:$0x30]  }
0x21c: {  	v8 =	vld [tilespmem:$0x40]  }
0x21d: {  	v9 =	vld [tilespmem:$0x50]  }
0x21e: {  	[tilespmem:$0x800] =	vst v4;
	v4 =	vld [tilespmem:$0x60]  }
0x21f: {  	[tilespmem:$0x810] =	vst v5;
	v5 =	vld [tilespmem:$0x70]  }
0x220: {  	[tilespmem:$0x820] =	vst v6;
	v6 =	vld [tilespmem:$0x80]  }
0x221: {  	[tilespmem:$0x830] =	vst v7;
	v7 =	vld [tilespmem:$0x90]  }
0x222: {  	[tilespmem:$0x840] =	vst v8;
	v8 =	vld [tilespmem:$0xA0]  }
0x223: {  	[tilespmem:$0x850] =	vst v9;
	v9 =	vld [tilespmem:$0xB0]  }
0x224: {  	[tilespmem:$0x860] =	vst v4;
	v4 =	vld [tilespmem:$0xC0]  }
0x225: {  	[tilespmem:$0x870] =	vst v5;
	v5 =	vadd.s32 $0x2010, v6;
	v6 =	vld [tilespmem:$0xD0]  }
0x226: {  	[tilespmem:$0x880] =	vst v5;
	v5 =	vadd.s32 $0x2010, v7;
	v7 =	vld [tilespmem:$0xE0]  }
0x227: {  	[tilespmem:$0x890] =	vst v5;
	v5 =	vadd.s32 $0x2010, v8;
	v8 =	vld [tilespmem:$0xF0]  }
0x228: {  	[tilespmem:$0x8A0] =	vst v5;
	v5 =	vadd.s32 $0x2010, v9;
	v9 =	vld [tilespmem:$0x100]  }
0x229: {  	[tilespmem:$0x8B0] =	vst v5;
	v5 =	vld [tilespmem:$0x110];
	v4 =	vadd.s32 $0x2010, v4  }
0x22a: {  	[tilespmem:$0x8C0] =	vst v4;
	v4 =	vadd.s32 $0x2010, v6;
	v6 =	vld [tilespmem:$0x120]  }
0x22b: {  	[tilespmem:$0x8D0] =	vst v4;
	v4 =	vadd.s32 $0x2010, v7;
	v7 =	vld [tilespmem:$0x130]  }
0x22c: {  	[tilespmem:$0x8E0] =	vst v4;
	v4 =	vadd.s32 $0x2010, v8;
	v8 =	vld [tilespmem:$0x140]  }
0x22d: {  	[tilespmem:$0x8F0] =	vst v4;
	v4 =	vadd.s32 $0x4020, v9;
	v9 =	vld [tilespmem:$0x150]  }
0x22e: {  	[tilespmem:$0x900] =	vst v4;
	v4 =	vadd.s32 $0x4020, v5;
	v5 =	vld [tilespmem:$0x160]  }
0x22f: {  	[tilespmem:$0x910] =	vst v4;
	v4 =	vadd.s32 $0x4020, v6;
	v6 =	vld [tilespmem:$0x170]  }
0x230: {  	[tilespmem:$0x920] =	vst v4;
	v4 =	vadd.s32 $0x4020, v7;
	v7 =	vld [tilespmem:$0x180]  }
0x231: {  	[tilespmem:$0x930] =	vst v4;
	v4 =	vadd.s32 $0x4020, v8;
	v8 =	vld [tilespmem:$0x190]  }
0x232: {  	[tilespmem:$0x940] =	vst v4;
	v4 =	vadd.s32 $0x4020, v9;
	v9 =	vld [tilespmem:$0x1A0]  }
0x233: {  	[tilespmem:$0x950] =	vst v4;
	v4 =	vadd.s32 $0x4020, v5;
	v5 =	vld [tilespmem:$0x1B0]  }
0x234: {  	[tilespmem:$0x960] =	vst v4;
	v4 =	vadd.s32 $0x4020, v6;
	v6 =	vld [tilespmem:$0x1C0]  }
0x235: {  	[tilespmem:$0x970] =	vst v4;
	v4 =	vadd.s32 $0x6030, v7;
	v7 =	vld [tilespmem:$0x1D0]  }
0x236: {  	[tilespmem:$0x980] =	vst v4;
	v4 =	vadd.s32 $0x6030, v8;
	v8 =	vld [tilespmem:$0x1E0]  }
0x237: {  	[tilespmem:$0x990] =	vst v4;
	v4 =	vadd.s32 $0x6030, v9;
	v9 =	vld [tilespmem:$0x1F0]  }
0x238: {  	[tilespmem:$0x9A0] =	vst v4;
	v4 =	vadd.s32 $0x6030, v5;
	v5 =	vld [tilespmem:$0x200]  }
0x239: {  	[tilespmem:$0x9B0] =	vst v4;
	v4 =	vadd.s32 $0x6030, v6;
	v6 =	vld [tilespmem:$0x210]  }
0x23a: {  	[tilespmem:$0x9C0] =	vst v4;
	v4 =	vadd.s32 $0x6030, v7;
	v7 =	vld [tilespmem:$0x220]  }
0x23b: {  	[tilespmem:$0x9D0] =	vst v4;
	v4 =	vadd.s32 $0x6030, v8;
	v8 =	vld [tilespmem:$0x230]  }
0x23c: {  	[tilespmem:$0x9E0] =	vst v4;
	v4 =	vadd.s32 $0x6030, v9;
	v9 =	vld [tilespmem:$0x240]  }
0x23d: {  	[tilespmem:$0x9F0] =	vst v4;
	v4 =	vadd.s32 $0x8040, v5;
	v5 =	vld [tilespmem:$0x250]  }
0x23e: {  	[tilespmem:$0xA00] =	vst v4;
	v4 =	vadd.s32 $0x8040, v6;
	v6 =	vld [tilespmem:$0x260]  }
0x23f: {  	[tilespmem:$0xA10] =	vst v4;
	v4 =	vadd.s32 $0x8040, v7;
	v7 =	vld [tilespmem:$0x270]  }
0x240: {  	[tilespmem:$0xA20] =	vst v4;
	v4 =	vadd.s32 $0x8040, v8;
	v8 =	vld [tilespmem:$0x280]  }
0x241: {  	[tilespmem:$0xA30] =	vst v4;
	v4 =	vadd.s32 $0x8040, v9;
	v9 =	vld [tilespmem:$0x290]  }
0x242: {  	[tilespmem:$0xA40] =	vst v4;
	v4 =	vadd.s32 $0x8040, v5;
	v5 =	vld [tilespmem:$0x2A0]  }
0x243: {  	[tilespmem:$0xA50] =	vst v4;
	v4 =	vadd.s32 $0x8040, v6;
	v6 =	vld [tilespmem:$0x2B0]  }
0x244: {  	[tilespmem:$0xA60] =	vst v4;
	v4 =	vadd.s32 $0x8040, v7;
	v7 =	vld [tilespmem:$0x2C0]  }
0x245: {  	[tilespmem:$0xA70] =	vst v4;
	v4 =	vadd.s32 $0xA050, v8;
	v8 =	vld [tilespmem:$0x2D0]  }
0x246: {  	[tilespmem:$0xA80] =	vst v4;
	v4 =	vadd.s32 $0xA050, v9;
	v9 =	vld [tilespmem:$0x2E0]  }
0x247: {  	[tilespmem:$0xA90] =	vst v4;
	v4 =	vadd.s32 $0xA050, v5;
	v5 =	vld [tilespmem:$0x2F0]  }
0x248: {  	[tilespmem:$0xAA0] =	vst v4;
	v4 =	vadd.s32 $0xA050, v6;
	v6 =	vld [tilespmem:$0x300]  }
0x249: {  	[tilespmem:$0xAB0] =	vst v4;
	v4 =	vadd.s32 $0xA050, v7;
	v7 =	vld [tilespmem:$0x310]  }
0x24a: {  	[tilespmem:$0xAC0] =	vst v4;
	v4 =	vadd.s32 $0xA050, v8;
	v8 =	vld [tilespmem:$0x320]  }
0x24b: {  	[tilespmem:$0xAD0] =	vst v4;
	v4 =	vadd.s32 $0xA050, v9;
	v9 =	vld [tilespmem:$0x330]  }
0x24c: {  	[tilespmem:$0xAE0] =	vst v4;
	v4 =	vadd.s32 $0xA050, v5;
	v5 =	vld [tilespmem:$0x340]  }
0x24d: {  	[tilespmem:$0xAF0] =	vst v4;
	v4 =	vadd.s32 $0xC060, v6;
	v6 =	vld [tilespmem:$0x350]  }
0x24e: {  	[tilespmem:$0xB00] =	vst v4;
	v4 =	vadd.s32 $0xC060, v7;
	v7 =	vld [tilespmem:$0x360]  }
0x24f: {  	[tilespmem:$0xB10] =	vst v4;
	v4 =	vadd.s32 $0xC060, v8;
	v8 =	vld [tilespmem:$0x370]  }
0x250: {  	[tilespmem:$0xB20] =	vst v4;
	v4 =	vadd.s32 $0xC060, v9;
	v9 =	vld [tilespmem:$0x380]  }
0x251: {  	[tilespmem:$0xB30] =	vst v4;
	v4 =	vadd.s32 $0xC060, v5;
	v5 =	vld [tilespmem:$0x390]  }
0x252: {  	[tilespmem:$0xB40] =	vst v4;
	v4 =	vadd.s32 $0xC060, v6;
	v6 =	vld [tilespmem:$0x3A0]  }
0x253: {  	[tilespmem:$0xB50] =	vst v4;
	v4 =	vadd.s32 $0xC060, v7;
	v7 =	vld [tilespmem:$0x3B0]  }
0x254: {  	[tilespmem:$0xB60] =	vst v4;
	v4 =	vadd.s32 $0xC060, v8;
	v8 =	vld [tilespmem:$0x3C0]  }
0x255: {  	[tilespmem:$0xB70] =	vst v4;
	v4 =	vadd.s32 $0xE070, v9;
	v9 =	vld [tilespmem:$0x3D0]  }
0x256: {  	[tilespmem:$0xB80] =	vst v4;
	v4 =	vadd.s32 $0xE070, v5;
	v5 =	vld [tilespmem:$0x3E0]  }
0x257: {  	[tilespmem:$0xB90] =	vst v4;
	v4 =	vadd.s32 $0xE070, v6;
	v6 =	vld [tilespmem:$0x3F0]  }
0x258: {  	[tilespmem:$0xBA0] =	vst v4;
	v4 =	vadd.s32 $0xE070, v7  }
0x259: {  	[tilespmem:$0xBB0] =	vst v4;
	v4 =	vadd.s32 $0xE070, v8  }
0x25a: {  	[tilespmem:$0xBC0] =	vst v4;
	v4 =	vadd.s32 $0xE070, v9  }
0x25b: {  	s23 =	simm.s32 $0x400;
	s7 =	smin.u32 s28, $0xC4;
	s8 =	rddreg [dreg:$0x1a];
	[tilespmem:$0xBD0] =	vst v4;
	v4 =	vadd.s32 $0xE070, v5  }
0x25c: {  	s6 =	simm.s32 $0x1000;
	s20 =	rddreg [dreg:$0xb];
	s0 =	sadd.s32 s7, s8;
	[tilespmem:$0xBE0] =	vst v4;
	v4 =	vadd.s32 $0xE070, v6  }
0x25d: {  	s3 =	simm.s32 $0x800;
	s0 =	sshll.u32 s0, $0x7;
	s9 =	rddreg [dreg:$0x1];
	[tilespmem:$0xBF0] =	vst v4  }
0x25e: {  	[tilespmem:s6], [sflag:$0x3] =	stream.indirect.gather [hbm4b:s20+s23], $0x20, s3, s23, $0xb8;
	[tilespmem:$0x15000] =	vst v63  }
0x25f: {  	s12 =	simm.s32 $0x4;
	s0 =	sadd.s32 s9, s0  }
0x260: {  	[tilespmem:s23], [sflag:$0x2] =	stream.linear.gather [hbm4b:s0+s29], $0x400, $0x38;
	[tilespmem:$0x15000] =	vst v63  }
0x261: {  	_ =	swait.ge [sflag:s12], $0x8000  }
0x262: {  	[sflag:s12] =	ssyncset.done $0x0  }
0x263: {  	[sflag:s12] =	ssyncadd.s32 $0xFFFF8000  }
0x264: {  	_ =	swait.ge [sflag:s25], $0x400  }
0x265: {  	[sflag:s25] =	ssyncset.done $0x0  }
0x266: {  	[sflag:s25] =	ssyncadd.s32 $0xFFFFFC00  }
0x267: {  	_ =	swait.ge [sflag:s25], $0x400  }
0x268: {  	[sflag:s25] =	ssyncset.done $0x0  }
0x269: {  	[sflag:s25] =	ssyncadd.s32 $0xFFFFFC00  }
0x26a: {  	_ =	swait.ge [sflag:s25], $0x400  }
0x26b: {  	[sflag:s25] =	ssyncset.done $0x0  }
0x26c: {  	[sflag:s25] =	ssyncadd.s32 $0xFFFFFC00  }
0x26d: {  	_ =	swait.ge [sflag:s25], $0x400  }
0x26e: {  	[sflag:s25] =	ssyncset.done $0x0  }
0x26f: {  	[sflag:s25] =	ssyncadd.s32 $0xFFFFFC00  }
0x270: {  	_ =	swait.ge [sflag:s25], $0x400  }
0x271: {  	[sflag:s25] =	ssyncset.done $0x0  }
0x272: {  	[sflag:s25] =	ssyncadd.s32 $0xFFFFFC00  }
0x273: {  	_ =	swait.ge [sflag:s25], $0x400  }
0x274: {  	[sflag:s25] =	ssyncset.done $0x0  }
0x275: {  	[sflag:s25] =	ssyncadd.s32 $0xFFFFFC00  }
0x276: {  	_ =	swait.ge [sflag:s25], $0x400  }
0x277: {  	[sflag:s25] =	ssyncset.done $0x0  }
0x278: {  	[sflag:s25] =	ssyncadd.s32 $0xFFFFFC00  }
0x279: {  	_ =	swait.ge [sflag:s25], $0x400  }
0x27a: {  	[sflag:s25] =	ssyncset.done $0x0  }
0x27b: {  	s31 =	simm.s32 $0x9000;
	[sflag:s25] =	ssyncadd.s32 $0xFFFFFC00  }
0x27c: {  	v5 =	vld [tilespmem:s31+$0xE0]  }
0x27d: {  	v6 =	vld [tilespmem:s31+$0x10E0]  }
0x27e: {  	v7 =	vld [tilespmem:s31+$0x20E0]  }
0x27f: {  	v9 =	vld [tilespmem:s31+$0x30E0]  }
0x280: {  	v10 =	vld [tilespmem:s31+$0x40E0]  }
0x281: {  	v11 =	vld [tilespmem:s31+$0x50E0]  }
0x282: {  	v12 =	vld [tilespmem:s31+$0x60E0]  }
0x283: {  	v13 =	vld [tilespmem:s31+$0x70E0]  }
0x284: {  	s14 =	sadd.s32 s28, s11;
	v4 =	vld [tilespmem:s31+$0x1000]  }
0x285: {  	s0 =	sadd.s32 $0x1, s14;
	v16 =	vld [tilespmem:s31+$0x2000]  }
0x286: {  	s16 =	sshll.u32 s0, $0xA;
	s0 =	sshll.u32 s0, $0x7;
	v19 =	vld [tilespmem:s31+$0x3000]  }
0x287: {  	s1 =	sand.u32 $0x7FFE0000, s16;
	s0 =	sand.u32 $0x3F80, s0;
	v8 =	vld [tilespmem:s31+$0x4000];
	v5 =	vadd.bf16 v6, v5;
	v6 =	vadd.bf16 v9, v7  }
0x288: {  	s15 =	simm.s32 $0x400;
	s0 =	sor.u32 s0, s1;
	s23 =	rddreg [dreg:$0x1b];
	v14 =	vld [tilespmem:s31+$0x5000];
	v7 =	vadd.bf16 v11, v10;
	v9 =	vadd.bf16 v13, v12  }
0x289: {  	s9 =	simm.s32 $0x8;
	s30 =	sadd.s32 s0, s23;
	s23 =	simm.s32 $0x7;
	v15 =	vld [tilespmem:s31+$0x6000]  }
0x28a: {  	s2 =	sadd.s32 s0, s17;
	s14 =	sadd.s32 s0, s19;
	s20 =	rddreg [dreg:$0xd];
	v17 =	vld [tilespmem:s31+$0x7000];
	v10 =	vadd.bf16 v6, v5;
	v9 =	vadd.bf16 v9, v7;
	v6 =	vor.u32 s23, v0  }
0x28b: {  	s16 =	sadd.s32 s0, s21;
	s3 =	sadd.s32 s0, s5;
	s18 =	rddreg [dreg:$0x2];
	v18 =	vld [tilespmem:s31+$0x20];
	v7 =	vor.u32 s23, v1  }
0x28c: {  	s7 =	sadd.s32 s0, s13;
	s28 =	sadd.s32 s0, s20;
	s1 =	sadd.s32 s18, s0;
	v5 =	vadd.bf16 v19, v16;
	v19 =	vld [tilespmem:s31+$0x1020];
	v9 =	vadd.bf16 v9, v10  }
.LBB2_5:
0x28d: {  	p0 =	slt.u32 s9, $0x78;
	v8 =	vadd.bf16 v14, v8;
	v10 =	vld [tilespmem:s31+$0x2020]  }
0x28e: {  	v11 =	vld [tilespmem:s31+$0x3020];
	v12 =	vunpack.i.l.bf16.f32 v9  }
0x28f: {  	v9 =	vunpack.i.u.bf16.f32 v9;
	v13 =	vadd.bf16 v17, v15;
	v14 =	vld [tilespmem:s31+$0x4020];
	[tilespmem:v6+s24+$0x0] =	vst.idx.msk $0xffff, v12  }
0x290: {  	v12 =	vld [tilespmem:s31+$0x5020];
	[tilespmem:v7+s24+$0x0] =	vst.idx.msk $0xffff, v9  }
0x291: {  	v6 =	vadd.bf16 v13, v8;
	v7 =	vadd.bf16 v19, v18;
	v8 =	vld [tilespmem:s31+$0xF0]  }
0x292: {  	v9 =	vld [tilespmem:s31+$0x10F0]  }
0x293: {  	v10 =	vadd.bf16 v11, v10;
	v11 =	vld [tilespmem:s31+$0x20F0]  }
0x294: {  	v13 =	vld [tilespmem:s31+$0x30F0]  }
0x295: {  	v12 =	vadd.bf16 v12, v14;
	v7 =	vadd.bf16 v10, v7;
	v10 =	vld [tilespmem:s31+$0x40F0]  }
0x296: {  	v14 =	vld [tilespmem:s31+$0x50F0]  }
0x297: {  	v15 =	vld [tilespmem:s31+$0x60F0]  }
0x298: {  	v16 =	vld [tilespmem:s31+$0x70F0]  }
0x299: {  	v17 =	vld [tilespmem:s31+$0x6020]  }
0x29a: {  	v18 =	vld [tilespmem:s31+$0x7020]  }
0x29b: {  	v19 =	vld [tilespmem:s31+$0x40]  }
0x29c: {  	v8 =	vadd.bf16 v9, v8;
	v9 =	vadd.bf16 v13, v11;
	v20 =	vld [tilespmem:s31+$0x1040]  }
0x29d: {  	v10 =	vadd.bf16 v14, v10;
	v11 =	vld [tilespmem:s31+$0x2040];
	v13 =	vadd.bf16 v16, v15  }
0x29e: {  	v14 =	vld [tilespmem:s31+$0x3040]  }
0x29f: {  	v8 =	vadd.bf16 v9, v8;
	v15 =	vld [tilespmem:s31+$0x4040];
	v9 =	vadd.bf16 v13, v10;
	v10 =	vor.u32 s23, v2  }
0x2a0: {  	v13 =	vadd.bf16 v18, v17;
	v17 =	vor.u32 s23, v3;
	v16 =	vld [tilespmem:s31+$0x5040]  }
0x2a1: {  	s8 =	sadd.s32 $0x1, s29;
	v18 =	vld [tilespmem:s31+$0x6040];
	v19 =	vadd.bf16 v20, v19;
	v8 =	vadd.bf16 v9, v8  }
0x2a2: {  	v9 =	vadd.bf16 v13, v12;
	v12 =	vor.u32 s8, v0;
	v13 =	vld [tilespmem:s31+$0x7040]  }
0x2a3: {  	v20 =	vor.u32 s8, v1;
	v11 =	vadd.bf16 v14, v11;
	v14 =	vld [tilespmem:s31+$0x60];
	v21 =	vunpack.i.l.bf16.f32 v8  }
0x2a4: {  	v7 =	vadd.bf16 v9, v7;
	v8 =	vunpack.i.u.bf16.f32 v8;
	v9 =	vld [tilespmem:s31+$0x1060];
	[tilespmem:v10+s24+$0x0] =	vst.idx.msk $0xffff, v21  }
0x2a5: {  	v10 =	vadd.bf16 v16, v15;
	v11 =	vadd.bf16 v11, v19;
	v15 =	vld [tilespmem:s31+$0x2060];
	[tilespmem:v17+s24+$0x0] =	vst.idx.msk $0xffff, v8  }
0x2a6: {  	v8 =	vunpack.i.u.bf16.f32 v7;
	v7 =	vunpack.i.l.bf16.f32 v7;
	v16 =	vld [tilespmem:s31+$0x3060]  }
0x2a7: {  	[tilespmem:v12+s24+$0x0] =	vst.idx.msk $0xffff, v7;
	v7 =	vadd.bf16 v13, v18;
	v12 =	vld [tilespmem:s31+$0x4060]  }
0x2a8: {  	[tilespmem:v20+s24+$0x0] =	vst.idx.msk $0xffff, v8;
	v8 =	vld [tilespmem:s31+$0x5060]  }
0x2a9: {  	s0 =	sadd.s32 $0x2, s29;
	v7 =	vadd.bf16 v7, v10;
	v10 =	vld [tilespmem:s31+$0x6060];
	v9 =	vadd.bf16 v9, v14  }
0x2aa: {  	v13 =	vor.u32 s0, v0;
	v14 =	vld [tilespmem:s31+$0x7060]  }
0x2ab: {  	v7 =	vadd.bf16 v7, v11;
	v11 =	vor.u32 s0, v1;
	v15 =	vadd.bf16 v16, v15;
	v16 =	vld [tilespmem:s31+$0x80]  }
0x2ac: {  	v17 =	vld [tilespmem:s31+$0x1080]  }
0x2ad: {  	v18 =	vunpack.i.u.bf16.f32 v7;
	v8 =	vadd.bf16 v8, v12;
	v9 =	vadd.bf16 v15, v9;
	v12 =	vld [tilespmem:s31+$0x2080]  }
0x2ae: {  	v7 =	vunpack.i.l.bf16.f32 v7;
	v15 =	vld [tilespmem:s31+$0x3080]  }
0x2af: {  	[tilespmem:v13+s24+$0x0] =	vst.idx.msk $0xffff, v7;
	v7 =	vadd.bf16 v14, v10;
	v10 =	vld [tilespmem:s31+$0x4080]  }
0x2b0: {  	[tilespmem:v11+s24+$0x0] =	vst.idx.msk $0xffff, v18;
	v11 =	vld [tilespmem:s31+$0x5080]  }
0x2b1: {  	s12 =	sadd.s32 $0x3, s29;
	v7 =	vadd.bf16 v7, v8;
	v8 =	vld [tilespmem:s31+$0x6080];
	v13 =	vadd.bf16 v17, v16  }
0x2b2: {  	v14 =	vor.u32 s12, v0;
	v16 =	vld [tilespmem:s31+$0x7080]  }
0x2b3: {  	v7 =	vadd.bf16 v7, v9;
	v9 =	vor.u32 s12, v1;
	v12 =	vadd.bf16 v15, v12;
	v15 =	vld [tilespmem:s31+$0xA0]  }
0x2b4: {  	v17 =	vld [tilespmem:s31+$0x10A0]  }
0x2b5: {  	v18 =	vunpack.i.u.bf16.f32 v7;
	v10 =	vadd.bf16 v11, v10;
	v11 =	vadd.bf16 v12, v13;
	v12 =	vld [tilespmem:s31+$0x20A0]  }
0x2b6: {  	v7 =	vunpack.i.l.bf16.f32 v7;
	v13 =	vld [tilespmem:s31+$0x30A0]  }
0x2b7: {  	[tilespmem:v14+s24+$0x0] =	vst.idx.msk $0xffff, v7;
	v7 =	vadd.bf16 v16, v8;
	v8 =	vld [tilespmem:s31+$0x40A0]  }
0x2b8: {  	[tilespmem:v9+s24+$0x0] =	vst.idx.msk $0xffff, v18;
	v9 =	vld [tilespmem:s31+$0x50A0]  }
0x2b9: {  	s20 =	sadd.s32 $0x4, s29;
	v7 =	vadd.bf16 v7, v10;
	v10 =	vld [tilespmem:s31+$0x60A0];
	v14 =	vadd.bf16 v17, v15  }
0x2ba: {  	v15 =	vor.u32 s20, v0;
	v16 =	vld [tilespmem:s31+$0x70A0]  }
0x2bb: {  	v7 =	vadd.bf16 v7, v11;
	v11 =	vor.u32 s20, v1;
	v12 =	vadd.bf16 v13, v12;
	v13 =	vld [tilespmem:s31+$0xC0]  }
0x2bc: {  	v17 =	vld [tilespmem:s31+$0x10C0]  }
0x2bd: {  	v18 =	vunpack.i.u.bf16.f32 v7;
	v8 =	vadd.bf16 v9, v8;
	v9 =	vadd.bf16 v12, v14;
	v12 =	vld [tilespmem:s31+$0x20C0]  }
0x2be: {  	v7 =	vunpack.i.l.bf16.f32 v7;
	v14 =	vld [tilespmem:s31+$0x30C0]  }
0x2bf: {  	[tilespmem:v15+s24+$0x0] =	vst.idx.msk $0xffff, v7;
	v7 =	vadd.bf16 v16, v10;
	v10 =	vld [tilespmem:s31+$0x40C0]  }
0x2c0: {  	[tilespmem:v11+s24+$0x0] =	vst.idx.msk $0xffff, v18;
	v11 =	vld [tilespmem:s31+$0x50C0]  }
0x2c1: {  	s18 =	sadd.s32 $0x5, s29;
	v7 =	vadd.bf16 v7, v8;
	v8 =	vld [tilespmem:s31+$0x60C0];
	v13 =	vadd.bf16 v17, v13  }
0x2c2: {  	v15 =	vor.u32 s18, v0;
	v16 =	vld [tilespmem:s31+$0x70C0]  }
0x2c3: {  	v17 =	vld [tilespmem:s31+$0x0];
	v7 =	vadd.bf16 v7, v9;
	v9 =	vor.u32 s18, v1;
	v12 =	vadd.bf16 v14, v12  }
0x2c4: {  	v14 =	vld [tilespmem:s31+$0x30]  }
0x2c5: {  	v18 =	vld [tilespmem:s31+$0x1030];
	v19 =	vunpack.i.u.bf16.f32 v7;
	v10 =	vadd.bf16 v11, v10;
	v11 =	vadd.bf16 v12, v13  }
0x2c6: {  	v7 =	vunpack.i.l.bf16.f32 v7;
	v12 =	vld [tilespmem:s31+$0x2030]  }
0x2c7: {  	v13 =	vld [tilespmem:s31+$0x3030];
	[tilespmem:v15+s24+$0x0] =	vst.idx.msk $0xffff, v7;
	v7 =	vadd.bf16 v16, v8  }
0x2c8: {  	s6 =	sadd.s32 $0x6, s29;
	v4 =	vadd.bf16 v4, v17;
	v8 =	vld [tilespmem:s31+$0x4030];
	[tilespmem:v9+s24+$0x0] =	vst.idx.msk $0xffff, v19  }
0x2c9: {  	v9 =	vld [tilespmem:s31+$0x5030];
	v7 =	vadd.bf16 v7, v10;
	v10 =	vor.u32 s6, v0  }
0x2ca: {  	v4 =	vadd.bf16 v5, v4;
	v5 =	vor.u32 s29, v0;
	v15 =	vld [tilespmem:s31+$0x6030];
	v14 =	vadd.bf16 v18, v14  }
0x2cb: {  	v16 =	vor.u32 s29, v1;
	v17 =	vld [tilespmem:s31+$0x7030];
	v7 =	vadd.bf16 v7, v11  }
0x2cc: {  	v4 =	vadd.bf16 v6, v4;
	v6 =	vadd.bf16 v13, v12;
	v11 =	vld [tilespmem:s31+$0x50];
	v12 =	vor.u32 s6, v1  }
0x2cd: {  	v13 =	vld [tilespmem:s31+$0x1050];
	v18 =	vunpack.i.u.bf16.f32 v7;
	v7 =	vunpack.i.l.bf16.f32 v7  }
0x2ce: {  	v19 =	vunpack.i.u.bf16.f32 v4;
	v4 =	vunpack.i.l.bf16.f32 v4;
	v8 =	vadd.bf16 v9, v8;
	v9 =	vld [tilespmem:s31+$0x2050];
	[tilespmem:v10+s24+$0x0] =	vst.idx.msk $0xffff, v7  }
0x2cf: {  	[tilespmem:v5+s24+$0x0] =	vst.idx.msk $0xffff, v4;
	v4 =	vadd.bf16 v6, v14;
	v5 =	vld [tilespmem:s31+$0x3050]  }
0x2d0: {  	[tilespmem:v16+s24+$0x0] =	vst.idx.msk $0xffff, v19;
	v6 =	vadd.bf16 v17, v15;
	v7 =	vld [tilespmem:s31+$0x4050]  }
0x2d1: {  	v10 =	vld [tilespmem:s31+$0x10];
	[tilespmem:v12+s24+$0x0] =	vst.idx.msk $0xffff, v18  }
0x2d2: {  	v12 =	vld [tilespmem:s31+$0x1010];
	v6 =	vadd.bf16 v6, v8;
	v8 =	vor.u32 s8, v2;
	v11 =	vadd.bf16 v13, v11  }
0x2d3: {  	v14 =	vor.u32 s8, v3;
	v13 =	vld [tilespmem:s31+$0x2010]  }
0x2d4: {  	v15 =	vld [tilespmem:s31+$0x3010];
	v4 =	vadd.bf16 v6, v4;
	v5 =	vadd.bf16 v5, v9  }
0x2d5: {  	v6 =	vld [tilespmem:s31+$0x4010]  }
0x2d6: {  	v9 =	vld [tilespmem:s31+$0x5010];
	v16 =	vunpack.i.u.bf16.f32 v4;
	v4 =	vunpack.i.l.bf16.f32 v4;
	v5 =	vadd.bf16 v5, v11  }
0x2d7: {  	v11 =	vld [tilespmem:s31+$0x6010];
	v10 =	vadd.bf16 v12, v10;
	[tilespmem:v8+s24+$0x0] =	vst.idx.msk $0xffff, v4  }
0x2d8: {  	v4 =	vld [tilespmem:s31+$0x7010];
	[tilespmem:v14+s24+$0x0] =	vst.idx.msk $0xffff, v16  }
0x2d9: {  	v8 =	vadd.bf16 v15, v13;
	v12 =	vld [tilespmem:s31+$0x5050]  }
0x2da: {  	v13 =	vld [tilespmem:s31+$0x6050]  }
0x2db: {  	v6 =	vadd.bf16 v9, v6;
	v8 =	vadd.bf16 v8, v10;
	v9 =	vld [tilespmem:s31+$0x7050]  }
0x2dc: {  	v10 =	vld [tilespmem:s31+$0x70]  }
0x2dd: {  	v4 =	vadd.bf16 v4, v11;
	v11 =	vld [tilespmem:s31+$0x1070]  }
0x2de: {  	v7 =	vadd.bf16 v12, v7;
	v12 =	vld [tilespmem:s31+$0x2070]  }
0x2df: {  	v4 =	vadd.bf16 v4, v6;
	v6 =	vor.u32 s29, v2;
	v14 =	vld [tilespmem:s31+$0x3070]  }
0x2e0: {  	v15 =	vor.u32 s29, v3;
	s29 =	smov.u32 s9;
	v9 =	vadd.bf16 v9, v13;
	v13 =	vld [tilespmem:s31+$0x4070]  }
0x2e1: {  	v4 =	vadd.bf16 v4, v8;
	v8 =	vld [tilespmem:s31+$0x5070]  }
0x2e2: {  	v7 =	vadd.bf16 v9, v7;
	v9 =	vld [tilespmem:s31+$0x6070];
	v10 =	vadd.bf16 v11, v10  }
0x2e3: {  	v16 =	vor.u32 s0, v2;
	v11 =	vunpack.i.u.bf16.f32 v4;
	v4 =	vunpack.i.l.bf16.f32 v4;
	v17 =	vld [tilespmem:s31+$0x7070]  }
0x2e4: {  	[tilespmem:v6+s24+$0x0] =	vst.idx.msk $0xffff, v4;
	v4 =	vadd.bf16 v7, v5;
	v5 =	vor.u32 s0, v3;
	v6 =	vadd.bf16 v14, v12;
	v7 =	vld [tilespmem:s31+$0x90]  }
0x2e5: {  	[tilespmem:v15+s24+$0x0] =	vst.idx.msk $0xffff, v11;
	v11 =	vld [tilespmem:s31+$0x1090]  }
0x2e6: {  	v12 =	vunpack.i.u.bf16.f32 v4;
	v8 =	vadd.bf16 v8, v13;
	v6 =	vadd.bf16 v6, v10;
	v10 =	vld [tilespmem:s31+$0x2090]  }
0x2e7: {  	v4 =	vunpack.i.l.bf16.f32 v4;
	v13 =	vld [tilespmem:s31+$0x3090]  }
0x2e8: {  	[tilespmem:v16+s24+$0x0] =	vst.idx.msk $0xffff, v4;
	v4 =	vadd.bf16 v17, v9;
	v9 =	vld [tilespmem:s31+$0x4090]  }
0x2e9: {  	[tilespmem:v5+s24+$0x0] =	vst.idx.msk $0xffff, v12;
	v5 =	vld [tilespmem:s31+$0x5090]  }
0x2ea: {  	v4 =	vadd.bf16 v4, v8;
	v8 =	vld [tilespmem:s31+$0x6090];
	v7 =	vadd.bf16 v11, v7  }
0x2eb: {  	v11 =	vor.u32 s12, v2;
	v12 =	vld [tilespmem:s31+$0x7090]  }
0x2ec: {  	v4 =	vadd.bf16 v4, v6;
	v6 =	vor.u32 s12, v3;
	v10 =	vadd.bf16 v13, v10;
	v13 =	vld [tilespmem:s31+$0xB0]  }
0x2ed: {  	v14 =	vld [tilespmem:s31+$0x10B0]  }
0x2ee: {  	v15 =	vunpack.i.u.bf16.f32 v4;
	v5 =	vadd.bf16 v5, v9;
	v7 =	vadd.bf16 v10, v7;
	v9 =	vld [tilespmem:s31+$0x20B0]  }
0x2ef: {  	v4 =	vunpack.i.l.bf16.f32 v4;
	v10 =	vld [tilespmem:s31+$0x30B0]  }
0x2f0: {  	[tilespmem:v11+s24+$0x0] =	vst.idx.msk $0xffff, v4;
	v4 =	vadd.bf16 v12, v8;
	v8 =	vld [tilespmem:s31+$0x40B0]  }
0x2f1: {  	[tilespmem:v6+s24+$0x0] =	vst.idx.msk $0xffff, v15;
	v6 =	vld [tilespmem:s31+$0x50B0]  }
0x2f2: {  	v4 =	vadd.bf16 v4, v5;
	v5 =	vld [tilespmem:s31+$0x60B0];
	v11 =	vadd.bf16 v14, v13  }
0x2f3: {  	v12 =	vor.u32 s20, v2;
	v13 =	vld [tilespmem:s31+$0x70B0]  }
0x2f4: {  	v4 =	vadd.bf16 v4, v7;
	v7 =	vor.u32 s20, v3;
	v9 =	vadd.bf16 v10, v9;
	v10 =	vld [tilespmem:s31+$0xD0]  }
0x2f5: {  	v14 =	vld [tilespmem:s31+$0x10D0]  }
0x2f6: {  	v15 =	vunpack.i.u.bf16.f32 v4;
	v6 =	vadd.bf16 v6, v8;
	v8 =	vadd.bf16 v9, v11;
	v9 =	vld [tilespmem:s31+$0x20D0]  }
0x2f7: {  	v4 =	vunpack.i.l.bf16.f32 v4;
	v11 =	vld [tilespmem:s31+$0x30D0]  }
0x2f8: {  	[tilespmem:v12+s24+$0x0] =	vst.idx.msk $0xffff, v4;
	v4 =	vadd.bf16 v13, v5;
	v5 =	vld [tilespmem:s31+$0x40D0]  }
0x2f9: {  	[tilespmem:v7+s24+$0x0] =	vst.idx.msk $0xffff, v15;
	v7 =	vld [tilespmem:s31+$0x50D0]  }
0x2fa: {  	v4 =	vadd.bf16 v4, v6;
	v6 =	vld [tilespmem:s31+$0x60D0];
	v10 =	vadd.bf16 v14, v10  }
0x2fb: {  	v12 =	vor.u32 s18, v2;
	v13 =	vld [tilespmem:s31+$0x70D0];
	s31 =	sadd.s32 $0x100, s31  }
0x2fc: {  	v14 =	vld [tilespmem:s31+$0xE0];
	v4 =	vadd.bf16 v4, v8;
	v8 =	vor.u32 s18, v3;
	v9 =	vadd.bf16 v11, v9  }
0x2fd: {  	v11 =	vld [tilespmem:s31+$0x10E0]  }
0x2fe: {  	v15 =	vld [tilespmem:s31+$0x20E0];
	v16 =	vunpack.i.u.bf16.f32 v4;
	v5 =	vadd.bf16 v7, v5;
	v7 =	vadd.bf16 v9, v10  }
0x2ff: {  	v4 =	vunpack.i.l.bf16.f32 v4;
	v9 =	vld [tilespmem:s31+$0x30E0]  }
0x300: {  	v10 =	vld [tilespmem:s31+$0x40E0];
	[tilespmem:v12+s24+$0x0] =	vst.idx.msk $0xffff, v4;
	v4 =	vadd.bf16 v13, v6  }
0x301: {  	v6 =	vld [tilespmem:s31+$0x50E0];
	[tilespmem:v8+s24+$0x0] =	vst.idx.msk $0xffff, v16  }
0x302: {  	v13 =	vor.u32 s6, v2;
	v12 =	vld [tilespmem:s31+$0x60E0];
	v5 =	vadd.bf16 v4, v5  }
0x303: {  	v17 =	vor.u32 s6, v3;
	v16 =	vld [tilespmem:s31+$0x70E0]  }
0x304: {  	v4 =	vld [tilespmem:s31+$0x1000];
	v5 =	vadd.bf16 v5, v7  }
0x305: {  	v7 =	vld [tilespmem:s31+$0x2000]  }
0x306: {  	v18 =	vld [tilespmem:s31+$0x3000];
	v19 =	vunpack.i.u.bf16.f32 v5;
	v5 =	vunpack.i.l.bf16.f32 v5  }
0x307: {  	v11 =	vadd.bf16 v11, v14;
	v9 =	vadd.bf16 v9, v15;
	v8 =	vld [tilespmem:s31+$0x4000];
	[tilespmem:v13+s24+$0x0] =	vst.idx.msk $0xffff, v5  }
.Ltmp1:
0x308: {  	v5 =	vadd.bf16 v6, v10;
	v14 =	vld [tilespmem:s31+$0x5000];
	v6 =	vadd.bf16 v16, v12;
	[tilespmem:v17+s24+$0x0] =	vst.idx.msk $0xffff, v19;
	(pc) =	sbr.rel @p0 .LBB2_5-.Ltmp1, $4  }
0x309: {  	s23 =	sadd.s32 $0x7, s9;
	v15 =	vld [tilespmem:s31+$0x6000]  }
0x30a: {  	v9 =	vadd.bf16 v9, v11;
	v17 =	vld [tilespmem:s31+$0x7000];
	v10 =	vadd.bf16 v6, v5;
	v6 =	vor.u32 s23, v0  }
0x30b: {  	v5 =	vadd.bf16 v18, v7;
	v18 =	vld [tilespmem:s31+$0x20];
	v7 =	vor.u32 s23, v1  }
0x30c: {  	s9 =	sadd.s32 $0x8, s9;
	v19 =	vld [tilespmem:s31+$0x1020];
	v9 =	vadd.bf16 v10, v9  }
0x30d: {  	v20 =	vld [tilespmem:s31+$0x2020]  }
0x30e: {  	v21 =	vld [tilespmem:s31+$0x3020]  }
0x30f: {  	v22 =	vld [tilespmem:s31+$0x4020]  }
0x310: {  	v23 =	vld [tilespmem:s31+$0x5020]  }
0x311: {  	v24 =	vld [tilespmem:s31+$0x6020]  }
0x312: {  	v25 =	vld [tilespmem:s31+$0x7020]  }
0x313: {  	v26 =	vld [tilespmem:s31+$0x40]  }
0x314: {  	v27 =	vld [tilespmem:s31+$0x1040]  }
0x315: {  	v28 =	vld [tilespmem:s31+$0x2040]  }
0x316: {  	v29 =	vld [tilespmem:s31+$0x3040]  }
0x317: {  	v30 =	vld [tilespmem:s31+$0x4040]  }
0x318: {  	v31 =	vld [tilespmem:s31+$0x5040]  }
0x319: {  	v32 =	vld [tilespmem:s31+$0x6040]  }
0x31a: {  	v33 =	vld [tilespmem:s31+$0x7040]  }
0x31b: {  	v34 =	vld [tilespmem:s31+$0x60]  }
0x31c: {  	v35 =	vld [tilespmem:s31+$0x1060]  }
0x31d: {  	v36 =	vld [tilespmem:s31+$0x2060]  }
0x31e: {  	v37 =	vld [tilespmem:s31+$0x3060]  }
0x31f: {  	v38 =	vld [tilespmem:s31+$0x4060]  }
0x320: {  	v39 =	vld [tilespmem:s31+$0x5060]  }
0x321: {  	v40 =	vld [tilespmem:s31+$0x6060]  }
0x322: {  	v41 =	vld [tilespmem:s31+$0x7060]  }
0x323: {  	v42 =	vld [tilespmem:s31+$0x80]  }
0x324: {  	v43 =	vld [tilespmem:s31+$0x1080]  }
0x325: {  	v44 =	vld [tilespmem:s31+$0x2080]  }
0x326: {  	v45 =	vld [tilespmem:s31+$0x3080]  }
0x327: {  	v46 =	vld [tilespmem:s31+$0x4080]  }
0x328: {  	v47 =	vld [tilespmem:s31+$0x5080]  }
0x329: {  	v48 =	vld [tilespmem:s31+$0x6080]  }
0x32a: {  	v49 =	vld [tilespmem:s31+$0x7080]  }
0x32b: {  	v50 =	vld [tilespmem:s31+$0xA0]  }
0x32c: {  	v51 =	vld [tilespmem:s31+$0x10A0]  }
0x32d: {  	v52 =	vld [tilespmem:s31+$0x20A0]  }
0x32e: {  	v53 =	vld [tilespmem:s31+$0x30A0]  }
0x32f: {  	v54 =	vld [tilespmem:s31+$0x40A0]  }
0x330: {  	v55 =	vld [tilespmem:s31+$0x50A0];
	v10 =	vunpack.i.l.bf16.f32 v9  }
0x331: {  	v56 =	vld [tilespmem:s31+$0x60A0];
	v57 =	vunpack.i.u.bf16.f32 v9;
	[tilespmem:v6+s24+$0x0] =	vst.idx.msk $0xffff, v10  }
0x332: {  	[tilespmem:v7+s24+$0x0] =	vst.idx.msk $0xffff, v57;
	v57 =	vld [tilespmem:s31+$0x30C0]  }
0x333: {  	v11 =	vld [tilespmem:s31+$0xF0]  }
0x334: {  	v12 =	vld [tilespmem:s31+$0x10F0]  }
0x335: {  	v13 =	vld [tilespmem:s31+$0x20F0]  }
0x336: {  	v16 =	vld [tilespmem:s31+$0x30F0]  }
0x337: {  	v9 =	vld [tilespmem:s31+$0x40F0]  }
0x338: {  	v10 =	vld [tilespmem:s31+$0x50F0]  }
0x339: {  	v6 =	vld [tilespmem:s31+$0x60F0]  }
0x33a: {  	v7 =	vld [tilespmem:s31+$0x70F0];
	v18 =	vadd.bf16 v19, v18;
	v58 =	vadd.bf16 v21, v20  }
0x33b: {  	v19 =	vld [tilespmem:s31+$0x40C0];
	v59 =	vadd.bf16 v23, v22;
	v60 =	vadd.bf16 v25, v24  }
0x33c: {  	s6 =	sadd.s32 $0x1, s29;
	v20 =	vld [tilespmem:s31+$0x70A0]  }
0x33d: {  	v23 =	vld [tilespmem:s31+$0xC0];
	v21 =	vor.u32 s6, v0;
	v18 =	vadd.bf16 v58, v18;
	v61 =	vadd.bf16 v60, v59  }
0x33e: {  	v24 =	vld [tilespmem:s31+$0x10C0];
	v25 =	vor.u32 s6, v1  }
0x33f: {  	v22 =	vld [tilespmem:s31+$0x20C0];
	v18 =	vadd.bf16 v61, v18  }
0x340: {  	v58 =	vld [tilespmem:s31+$0x50C0]  }
0x341: {  	v60 =	vld [tilespmem:s31+$0x60C0];
	v59 =	vunpack.i.l.bf16.f32 v18  }
0x342: {  	v26 =	vadd.bf16 v27, v26;
	v62 =	vadd.bf16 v29, v28;
	v18 =	vunpack.i.u.bf16.f32 v18;
	[tilespmem:v21+s24+$0x0] =	vst.idx.msk $0xffff, v59;
	v21 =	vld [tilespmem:s31+$0x70C0]  }
0x343: {  	v63 =	vadd.bf16 v31, v30;
	v33 =	vadd.bf16 v33, v32;
	v59 =	vld [tilespmem:s31+$0x0];
	[tilespmem:v25+s24+$0x0] =	vst.idx.msk $0xffff, v18  }
0x344: {  	s0 =	sadd.s32 $0x2, s29;
	v25 =	vld [tilespmem:s31+$0x30]  }
0x345: {  	v26 =	vadd.bf16 v62, v26;
	v62 =	vor.u32 s0, v0;
	v61 =	vadd.bf16 v33, v63;
	v29 =	vld [tilespmem:s31+$0x1030]  }
0x346: {  	v8 =	vadd.bf16 v14, v8;
	v63 =	vor.u32 s0, v1;
	v30 =	vld [tilespmem:s31+$0x2030]  }
0x347: {  	v15 =	vadd.bf16 v17, v15;
	v33 =	vadd.bf16 v61, v26;
	v26 =	vld [tilespmem:s31+$0x3030]  }
0x348: {  	v18 =	vld [tilespmem:s31+$0x4030];
	v4 =	vadd.bf16 v4, v59  }
0x349: {  	v8 =	vadd.bf16 v15, v8;
	v27 =	vld [tilespmem:s31+$0x5030];
	v59 =	vunpack.i.l.bf16.f32 v33  }
0x34a: {  	v17 =	vunpack.i.u.bf16.f32 v33;
	v15 =	vld [tilespmem:s31+$0x6030];
	[tilespmem:v62+s24+$0x0] =	vst.idx.msk $0xffff, v59;
	v4 =	vadd.bf16 v5, v4;
	v5 =	vor.u32 s29, v0  }
0x34b: {  	v61 =	vor.u32 s29, v1;
	[tilespmem:v63+s24+$0x0] =	vst.idx.msk $0xffff, v17;
	v17 =	vld [tilespmem:s31+$0x7030]  }
0x34c: {  	v28 =	vld [tilespmem:s31+$0x1050];
	v4 =	vadd.bf16 v8, v4  }
0x34d: {  	v32 =	vld [tilespmem:s31+$0x2050]  }
0x34e: {  	v8 =	vld [tilespmem:s31+$0x50];
	v62 =	vunpack.i.l.bf16.f32 v4  }
0x34f: {  	v4 =	vunpack.i.u.bf16.f32 v4;
	[tilespmem:v5+s24+$0x0] =	vst.idx.msk $0xffff, v62;
	v5 =	vld [tilespmem:s31+$0x3050]  }
0x350: {  	[tilespmem:v61+s24+$0x0] =	vst.idx.msk $0xffff, v4;
	v4 =	vld [tilespmem:s31+$0x4050]  }
0x351: {  	v14 =	vld [tilespmem:s31+$0x10]  }
0x352: {  	v59 =	vadd.bf16 v37, v36;
	v63 =	vadd.bf16 v35, v34;
	v34 =	vld [tilespmem:s31+$0x1010]  }
0x353: {  	v62 =	vadd.bf16 v41, v40;
	v61 =	vadd.bf16 v39, v38;
	v37 =	vld [tilespmem:s31+$0x2010]  }
0x354: {  	s8 =	sadd.s32 $0x3, s29;
	v38 =	vld [tilespmem:s31+$0x3010]  }
0x355: {  	v35 =	vor.u32 s8, v0;
	v31 =	vadd.bf16 v59, v63;
	v36 =	vld [tilespmem:s31+$0x4010];
	v63 =	vadd.bf16 v62, v61  }
0x356: {  	v39 =	vor.u32 s8, v1;
	v40 =	vld [tilespmem:s31+$0x5010]  }
0x357: {  	v33 =	vld [tilespmem:s31+$0x6010];
	v31 =	vadd.bf16 v63, v31  }
0x358: {  	v41 =	vld [tilespmem:s31+$0x7010]  }
0x359: {  	v61 =	vld [tilespmem:s31+$0x5050];
	v59 =	vunpack.i.l.bf16.f32 v31  }
0x35a: {  	v48 =	vadd.bf16 v49, v48;
	v62 =	vadd.bf16 v45, v44;
	v44 =	vld [tilespmem:s31+$0x7050];
	v31 =	vunpack.i.u.bf16.f32 v31;
	[tilespmem:v35+s24+$0x0] =	vst.idx.msk $0xffff, v59  }
0x35b: {  	v63 =	vadd.bf16 v47, v46;
	v59 =	vadd.bf16 v43, v42;
	v43 =	vld [tilespmem:s31+$0x6050];
	[tilespmem:v39+s24+$0x0] =	vst.idx.msk $0xffff, v31  }
0x35c: {  	s9 =	sadd.s32 $0x4, s29;
	v11 =	vadd.bf16 v12, v11;
	v12 =	vadd.bf16 v16, v13;
	v13 =	vld [tilespmem:s31+$0x70]  }
0x35d: {  	v35 =	vor.u32 s9, v0;
	v31 =	vadd.bf16 v48, v63;
	v49 =	vadd.bf16 v62, v59;
	v39 =	vld [tilespmem:s31+$0x1070]  }
0x35e: {  	v9 =	vadd.bf16 v10, v9;
	v59 =	vor.u32 s9, v1;
	v45 =	vld [tilespmem:s31+$0x2070]  }
0x35f: {  	v20 =	vadd.bf16 v20, v56;
	v46 =	vld [tilespmem:s31+$0x3070];
	v16 =	vadd.bf16 v31, v49  }
0x360: {  	v56 =	vadd.bf16 v24, v23;
	v63 =	vadd.bf16 v55, v54;
	v48 =	vld [tilespmem:s31+$0x4070]  }
0x361: {  	v62 =	vadd.bf16 v53, v52;
	v52 =	vadd.bf16 v12, v11;
	v12 =	vld [tilespmem:s31+$0x5070];
	v53 =	vunpack.i.l.bf16.f32 v16  }
0x362: {  	v19 =	vadd.bf16 v58, v19;
	v21 =	vadd.bf16 v21, v60;
	v23 =	vld [tilespmem:s31+$0x7070];
	v54 =	vunpack.i.u.bf16.f32 v16;
	[tilespmem:v35+s24+$0x0] =	vst.idx.msk $0xffff, v53  }
0x363: {  	v22 =	vadd.bf16 v57, v22;
	v55 =	vadd.bf16 v20, v63;
	v20 =	vld [tilespmem:s31+$0x6070];
	[tilespmem:v59+s24+$0x0] =	vst.idx.msk $0xffff, v54  }
0x364: {  	s18 =	sadd.s32 $0x6, s29;
	v19 =	vadd.bf16 v21, v19;
	v37 =	vadd.bf16 v38, v37;
	v24 =	vld [tilespmem:s31+$0x90]  }
0x365: {  	v38 =	vadd.bf16 v40, v36;
	v40 =	vor.u32 s18, v0;
	v11 =	vadd.bf16 v22, v56;
	v16 =	vld [tilespmem:s31+$0x1090]  }
0x366: {  	v10 =	vadd.bf16 v51, v50;
	v25 =	vadd.bf16 v29, v25;
	v47 =	vor.u32 s18, v1;
	v21 =	vld [tilespmem:s31+$0x2090]  }
0x367: {  	v26 =	vadd.bf16 v26, v30;
	v11 =	vadd.bf16 v19, v11;
	v29 =	vld [tilespmem:s31+$0x3090]  }
0x368: {  	v18 =	vadd.bf16 v27, v18;
	v15 =	vadd.bf16 v17, v15;
	v17 =	vld [tilespmem:s31+$0x4090]  }
0x369: {  	v6 =	vadd.bf16 v7, v6;
	v54 =	vunpack.i.u.bf16.f32 v11;
	v11 =	vunpack.i.l.bf16.f32 v11;
	v19 =	vld [tilespmem:s31+$0x5090]  }
0x36a: {  	v63 =	vadd.bf16 v26, v25;
	v35 =	vadd.bf16 v15, v18;
	v15 =	vld [tilespmem:s31+$0x6090];
	[tilespmem:v40+s24+$0x0] =	vst.idx.msk $0xffff, v11  }
0x36b: {  	s12 =	sadd.s32 $0x5, s29;
	v8 =	vadd.bf16 v28, v8;
	v14 =	vadd.bf16 v34, v14;
	v18 =	vld [tilespmem:s31+$0x7090];
	[tilespmem:v47+s24+$0x0] =	vst.idx.msk $0xffff, v54  }
0x36c: {  	v10 =	vadd.bf16 v62, v10;
	v59 =	vor.u32 s12, v0;
	v7 =	vadd.bf16 v35, v63;
	v63 =	vld [tilespmem:s31+$0xD0]  }
0x36d: {  	v60 =	vor.u32 s12, v1;
	v5 =	vadd.bf16 v5, v32;
	v42 =	vadd.bf16 v41, v33;
	v34 =	vld [tilespmem:s31+$0x10D0]  }
0x36e: {  	v57 =	vor.u32 s6, v2;
	v14 =	vadd.bf16 v37, v14;
	v10 =	vadd.bf16 v55, v10;
	v37 =	vld [tilespmem:s31+$0x20D0]  }
0x36f: {  	v6 =	vadd.bf16 v6, v9;
	v9 =	vor.u32 s23, v2;
	v56 =	vadd.bf16 v39, v13;
	v39 =	vld [tilespmem:s31+$0x30D0]  }
0x370: {  	v5 =	vadd.bf16 v5, v8;
	v27 =	vadd.bf16 v42, v38;
	v62 =	vunpack.i.l.bf16.f32 v10;
	v41 =	vld [tilespmem:s31+$0x40D0]  }
0x371: {  	v6 =	vadd.bf16 v6, v52;
	v52 =	vadd.bf16 v44, v43;
	v31 =	vunpack.i.u.bf16.f32 v10;
	v43 =	vld [tilespmem:s31+$0x50D0];
	[tilespmem:v59+s24+$0x0] =	vst.idx.msk $0xffff, v62  }
0x372: {  	v36 =	vor.u32 s29, v2;
	v4 =	vadd.bf16 v61, v4;
	v58 =	vadd.bf16 v46, v45;
	v46 =	vld [tilespmem:s31+$0x60D0];
	[tilespmem:v60+s24+$0x0] =	vst.idx.msk $0xffff, v31  }
0x373: {  	v22 =	vor.u32 s23, v3;
	v38 =	vor.u32 s29, v3;
	v14 =	vadd.bf16 v27, v14;
	v26 =	vld [tilespmem:s31+$0xB0]  }
0x374: {  	v50 =	vunpack.i.l.bf16.f32 v6;
	v12 =	vadd.bf16 v12, v48;
	v20 =	vadd.bf16 v23, v20;
	v31 =	vld [tilespmem:s31+$0x10B0]  }
0x375: {  	v6 =	vunpack.i.u.bf16.f32 v6;
	v4 =	vadd.bf16 v52, v4;
	v45 =	vor.u32 s0, v3;
	v49 =	vld [tilespmem:s31+$0x20B0]  }
0x376: {  	v52 =	vor.u32 s8, v2;
	v11 =	vadd.bf16 v58, v56;
	v12 =	vadd.bf16 v20, v12;
	v51 =	vld [tilespmem:s31+$0x30B0]  }
0x377: {  	v40 =	vunpack.i.u.bf16.f32 v14;
	v4 =	vadd.bf16 v4, v5;
	v5 =	vor.u32 s0, v2;
	v53 =	vld [tilespmem:s31+$0x40B0]  }
0x378: {  	v14 =	vunpack.i.l.bf16.f32 v14;
	v56 =	vor.u32 s12, v2;
	v42 =	vadd.bf16 v12, v11;
	v55 =	vld [tilespmem:s31+$0x50B0]  }
0x379: {  	v48 =	vunpack.i.u.bf16.f32 v4;
	v16 =	vadd.bf16 v16, v24;
	v21 =	vadd.bf16 v29, v21;
	v59 =	vld [tilespmem:s31+$0x60B0]  }
0x37a: {  	[tilespmem:v9+s24+$0x0] =	vst.idx.msk $0xffff, v50;
	v4 =	vunpack.i.l.bf16.f32 v4;
	v17 =	vadd.bf16 v19, v17;
	v15 =	vadd.bf16 v18, v15;
	v61 =	vld [tilespmem:s31+$0x70B0]  }
0x37b: {  	[tilespmem:v22+s24+$0x0] =	vst.idx.msk $0xffff, v6;
	v50 =	vld [tilespmem:s31+$0x70D0];
	v62 =	vunpack.i.u.bf16.f32 v7;
	v7 =	vunpack.i.l.bf16.f32 v7;
	v16 =	vadd.bf16 v21, v16  }
0x37c: {  	v60 =	vor.u32 s6, v3;
	[tilespmem:v5+s24+$0x0] =	vst.idx.msk $0xffff, v4;
	v15 =	vadd.bf16 v15, v17;
	v4 =	vadd.bf16 v34, v63  }
0x37d: {  	[tilespmem:v36+s24+$0x0] =	vst.idx.msk $0xffff, v14;
	v9 =	vunpack.i.l.bf16.f32 v42;
	v18 =	vadd.bf16 v39, v37;
	v11 =	vadd.bf16 v43, v41  }
0x37e: {  	[tilespmem:v38+s24+$0x0] =	vst.idx.msk $0xffff, v40;
	v47 =	vadd.bf16 v51, v49;
	v49 =	vadd.bf16 v55, v53;
	v53 =	vor.u32 s8, v3  }
0x37f: {  	[tilespmem:v57+s24+$0x0] =	vst.idx.msk $0xffff, v7;
	v44 =	vadd.bf16 v31, v26;
	v51 =	vadd.bf16 v61, v59;
	v55 =	vor.u32 s9, v2  }
0x380: {  	v5 =	vor.u32 s9, v3;
	[tilespmem:v45+s24+$0x0] =	vst.idx.msk $0xffff, v48;
	v57 =	vadd.bf16 v50, v46;
	v15 =	vadd.bf16 v15, v16  }
0x381: {  	v54 =	vunpack.i.u.bf16.f32 v42;
	[tilespmem:v52+s24+$0x0] =	vst.idx.msk $0xffff, v9;
	v6 =	vadd.bf16 v47, v44;
	v10 =	vadd.bf16 v51, v49  }
0x382: {  	v4 =	vadd.bf16 v18, v4;
	[tilespmem:v60+s24+$0x0] =	vst.idx.msk $0xffff, v62;
	v60 =	vadd.bf16 v57, v11;
	v59 =	vor.u32 s12, v3  }
0x383: {  	v58 =	vunpack.i.l.bf16.f32 v15;
	v61 =	vor.u32 s18, v2;
	v6 =	vadd.bf16 v10, v6;
	[tilespmem:v53+s24+$0x0] =	vst.idx.msk $0xffff, v54  }
0x384: {  	v63 =	vor.u32 s18, v3;
	v62 =	vunpack.i.u.bf16.f32 v15;
	[tilespmem:v55+s24+$0x0] =	vst.idx.msk $0xffff, v58  }
0x385: {  	v4 =	vadd.bf16 v60, v4;
	[tilespmem:v5+s24+$0x0] =	vst.idx.msk $0xffff, v62;
	v5 =	vunpack.i.l.bf16.f32 v6  }
0x386: {  	v6 =	vunpack.i.u.bf16.f32 v6;
	[tilespmem:v56+s24+$0x0] =	vst.idx.msk $0xffff, v5  }
0x387: {  	v5 =	vunpack.i.l.bf16.f32 v4;
	[tilespmem:v59+s24+$0x0] =	vst.idx.msk $0xffff, v6  }
0x388: {  	v4 =	vunpack.i.u.bf16.f32 v4;
	[tilespmem:v61+s24+$0x0] =	vst.idx.msk $0xffff, v5  }
0x389: {  	[tilespmem:v63+s24+$0x0] =	vst.idx.msk $0xffff, v4  }
0x38a: {  	[hbm4b:s1+s4] =	stream.linear.scatter [tilespmem:s24], [sflag:$0x6], $0x400, $0x38;
	[tilespmem:$0x15000] =	vst v63  }
0x38b: {  	s18 =	simm.s32 $0x13400  }
0x38c: {  	[hbm4b:s28+s4] =	stream.linear.scatter [tilespmem:s18], [sflag:$0x6], $0x400, $0x38;
	[tilespmem:$0x15000] =	vst v63  }
0x38d: {  	s20 =	simm.s32 $0x13800  }
0x38e: {  	[hbm4b:s30+s4] =	stream.linear.scatter [tilespmem:s20], [sflag:$0x6], $0x400, $0x38;
	[tilespmem:$0x15000] =	vst v63  }
0x38f: {  	s23 =	simm.s32 $0x13C00  }
0x390: {  	[hbm4b:s2+s4] =	stream.linear.scatter [tilespmem:s23], [sflag:$0x6], $0x400, $0x38;
	[tilespmem:$0x15000] =	vst v63  }
0x391: {  	s26 =	sadd.s32 $0x1, s26;
	s28 =	simm.s32 $0x14000  }
0x392: {  	[hbm4b:s14+s4] =	stream.linear.scatter [tilespmem:s28], [sflag:$0x6], $0x400, $0x38;
	[tilespmem:$0x15000] =	vst v63  }
0x393: {  	p0 =	sne.s32 s26, $0x64;
	s29 =	simm.s32 $0x14400  }
0x394: {  	[hbm4b:s16+s4] =	stream.linear.scatter [tilespmem:s29], [sflag:$0x6], $0x400, $0x38;
	[tilespmem:$0x15000] =	vst v63  }
.Ltmp2:
0x395: {  	_ = 	snop;
	(pc) =	sbr.rel @p0 .LBB2_2-.Ltmp2, $4  }
0x396: {  	s30 =	simm.s32 $0x14800  }
0x397: {  	[hbm4b:s3+s4] =	stream.linear.scatter [tilespmem:s30], [sflag:$0x6], $0x400, $0x38;
	[tilespmem:$0x15000] =	vst v63  }
0x398: {  	s31 =	simm.s32 $0x14C00  }
0x399: {  	[hbm4b:s7+s4] =	stream.linear.scatter [tilespmem:s31], [sflag:$0x6], $0x400, $0x38;
	[tilespmem:$0x15000] =	vst v63  }
0x39a: {  	s0 =	simm.s32 $0x3  }
0x39b: {  	_ =	swait.ge [sflag:s0], $0x8000  }
0x39c: {  	[sflag:s0] =	ssyncset.done $0x0  }
0x39d: {  	s30 =	simm.s32 $0x2;
	[sflag:s0] =	ssyncadd.s32 $0xFFFF8000  }
0x39e: {  	_ =	swait.ge [sflag:s30], $0x400  }
0x39f: {  	[sflag:s30] =	ssyncset.done $0x0  }
0x3a0: {  	[sflag:s30] =	ssyncadd.s32 $0xFFFFFC00  }
0x3a1: {  	_ =	swait.ge [sflag:s22], $0x400  }
0x3a2: {  	[sflag:s22] =	ssyncset.done $0x0  }
0x3a3: {  	[sflag:s22] =	ssyncadd.s32 $0xFFFFFC00  }
0x3a4: {  	_ =	swait.ge [sflag:s22], $0x400  }
0x3a5: {  	[sflag:s22] =	ssyncset.done $0x0  }
0x3a6: {  	[sflag:s22] =	ssyncadd.s32 $0xFFFFFC00  }
0x3a7: {  	_ =	swait.ge [sflag:s22], $0x400  }
0x3a8: {  	[sflag:s22] =	ssyncset.done $0x0  }
0x3a9: {  	[sflag:s22] =	ssyncadd.s32 $0xFFFFFC00  }
0x3aa: {  	_ =	swait.ge [sflag:s22], $0x400  }
0x3ab: {  	[sflag:s22] =	ssyncset.done $0x0  }
0x3ac: {  	[sflag:s22] =	ssyncadd.s32 $0xFFFFFC00  }
0x3ad: {  	_ =	swait.ge [sflag:s22], $0x400  }
0x3ae: {  	[sflag:s22] =	ssyncset.done $0x0  }
0x3af: {  	[sflag:s22] =	ssyncadd.s32 $0xFFFFFC00  }
0x3b0: {  	_ =	swait.ge [sflag:s22], $0x400  }
0x3b1: {  	[sflag:s22] =	ssyncset.done $0x0  }
0x3b2: {  	[sflag:s22] =	ssyncadd.s32 $0xFFFFFC00  }
0x3b3: {  	_ =	swait.ge [sflag:s22], $0x400  }
0x3b4: {  	[sflag:s22] =	ssyncset.done $0x0  }
0x3b5: {  	[sflag:s22] =	ssyncadd.s32 $0xFFFFFC00  }
0x3b6: {  	_ =	swait.ge [sflag:s22], $0x400  }
0x3b7: {  	[sflag:s22] =	ssyncset.done $0x0  }
0x3b8: {  	[sflag:s22] =	ssyncadd.s32 $0xFFFFFC00  }
0x3b9: {  	_ =	swait.ge [sflag:s25], $0x400  }
0x3ba: {  	[sflag:s25] =	ssyncset.done $0x0  }
0x3bb: {  	[sflag:s25] =	ssyncadd.s32 $0xFFFFFC00  }
0x3bc: {  	_ =	swait.ge [sflag:s25], $0x400  }
0x3bd: {  	[sflag:s25] =	ssyncset.done $0x0  }
0x3be: {  	[sflag:s25] =	ssyncadd.s32 $0xFFFFFC00  }
0x3bf: {  	_ =	swait.ge [sflag:s25], $0x400  }
0x3c0: {  	[sflag:s25] =	ssyncset.done $0x0  }
0x3c1: {  	[sflag:s25] =	ssyncadd.s32 $0xFFFFFC00  }
0x3c2: {  	_ =	swait.ge [sflag:s25], $0x400  }
0x3c3: {  	[sflag:s25] =	ssyncset.done $0x0  }
0x3c4: {  	[sflag:s25] =	ssyncadd.s32 $0xFFFFFC00  }
0x3c5: {  	_ =	swait.ge [sflag:s25], $0x400  }
0x3c6: {  	[sflag:s25] =	ssyncset.done $0x0  }
0x3c7: {  	[sflag:s25] =	ssyncadd.s32 $0xFFFFFC00  }
0x3c8: {  	_ =	swait.ge [sflag:s25], $0x400  }
0x3c9: {  	[sflag:s25] =	ssyncset.done $0x0  }
0x3ca: {  	[sflag:s25] =	ssyncadd.s32 $0xFFFFFC00  }
0x3cb: {  	_ =	swait.ge [sflag:s25], $0x400  }
0x3cc: {  	[sflag:s25] =	ssyncset.done $0x0  }
0x3cd: {  	[sflag:s25] =	ssyncadd.s32 $0xFFFFFC00  }
0x3ce: {  	_ =	swait.ge [sflag:s25], $0x400  }
0x3cf: {  	s1 =	rddreg [dreg:$0x1c]  }
0x3d0: {  	s31 =	rddreg [dreg:$0x18];
	s1 =	sadd.s32 $0x1, s1  }
0x3d1: {  	p0 =	sne.s32 s1, s31  }
.Ltmp3:
0x3d2: {  	_ = 	snop;
	(pc) =	sbr.rel @p0 .LBB2_1-.Ltmp3, $3  }
0x3d3: {  	_ =	sdelay $0x1  }
0x3d4: {  	[sflag:s25] =	ssyncset.done $0x0  }
0x3d5: {  	[sflag:s25] =	ssyncadd.s32 $0xFFFFFC00  }
0x3d6: {  	_ =	sfence.sel $0x180000  }
0x3d7: {  	[bflag:$0x0] =	sbarrier.arrive $0xFFFF  }
0x3d8: {  	_ =	strace $0x90000047  }
0x3d9: {  	s0 =	stileid.u32;
	[bflag:$0x2] =	sbarrier.arrive $0xFFFF  }
0x3da: {  	p0 =	sne.s32 s0, $0x0;
	s0 =	rddreg [dreg:$0x3]  }
0x3db: {  	s0 =	sadd.s32 @!p0 $0x100000, s0  }
0x3dc: {  	[sflag:s0] =	ssyncadd.tile.s32 @!p0 $0x1;
	_ =	shalt  }
.Lfunc_end2:
_tile_overlayer_lowered:
.L_overlay_start_2:
0x3dd: {  	(tag) =	ssettag $0x2  }
0x3de: {  	s0 =	rddreg [dreg:$0x0];
	s2 =	stileid.u32  }
0x3df: {  	s1 =	rddreg [dreg:$0x1];
	p0 =	sne.s32 s2, $0x0  }
0x3e0: {  	s3 =	rddreg [dreg:$0x2];
	[bflag:$0x3] =	sbarrier.arrive $0xFFFF;
	s2 =	simm.s32 @!p0 $0x1C07  }
0x3e1: {  	[timem:s3], [sflag:s2] =	dma.local @!p0 [hbm:s0], s1  }
0x3e2: {  	s0 =	simm.s32 @!p0 $0x7  }
0x3e3: {  	_ =	swait.ge @!p0 [sflag:s0], s1  }
0x3e4: {  	s1 =	ssub.s32 @!p0 $0x0, s1;
	[sflag:s0] =	ssyncset.done @!p0 $0x0  }
0x3e5: {  	[sflag:s0] =	ssyncadd.s32 @!p0 s1  }
0x3e6: {  	[bflag:$0x3] =	sbarrier.arrive $0xFFFF  }
0x3e7: {  	_ =	shalt  }

</sc_bundles>
